<compile_context>
chip_gen: v7x
topology: tpu7x:2x2x1
jax: 0.10.2.dev20260603
libtpu: 0.0.44.dev20260713+nightly
codegen_flags: <defaults>
</compile_context>

<pallas_src>
import functools

import jax
import jax.numpy as jnp
from jax import lax
from jax.experimental import pallas as pl
from jax.experimental.pallas import tpu as pltpu
from jax.experimental.pallas import tpu_sc as plsc

_U = 10000
_E = 320000
_DG = 64
_C = 128
_NCH = _E // _C
_NW = 32
_ROWS_PER_SUB = 624
_TAIL_ROW0 = 16 * _ROWS_PER_SUB
_TAIL_ROWS = _U - _TAIL_ROW0


def _uv_body(u_ref, v_ref, wu_ref, wv_ref, b_ref, ug_ref, vg_ref):
    ug_ref[...] = (
        jnp.dot(u_ref[...], wu_ref[...], preferred_element_type=jnp.float32)
        + b_ref[...]
    )
    vg_ref[...] = jnp.dot(v_ref[...], wv_ref[...],
                          preferred_element_type=jnp.float32)


def _uv_mm(u, v, wu, wv, b, br):
    m, k = u.shape
    n = wu.shape[1]
    out = jax.ShapeDtypeStruct((m, n), jnp.float32)
    return pl.pallas_call(
        _uv_body,
        grid=(m // br,),
        in_specs=[
            pl.BlockSpec((br, k), lambda i: (i, 0)),
            pl.BlockSpec((br, k), lambda i: (i, 0)),
            pl.BlockSpec((k, n), lambda i: (0, 0)),
            pl.BlockSpec((k, n), lambda i: (0, 0)),
            pl.BlockSpec((1, n), lambda i: (0, 0)),
        ],
        out_specs=[pl.BlockSpec((br, n), lambda i: (i, 0))] * 2,
        out_shape=[out, out],
    )(u, v, wu, wv, b.reshape(1, n))


def _eg_body(xa_ref, xb_ref, w_ref, o_ref):
    o_ref[...] = jnp.concatenate(
        [jnp.dot(xa_ref[...], w_ref[...], preferred_element_type=jnp.float32),
         jnp.dot(xb_ref[...], w_ref[...], preferred_element_type=jnp.float32)],
        axis=1,
    )


def _eg_mm(x, w, br):
    m2, k = x.shape
    m = m2 // 2
    return pl.pallas_call(
        _eg_body,
        grid=(m // br,),
        in_specs=[
            pl.BlockSpec((br, k), lambda i: (2 * i, 0)),
            pl.BlockSpec((br, k), lambda i: (2 * i + 1, 0)),
            pl.BlockSpec((k, _DG), lambda i: (0, 0)),
        ],
        out_specs=pl.BlockSpec((br, 2 * _DG), lambda i: (i, 0)),
        out_shape=jax.ShapeDtypeStruct((m, 2 * _DG), jnp.float32),
    )(x, x, w)


def _f_body(u_ref, a0_ref, a1_ref, a2_ref, a3_ref, wu_ref, wa_ref, b_ref,
            o_ref):
    acc = jnp.dot(u_ref[...], wu_ref[...], preferred_element_type=jnp.float32)
    agg = (a0_ref[...] + a1_ref[...]) + (a2_ref[...] + a3_ref[...])
    acc = acc + jnp.dot(agg, wa_ref[...], preferred_element_type=jnp.float32)
    o_ref[...] = jnp.maximum(acc + b_ref[...], 0.0)


def _f_mm(u, a4, wu, wa, b, br):
    m, k = u.shape
    ka = a4[0].shape[1]
    n = wu.shape[1]
    row_spec = pl.BlockSpec((br, ka), lambda i: (i, 0))
    return pl.pallas_call(
        _f_body,
        grid=(m // br,),
        in_specs=[
            pl.BlockSpec((br, k), lambda i: (i, 0)),
            row_spec, row_spec, row_spec, row_spec,
            pl.BlockSpec((k, n), lambda i: (0, 0)),
            pl.BlockSpec((ka, n), lambda i: (0, 0)),
            pl.BlockSpec((1, n), lambda i: (0, 0)),
        ],
        out_specs=pl.BlockSpec((br, n), lambda i: (i, 0)),
        out_shape=jax.ShapeDtypeStruct((m, n), jnp.float32),
    )(u, *a4, wu, wa, b.reshape(1, n))


def _sc_edge_body(nch, ug, vg, eg3, dst3, src3, zeros_hbm, out,
                  idd0, ids0, eg0, bu0, bv0, sg0, ss0,
                  idd1, ids1, eg1, bu1, bv1, sg1, ss1, agg_sh):
    cid = lax.axis_index("c")
    sid = lax.axis_index("s")
    wid = sid * 2 + cid

    row0 = sid * _ROWS_PER_SUB
    pltpu.sync_copy(
        zeros_hbm.at[pl.ds(row0, _ROWS_PER_SUB)],
        agg_sh.at[pl.ds(row0, _ROWS_PER_SUB)],
    )

    @pl.when(sid == 15)
    def _():
        pltpu.sync_copy(
            zeros_hbm.at[pl.ds(_TAIL_ROW0, _TAIL_ROWS)],
            agg_sh.at[pl.ds(_TAIL_ROW0, _TAIL_ROWS)],
        )

    plsc.subcore_barrier()

    slots = ((idd0, ids0, eg0, bu0, bv0, sg0, ss0),
             (idd1, ids1, eg1, bu1, bv1, sg1, ss1))
    half = _C // 2

    def gather_cps(g, sl):
        idd, ids, eg_in, bu, bv, sg, _ = sl
        return [
            pltpu.make_async_copy(eg3.at[g], eg_in, sg),
            pltpu.make_async_copy(ug.at[idd.at[0]], bu.at[pl.ds(0, half)],
                                  sg),
            pltpu.make_async_copy(ug.at[idd.at[1]], bu.at[pl.ds(half, half)],
                                  sg),
            pltpu.make_async_copy(vg.at[ids.at[0]], bv.at[pl.ds(0, half)],
                                  sg),
            pltpu.make_async_copy(vg.at[ids.at[1]], bv.at[pl.ds(half, half)],
                                  sg),
        ]

    def start_chunk(g, sl):
        pltpu.sync_copy(dst3.at[g], sl[0])
        pltpu.sync_copy(src3.at[g], sl[1])
        for cp in gather_cps(g, sl):
            cp.start()

    def scatter_cps(sl):
        idd, _, _, bu, _, _, ss = sl
        return [
            pltpu.make_async_copy(bu.at[pl.ds(0, half)], agg_sh.at[idd.at[0]],
                                  ss),
            pltpu.make_async_copy(bu.at[pl.ds(half, half)],
                                  agg_sh.at[idd.at[1]], ss),
        ]

    def compute(sl):
        _, _, eg_in, bu, bv, _, _ = sl

        @plsc.parallel_loop(0, half, unroll=4)
        def _(i):
            for c in range(4):
                sl16 = pl.ds(c * 16, 16)
                s = eg_in[i, sl16] + bu[i, sl16] + bv[i, sl16]
                bu[i, sl16] = jnp.maximum(s, 0.0)

        @plsc.parallel_loop(0, half, unroll=4)
        def _(i):
            r = i + half
            for c in range(4):
                sl16 = pl.ds(c * 16, 16)
                s = (eg_in[i, pl.ds(64 + c * 16, 16)]
                     + bu[r, sl16] + bv[r, sl16])
                bu[r, sl16] = jnp.maximum(s, 0.0)

    start_chunk(wid, slots[0])

    def pair_body(k2, carry):
        for off in (0, 1):
            k = 2 * k2 + off
            s, s2 = off, 1 - off
            g = wid + k * _NW
            gn = g + _NW

            @pl.when(g < nch)
            def _():
                for cp in gather_cps(g, slots[s]):
                    cp.wait()

            @pl.when((gn < nch) & (k >= 1))
            def _():
                for cp in scatter_cps(slots[s2]):
                    cp.wait()

            @pl.when(gn < nch)
            def _():
                start_chunk(gn, slots[s2])

            @pl.when(g < nch)
            def _():
                compute(slots[s])
                for cp in scatter_cps(slots[s]):
                    cp.start(add=True)

        return carry

    n_pairs = (nch // _NW + 2) // 2
    lax.fori_loop(0, n_pairs, pair_body, 0)

    for s in (0, 1):
        for cp in scatter_cps(slots[s]):
            cp.wait()

    plsc.subcore_barrier()
    pltpu.sync_copy(
        agg_sh.at[pl.ds(row0, _ROWS_PER_SUB)],
        out.at[cid, pl.ds(row0, _ROWS_PER_SUB)],
    )

    @pl.when(sid == 15)
    def _():
        pltpu.sync_copy(
            agg_sh.at[pl.ds(_TAIL_ROW0, _TAIL_ROWS)],
            out.at[cid, pl.ds(_TAIL_ROW0, _TAIL_ROWS)],
        )


@functools.cache
def _get_sc_edge(nch):
    mesh = plsc.VectorSubcoreMesh(
        core_axis_name="c", subcore_axis_name="s", num_cores=2,
        num_subcores=16,
    )
    return pl.kernel(
        functools.partial(_sc_edge_body, nch),
        out_type=jax.ShapeDtypeStruct((2, _U, _DG), jnp.float32),
        mesh=mesh,
        scratch_types=(
            2 * [
                pltpu.VMEM((2, _C // 2), jnp.int32),
                pltpu.VMEM((2, _C // 2), jnp.int32),
                pltpu.VMEM((_C // 2, 128), jnp.float32),
                pltpu.VMEM((_C, _DG), jnp.float32),
                pltpu.VMEM((_C, _DG), jnp.float32),
                pltpu.SemaphoreType.DMA,
                pltpu.SemaphoreType.DMA,
            ]
            + [pltpu.VMEM_SHARED((_U, _DG), jnp.float32)]
        ),
        compiler_params=pltpu.CompilerParams(use_tc_tiling_on_sc=False),
    )


@jax.jit
def _impl(u, v, e_indices, e_values, Wg, bg, Wf, bf):
    f_dim = u.shape[1]
    g_dim = v.shape[1]
    src = e_indices[0].astype(jnp.int32)
    dst = e_indices[1].astype(jnp.int32)

    ug_t, vg_t = _uv_mm(u, v, Wg[:f_dim], Wg[f_dim:f_dim + g_dim], bg, 2000)
    zeros = jnp.zeros((_U, _DG), jnp.float32)

    half = _C // 2
    eg_br = 8000
    e_half = _E // 2
    nch_h = e_half // _C

    def _idx3(x, sl):
        nb = e_half // (2 * eg_br)
        return (x[sl].reshape(nb, 2, eg_br // half, half)
                .swapaxes(1, 2).reshape(nch_h, 2, half))

    halves = []
    for h in range(2):
        sl = slice(h * e_half, (h + 1) * e_half)
        eg_t = _eg_mm(e_values[sl], Wg[f_dim + g_dim:], eg_br)
        halves.append((eg_t, _idx3(dst, sl), _idx3(src, sl)))

    aggs = []
    for eg_t, dst3, src3 in halves:
        agg2 = _get_sc_edge(nch_h)(
            ug_t, vg_t, eg_t.reshape(nch_h, half, 2 * _DG), dst3, src3,
            zeros)
        aggs.extend([agg2[0], agg2[1]])

    return _f_mm(u, aggs, Wf[:f_dim], Wf[f_dim:], bf, 1000)


def kernel(u, v, e_indices, e_values, Wg, bg, Wf, bf):
    return _impl(u, v, e_indices, e_values, Wg, bg, Wf, bf)

# --- scband reference (transcript-rebuilt; emitter-appended) ---
"""Pipeline reference for scband-half-conv-876173328516 (READ-ONLY COPY).

The authoritative reference and input builder live on the scoring server;
editing this copy changes nothing except your own understanding.
"""

import jax, jax.numpy as jnp
import numpy as np

U = 10000
V = 10000
F_DIM = 128
G_DIM = 128
H_DIM = 16
E = 320000
D_G = 64   # g_dims[-1]
D_F = 128  # f_dims[-1]


def setup_inputs(seed: int = 0) -> dict:
    key = jax.random.key(seed)
    ks = jax.random.split(key, 8)
    u = jax.random.normal(ks[0], (U, F_DIM), dtype=jnp.float32)
    v = jax.random.normal(ks[1], (V, G_DIM), dtype=jnp.float32)
    e_indices = jax.random.randint(ks[2], (2, E), 0, 10000, dtype=jnp.int64) if jax.config.jax_enable_x64 else jax.random.randint(ks[2], (2, E), 0, 10000, dtype=jnp.int32)
    e_values = jax.random.normal(ks[3], (E, H_DIM), dtype=jnp.float32)
    # g: Linear(F+G+H -> D_G) + ReLU (output_relu=True)
    Wg = jax.random.normal(ks[4], (F_DIM + G_DIM + H_DIM, D_G), dtype=jnp.float32) * 0.05
    bg = jnp.zeros((D_G,), dtype=jnp.float32)
    # f: Linear(F + D_G -> D_F) + ReLU (output_relu=True)
    Wf = jax.random.normal(ks[5], (F_DIM + D_G, D_F), dtype=jnp.float32) * 0.05
    bf = jnp.zeros((D_F,), dtype=jnp.float32)
    return {"u": u, "v": v, "e_indices": e_indices, "e_values": e_values,
            "Wg": Wg, "bg": bg, "Wf": Wf, "bf": bf}


def reference(u, v, e_indices, e_values, Wg, bg, Wf, bf):
    # e is a sparse COO tensor of shape (V, U, H): indices row 0 = v-index, row 1 = u-index
    src_v = e_indices[0]
    dst_u = e_indices[1]
    # g(cat[u[dst], v[src], e_values]) per edge
    g_in = jnp.concatenate([jnp.take(u, dst_u, axis=0),
                            jnp.take(v, src_v, axis=0),
                            e_values], axis=-1)
    g_out = jax.nn.relu(g_in @ Wg + bg)
    # torch.sparse.sum over dim -3 (the V dimension) -> scatter-add over dst_u
    agg = jax.ops.segment_sum(g_out, dst_u, num_segments=U)
    # f(cat[u, agg])
    f_in = jnp.concatenate([u, agg], axis=-1)
    out = jax.nn.relu(f_in @ Wf + bf)
    return out

if __name__ == "__main__":
    import jax
    _d = setup_inputs()
    print(jax.jit(kernel)(*tuple(_d.values())))

</pallas_src>

<mosaic_0001>
#map = affine_map<(d0, d1) -> (0, 0)>
#map1 = affine_map<(d0, d1) -> (0, 0, 0)>
module attributes {stable_mosaic.version = 14 : i64} {
  func.func @_sc_edge_body(%arg0: i32, %arg1: i32, %arg2: memref<10000x64xf32, #tpu.memory_space<hbm>>, %arg3: memref<10000x64xf32, #tpu.memory_space<hbm>>, %arg4: memref<1250x64x128xf32, #tpu.memory_space<hbm>>, %arg5: memref<1250x2x64xi32, #tpu.memory_space<hbm>>, %arg6: memref<1250x2x64xi32, #tpu.memory_space<hbm>>, %arg7: memref<10000x64xf32, #tpu.memory_space<hbm>>, %arg8: memref<2x10000x64xf32, #tpu.memory_space<hbm>>, %arg9: memref<2x64xi32, #tpu.memory_space<vmem>>, %arg10: memref<2x64xi32, #tpu.memory_space<vmem>>, %arg11: memref<64x128xf32, #tpu.memory_space<vmem>>, %arg12: memref<128x64xf32, #tpu.memory_space<vmem>>, %arg13: memref<128x64xf32, #tpu.memory_space<vmem>>, %arg14: memref<!tpu.dma_semaphore, #tpu.memory_space<semaphore_mem>>, %arg15: memref<!tpu.dma_semaphore, #tpu.memory_space<semaphore_mem>>, %arg16: memref<2x64xi32, #tpu.memory_space<vmem>>, %arg17: memref<2x64xi32, #tpu.memory_space<vmem>>, %arg18: memref<64x128xf32, #tpu.memory_space<vmem>>, %arg19: memref<128x64xf32, #tpu.memory_space<vmem>>, %arg20: memref<128x64xf32, #tpu.memory_space<vmem>>, %arg21: memref<!tpu.dma_semaphore, #tpu.memory_space<semaphore_mem>>, %arg22: memref<!tpu.dma_semaphore, #tpu.memory_space<semaphore_mem>>, %arg23: memref<10000x64xf32, #tpu.memory_space<vmem_shared>>) attributes {dimension_semantics = [#tpu.dimension_semantics<core_parallel>, #tpu.dimension_semantics<subcore_parallel>], iteration_bounds = array<i64: 2, 16>, scalar_prefetch = 0 : i64, scratch_operands = 15 : i64, tpu.core_type = #tpu.core_type<sc_vector_subcore>, window_params = [{transform_indices = #map}, {transform_indices = #map}, {transform_indices = #map1}, {transform_indices = #map1}, {transform_indices = #map1}, {transform_indices = #map}, {transform_indices = #map1}]} {
    %mul3A = arith.constant 2 : i32
    %mul3A_0 = arith.muli %arg1, %mul3A : i32
    %add3A = arith.addi %mul3A_0, %arg0 : i32
    %mul3A_1 = arith.constant 624 : i32
    %mul3A_2 = arith.muli %arg1, %mul3A_1 : i32
    "tpu.region"() ({
      %run_scoped3A = tpu.sem_alloc : memref<!tpu.dma_semaphore, #tpu.memory_space<semaphore_mem>>
      %dma_start3A_102 = arith.constant 0 : i32
      %dma_start3A_103 = tpu.memref_slice %arg23[%mul3A_2, %dma_start3A_102] : memref<10000x64xf32, #tpu.memory_space<vmem_shared>> -> memref<624x64xf32, #tpu.memory_space<vmem_shared>>
      %dma_start3A_104 = arith.constant 0 : i32
      %dma_start3A_105 = tpu.memref_slice %arg7[%mul3A_2, %dma_start3A_104] : memref<10000x64xf32, #tpu.memory_space<hbm>> -> memref<624x64xf32, #tpu.memory_space<hbm>>
      tpu.enqueue_dma source(%dma_start3A_105 : memref<624x64xf32, #tpu.memory_space<hbm>>) target(%dma_start3A_103 : memref<624x64xf32, #tpu.memory_space<vmem_shared>>) target_semaphore(%run_scoped3A : memref<!tpu.dma_semaphore, #tpu.memory_space<semaphore_mem>>)
      %dma_wait3A_106 = arith.constant 0 : i32
      %dma_wait3A_107 = tpu.memref_slice %arg23[%mul3A_2, %dma_wait3A_106] : memref<10000x64xf32, #tpu.memory_space<vmem_shared>> -> memref<624x64xf32, #tpu.memory_space<vmem_shared>>
      %dma_wait3A_108 = arith.constant 0 : i32
      %dma_wait3A_109 = tpu.memref_slice %arg7[%mul3A_2, %dma_wait3A_108] : memref<10000x64xf32, #tpu.memory_space<hbm>> -> memref<624x64xf32, #tpu.memory_space<hbm>>
      tpu.wait_dma2 semaphore(%run_scoped3A : memref<!tpu.dma_semaphore, #tpu.memory_space<semaphore_mem>>) src(%dma_wait3A_109 : memref<624x64xf32, #tpu.memory_space<hbm>>) dst(%dma_wait3A_107 : memref<624x64xf32, #tpu.memory_space<vmem_shared>>)
      tpu.yield
    }) : () -> ()
    %eq3A = arith.constant 15 : i32
    %eq3A_3 = arith.cmpi eq, %arg1, %eq3A : i32
    %convert_element_type3A = arith.extui %eq3A_3 : i1 to i32
    %cond3A = arith.constant 0 : i32
    %cond3A_4 = arith.cmpi ne, %convert_element_type3A, %cond3A : i32
    scf.if %cond3A_4 {
      "tpu.region"() ({
        %run_scoped3A = tpu.sem_alloc : memref<!tpu.dma_semaphore, #tpu.memory_space<semaphore_mem>>
        %dma_start3A_102 = arith.constant 9984 : i32
        %dma_start3A_103 = arith.constant 0 : i32
        %dma_start3A_104 = tpu.memref_slice %arg23[%dma_start3A_102, %dma_start3A_103] : memref<10000x64xf32, #tpu.memory_space<vmem_shared>> -> memref<16x64xf32, #tpu.memory_space<vmem_shared>>
        %dma_start3A_105 = arith.constant 9984 : i32
        %dma_start3A_106 = arith.constant 0 : i32
        %dma_start3A_107 = tpu.memref_slice %arg7[%dma_start3A_105, %dma_start3A_106] : memref<10000x64xf32, #tpu.memory_space<hbm>> -> memref<16x64xf32, #tpu.memory_space<hbm>>
        tpu.enqueue_dma source(%dma_start3A_107 : memref<16x64xf32, #tpu.memory_space<hbm>>) target(%dma_start3A_104 : memref<16x64xf32, #tpu.memory_space<vmem_shared>>) target_semaphore(%run_scoped3A : memref<!tpu.dma_semaphore, #tpu.memory_space<semaphore_mem>>)
        %dma_wait3A_108 = arith.constant 9984 : i32
        %dma_wait3A_109 = arith.constant 0 : i32
        %dma_wait3A_110 = tpu.memref_slice %arg23[%dma_wait3A_108, %dma_wait3A_109] : memref<10000x64xf32, #tpu.memory_space<vmem_shared>> -> memref<16x64xf32, #tpu.memory_space<vmem_shared>>
        %dma_wait3A_111 = arith.constant 9984 : i32
        %dma_wait3A_112 = arith.constant 0 : i32
        %dma_wait3A_113 = tpu.memref_slice %arg7[%dma_wait3A_111, %dma_wait3A_112] : memref<10000x64xf32, #tpu.memory_space<hbm>> -> memref<16x64xf32, #tpu.memory_space<hbm>>
        tpu.wait_dma2 semaphore(%run_scoped3A : memref<!tpu.dma_semaphore, #tpu.memory_space<semaphore_mem>>) src(%dma_wait3A_113 : memref<16x64xf32, #tpu.memory_space<hbm>>) dst(%dma_wait3A_110 : memref<16x64xf32, #tpu.memory_space<vmem_shared>>)
        tpu.yield
      }) : () -> ()
    } else {
    }
    %barrier3A = arith.constant 0 : index
    tpu.barrier barrier_id(%barrier3A)
    "tpu.region"() ({
      %run_scoped3A = tpu.sem_alloc : memref<!tpu.dma_semaphore, #tpu.memory_space<semaphore_mem>>
      %dma_start3A_102 = arith.constant 0 : i32
      %dma_start3A_103 = arith.constant 0 : i32
      %dma_start3A_104 = tpu.memref_slice %arg5[%add3A, %dma_start3A_102, %dma_start3A_103] : memref<1250x2x64xi32, #tpu.memory_space<hbm>> -> memref<1x2x64xi32, #tpu.memory_space<hbm>>
      %dma_start3A_105 = tpu.memref_squeeze %dma_start3A_104 : memref<1x2x64xi32, #tpu.memory_space<hbm>> -> memref<2x64xi32, #tpu.memory_space<hbm>>
      %dma_start3A_106 = arith.constant 0 : i32
      %dma_start3A_107 = arith.constant 0 : i32
      %dma_start3A_108 = tpu.memref_slice %arg5[%add3A, %dma_start3A_106, %dma_start3A_107] : memref<1250x2x64xi32, #tpu.memory_space<hbm>> -> memref<1x2x64xi32, #tpu.memory_space<hbm>>
      %dma_start3A_109 = tpu.memref_squeeze %dma_start3A_108 : memref<1x2x64xi32, #tpu.memory_space<hbm>> -> memref<2x64xi32, #tpu.memory_space<hbm>>
      tpu.enqueue_dma source(%dma_start3A_109 : memref<2x64xi32, #tpu.memory_space<hbm>>) target(%arg9 : memref<2x64xi32, #tpu.memory_space<vmem>>) target_semaphore(%run_scoped3A : memref<!tpu.dma_semaphore, #tpu.memory_space<semaphore_mem>>)
      %dma_wait3A_110 = arith.constant 0 : i32
      %dma_wait3A_111 = arith.constant 0 : i32
      %dma_wait3A_112 = tpu.memref_slice %arg5[%add3A, %dma_wait3A_110, %dma_wait3A_111] : memref<1250x2x64xi32, #tpu.memory_space<hbm>> -> memref<1x2x64xi32, #tpu.memory_space<hbm>>
      %dma_wait3A_113 = tpu.memref_squeeze %dma_wait3A_112 : memref<1x2x64xi32, #tpu.memory_space<hbm>> -> memref<2x64xi32, #tpu.memory_space<hbm>>
      %dma_wait3A_114 = arith.constant 0 : i32
      %dma_wait3A_115 = arith.constant 0 : i32
      %dma_wait3A_116 = tpu.memref_slice %arg5[%add3A, %dma_wait3A_114, %dma_wait3A_115] : memref<1250x2x64xi32, #tpu.memory_space<hbm>> -> memref<1x2x64xi32, #tpu.memory_space<hbm>>
      %dma_wait3A_117 = tpu.memref_squeeze %dma_wait3A_116 : memref<1x2x64xi32, #tpu.memory_space<hbm>> -> memref<2x64xi32, #tpu.memory_space<hbm>>
      tpu.wait_dma2 semaphore(%run_scoped3A : memref<!tpu.dma_semaphore, #tpu.memory_space<semaphore_mem>>) src(%dma_wait3A_117 : memref<2x64xi32, #tpu.memory_space<hbm>>) dst(%arg9 : memref<2x64xi32, #tpu.memory_space<vmem>>)
      tpu.yield
    }) : () -> ()
    "tpu.region"() ({
      %run_scoped3A = tpu.sem_alloc : memref<!tpu.dma_semaphore, #tpu.memory_space<semaphore_mem>>
      %dma_start3A_102 = arith.constant 0 : i32
      %dma_start3A_103 = arith.constant 0 : i32
      %dma_start3A_104 = tpu.memref_slice %arg6[%add3A, %dma_start3A_102, %dma_start3A_103] : memref<1250x2x64xi32, #tpu.memory_space<hbm>> -> memref<1x2x64xi32, #tpu.memory_space<hbm>>
      %dma_start3A_105 = tpu.memref_squeeze %dma_start3A_104 : memref<1x2x64xi32, #tpu.memory_space<hbm>> -> memref<2x64xi32, #tpu.memory_space<hbm>>
      %dma_start3A_106 = arith.constant 0 : i32
      %dma_start3A_107 = arith.constant 0 : i32
      %dma_start3A_108 = tpu.memref_slice %arg6[%add3A, %dma_start3A_106, %dma_start3A_107] : memref<1250x2x64xi32, #tpu.memory_space<hbm>> -> memref<1x2x64xi32, #tpu.memory_space<hbm>>
      %dma_start3A_109 = tpu.memref_squeeze %dma_start3A_108 : memref<1x2x64xi32, #tpu.memory_space<hbm>> -> memref<2x64xi32, #tpu.memory_space<hbm>>
      tpu.enqueue_dma source(%dma_start3A_109 : memref<2x64xi32, #tpu.memory_space<hbm>>) target(%arg10 : memref<2x64xi32, #tpu.memory_space<vmem>>) target_semaphore(%run_scoped3A : memref<!tpu.dma_semaphore, #tpu.memory_space<semaphore_mem>>)
      %dma_wait3A_110 = arith.constant 0 : i32
      %dma_wait3A_111 = arith.constant 0 : i32
      %dma_wait3A_112 = tpu.memref_slice %arg6[%add3A, %dma_wait3A_110, %dma_wait3A_111] : memref<1250x2x64xi32, #tpu.memory_space<hbm>> -> memref<1x2x64xi32, #tpu.memory_space<hbm>>
      %dma_wait3A_113 = tpu.memref_squeeze %dma_wait3A_112 : memref<1x2x64xi32, #tpu.memory_space<hbm>> -> memref<2x64xi32, #tpu.memory_space<hbm>>
      %dma_wait3A_114 = arith.constant 0 : i32
      %dma_wait3A_115 = arith.constant 0 : i32
      %dma_wait3A_116 = tpu.memref_slice %arg6[%add3A, %dma_wait3A_114, %dma_wait3A_115] : memref<1250x2x64xi32, #tpu.memory_space<hbm>> -> memref<1x2x64xi32, #tpu.memory_space<hbm>>
      %dma_wait3A_117 = tpu.memref_squeeze %dma_wait3A_116 : memref<1x2x64xi32, #tpu.memory_space<hbm>> -> memref<2x64xi32, #tpu.memory_space<hbm>>
      tpu.wait_dma2 semaphore(%run_scoped3A : memref<!tpu.dma_semaphore, #tpu.memory_space<semaphore_mem>>) src(%dma_wait3A_117 : memref<2x64xi32, #tpu.memory_space<hbm>>) dst(%arg10 : memref<2x64xi32, #tpu.memory_space<vmem>>)
      tpu.yield
    }) : () -> ()
    %dma_start3A = arith.constant 0 : i32
    %dma_start3A_5 = arith.constant 0 : i32
    %dma_start3A_6 = tpu.memref_slice %arg4[%add3A, %dma_start3A, %dma_start3A_5] : memref<1250x64x128xf32, #tpu.memory_space<hbm>> -> memref<1x64x128xf32, #tpu.memory_space<hbm>>
    %dma_start3A_7 = tpu.memref_squeeze %dma_start3A_6 : memref<1x64x128xf32, #tpu.memory_space<hbm>> -> memref<64x128xf32, #tpu.memory_space<hbm>>
    %dma_start3A_8 = arith.constant 0 : i32
    %dma_start3A_9 = arith.constant 0 : i32
    %dma_start3A_10 = tpu.memref_slice %arg4[%add3A, %dma_start3A_8, %dma_start3A_9] : memref<1250x64x128xf32, #tpu.memory_space<hbm>> -> memref<1x64x128xf32, #tpu.memory_space<hbm>>
    %dma_start3A_11 = tpu.memref_squeeze %dma_start3A_10 : memref<1x64x128xf32, #tpu.memory_space<hbm>> -> memref<64x128xf32, #tpu.memory_space<hbm>>
    tpu.enqueue_dma source(%dma_start3A_11 : memref<64x128xf32, #tpu.memory_space<hbm>>) target(%arg11 : memref<64x128xf32, #tpu.memory_space<vmem>>) target_semaphore(%arg14 : memref<!tpu.dma_semaphore, #tpu.memory_space<semaphore_mem>>)
    %dma_start3A_12 = arith.constant 0 : i32
    %dma_start3A_13 = arith.constant 0 : i32
    %dma_start3A_14 = arith.constant 0 : i32
    %dma_start3A_15 = tpu.memref_slice %arg12[%dma_start3A_13, %dma_start3A_14] : memref<128x64xf32, #tpu.memory_space<vmem>> -> memref<64x64xf32, #tpu.memory_space<vmem>>
    %dma_start3A_16 = arith.constant 0 : i32
    %dma_start3A_17 = tpu.memref_slice %arg9[%dma_start3A_12, %dma_start3A_16] : memref<2x64xi32, #tpu.memory_space<vmem>> -> memref<1x64xi32, #tpu.memory_space<vmem>>
    %dma_start3A_18 = tpu.memref_squeeze %dma_start3A_17 : memref<1x64xi32, #tpu.memory_space<vmem>> -> memref<64xi32, #tpu.memory_space<vmem>>
    %dma_start3A_19 = arith.constant 0 : i32
    %dma_start3A_20 = arith.constant 0 : i32
    %dma_start3A_21 = tpu.memref_slice %arg2[%dma_start3A_19, %dma_start3A_20] : memref<10000x64xf32, #tpu.memory_space<hbm>> -> memref<10000x64xf32, #tpu.memory_space<hbm>>
    tpu.enqueue_indirect_dma source(%dma_start3A_21 : memref<10000x64xf32, #tpu.memory_space<hbm>>) target(%dma_start3A_15 : memref<64x64xf32, #tpu.memory_space<vmem>>) offsets(%dma_start3A_18 : memref<64xi32, #tpu.memory_space<vmem>>) semaphore(%arg14 : memref<!tpu.dma_semaphore, #tpu.memory_space<semaphore_mem>>)
    %dma_start3A_22 = arith.constant 1 : i32
    %dma_start3A_23 = arith.constant 64 : i32
    %dma_start3A_24 = arith.constant 0 : i32
    %dma_start3A_25 = tpu.memref_slice %arg12[%dma_start3A_23, %dma_start3A_24] : memref<128x64xf32, #tpu.memory_space<vmem>> -> memref<64x64xf32, #tpu.memory_space<vmem>>
    %dma_start3A_26 = arith.constant 0 : i32
    %dma_start3A_27 = tpu.memref_slice %arg9[%dma_start3A_22, %dma_start3A_26] : memref<2x64xi32, #tpu.memory_space<vmem>> -> memref<1x64xi32, #tpu.memory_space<vmem>>
    %dma_start3A_28 = tpu.memref_squeeze %dma_start3A_27 : memref<1x64xi32, #tpu.memory_space<vmem>> -> memref<64xi32, #tpu.memory_space<vmem>>
    %dma_start3A_29 = arith.constant 0 : i32
    %dma_start3A_30 = arith.constant 0 : i32
    %dma_start3A_31 = tpu.memref_slice %arg2[%dma_start3A_29, %dma_start3A_30] : memref<10000x64xf32, #tpu.memory_space<hbm>> -> memref<10000x64xf32, #tpu.memory_space<hbm>>
    tpu.enqueue_indirect_dma source(%dma_start3A_31 : memref<10000x64xf32, #tpu.memory_space<hbm>>) target(%dma_start3A_25 : memref<64x64xf32, #tpu.memory_space<vmem>>) offsets(%dma_start3A_28 : memref<64xi32, #tpu.memory_space<vmem>>) semaphore(%arg14 : memref<!tpu.dma_semaphore, #tpu.memory_space<semaphore_mem>>)
    %dma_start3A_32 = arith.constant 0 : i32
    %dma_start3A_33 = arith.constant 0 : i32
    %dma_start3A_34 = arith.constant 0 : i32
    %dma_start3A_35 = tpu.memref_slice %arg13[%dma_start3A_33, %dma_start3A_34] : memref<128x64xf32, #tpu.memory_space<vmem>> -> memref<64x64xf32, #tpu.memory_space<vmem>>
    %dma_start3A_36 = arith.constant 0 : i32
    %dma_start3A_37 = tpu.memref_slice %arg10[%dma_start3A_32, %dma_start3A_36] : memref<2x64xi32, #tpu.memory_space<vmem>> -> memref<1x64xi32, #tpu.memory_space<vmem>>
    %dma_start3A_38 = tpu.memref_squeeze %dma_start3A_37 : memref<1x64xi32, #tpu.memory_space<vmem>> -> memref<64xi32, #tpu.memory_space<vmem>>
    %dma_start3A_39 = arith.constant 0 : i32
    %dma_start3A_40 = arith.constant 0 : i32
    %dma_start3A_41 = tpu.memref_slice %arg3[%dma_start3A_39, %dma_start3A_40] : memref<10000x64xf32, #tpu.memory_space<hbm>> -> memref<10000x64xf32, #tpu.memory_space<hbm>>
    tpu.enqueue_indirect_dma source(%dma_start3A_41 : memref<10000x64xf32, #tpu.memory_space<hbm>>) target(%dma_start3A_35 : memref<64x64xf32, #tpu.memory_space<vmem>>) offsets(%dma_start3A_38 : memref<64xi32, #tpu.memory_space<vmem>>) semaphore(%arg14 : memref<!tpu.dma_semaphore, #tpu.memory_space<semaphore_mem>>)
    %dma_start3A_42 = arith.constant 1 : i32
    %dma_start3A_43 = arith.constant 64 : i32
    %dma_start3A_44 = arith.constant 0 : i32
    %dma_start3A_45 = tpu.memref_slice %arg13[%dma_start3A_43, %dma_start3A_44] : memref<128x64xf32, #tpu.memory_space<vmem>> -> memref<64x64xf32, #tpu.memory_space<vmem>>
    %dma_start3A_46 = arith.constant 0 : i32
    %dma_start3A_47 = tpu.memref_slice %arg10[%dma_start3A_42, %dma_start3A_46] : memref<2x64xi32, #tpu.memory_space<vmem>> -> memref<1x64xi32, #tpu.memory_space<vmem>>
    %dma_start3A_48 = tpu.memref_squeeze %dma_start3A_47 : memref<1x64xi32, #tpu.memory_space<vmem>> -> memref<64xi32, #tpu.memory_space<vmem>>
    %dma_start3A_49 = arith.constant 0 : i32
    %dma_start3A_50 = arith.constant 0 : i32
    %dma_start3A_51 = tpu.memref_slice %arg3[%dma_start3A_49, %dma_start3A_50] : memref<10000x64xf32, #tpu.memory_space<hbm>> -> memref<10000x64xf32, #tpu.memory_space<hbm>>
    tpu.enqueue_indirect_dma source(%dma_start3A_51 : memref<10000x64xf32, #tpu.memory_space<hbm>>) target(%dma_start3A_45 : memref<64x64xf32, #tpu.memory_space<vmem>>) offsets(%dma_start3A_48 : memref<64xi32, #tpu.memory_space<vmem>>) semaphore(%arg14 : memref<!tpu.dma_semaphore, #tpu.memory_space<semaphore_mem>>)
    %scan3A = arith.constant 0 : i32
    %scan3A_52 = arith.constant 0 : i32
    %scan3A_53 = arith.constant 20 : i32
    %scan3A_54 = arith.addi %scan3A_52, %scan3A_53 : i32
    %scan3A_55 = arith.constant 1 : i32
    scf.for %scan3A_102 = %scan3A_52 to %scan3A_54 step %scan3A_55  : i32 {
      %mul3A_103 = arith.constant 2 : i32
      %mul3A_104 = arith.muli %mul3A_103, %scan3A_102 : i32
      %add3A_105 = arith.constant 0 : i32
      %add3A_106 = arith.addi %mul3A_104, %add3A_105 : i32
      %mul3A_107 = arith.constant 32 : i32
      %mul3A_108 = arith.muli %add3A_106, %mul3A_107 : i32
      %add3A_109 = arith.addi %add3A, %mul3A_108 : i32
      %add3A_110 = arith.constant 32 : i32
      %add3A_111 = arith.addi %add3A_109, %add3A_110 : i32
      %lt3A = arith.constant 1250 : i32
      %lt3A_112 = arith.cmpi slt, %add3A_109, %lt3A : i32
      %convert_element_type3A_113 = arith.extui %lt3A_112 : i1 to i32
      %cond3A_114 = arith.constant 0 : i32
      %cond3A_115 = arith.cmpi ne, %convert_element_type3A_113, %cond3A_114 : i32
      scf.if %cond3A_115 {
        %dma_wait3A_164 = arith.constant 0 : i32
        %dma_wait3A_165 = arith.constant 0 : i32
        %dma_wait3A_166 = tpu.memref_slice %arg4[%add3A_109, %dma_wait3A_164, %dma_wait3A_165] : memref<1250x64x128xf32, #tpu.memory_space<hbm>> -> memref<1x64x128xf32, #tpu.memory_space<hbm>>
        %dma_wait3A_167 = tpu.memref_squeeze %dma_wait3A_166 : memref<1x64x128xf32, #tpu.memory_space<hbm>> -> memref<64x128xf32, #tpu.memory_space<hbm>>
        %dma_wait3A_168 = arith.constant 0 : i32
        %dma_wait3A_169 = arith.constant 0 : i32
        %dma_wait3A_170 = tpu.memref_slice %arg4[%add3A_109, %dma_wait3A_168, %dma_wait3A_169] : memref<1250x64x128xf32, #tpu.memory_space<hbm>> -> memref<1x64x128xf32, #tpu.memory_space<hbm>>
        %dma_wait3A_171 = tpu.memref_squeeze %dma_wait3A_170 : memref<1x64x128xf32, #tpu.memory_space<hbm>> -> memref<64x128xf32, #tpu.memory_space<hbm>>
        tpu.wait_dma2 semaphore(%arg14 : memref<!tpu.dma_semaphore, #tpu.memory_space<semaphore_mem>>) src(%dma_wait3A_171 : memref<64x128xf32, #tpu.memory_space<hbm>>) dst(%arg11 : memref<64x128xf32, #tpu.memory_space<vmem>>)
        %dma_wait3A_172 = arith.constant 0 : i32
        %dma_wait3A_173 = arith.constant 0 : i32
        %dma_wait3A_174 = arith.constant 0 : i32
        %dma_wait3A_175 = tpu.memref_slice %arg12[%dma_wait3A_173, %dma_wait3A_174] : memref<128x64xf32, #tpu.memory_space<vmem>> -> memref<64x64xf32, #tpu.memory_space<vmem>>
        %dma_wait3A_176 = arith.constant 0 : i32
        %dma_wait3A_177 = tpu.memref_slice %arg9[%dma_wait3A_172, %dma_wait3A_176] : memref<2x64xi32, #tpu.memory_space<vmem>> -> memref<1x64xi32, #tpu.memory_space<vmem>>
        %dma_wait3A_178 = tpu.memref_squeeze %dma_wait3A_177 : memref<1x64xi32, #tpu.memory_space<vmem>> -> memref<64xi32, #tpu.memory_space<vmem>>
        %dma_wait3A_179 = arith.constant 0 : i32
        %dma_wait3A_180 = arith.constant 0 : i32
        %dma_wait3A_181 = tpu.memref_slice %arg2[%dma_wait3A_179, %dma_wait3A_180] : memref<10000x64xf32, #tpu.memory_space<hbm>> -> memref<10000x64xf32, #tpu.memory_space<hbm>>
        tpu.wait_indirect_dma semaphore(%arg14 : memref<!tpu.dma_semaphore, #tpu.memory_space<semaphore_mem>>) src(%dma_wait3A_181 : memref<10000x64xf32, #tpu.memory_space<hbm>>) dst(%dma_wait3A_175 : memref<64x64xf32, #tpu.memory_space<vmem>>)
        %dma_wait3A_182 = arith.constant 1 : i32
        %dma_wait3A_183 = arith.constant 64 : i32
        %dma_wait3A_184 = arith.constant 0 : i32
        %dma_wait3A_185 = tpu.memref_slice %arg12[%dma_wait3A_183, %dma_wait3A_184] : memref<128x64xf32, #tpu.memory_space<vmem>> -> memref<64x64xf32, #tpu.memory_space<vmem>>
        %dma_wait3A_186 = arith.constant 0 : i32
        %dma_wait3A_187 = tpu.memref_slice %arg9[%dma_wait3A_182, %dma_wait3A_186] : memref<2x64xi32, #tpu.memory_space<vmem>> -> memref<1x64xi32, #tpu.memory_space<vmem>>
        %dma_wait3A_188 = tpu.memref_squeeze %dma_wait3A_187 : memref<1x64xi32, #tpu.memory_space<vmem>> -> memref<64xi32, #tpu.memory_space<vmem>>
        %dma_wait3A_189 = arith.constant 0 : i32
        %dma_wait3A_190 = arith.constant 0 : i32
        %dma_wait3A_191 = tpu.memref_slice %arg2[%dma_wait3A_189, %dma_wait3A_190] : memref<10000x64xf32, #tpu.memory_space<hbm>> -> memref<10000x64xf32, #tpu.memory_space<hbm>>
        tpu.wait_indirect_dma semaphore(%arg14 : memref<!tpu.dma_semaphore, #tpu.memory_space<semaphore_mem>>) src(%dma_wait3A_191 : memref<10000x64xf32, #tpu.memory_space<hbm>>) dst(%dma_wait3A_185 : memref<64x64xf32, #tpu.memory_space<vmem>>)
        %dma_wait3A_192 = arith.constant 0 : i32
        %dma_wait3A_193 = arith.constant 0 : i32
        %dma_wait3A_194 = arith.constant 0 : i32
        %dma_wait3A_195 = tpu.memref_slice %arg13[%dma_wait3A_193, %dma_wait3A_194] : memref<128x64xf32, #tpu.memory_space<vmem>> -> memref<64x64xf32, #tpu.memory_space<vmem>>
        %dma_wait3A_196 = arith.constant 0 : i32
        %dma_wait3A_197 = tpu.memref_slice %arg10[%dma_wait3A_192, %dma_wait3A_196] : memref<2x64xi32, #tpu.memory_space<vmem>> -> memref<1x64xi32, #tpu.memory_space<vmem>>
        %dma_wait3A_198 = tpu.memref_squeeze %dma_wait3A_197 : memref<1x64xi32, #tpu.memory_space<vmem>> -> memref<64xi32, #tpu.memory_space<vmem>>
        %dma_wait3A_199 = arith.constant 0 : i32
        %dma_wait3A_200 = arith.constant 0 : i32
        %dma_wait3A_201 = tpu.memref_slice %arg3[%dma_wait3A_199, %dma_wait3A_200] : memref<10000x64xf32, #tpu.memory_space<hbm>> -> memref<10000x64xf32, #tpu.memory_space<hbm>>
        tpu.wait_indirect_dma semaphore(%arg14 : memref<!tpu.dma_semaphore, #tpu.memory_space<semaphore_mem>>) src(%dma_wait3A_201 : memref<10000x64xf32, #tpu.memory_space<hbm>>) dst(%dma_wait3A_195 : memref<64x64xf32, #tpu.memory_space<vmem>>)
        %dma_wait3A_202 = arith.constant 1 : i32
        %dma_wait3A_203 = arith.constant 64 : i32
        %dma_wait3A_204 = arith.constant 0 : i32
        %dma_wait3A_205 = tpu.memref_slice %arg13[%dma_wait3A_203, %dma_wait3A_204] : memref<128x64xf32, #tpu.memory_space<vmem>> -> memref<64x64xf32, #tpu.memory_space<vmem>>
        %dma_wait3A_206 = arith.constant 0 : i32
        %dma_wait3A_207 = tpu.memref_slice %arg10[%dma_wait3A_202, %dma_wait3A_206] : memref<2x64xi32, #tpu.memory_space<vmem>> -> memref<1x64xi32, #tpu.memory_space<vmem>>
        %dma_wait3A_208 = tpu.memref_squeeze %dma_wait3A_207 : memref<1x64xi32, #tpu.memory_space<vmem>> -> memref<64xi32, #tpu.memory_space<vmem>>
        %dma_wait3A_209 = arith.constant 0 : i32
        %dma_wait3A_210 = arith.constant 0 : i32
        %dma_wait3A_211 = tpu.memref_slice %arg3[%dma_wait3A_209, %dma_wait3A_210] : memref<10000x64xf32, #tpu.memory_space<hbm>> -> memref<10000x64xf32, #tpu.memory_space<hbm>>
        tpu.wait_indirect_dma semaphore(%arg14 : memref<!tpu.dma_semaphore, #tpu.memory_space<semaphore_mem>>) src(%dma_wait3A_211 : memref<10000x64xf32, #tpu.memory_space<hbm>>) dst(%dma_wait3A_205 : memref<64x64xf32, #tpu.memory_space<vmem>>)
      } else {
      }
      %lt3A_116 = arith.constant 1250 : i32
      %lt3A_117 = arith.cmpi slt, %add3A_111, %lt3A_116 : i32
      %ge3A = arith.constant 1 : i32
      %ge3A_118 = arith.cmpi sge, %add3A_106, %ge3A : i32
      %and3A = arith.andi %lt3A_117, %ge3A_118 : i1
      %convert_element_type3A_119 = arith.extui %and3A : i1 to i32
      %cond3A_120 = arith.constant 0 : i32
      %cond3A_121 = arith.cmpi ne, %convert_element_type3A_119, %cond3A_120 : i32
      scf.if %cond3A_121 {
        %dma_wait3A_164 = arith.constant 0 : i32
        %dma_wait3A_165 = arith.constant 0 : i32
        %dma_wait3A_166 = arith.constant 0 : i32
        %dma_wait3A_167 = tpu.memref_slice %arg19[%dma_wait3A_165, %dma_wait3A_166] : memref<128x64xf32, #tpu.memory_space<vmem>> -> memref<64x64xf32, #tpu.memory_space<vmem>>
        %dma_wait3A_168 = arith.constant 0 : i32
        %dma_wait3A_169 = tpu.memref_slice %arg16[%dma_wait3A_164, %dma_wait3A_168] : memref<2x64xi32, #tpu.memory_space<vmem>> -> memref<1x64xi32, #tpu.memory_space<vmem>>
        %dma_wait3A_170 = tpu.memref_squeeze %dma_wait3A_169 : memref<1x64xi32, #tpu.memory_space<vmem>> -> memref<64xi32, #tpu.memory_space<vmem>>
        %dma_wait3A_171 = arith.constant 0 : i32
        %dma_wait3A_172 = arith.constant 0 : i32
        %dma_wait3A_173 = tpu.memref_slice %arg23[%dma_wait3A_171, %dma_wait3A_172] : memref<10000x64xf32, #tpu.memory_space<vmem_shared>> -> memref<10000x64xf32, #tpu.memory_space<vmem_shared>>
        tpu.wait_indirect_dma semaphore(%arg22 : memref<!tpu.dma_semaphore, #tpu.memory_space<semaphore_mem>>) src(%dma_wait3A_167 : memref<64x64xf32, #tpu.memory_space<vmem>>) dst(%dma_wait3A_173 : memref<10000x64xf32, #tpu.memory_space<vmem_shared>>)
        %dma_wait3A_174 = arith.constant 1 : i32
        %dma_wait3A_175 = arith.constant 64 : i32
        %dma_wait3A_176 = arith.constant 0 : i32
        %dma_wait3A_177 = tpu.memref_slice %arg19[%dma_wait3A_175, %dma_wait3A_176] : memref<128x64xf32, #tpu.memory_space<vmem>> -> memref<64x64xf32, #tpu.memory_space<vmem>>
        %dma_wait3A_178 = arith.constant 0 : i32
        %dma_wait3A_179 = tpu.memref_slice %arg16[%dma_wait3A_174, %dma_wait3A_178] : memref<2x64xi32, #tpu.memory_space<vmem>> -> memref<1x64xi32, #tpu.memory_space<vmem>>
        %dma_wait3A_180 = tpu.memref_squeeze %dma_wait3A_179 : memref<1x64xi32, #tpu.memory_space<vmem>> -> memref<64xi32, #tpu.memory_space<vmem>>
        %dma_wait3A_181 = arith.constant 0 : i32
        %dma_wait3A_182 = arith.constant 0 : i32
        %dma_wait3A_183 = tpu.memref_slice %arg23[%dma_wait3A_181, %dma_wait3A_182] : memref<10000x64xf32, #tpu.memory_space<vmem_shared>> -> memref<10000x64xf32, #tpu.memory_space<vmem_shared>>
        tpu.wait_indirect_dma semaphore(%arg22 : memref<!tpu.dma_semaphore, #tpu.memory_space<semaphore_mem>>) src(%dma_wait3A_177 : memref<64x64xf32, #tpu.memory_space<vmem>>) dst(%dma_wait3A_183 : memref<10000x64xf32, #tpu.memory_space<vmem_shared>>)
      } else {
      }
      %lt3A_122 = arith.constant 1250 : i32
      %lt3A_123 = arith.cmpi slt, %add3A_111, %lt3A_122 : i32
      %convert_element_type3A_124 = arith.extui %lt3A_123 : i1 to i32
      %cond3A_125 = arith.constant 0 : i32
      %cond3A_126 = arith.cmpi ne, %convert_element_type3A_124, %cond3A_125 : i32
      scf.if %cond3A_126 {
        "tpu.region"() ({
          %run_scoped3A = tpu.sem_alloc : memref<!tpu.dma_semaphore, #tpu.memory_space<semaphore_mem>>
          %dma_start3A_212 = arith.constant 0 : i32
          %dma_start3A_213 = arith.constant 0 : i32
          %dma_start3A_214 = tpu.memref_slice %arg5[%add3A_111, %dma_start3A_212, %dma_start3A_213] : memref<1250x2x64xi32, #tpu.memory_space<hbm>> -> memref<1x2x64xi32, #tpu.memory_space<hbm>>
          %dma_start3A_215 = tpu.memref_squeeze %dma_start3A_214 : memref<1x2x64xi32, #tpu.memory_space<hbm>> -> memref<2x64xi32, #tpu.memory_space<hbm>>
          %dma_start3A_216 = arith.constant 0 : i32
          %dma_start3A_217 = arith.constant 0 : i32
          %dma_start3A_218 = tpu.memref_slice %arg5[%add3A_111, %dma_start3A_216, %dma_start3A_217] : memref<1250x2x64xi32, #tpu.memory_space<hbm>> -> memref<1x2x64xi32, #tpu.memory_space<hbm>>
          %dma_start3A_219 = tpu.memref_squeeze %dma_start3A_218 : memref<1x2x64xi32, #tpu.memory_space<hbm>> -> memref<2x64xi32, #tpu.memory_space<hbm>>
          tpu.enqueue_dma source(%dma_start3A_219 : memref<2x64xi32, #tpu.memory_space<hbm>>) target(%arg16 : memref<2x64xi32, #tpu.memory_space<vmem>>) target_semaphore(%run_scoped3A : memref<!tpu.dma_semaphore, #tpu.memory_space<semaphore_mem>>)
          %dma_wait3A_220 = arith.constant 0 : i32
          %dma_wait3A_221 = arith.constant 0 : i32
          %dma_wait3A_222 = tpu.memref_slice %arg5[%add3A_111, %dma_wait3A_220, %dma_wait3A_221] : memref<1250x2x64xi32, #tpu.memory_space<hbm>> -> memref<1x2x64xi32, #tpu.memory_space<hbm>>
          %dma_wait3A_223 = tpu.memref_squeeze %dma_wait3A_222 : memref<1x2x64xi32, #tpu.memory_space<hbm>> -> memref<2x64xi32, #tpu.memory_space<hbm>>
          %dma_wait3A_224 = arith.constant 0 : i32
          %dma_wait3A_225 = arith.constant 0 : i32
          %dma_wait3A_226 = tpu.memref_slice %arg5[%add3A_111, %dma_wait3A_224, %dma_wait3A_225] : memref<1250x2x64xi32, #tpu.memory_space<hbm>> -> memref<1x2x64xi32, #tpu.memory_space<hbm>>
          %dma_wait3A_227 = tpu.memref_squeeze %dma_wait3A_226 : memref<1x2x64xi32, #tpu.memory_space<hbm>> -> memref<2x64xi32, #tpu.memory_space<hbm>>
          tpu.wait_dma2 semaphore(%run_scoped3A : memref<!tpu.dma_semaphore, #tpu.memory_space<semaphore_mem>>) src(%dma_wait3A_227 : memref<2x64xi32, #tpu.memory_space<hbm>>) dst(%arg16 : memref<2x64xi32, #tpu.memory_space<vmem>>)
          tpu.yield
        }) : () -> ()
        "tpu.region"() ({
          %run_scoped3A = tpu.sem_alloc : memref<!tpu.dma_semaphore, #tpu.memory_space<semaphore_mem>>
          %dma_start3A_212 = arith.constant 0 : i32
          %dma_start3A_213 = arith.constant 0 : i32
          %dma_start3A_214 = tpu.memref_slice %arg6[%add3A_111, %dma_start3A_212, %dma_start3A_213] : memref<1250x2x64xi32, #tpu.memory_space<hbm>> -> memref<1x2x64xi32, #tpu.memory_space<hbm>>
          %dma_start3A_215 = tpu.memref_squeeze %dma_start3A_214 : memref<1x2x64xi32, #tpu.memory_space<hbm>> -> memref<2x64xi32, #tpu.memory_space<hbm>>
          %dma_start3A_216 = arith.constant 0 : i32
          %dma_start3A_217 = arith.constant 0 : i32
          %dma_start3A_218 = tpu.memref_slice %arg6[%add3A_111, %dma_start3A_216, %dma_start3A_217] : memref<1250x2x64xi32, #tpu.memory_space<hbm>> -> memref<1x2x64xi32, #tpu.memory_space<hbm>>
          %dma_start3A_219 = tpu.memref_squeeze %dma_start3A_218 : memref<1x2x64xi32, #tpu.memory_space<hbm>> -> memref<2x64xi32, #tpu.memory_space<hbm>>
          tpu.enqueue_dma source(%dma_start3A_219 : memref<2x64xi32, #tpu.memory_space<hbm>>) target(%arg17 : memref<2x64xi32, #tpu.memory_space<vmem>>) target_semaphore(%run_scoped3A : memref<!tpu.dma_semaphore, #tpu.memory_space<semaphore_mem>>)
          %dma_wait3A_220 = arith.constant 0 : i32
          %dma_wait3A_221 = arith.constant 0 : i32
          %dma_wait3A_222 = tpu.memref_slice %arg6[%add3A_111, %dma_wait3A_220, %dma_wait3A_221] : memref<1250x2x64xi32, #tpu.memory_space<hbm>> -> memref<1x2x64xi32, #tpu.memory_space<hbm>>
          %dma_wait3A_223 = tpu.memref_squeeze %dma_wait3A_222 : memref<1x2x64xi32, #tpu.memory_space<hbm>> -> memref<2x64xi32, #tpu.memory_space<hbm>>
          %dma_wait3A_224 = arith.constant 0 : i32
          %dma_wait3A_225 = arith.constant 0 : i32
          %dma_wait3A_226 = tpu.memref_slice %arg6[%add3A_111, %dma_wait3A_224, %dma_wait3A_225] : memref<1250x2x64xi32, #tpu.memory_space<hbm>> -> memref<1x2x64xi32, #tpu.memory_space<hbm>>
          %dma_wait3A_227 = tpu.memref_squeeze %dma_wait3A_226 : memref<1x2x64xi32, #tpu.memory_space<hbm>> -> memref<2x64xi32, #tpu.memory_space<hbm>>
          tpu.wait_dma2 semaphore(%run_scoped3A : memref<!tpu.dma_semaphore, #tpu.memory_space<semaphore_mem>>) src(%dma_wait3A_227 : memref<2x64xi32, #tpu.memory_space<hbm>>) dst(%arg17 : memref<2x64xi32, #tpu.memory_space<vmem>>)
          tpu.yield
        }) : () -> ()
        %dma_start3A_164 = arith.constant 0 : i32
        %dma_start3A_165 = arith.constant 0 : i32
        %dma_start3A_166 = tpu.memref_slice %arg4[%add3A_111, %dma_start3A_164, %dma_start3A_165] : memref<1250x64x128xf32, #tpu.memory_space<hbm>> -> memref<1x64x128xf32, #tpu.memory_space<hbm>>
        %dma_start3A_167 = tpu.memref_squeeze %dma_start3A_166 : memref<1x64x128xf32, #tpu.memory_space<hbm>> -> memref<64x128xf32, #tpu.memory_space<hbm>>
        %dma_start3A_168 = arith.constant 0 : i32
        %dma_start3A_169 = arith.constant 0 : i32
        %dma_start3A_170 = tpu.memref_slice %arg4[%add3A_111, %dma_start3A_168, %dma_start3A_169] : memref<1250x64x128xf32, #tpu.memory_space<hbm>> -> memref<1x64x128xf32, #tpu.memory_space<hbm>>
        %dma_start3A_171 = tpu.memref_squeeze %dma_start3A_170 : memref<1x64x128xf32, #tpu.memory_space<hbm>> -> memref<64x128xf32, #tpu.memory_space<hbm>>
        tpu.enqueue_dma source(%dma_start3A_171 : memref<64x128xf32, #tpu.memory_space<hbm>>) target(%arg18 : memref<64x128xf32, #tpu.memory_space<vmem>>) target_semaphore(%arg21 : memref<!tpu.dma_semaphore, #tpu.memory_space<semaphore_mem>>)
        %dma_start3A_172 = arith.constant 0 : i32
        %dma_start3A_173 = arith.constant 0 : i32
        %dma_start3A_174 = arith.constant 0 : i32
        %dma_start3A_175 = tpu.memref_slice %arg19[%dma_start3A_173, %dma_start3A_174] : memref<128x64xf32, #tpu.memory_space<vmem>> -> memref<64x64xf32, #tpu.memory_space<vmem>>
        %dma_start3A_176 = arith.constant 0 : i32
        %dma_start3A_177 = tpu.memref_slice %arg16[%dma_start3A_172, %dma_start3A_176] : memref<2x64xi32, #tpu.memory_space<vmem>> -> memref<1x64xi32, #tpu.memory_space<vmem>>
        %dma_start3A_178 = tpu.memref_squeeze %dma_start3A_177 : memref<1x64xi32, #tpu.memory_space<vmem>> -> memref<64xi32, #tpu.memory_space<vmem>>
        %dma_start3A_179 = arith.constant 0 : i32
        %dma_start3A_180 = arith.constant 0 : i32
        %dma_start3A_181 = tpu.memref_slice %arg2[%dma_start3A_179, %dma_start3A_180] : memref<10000x64xf32, #tpu.memory_space<hbm>> -> memref<10000x64xf32, #tpu.memory_space<hbm>>
        tpu.enqueue_indirect_dma source(%dma_start3A_181 : memref<10000x64xf32, #tpu.memory_space<hbm>>) target(%dma_start3A_175 : memref<64x64xf32, #tpu.memory_space<vmem>>) offsets(%dma_start3A_178 : memref<64xi32, #tpu.memory_space<vmem>>) semaphore(%arg21 : memref<!tpu.dma_semaphore, #tpu.memory_space<semaphore_mem>>)
        %dma_start3A_182 = arith.constant 1 : i32
        %dma_start3A_183 = arith.constant 64 : i32
        %dma_start3A_184 = arith.constant 0 : i32
        %dma_start3A_185 = tpu.memref_slice %arg19[%dma_start3A_183, %dma_start3A_184] : memref<128x64xf32, #tpu.memory_space<vmem>> -> memref<64x64xf32, #tpu.memory_space<vmem>>
        %dma_start3A_186 = arith.constant 0 : i32
        %dma_start3A_187 = tpu.memref_slice %arg16[%dma_start3A_182, %dma_start3A_186] : memref<2x64xi32, #tpu.memory_space<vmem>> -> memref<1x64xi32, #tpu.memory_space<vmem>>
        %dma_start3A_188 = tpu.memref_squeeze %dma_start3A_187 : memref<1x64xi32, #tpu.memory_space<vmem>> -> memref<64xi32, #tpu.memory_space<vmem>>
        %dma_start3A_189 = arith.constant 0 : i32
        %dma_start3A_190 = arith.constant 0 : i32
        %dma_start3A_191 = tpu.memref_slice %arg2[%dma_start3A_189, %dma_start3A_190] : memref<10000x64xf32, #tpu.memory_space<hbm>> -> memref<10000x64xf32, #tpu.memory_space<hbm>>
        tpu.enqueue_indirect_dma source(%dma_start3A_191 : memref<10000x64xf32, #tpu.memory_space<hbm>>) target(%dma_start3A_185 : memref<64x64xf32, #tpu.memory_space<vmem>>) offsets(%dma_start3A_188 : memref<64xi32, #tpu.memory_space<vmem>>) semaphore(%arg21 : memref<!tpu.dma_semaphore, #tpu.memory_space<semaphore_mem>>)
        %dma_start3A_192 = arith.constant 0 : i32
        %dma_start3A_193 = arith.constant 0 : i32
        %dma_start3A_194 = arith.constant 0 : i32
        %dma_start3A_195 = tpu.memref_slice %arg20[%dma_start3A_193, %dma_start3A_194] : memref<128x64xf32, #tpu.memory_space<vmem>> -> memref<64x64xf32, #tpu.memory_space<vmem>>
        %dma_start3A_196 = arith.constant 0 : i32
        %dma_start3A_197 = tpu.memref_slice %arg17[%dma_start3A_192, %dma_start3A_196] : memref<2x64xi32, #tpu.memory_space<vmem>> -> memref<1x64xi32, #tpu.memory_space<vmem>>
        %dma_start3A_198 = tpu.memref_squeeze %dma_start3A_197 : memref<1x64xi32, #tpu.memory_space<vmem>> -> memref<64xi32, #tpu.memory_space<vmem>>
        %dma_start3A_199 = arith.constant 0 : i32
        %dma_start3A_200 = arith.constant 0 : i32
        %dma_start3A_201 = tpu.memref_slice %arg3[%dma_start3A_199, %dma_start3A_200] : memref<10000x64xf32, #tpu.memory_space<hbm>> -> memref<10000x64xf32, #tpu.memory_space<hbm>>
        tpu.enqueue_indirect_dma source(%dma_start3A_201 : memref<10000x64xf32, #tpu.memory_space<hbm>>) target(%dma_start3A_195 : memref<64x64xf32, #tpu.memory_space<vmem>>) offsets(%dma_start3A_198 : memref<64xi32, #tpu.memory_space<vmem>>) semaphore(%arg21 : memref<!tpu.dma_semaphore, #tpu.memory_space<semaphore_mem>>)
        %dma_start3A_202 = arith.constant 1 : i32
        %dma_start3A_203 = arith.constant 64 : i32
        %dma_start3A_204 = arith.constant 0 : i32
        %dma_start3A_205 = tpu.memref_slice %arg20[%dma_start3A_203, %dma_start3A_204] : memref<128x64xf32, #tpu.memory_space<vmem>> -> memref<64x64xf32, #tpu.memory_space<vmem>>
        %dma_start3A_206 = arith.constant 0 : i32
        %dma_start3A_207 = tpu.memref_slice %arg17[%dma_start3A_202, %dma_start3A_206] : memref<2x64xi32, #tpu.memory_space<vmem>> -> memref<1x64xi32, #tpu.memory_space<vmem>>
        %dma_start3A_208 = tpu.memref_squeeze %dma_start3A_207 : memref<1x64xi32, #tpu.memory_space<vmem>> -> memref<64xi32, #tpu.memory_space<vmem>>
        %dma_start3A_209 = arith.constant 0 : i32
        %dma_start3A_210 = arith.constant 0 : i32
        %dma_start3A_211 = tpu.memref_slice %arg3[%dma_start3A_209, %dma_start3A_210] : memref<10000x64xf32, #tpu.memory_space<hbm>> -> memref<10000x64xf32, #tpu.memory_space<hbm>>
        tpu.enqueue_indirect_dma source(%dma_start3A_211 : memref<10000x64xf32, #tpu.memory_space<hbm>>) target(%dma_start3A_205 : memref<64x64xf32, #tpu.memory_space<vmem>>) offsets(%dma_start3A_208 : memref<64xi32, #tpu.memory_space<vmem>>) semaphore(%arg21 : memref<!tpu.dma_semaphore, #tpu.memory_space<semaphore_mem>>)
      } else {
      }
      %lt3A_127 = arith.constant 1250 : i32
      %lt3A_128 = arith.cmpi slt, %add3A_109, %lt3A_127 : i32
      %convert_element_type3A_129 = arith.extui %lt3A_128 : i1 to i32
      %cond3A_130 = arith.constant 0 : i32
      %cond3A_131 = arith.cmpi ne, %convert_element_type3A_129, %cond3A_130 : i32
      scf.if %cond3A_131 {
        %parallel_loop3A = arith.constant 0 : i32
        %parallel_loop3A_164 = arith.constant 64 : i32
        %parallel_loop3A_165 = arith.constant 1 : i32
        scf.for %parallel_loop3A_189 = %parallel_loop3A to %parallel_loop3A_164 step %parallel_loop3A_165  : i32 {
          %parallel_loop3A_190 = arith.index_cast %parallel_loop3A_189 : i32 to index
          %parallel_loop3A_191 = arith.constant 0 : index
          %parallel_loop3A_192 = tpu.vector_load %arg11[%parallel_loop3A_190, %parallel_loop3A_191] {strides = array<i32>} : memref<64x128xf32, #tpu.memory_space<vmem>>, vector<1x16xf32>,
          %parallel_loop3A_193 = vector.shape_cast %parallel_loop3A_192 : vector<1x16xf32> to vector<16xf32>
          %parallel_loop3A_194 = arith.index_cast %parallel_loop3A_189 : i32 to index
          %parallel_loop3A_195 = arith.constant 0 : index
          %parallel_loop3A_196 = tpu.vector_load %arg12[%parallel_loop3A_194, %parallel_loop3A_195] {strides = array<i32>} : memref<128x64xf32, #tpu.memory_space<vmem>>, vector<1x16xf32>,
          %parallel_loop3A_197 = vector.shape_cast %parallel_loop3A_196 : vector<1x16xf32> to vector<16xf32>
          %parallel_loop3A_198 = arith.addf %parallel_loop3A_193, %parallel_loop3A_197 : vector<16xf32>
          %parallel_loop3A_199 = arith.index_cast %parallel_loop3A_189 : i32 to index
          %parallel_loop3A_200 = arith.constant 0 : index
          %parallel_loop3A_201 = tpu.vector_load %arg13[%parallel_loop3A_199, %parallel_loop3A_200] {strides = array<i32>} : memref<128x64xf32, #tpu.memory_space<vmem>>, vector<1x16xf32>,
          %parallel_loop3A_202 = vector.shape_cast %parallel_loop3A_201 : vector<1x16xf32> to vector<16xf32>
          %parallel_loop3A_203 = arith.addf %parallel_loop3A_198, %parallel_loop3A_202 : vector<16xf32>
          %parallel_loop3A_204 = arith.constant 0.000000e+00 : f32
          %parallel_loop3A_205 = vector.broadcast %parallel_loop3A_204 : f32 to vector<16xf32>
          %parallel_loop3A_206 = arith.maximumf %parallel_loop3A_203, %parallel_loop3A_205 : vector<16xf32>
          %parallel_loop3A_207 = arith.index_cast %parallel_loop3A_189 : i32 to index
          %parallel_loop3A_208 = arith.constant 0 : index
          %parallel_loop3A_209 = tpu.vector_load %arg12[%parallel_loop3A_207, %parallel_loop3A_208] {strides = array<i32>} : memref<128x64xf32, #tpu.memory_space<vmem>>, vector<1x16xf32>,
          %parallel_loop3A_210 = vector.shape_cast %parallel_loop3A_209 : vector<1x16xf32> to vector<16xf32>
          %parallel_loop3A_211 = vector.shape_cast %parallel_loop3A_206 : vector<16xf32> to vector<1x16xf32>
          tpu.vector_store %arg12[%parallel_loop3A_207, %parallel_loop3A_208], %parallel_loop3A_211 {strides = array<i32>} : memref<128x64xf32, #tpu.memory_space<vmem>>, vector<1x16xf32>,
          %parallel_loop3A_212 = arith.index_cast %parallel_loop3A_189 : i32 to index
          %parallel_loop3A_213 = arith.constant 16 : index
          %parallel_loop3A_214 = tpu.vector_load %arg11[%parallel_loop3A_212, %parallel_loop3A_213] {strides = array<i32>} : memref<64x128xf32, #tpu.memory_space<vmem>>, vector<1x16xf32>,
          %parallel_loop3A_215 = vector.shape_cast %parallel_loop3A_214 : vector<1x16xf32> to vector<16xf32>
          %parallel_loop3A_216 = arith.index_cast %parallel_loop3A_189 : i32 to index
          %parallel_loop3A_217 = arith.constant 16 : index
          %parallel_loop3A_218 = tpu.vector_load %arg12[%parallel_loop3A_216, %parallel_loop3A_217] {strides = array<i32>} : memref<128x64xf32, #tpu.memory_space<vmem>>, vector<1x16xf32>,
          %parallel_loop3A_219 = vector.shape_cast %parallel_loop3A_218 : vector<1x16xf32> to vector<16xf32>
          %parallel_loop3A_220 = arith.addf %parallel_loop3A_215, %parallel_loop3A_219 : vector<16xf32>
          %parallel_loop3A_221 = arith.index_cast %parallel_loop3A_189 : i32 to index
          %parallel_loop3A_222 = arith.constant 16 : index
          %parallel_loop3A_223 = tpu.vector_load %arg13[%parallel_loop3A_221, %parallel_loop3A_222] {strides = array<i32>} : memref<128x64xf32, #tpu.memory_space<vmem>>, vector<1x16xf32>,
          %parallel_loop3A_224 = vector.shape_cast %parallel_loop3A_223 : vector<1x16xf32> to vector<16xf32>
          %parallel_loop3A_225 = arith.addf %parallel_loop3A_220, %parallel_loop3A_224 : vector<16xf32>
          %parallel_loop3A_226 = arith.constant 0.000000e+00 : f32
          %parallel_loop3A_227 = vector.broadcast %parallel_loop3A_226 : f32 to vector<16xf32>
          %parallel_loop3A_228 = arith.maximumf %parallel_loop3A_225, %parallel_loop3A_227 : vector<16xf32>
          %parallel_loop3A_229 = arith.index_cast %parallel_loop3A_189 : i32 to index
          %parallel_loop3A_230 = arith.constant 16 : index
          %parallel_loop3A_231 = tpu.vector_load %arg12[%parallel_loop3A_229, %parallel_loop3A_230] {strides = array<i32>} : memref<128x64xf32, #tpu.memory_space<vmem>>, vector<1x16xf32>,
          %parallel_loop3A_232 = vector.shape_cast %parallel_loop3A_231 : vector<1x16xf32> to vector<16xf32>
          %parallel_loop3A_233 = vector.shape_cast %parallel_loop3A_228 : vector<16xf32> to vector<1x16xf32>
          tpu.vector_store %arg12[%parallel_loop3A_229, %parallel_loop3A_230], %parallel_loop3A_233 {strides = array<i32>} : memref<128x64xf32, #tpu.memory_space<vmem>>, vector<1x16xf32>,
          %parallel_loop3A_234 = arith.index_cast %parallel_loop3A_189 : i32 to index
          %parallel_loop3A_235 = arith.constant 32 : index
          %parallel_loop3A_236 = tpu.vector_load %arg11[%parallel_loop3A_234, %parallel_loop3A_235] {strides = array<i32>} : memref<64x128xf32, #tpu.memory_space<vmem>>, vector<1x16xf32>,
          %parallel_loop3A_237 = vector.shape_cast %parallel_loop3A_236 : vector<1x16xf32> to vector<16xf32>
          %parallel_loop3A_238 = arith.index_cast %parallel_loop3A_189 : i32 to index
          %parallel_loop3A_239 = arith.constant 32 : index
          %parallel_loop3A_240 = tpu.vector_load %arg12[%parallel_loop3A_238, %parallel_loop3A_239] {strides = array<i32>} : memref<128x64xf32, #tpu.memory_space<vmem>>, vector<1x16xf32>,
          %parallel_loop3A_241 = vector.shape_cast %parallel_loop3A_240 : vector<1x16xf32> to vector<16xf32>
          %parallel_loop3A_242 = arith.addf %parallel_loop3A_237, %parallel_loop3A_241 : vector<16xf32>
          %parallel_loop3A_243 = arith.index_cast %parallel_loop3A_189 : i32 to index
          %parallel_loop3A_244 = arith.constant 32 : index
          %parallel_loop3A_245 = tpu.vector_load %arg13[%parallel_loop3A_243, %parallel_loop3A_244] {strides = array<i32>} : memref<128x64xf32, #tpu.memory_space<vmem>>, vector<1x16xf32>,
          %parallel_loop3A_246 = vector.shape_cast %parallel_loop3A_245 : vector<1x16xf32> to vector<16xf32>
          %parallel_loop3A_247 = arith.addf %parallel_loop3A_242, %parallel_loop3A_246 : vector<16xf32>
          %parallel_loop3A_248 = arith.constant 0.000000e+00 : f32
          %parallel_loop3A_249 = vector.broadcast %parallel_loop3A_248 : f32 to vector<16xf32>
          %parallel_loop3A_250 = arith.maximumf %parallel_loop3A_247, %parallel_loop3A_249 : vector<16xf32>
          %parallel_loop3A_251 = arith.index_cast %parallel_loop3A_189 : i32 to index
          %parallel_loop3A_252 = arith.constant 32 : index
          %parallel_loop3A_253 = tpu.vector_load %arg12[%parallel_loop3A_251, %parallel_loop3A_252] {strides = array<i32>} : memref<128x64xf32, #tpu.memory_space<vmem>>, vector<1x16xf32>,
          %parallel_loop3A_254 = vector.shape_cast %parallel_loop3A_253 : vector<1x16xf32> to vector<16xf32>
          %parallel_loop3A_255 = vector.shape_cast %parallel_loop3A_250 : vector<16xf32> to vector<1x16xf32>
          tpu.vector_store %arg12[%parallel_loop3A_251, %parallel_loop3A_252], %parallel_loop3A_255 {strides = array<i32>} : memref<128x64xf32, #tpu.memory_space<vmem>>, vector<1x16xf32>,
          %parallel_loop3A_256 = arith.index_cast %parallel_loop3A_189 : i32 to index
          %parallel_loop3A_257 = arith.constant 48 : index
          %parallel_loop3A_258 = tpu.vector_load %arg11[%parallel_loop3A_256, %parallel_loop3A_257] {strides = array<i32>} : memref<64x128xf32, #tpu.memory_space<vmem>>, vector<1x16xf32>,
          %parallel_loop3A_259 = vector.shape_cast %parallel_loop3A_258 : vector<1x16xf32> to vector<16xf32>
          %parallel_loop3A_260 = arith.index_cast %parallel_loop3A_189 : i32 to index
          %parallel_loop3A_261 = arith.constant 48 : index
          %parallel_loop3A_262 = tpu.vector_load %arg12[%parallel_loop3A_260, %parallel_loop3A_261] {strides = array<i32>} : memref<128x64xf32, #tpu.memory_space<vmem>>, vector<1x16xf32>,
          %parallel_loop3A_263 = vector.shape_cast %parallel_loop3A_262 : vector<1x16xf32> to vector<16xf32>
          %parallel_loop3A_264 = arith.addf %parallel_loop3A_259, %parallel_loop3A_263 : vector<16xf32>
          %parallel_loop3A_265 = arith.index_cast %parallel_loop3A_189 : i32 to index
          %parallel_loop3A_266 = arith.constant 48 : index
          %parallel_loop3A_267 = tpu.vector_load %arg13[%parallel_loop3A_265, %parallel_loop3A_266] {strides = array<i32>} : memref<128x64xf32, #tpu.memory_space<vmem>>, vector<1x16xf32>,
          %parallel_loop3A_268 = vector.shape_cast %parallel_loop3A_267 : vector<1x16xf32> to vector<16xf32>
          %parallel_loop3A_269 = arith.addf %parallel_loop3A_264, %parallel_loop3A_268 : vector<16xf32>
          %parallel_loop3A_270 = arith.constant 0.000000e+00 : f32
          %parallel_loop3A_271 = vector.broadcast %parallel_loop3A_270 : f32 to vector<16xf32>
          %parallel_loop3A_272 = arith.maximumf %parallel_loop3A_269, %parallel_loop3A_271 : vector<16xf32>
          %parallel_loop3A_273 = arith.index_cast %parallel_loop3A_189 : i32 to index
          %parallel_loop3A_274 = arith.constant 48 : index
          %parallel_loop3A_275 = tpu.vector_load %arg12[%parallel_loop3A_273, %parallel_loop3A_274] {strides = array<i32>} : memref<128x64xf32, #tpu.memory_space<vmem>>, vector<1x16xf32>,
          %parallel_loop3A_276 = vector.shape_cast %parallel_loop3A_275 : vector<1x16xf32> to vector<16xf32>
          %parallel_loop3A_277 = vector.shape_cast %parallel_loop3A_272 : vector<16xf32> to vector<1x16xf32>
          tpu.vector_store %arg12[%parallel_loop3A_273, %parallel_loop3A_274], %parallel_loop3A_277 {strides = array<i32>} : memref<128x64xf32, #tpu.memory_space<vmem>>, vector<1x16xf32>,
        } {sc.loop_unroll_factor = 4 : i64, sc.parallel_access}
        %parallel_loop3A_166 = arith.constant 0 : i32
        %parallel_loop3A_167 = arith.constant 64 : i32
        %parallel_loop3A_168 = arith.constant 1 : i32
        scf.for %parallel_loop3A_189 = %parallel_loop3A_166 to %parallel_loop3A_167 step %parallel_loop3A_168  : i32 {
          %parallel_loop3A_190 = arith.constant 64 : i32
          %parallel_loop3A_191 = arith.addi %parallel_loop3A_189, %parallel_loop3A_190 : i32
          %parallel_loop3A_192 = arith.index_cast %parallel_loop3A_189 : i32 to index
          %parallel_loop3A_193 = arith.constant 64 : index
          %parallel_loop3A_194 = tpu.vector_load %arg11[%parallel_loop3A_192, %parallel_loop3A_193] {strides = array<i32>} : memref<64x128xf32, #tpu.memory_space<vmem>>, vector<1x16xf32>,
          %parallel_loop3A_195 = vector.shape_cast %parallel_loop3A_194 : vector<1x16xf32> to vector<16xf32>
          %parallel_loop3A_196 = arith.index_cast %parallel_loop3A_191 : i32 to index
          %parallel_loop3A_197 = arith.constant 0 : index
          %parallel_loop3A_198 = tpu.vector_load %arg12[%parallel_loop3A_196, %parallel_loop3A_197] {strides = array<i32>} : memref<128x64xf32, #tpu.memory_space<vmem>>, vector<1x16xf32>,
          %parallel_loop3A_199 = vector.shape_cast %parallel_loop3A_198 : vector<1x16xf32> to vector<16xf32>
          %parallel_loop3A_200 = arith.addf %parallel_loop3A_195, %parallel_loop3A_199 : vector<16xf32>
          %parallel_loop3A_201 = arith.index_cast %parallel_loop3A_191 : i32 to index
          %parallel_loop3A_202 = arith.constant 0 : index
          %parallel_loop3A_203 = tpu.vector_load %arg13[%parallel_loop3A_201, %parallel_loop3A_202] {strides = array<i32>} : memref<128x64xf32, #tpu.memory_space<vmem>>, vector<1x16xf32>,
          %parallel_loop3A_204 = vector.shape_cast %parallel_loop3A_203 : vector<1x16xf32> to vector<16xf32>
          %parallel_loop3A_205 = arith.addf %parallel_loop3A_200, %parallel_loop3A_204 : vector<16xf32>
          %parallel_loop3A_206 = arith.constant 0.000000e+00 : f32
          %parallel_loop3A_207 = vector.broadcast %parallel_loop3A_206 : f32 to vector<16xf32>
          %parallel_loop3A_208 = arith.maximumf %parallel_loop3A_205, %parallel_loop3A_207 : vector<16xf32>
          %parallel_loop3A_209 = arith.index_cast %parallel_loop3A_191 : i32 to index
          %parallel_loop3A_210 = arith.constant 0 : index
          %parallel_loop3A_211 = tpu.vector_load %arg12[%parallel_loop3A_209, %parallel_loop3A_210] {strides = array<i32>} : memref<128x64xf32, #tpu.memory_space<vmem>>, vector<1x16xf32>,
          %parallel_loop3A_212 = vector.shape_cast %parallel_loop3A_211 : vector<1x16xf32> to vector<16xf32>
          %parallel_loop3A_213 = vector.shape_cast %parallel_loop3A_208 : vector<16xf32> to vector<1x16xf32>
          tpu.vector_store %arg12[%parallel_loop3A_209, %parallel_loop3A_210], %parallel_loop3A_213 {strides = array<i32>} : memref<128x64xf32, #tpu.memory_space<vmem>>, vector<1x16xf32>,
          %parallel_loop3A_214 = arith.index_cast %parallel_loop3A_189 : i32 to index
          %parallel_loop3A_215 = arith.constant 80 : index
          %parallel_loop3A_216 = tpu.vector_load %arg11[%parallel_loop3A_214, %parallel_loop3A_215] {strides = array<i32>} : memref<64x128xf32, #tpu.memory_space<vmem>>, vector<1x16xf32>,
          %parallel_loop3A_217 = vector.shape_cast %parallel_loop3A_216 : vector<1x16xf32> to vector<16xf32>
          %parallel_loop3A_218 = arith.index_cast %parallel_loop3A_191 : i32 to index
          %parallel_loop3A_219 = arith.constant 16 : index
          %parallel_loop3A_220 = tpu.vector_load %arg12[%parallel_loop3A_218, %parallel_loop3A_219] {strides = array<i32>} : memref<128x64xf32, #tpu.memory_space<vmem>>, vector<1x16xf32>,
          %parallel_loop3A_221 = vector.shape_cast %parallel_loop3A_220 : vector<1x16xf32> to vector<16xf32>
          %parallel_loop3A_222 = arith.addf %parallel_loop3A_217, %parallel_loop3A_221 : vector<16xf32>
          %parallel_loop3A_223 = arith.index_cast %parallel_loop3A_191 : i32 to index
          %parallel_loop3A_224 = arith.constant 16 : index
          %parallel_loop3A_225 = tpu.vector_load %arg13[%parallel_loop3A_223, %parallel_loop3A_224] {strides = array<i32>} : memref<128x64xf32, #tpu.memory_space<vmem>>, vector<1x16xf32>,
          %parallel_loop3A_226 = vector.shape_cast %parallel_loop3A_225 : vector<1x16xf32> to vector<16xf32>
          %parallel_loop3A_227 = arith.addf %parallel_loop3A_222, %parallel_loop3A_226 : vector<16xf32>
          %parallel_loop3A_228 = arith.constant 0.000000e+00 : f32
          %parallel_loop3A_229 = vector.broadcast %parallel_loop3A_228 : f32 to vector<16xf32>
          %parallel_loop3A_230 = arith.maximumf %parallel_loop3A_227, %parallel_loop3A_229 : vector<16xf32>
          %parallel_loop3A_231 = arith.index_cast %parallel_loop3A_191 : i32 to index
          %parallel_loop3A_232 = arith.constant 16 : index
          %parallel_loop3A_233 = tpu.vector_load %arg12[%parallel_loop3A_231, %parallel_loop3A_232] {strides = array<i32>} : memref<128x64xf32, #tpu.memory_space<vmem>>, vector<1x16xf32>,
          %parallel_loop3A_234 = vector.shape_cast %parallel_loop3A_233 : vector<1x16xf32> to vector<16xf32>
          %parallel_loop3A_235 = vector.shape_cast %parallel_loop3A_230 : vector<16xf32> to vector<1x16xf32>
          tpu.vector_store %arg12[%parallel_loop3A_231, %parallel_loop3A_232], %parallel_loop3A_235 {strides = array<i32>} : memref<128x64xf32, #tpu.memory_space<vmem>>, vector<1x16xf32>,
          %parallel_loop3A_236 = arith.index_cast %parallel_loop3A_189 : i32 to index
          %parallel_loop3A_237 = arith.constant 96 : index
          %parallel_loop3A_238 = tpu.vector_load %arg11[%parallel_loop3A_236, %parallel_loop3A_237] {strides = array<i32>} : memref<64x128xf32, #tpu.memory_space<vmem>>, vector<1x16xf32>,
          %parallel_loop3A_239 = vector.shape_cast %parallel_loop3A_238 : vector<1x16xf32> to vector<16xf32>
          %parallel_loop3A_240 = arith.index_cast %parallel_loop3A_191 : i32 to index
          %parallel_loop3A_241 = arith.constant 32 : index
          %parallel_loop3A_242 = tpu.vector_load %arg12[%parallel_loop3A_240, %parallel_loop3A_241] {strides = array<i32>} : memref<128x64xf32, #tpu.memory_space<vmem>>, vector<1x16xf32>,
          %parallel_loop3A_243 = vector.shape_cast %parallel_loop3A_242 : vector<1x16xf32> to vector<16xf32>
          %parallel_loop3A_244 = arith.addf %parallel_loop3A_239, %parallel_loop3A_243 : vector<16xf32>
          %parallel_loop3A_245 = arith.index_cast %parallel_loop3A_191 : i32 to index
          %parallel_loop3A_246 = arith.constant 32 : index
          %parallel_loop3A_247 = tpu.vector_load %arg13[%parallel_loop3A_245, %parallel_loop3A_246] {strides = array<i32>} : memref<128x64xf32, #tpu.memory_space<vmem>>, vector<1x16xf32>,
          %parallel_loop3A_248 = vector.shape_cast %parallel_loop3A_247 : vector<1x16xf32> to vector<16xf32>
          %parallel_loop3A_249 = arith.addf %parallel_loop3A_244, %parallel_loop3A_248 : vector<16xf32>
          %parallel_loop3A_250 = arith.constant 0.000000e+00 : f32
          %parallel_loop3A_251 = vector.broadcast %parallel_loop3A_250 : f32 to vector<16xf32>
          %parallel_loop3A_252 = arith.maximumf %parallel_loop3A_249, %parallel_loop3A_251 : vector<16xf32>
          %parallel_loop3A_253 = arith.index_cast %parallel_loop3A_191 : i32 to index
          %parallel_loop3A_254 = arith.constant 32 : index
          %parallel_loop3A_255 = tpu.vector_load %arg12[%parallel_loop3A_253, %parallel_loop3A_254] {strides = array<i32>} : memref<128x64xf32, #tpu.memory_space<vmem>>, vector<1x16xf32>,
          %parallel_loop3A_256 = vector.shape_cast %parallel_loop3A_255 : vector<1x16xf32> to vector<16xf32>
          %parallel_loop3A_257 = vector.shape_cast %parallel_loop3A_252 : vector<16xf32> to vector<1x16xf32>
          tpu.vector_store %arg12[%parallel_loop3A_253, %parallel_loop3A_254], %parallel_loop3A_257 {strides = array<i32>} : memref<128x64xf32, #tpu.memory_space<vmem>>, vector<1x16xf32>,
          %parallel_loop3A_258 = arith.index_cast %parallel_loop3A_189 : i32 to index
          %parallel_loop3A_259 = arith.constant 112 : index
          %parallel_loop3A_260 = tpu.vector_load %arg11[%parallel_loop3A_258, %parallel_loop3A_259] {strides = array<i32>} : memref<64x128xf32, #tpu.memory_space<vmem>>, vector<1x16xf32>,
          %parallel_loop3A_261 = vector.shape_cast %parallel_loop3A_260 : vector<1x16xf32> to vector<16xf32>
          %parallel_loop3A_262 = arith.index_cast %parallel_loop3A_191 : i32 to index
          %parallel_loop3A_263 = arith.constant 48 : index
          %parallel_loop3A_264 = tpu.vector_load %arg12[%parallel_loop3A_262, %parallel_loop3A_263] {strides = array<i32>} : memref<128x64xf32, #tpu.memory_space<vmem>>, vector<1x16xf32>,
          %parallel_loop3A_265 = vector.shape_cast %parallel_loop3A_264 : vector<1x16xf32> to vector<16xf32>
          %parallel_loop3A_266 = arith.addf %parallel_loop3A_261, %parallel_loop3A_265 : vector<16xf32>
          %parallel_loop3A_267 = arith.index_cast %parallel_loop3A_191 : i32 to index
          %parallel_loop3A_268 = arith.constant 48 : index
          %parallel_loop3A_269 = tpu.vector_load %arg13[%parallel_loop3A_267, %parallel_loop3A_268] {strides = array<i32>} : memref<128x64xf32, #tpu.memory_space<vmem>>, vector<1x16xf32>,
          %parallel_loop3A_270 = vector.shape_cast %parallel_loop3A_269 : vector<1x16xf32> to vector<16xf32>
          %parallel_loop3A_271 = arith.addf %parallel_loop3A_266, %parallel_loop3A_270 : vector<16xf32>
          %parallel_loop3A_272 = arith.constant 0.000000e+00 : f32
          %parallel_loop3A_273 = vector.broadcast %parallel_loop3A_272 : f32 to vector<16xf32>
          %parallel_loop3A_274 = arith.maximumf %parallel_loop3A_271, %parallel_loop3A_273 : vector<16xf32>
          %parallel_loop3A_275 = arith.index_cast %parallel_loop3A_191 : i32 to index
          %parallel_loop3A_276 = arith.constant 48 : index
          %parallel_loop3A_277 = tpu.vector_load %arg12[%parallel_loop3A_275, %parallel_loop3A_276] {strides = array<i32>} : memref<128x64xf32, #tpu.memory_space<vmem>>, vector<1x16xf32>,
          %parallel_loop3A_278 = vector.shape_cast %parallel_loop3A_277 : vector<1x16xf32> to vector<16xf32>
          %parallel_loop3A_279 = vector.shape_cast %parallel_loop3A_274 : vector<16xf32> to vector<1x16xf32>
          tpu.vector_store %arg12[%parallel_loop3A_275, %parallel_loop3A_276], %parallel_loop3A_279 {strides = array<i32>} : memref<128x64xf32, #tpu.memory_space<vmem>>, vector<1x16xf32>,
        } {sc.loop_unroll_factor = 4 : i64, sc.parallel_access}
        %dma_start3A_169 = arith.constant 0 : i32
        %dma_start3A_170 = arith.constant 0 : i32
        %dma_start3A_171 = arith.constant 0 : i32
        %dma_start3A_172 = tpu.memref_slice %arg12[%dma_start3A_170, %dma_start3A_171] : memref<128x64xf32, #tpu.memory_space<vmem>> -> memref<64x64xf32, #tpu.memory_space<vmem>>
        %dma_start3A_173 = arith.constant 0 : i32
        %dma_start3A_174 = tpu.memref_slice %arg9[%dma_start3A_169, %dma_start3A_173] : memref<2x64xi32, #tpu.memory_space<vmem>> -> memref<1x64xi32, #tpu.memory_space<vmem>>
        %dma_start3A_175 = tpu.memref_squeeze %dma_start3A_174 : memref<1x64xi32, #tpu.memory_space<vmem>> -> memref<64xi32, #tpu.memory_space<vmem>>
        %dma_start3A_176 = arith.constant 0 : i32
        %dma_start3A_177 = arith.constant 0 : i32
        %dma_start3A_178 = tpu.memref_slice %arg23[%dma_start3A_176, %dma_start3A_177] : memref<10000x64xf32, #tpu.memory_space<vmem_shared>> -> memref<10000x64xf32, #tpu.memory_space<vmem_shared>>
        tpu.enqueue_indirect_dma source(%dma_start3A_172 : memref<64x64xf32, #tpu.memory_space<vmem>>) target(%dma_start3A_178 : memref<10000x64xf32, #tpu.memory_space<vmem_shared>>) offsets(%dma_start3A_175 : memref<64xi32, #tpu.memory_space<vmem>>) semaphore(%arg15 : memref<!tpu.dma_semaphore, #tpu.memory_space<semaphore_mem>>) {add = true}
        %dma_start3A_179 = arith.constant 1 : i32
        %dma_start3A_180 = arith.constant 64 : i32
        %dma_start3A_181 = arith.constant 0 : i32
        %dma_start3A_182 = tpu.memref_slice %arg12[%dma_start3A_180, %dma_start3A_181] : memref<128x64xf32, #tpu.memory_space<vmem>> -> memref<64x64xf32, #tpu.memory_space<vmem>>
        %dma_start3A_183 = arith.constant 0 : i32
        %dma_start3A_184 = tpu.memref_slice %arg9[%dma_start3A_179, %dma_start3A_183] : memref<2x64xi32, #tpu.memory_space<vmem>> -> memref<1x64xi32, #tpu.memory_space<vmem>>
        %dma_start3A_185 = tpu.memref_squeeze %dma_start3A_184 : memref<1x64xi32, #tpu.memory_space<vmem>> -> memref<64xi32, #tpu.memory_space<vmem>>
        %dma_start3A_186 = arith.constant 0 : i32
        %dma_start3A_187 = arith.constant 0 : i32
        %dma_start3A_188 = tpu.memref_slice %arg23[%dma_start3A_186, %dma_start3A_187] : memref<10000x64xf32, #tpu.memory_space<vmem_shared>> -> memref<10000x64xf32, #tpu.memory_space<vmem_shared>>
        tpu.enqueue_indirect_dma source(%dma_start3A_182 : memref<64x64xf32, #tpu.memory_space<vmem>>) target(%dma_start3A_188 : memref<10000x64xf32, #tpu.memory_space<vmem_shared>>) offsets(%dma_start3A_185 : memref<64xi32, #tpu.memory_space<vmem>>) semaphore(%arg15 : memref<!tpu.dma_semaphore, #tpu.memory_space<semaphore_mem>>) {add = true}
      } else {
      }
      %mul3A_132 = arith.constant 2 : i32
      %mul3A_133 = arith.muli %mul3A_132, %scan3A_102 : i32
      %add3A_134 = arith.constant 1 : i32
      %add3A_135 = arith.addi %mul3A_133, %add3A_134 : i32
      %mul3A_136 = arith.constant 32 : i32
      %mul3A_137 = arith.muli %add3A_135, %mul3A_136 : i32
      %add3A_138 = arith.addi %add3A, %mul3A_137 : i32
      %add3A_139 = arith.constant 32 : i32
      %add3A_140 = arith.addi %add3A_138, %add3A_139 : i32
      %lt3A_141 = arith.constant 1250 : i32
      %lt3A_142 = arith.cmpi slt, %add3A_138, %lt3A_141 : i32
      %convert_element_type3A_143 = arith.extui %lt3A_142 : i1 to i32
      %cond3A_144 = arith.constant 0 : i32
      %cond3A_145 = arith.cmpi ne, %convert_element_type3A_143, %cond3A_144 : i32
      scf.if %cond3A_145 {
        %dma_wait3A_164 = arith.constant 0 : i32
        %dma_wait3A_165 = arith.constant 0 : i32
        %dma_wait3A_166 = tpu.memref_slice %arg4[%add3A_138, %dma_wait3A_164, %dma_wait3A_165] : memref<1250x64x128xf32, #tpu.memory_space<hbm>> -> memref<1x64x128xf32, #tpu.memory_space<hbm>>
        %dma_wait3A_167 = tpu.memref_squeeze %dma_wait3A_166 : memref<1x64x128xf32, #tpu.memory_space<hbm>> -> memref<64x128xf32, #tpu.memory_space<hbm>>
        %dma_wait3A_168 = arith.constant 0 : i32
        %dma_wait3A_169 = arith.constant 0 : i32
        %dma_wait3A_170 = tpu.memref_slice %arg4[%add3A_138, %dma_wait3A_168, %dma_wait3A_169] : memref<1250x64x128xf32, #tpu.memory_space<hbm>> -> memref<1x64x128xf32, #tpu.memory_space<hbm>>
        %dma_wait3A_171 = tpu.memref_squeeze %dma_wait3A_170 : memref<1x64x128xf32, #tpu.memory_space<hbm>> -> memref<64x128xf32, #tpu.memory_space<hbm>>
        tpu.wait_dma2 semaphore(%arg21 : memref<!tpu.dma_semaphore, #tpu.memory_space<semaphore_mem>>) src(%dma_wait3A_171 : memref<64x128xf32, #tpu.memory_space<hbm>>) dst(%arg18 : memref<64x128xf32, #tpu.memory_space<vmem>>)
        %dma_wait3A_172 = arith.constant 0 : i32
        %dma_wait3A_173 = arith.constant 0 : i32
        %dma_wait3A_174 = arith.constant 0 : i32
        %dma_wait3A_175 = tpu.memref_slice %arg19[%dma_wait3A_173, %dma_wait3A_174] : memref<128x64xf32, #tpu.memory_space<vmem>> -> memref<64x64xf32, #tpu.memory_space<vmem>>
        %dma_wait3A_176 = arith.constant 0 : i32
        %dma_wait3A_177 = tpu.memref_slice %arg16[%dma_wait3A_172, %dma_wait3A_176] : memref<2x64xi32, #tpu.memory_space<vmem>> -> memref<1x64xi32, #tpu.memory_space<vmem>>
        %dma_wait3A_178 = tpu.memref_squeeze %dma_wait3A_177 : memref<1x64xi32, #tpu.memory_space<vmem>> -> memref<64xi32, #tpu.memory_space<vmem>>
        %dma_wait3A_179 = arith.constant 0 : i32
        %dma_wait3A_180 = arith.constant 0 : i32
        %dma_wait3A_181 = tpu.memref_slice %arg2[%dma_wait3A_179, %dma_wait3A_180] : memref<10000x64xf32, #tpu.memory_space<hbm>> -> memref<10000x64xf32, #tpu.memory_space<hbm>>
        tpu.wait_indirect_dma semaphore(%arg21 : memref<!tpu.dma_semaphore, #tpu.memory_space<semaphore_mem>>) src(%dma_wait3A_181 : memref<10000x64xf32, #tpu.memory_space<hbm>>) dst(%dma_wait3A_175 : memref<64x64xf32, #tpu.memory_space<vmem>>)
        %dma_wait3A_182 = arith.constant 1 : i32
        %dma_wait3A_183 = arith.constant 64 : i32
        %dma_wait3A_184 = arith.constant 0 : i32
        %dma_wait3A_185 = tpu.memref_slice %arg19[%dma_wait3A_183, %dma_wait3A_184] : memref<128x64xf32, #tpu.memory_space<vmem>> -> memref<64x64xf32, #tpu.memory_space<vmem>>
        %dma_wait3A_186 = arith.constant 0 : i32
        %dma_wait3A_187 = tpu.memref_slice %arg16[%dma_wait3A_182, %dma_wait3A_186] : memref<2x64xi32, #tpu.memory_space<vmem>> -> memref<1x64xi32, #tpu.memory_space<vmem>>
        %dma_wait3A_188 = tpu.memref_squeeze %dma_wait3A_187 : memref<1x64xi32, #tpu.memory_space<vmem>> -> memref<64xi32, #tpu.memory_space<vmem>>
        %dma_wait3A_189 = arith.constant 0 : i32
        %dma_wait3A_190 = arith.constant 0 : i32
        %dma_wait3A_191 = tpu.memref_slice %arg2[%dma_wait3A_189, %dma_wait3A_190] : memref<10000x64xf32, #tpu.memory_space<hbm>> -> memref<10000x64xf32, #tpu.memory_space<hbm>>
        tpu.wait_indirect_dma semaphore(%arg21 : memref<!tpu.dma_semaphore, #tpu.memory_space<semaphore_mem>>) src(%dma_wait3A_191 : memref<10000x64xf32, #tpu.memory_space<hbm>>) dst(%dma_wait3A_185 : memref<64x64xf32, #tpu.memory_space<vmem>>)
        %dma_wait3A_192 = arith.constant 0 : i32
        %dma_wait3A_193 = arith.constant 0 : i32
        %dma_wait3A_194 = arith.constant 0 : i32
        %dma_wait3A_195 = tpu.memref_slice %arg20[%dma_wait3A_193, %dma_wait3A_194] : memref<128x64xf32, #tpu.memory_space<vmem>> -> memref<64x64xf32, #tpu.memory_space<vmem>>
        %dma_wait3A_196 = arith.constant 0 : i32
        %dma_wait3A_197 = tpu.memref_slice %arg17[%dma_wait3A_192, %dma_wait3A_196] : memref<2x64xi32, #tpu.memory_space<vmem>> -> memref<1x64xi32, #tpu.memory_space<vmem>>
        %dma_wait3A_198 = tpu.memref_squeeze %dma_wait3A_197 : memref<1x64xi32, #tpu.memory_space<vmem>> -> memref<64xi32, #tpu.memory_space<vmem>>
        %dma_wait3A_199 = arith.constant 0 : i32
        %dma_wait3A_200 = arith.constant 0 : i32
        %dma_wait3A_201 = tpu.memref_slice %arg3[%dma_wait3A_199, %dma_wait3A_200] : memref<10000x64xf32, #tpu.memory_space<hbm>> -> memref<10000x64xf32, #tpu.memory_space<hbm>>
        tpu.wait_indirect_dma semaphore(%arg21 : memref<!tpu.dma_semaphore, #tpu.memory_space<semaphore_mem>>) src(%dma_wait3A_201 : memref<10000x64xf32, #tpu.memory_space<hbm>>) dst(%dma_wait3A_195 : memref<64x64xf32, #tpu.memory_space<vmem>>)
        %dma_wait3A_202 = arith.constant 1 : i32
        %dma_wait3A_203 = arith.constant 64 : i32
        %dma_wait3A_204 = arith.constant 0 : i32
        %dma_wait3A_205 = tpu.memref_slice %arg20[%dma_wait3A_203, %dma_wait3A_204] : memref<128x64xf32, #tpu.memory_space<vmem>> -> memref<64x64xf32, #tpu.memory_space<vmem>>
        %dma_wait3A_206 = arith.constant 0 : i32
        %dma_wait3A_207 = tpu.memref_slice %arg17[%dma_wait3A_202, %dma_wait3A_206] : memref<2x64xi32, #tpu.memory_space<vmem>> -> memref<1x64xi32, #tpu.memory_space<vmem>>
        %dma_wait3A_208 = tpu.memref_squeeze %dma_wait3A_207 : memref<1x64xi32, #tpu.memory_space<vmem>> -> memref<64xi32, #tpu.memory_space<vmem>>
        %dma_wait3A_209 = arith.constant 0 : i32
        %dma_wait3A_210 = arith.constant 0 : i32
        %dma_wait3A_211 = tpu.memref_slice %arg3[%dma_wait3A_209, %dma_wait3A_210] : memref<10000x64xf32, #tpu.memory_space<hbm>> -> memref<10000x64xf32, #tpu.memory_space<hbm>>
        tpu.wait_indirect_dma semaphore(%arg21 : memref<!tpu.dma_semaphore, #tpu.memory_space<semaphore_mem>>) src(%dma_wait3A_211 : memref<10000x64xf32, #tpu.memory_space<hbm>>) dst(%dma_wait3A_205 : memref<64x64xf32, #tpu.memory_space<vmem>>)
      } else {
      }
      %lt3A_146 = arith.constant 1250 : i32
      %lt3A_147 = arith.cmpi slt, %add3A_140, %lt3A_146 : i32
      %ge3A_148 = arith.constant 1 : i32
      %ge3A_149 = arith.cmpi sge, %add3A_135, %ge3A_148 : i32
      %and3A_150 = arith.andi %lt3A_147, %ge3A_149 : i1
      %convert_element_type3A_151 = arith.extui %and3A_150 : i1 to i32
      %cond3A_152 = arith.constant 0 : i32
      %cond3A_153 = arith.cmpi ne, %convert_element_type3A_151, %cond3A_152 : i32
      scf.if %cond3A_153 {
        %dma_wait3A_164 = arith.constant 0 : i32
        %dma_wait3A_165 = arith.constant 0 : i32
        %dma_wait3A_166 = arith.constant 0 : i32
        %dma_wait3A_167 = tpu.memref_slice %arg12[%dma_wait3A_165, %dma_wait3A_166] : memref<128x64xf32, #tpu.memory_space<vmem>> -> memref<64x64xf32, #tpu.memory_space<vmem>>
        %dma_wait3A_168 = arith.constant 0 : i32
        %dma_wait3A_169 = tpu.memref_slice %arg9[%dma_wait3A_164, %dma_wait3A_168] : memref<2x64xi32, #tpu.memory_space<vmem>> -> memref<1x64xi32, #tpu.memory_space<vmem>>
        %dma_wait3A_170 = tpu.memref_squeeze %dma_wait3A_169 : memref<1x64xi32, #tpu.memory_space<vmem>> -> memref<64xi32, #tpu.memory_space<vmem>>
        %dma_wait3A_171 = arith.constant 0 : i32
        %dma_wait3A_172 = arith.constant 0 : i32
        %dma_wait3A_173 = tpu.memref_slice %arg23[%dma_wait3A_171, %dma_wait3A_172] : memref<10000x64xf32, #tpu.memory_space<vmem_shared>> -> memref<10000x64xf32, #tpu.memory_space<vmem_shared>>
        tpu.wait_indirect_dma semaphore(%arg15 : memref<!tpu.dma_semaphore, #tpu.memory_space<semaphore_mem>>) src(%dma_wait3A_167 : memref<64x64xf32, #tpu.memory_space<vmem>>) dst(%dma_wait3A_173 : memref<10000x64xf32, #tpu.memory_space<vmem_shared>>)
        %dma_wait3A_174 = arith.constant 1 : i32
        %dma_wait3A_175 = arith.constant 64 : i32
        %dma_wait3A_176 = arith.constant 0 : i32
        %dma_wait3A_177 = tpu.memref_slice %arg12[%dma_wait3A_175, %dma_wait3A_176] : memref<128x64xf32, #tpu.memory_space<vmem>> -> memref<64x64xf32, #tpu.memory_space<vmem>>
        %dma_wait3A_178 = arith.constant 0 : i32
        %dma_wait3A_179 = tpu.memref_slice %arg9[%dma_wait3A_174, %dma_wait3A_178] : memref<2x64xi32, #tpu.memory_space<vmem>> -> memref<1x64xi32, #tpu.memory_space<vmem>>
        %dma_wait3A_180 = tpu.memref_squeeze %dma_wait3A_179 : memref<1x64xi32, #tpu.memory_space<vmem>> -> memref<64xi32, #tpu.memory_space<vmem>>
        %dma_wait3A_181 = arith.constant 0 : i32
        %dma_wait3A_182 = arith.constant 0 : i32
        %dma_wait3A_183 = tpu.memref_slice %arg23[%dma_wait3A_181, %dma_wait3A_182] : memref<10000x64xf32, #tpu.memory_space<vmem_shared>> -> memref<10000x64xf32, #tpu.memory_space<vmem_shared>>
        tpu.wait_indirect_dma semaphore(%arg15 : memref<!tpu.dma_semaphore, #tpu.memory_space<semaphore_mem>>) src(%dma_wait3A_177 : memref<64x64xf32, #tpu.memory_space<vmem>>) dst(%dma_wait3A_183 : memref<10000x64xf32, #tpu.memory_space<vmem_shared>>)
      } else {
      }
      %lt3A_154 = arith.constant 1250 : i32
      %lt3A_155 = arith.cmpi slt, %add3A_140, %lt3A_154 : i32
      %convert_element_type3A_156 = arith.extui %lt3A_155 : i1 to i32
      %cond3A_157 = arith.constant 0 : i32
      %cond3A_158 = arith.cmpi ne, %convert_element_type3A_156, %cond3A_157 : i32
      scf.if %cond3A_158 {
        "tpu.region"() ({
          %run_scoped3A = tpu.sem_alloc : memref<!tpu.dma_semaphore, #tpu.memory_space<semaphore_mem>>
          %dma_start3A_212 = arith.constant 0 : i32
          %dma_start3A_213 = arith.constant 0 : i32
          %dma_start3A_214 = tpu.memref_slice %arg5[%add3A_140, %dma_start3A_212, %dma_start3A_213] : memref<1250x2x64xi32, #tpu.memory_space<hbm>> -> memref<1x2x64xi32, #tpu.memory_space<hbm>>
          %dma_start3A_215 = tpu.memref_squeeze %dma_start3A_214 : memref<1x2x64xi32, #tpu.memory_space<hbm>> -> memref<2x64xi32, #tpu.memory_space<hbm>>
          %dma_start3A_216 = arith.constant 0 : i32
          %dma_start3A_217 = arith.constant 0 : i32
          %dma_start3A_218 = tpu.memref_slice %arg5[%add3A_140, %dma_start3A_216, %dma_start3A_217] : memref<1250x2x64xi32, #tpu.memory_space<hbm>> -> memref<1x2x64xi32, #tpu.memory_space<hbm>>
          %dma_start3A_219 = tpu.memref_squeeze %dma_start3A_218 : memref<1x2x64xi32, #tpu.memory_space<hbm>> -> memref<2x64xi32, #tpu.memory_space<hbm>>
          tpu.enqueue_dma source(%dma_start3A_219 : memref<2x64xi32, #tpu.memory_space<hbm>>) target(%arg9 : memref<2x64xi32, #tpu.memory_space<vmem>>) target_semaphore(%run_scoped3A : memref<!tpu.dma_semaphore, #tpu.memory_space<semaphore_mem>>)
          %dma_wait3A_220 = arith.constant 0 : i32
          %dma_wait3A_221 = arith.constant 0 : i32
          %dma_wait3A_222 = tpu.memref_slice %arg5[%add3A_140, %dma_wait3A_220, %dma_wait3A_221] : memref<1250x2x64xi32, #tpu.memory_space<hbm>> -> memref<1x2x64xi32, #tpu.memory_space<hbm>>
          %dma_wait3A_223 = tpu.memref_squeeze %dma_wait3A_222 : memref<1x2x64xi32, #tpu.memory_space<hbm>> -> memref<2x64xi32, #tpu.memory_space<hbm>>
          %dma_wait3A_224 = arith.constant 0 : i32
          %dma_wait3A_225 = arith.constant 0 : i32
          %dma_wait3A_226 = tpu.memref_slice %arg5[%add3A_140, %dma_wait3A_224, %dma_wait3A_225] : memref<1250x2x64xi32, #tpu.memory_space<hbm>> -> memref<1x2x64xi32, #tpu.memory_space<hbm>>
          %dma_wait3A_227 = tpu.memref_squeeze %dma_wait3A_226 : memref<1x2x64xi32, #tpu.memory_space<hbm>> -> memref<2x64xi32, #tpu.memory_space<hbm>>
          tpu.wait_dma2 semaphore(%run_scoped3A : memref<!tpu.dma_semaphore, #tpu.memory_space<semaphore_mem>>) src(%dma_wait3A_227 : memref<2x64xi32, #tpu.memory_space<hbm>>) dst(%arg9 : memref<2x64xi32, #tpu.memory_space<vmem>>)
          tpu.yield
        }) : () -> ()
        "tpu.region"() ({
          %run_scoped3A = tpu.sem_alloc : memref<!tpu.dma_semaphore, #tpu.memory_space<semaphore_mem>>
          %dma_start3A_212 = arith.constant 0 : i32
          %dma_start3A_213 = arith.constant 0 : i32
          %dma_start3A_214 = tpu.memref_slice %arg6[%add3A_140, %dma_start3A_212, %dma_start3A_213] : memref<1250x2x64xi32, #tpu.memory_space<hbm>> -> memref<1x2x64xi32, #tpu.memory_space<hbm>>
          %dma_start3A_215 = tpu.memref_squeeze %dma_start3A_214 : memref<1x2x64xi32, #tpu.memory_space<hbm>> -> memref<2x64xi32, #tpu.memory_space<hbm>>
          %dma_start3A_216 = arith.constant 0 : i32
          %dma_start3A_217 = arith.constant 0 : i32
          %dma_start3A_218 = tpu.memref_slice %arg6[%add3A_140, %dma_start3A_216, %dma_start3A_217] : memref<1250x2x64xi32, #tpu.memory_space<hbm>> -> memref<1x2x64xi32, #tpu.memory_space<hbm>>
          %dma_start3A_219 = tpu.memref_squeeze %dma_start3A_218 : memref<1x2x64xi32, #tpu.memory_space<hbm>> -> memref<2x64xi32, #tpu.memory_space<hbm>>
          tpu.enqueue_dma source(%dma_start3A_219 : memref<2x64xi32, #tpu.memory_space<hbm>>) target(%arg10 : memref<2x64xi32, #tpu.memory_space<vmem>>) target_semaphore(%run_scoped3A : memref<!tpu.dma_semaphore, #tpu.memory_space<semaphore_mem>>)
          %dma_wait3A_220 = arith.constant 0 : i32
          %dma_wait3A_221 = arith.constant 0 : i32
          %dma_wait3A_222 = tpu.memref_slice %arg6[%add3A_140, %dma_wait3A_220, %dma_wait3A_221] : memref<1250x2x64xi32, #tpu.memory_space<hbm>> -> memref<1x2x64xi32, #tpu.memory_space<hbm>>
          %dma_wait3A_223 = tpu.memref_squeeze %dma_wait3A_222 : memref<1x2x64xi32, #tpu.memory_space<hbm>> -> memref<2x64xi32, #tpu.memory_space<hbm>>
          %dma_wait3A_224 = arith.constant 0 : i32
          %dma_wait3A_225 = arith.constant 0 : i32
          %dma_wait3A_226 = tpu.memref_slice %arg6[%add3A_140, %dma_wait3A_224, %dma_wait3A_225] : memref<1250x2x64xi32, #tpu.memory_space<hbm>> -> memref<1x2x64xi32, #tpu.memory_space<hbm>>
          %dma_wait3A_227 = tpu.memref_squeeze %dma_wait3A_226 : memref<1x2x64xi32, #tpu.memory_space<hbm>> -> memref<2x64xi32, #tpu.memory_space<hbm>>
          tpu.wait_dma2 semaphore(%run_scoped3A : memref<!tpu.dma_semaphore, #tpu.memory_space<semaphore_mem>>) src(%dma_wait3A_227 : memref<2x64xi32, #tpu.memory_space<hbm>>) dst(%arg10 : memref<2x64xi32, #tpu.memory_space<vmem>>)
          tpu.yield
        }) : () -> ()
        %dma_start3A_164 = arith.constant 0 : i32
        %dma_start3A_165 = arith.constant 0 : i32
        %dma_start3A_166 = tpu.memref_slice %arg4[%add3A_140, %dma_start3A_164, %dma_start3A_165] : memref<1250x64x128xf32, #tpu.memory_space<hbm>> -> memref<1x64x128xf32, #tpu.memory_space<hbm>>
        %dma_start3A_167 = tpu.memref_squeeze %dma_start3A_166 : memref<1x64x128xf32, #tpu.memory_space<hbm>> -> memref<64x128xf32, #tpu.memory_space<hbm>>
        %dma_start3A_168 = arith.constant 0 : i32
        %dma_start3A_169 = arith.constant 0 : i32
        %dma_start3A_170 = tpu.memref_slice %arg4[%add3A_140, %dma_start3A_168, %dma_start3A_169] : memref<1250x64x128xf32, #tpu.memory_space<hbm>> -> memref<1x64x128xf32, #tpu.memory_space<hbm>>
        %dma_start3A_171 = tpu.memref_squeeze %dma_start3A_170 : memref<1x64x128xf32, #tpu.memory_space<hbm>> -> memref<64x128xf32, #tpu.memory_space<hbm>>
        tpu.enqueue_dma source(%dma_start3A_171 : memref<64x128xf32, #tpu.memory_space<hbm>>) target(%arg11 : memref<64x128xf32, #tpu.memory_space<vmem>>) target_semaphore(%arg14 : memref<!tpu.dma_semaphore, #tpu.memory_space<semaphore_mem>>)
        %dma_start3A_172 = arith.constant 0 : i32
        %dma_start3A_173 = arith.constant 0 : i32
        %dma_start3A_174 = arith.constant 0 : i32
        %dma_start3A_175 = tpu.memref_slice %arg12[%dma_start3A_173, %dma_start3A_174] : memref<128x64xf32, #tpu.memory_space<vmem>> -> memref<64x64xf32, #tpu.memory_space<vmem>>
        %dma_start3A_176 = arith.constant 0 : i32
        %dma_start3A_177 = tpu.memref_slice %arg9[%dma_start3A_172, %dma_start3A_176] : memref<2x64xi32, #tpu.memory_space<vmem>> -> memref<1x64xi32, #tpu.memory_space<vmem>>
        %dma_start3A_178 = tpu.memref_squeeze %dma_start3A_177 : memref<1x64xi32, #tpu.memory_space<vmem>> -> memref<64xi32, #tpu.memory_space<vmem>>
        %dma_start3A_179 = arith.constant 0 : i32
        %dma_start3A_180 = arith.constant 0 : i32
        %dma_start3A_181 = tpu.memref_slice %arg2[%dma_start3A_179, %dma_start3A_180] : memref<10000x64xf32, #tpu.memory_space<hbm>> -> memref<10000x64xf32, #tpu.memory_space<hbm>>
        tpu.enqueue_indirect_dma source(%dma_start3A_181 : memref<10000x64xf32, #tpu.memory_space<hbm>>) target(%dma_start3A_175 : memref<64x64xf32, #tpu.memory_space<vmem>>) offsets(%dma_start3A_178 : memref<64xi32, #tpu.memory_space<vmem>>) semaphore(%arg14 : memref<!tpu.dma_semaphore, #tpu.memory_space<semaphore_mem>>)
        %dma_start3A_182 = arith.constant 1 : i32
        %dma_start3A_183 = arith.constant 64 : i32
        %dma_start3A_184 = arith.constant 0 : i32
        %dma_start3A_185 = tpu.memref_slice %arg12[%dma_start3A_183, %dma_start3A_184] : memref<128x64xf32, #tpu.memory_space<vmem>> -> memref<64x64xf32, #tpu.memory_space<vmem>>
        %dma_start3A_186 = arith.constant 0 : i32
        %dma_start3A_187 = tpu.memref_slice %arg9[%dma_start3A_182, %dma_start3A_186] : memref<2x64xi32, #tpu.memory_space<vmem>> -> memref<1x64xi32, #tpu.memory_space<vmem>>
        %dma_start3A_188 = tpu.memref_squeeze %dma_start3A_187 : memref<1x64xi32, #tpu.memory_space<vmem>> -> memref<64xi32, #tpu.memory_space<vmem>>
        %dma_start3A_189 = arith.constant 0 : i32
        %dma_start3A_190 = arith.constant 0 : i32
        %dma_start3A_191 = tpu.memref_slice %arg2[%dma_start3A_189, %dma_start3A_190] : memref<10000x64xf32, #tpu.memory_space<hbm>> -> memref<10000x64xf32, #tpu.memory_space<hbm>>
        tpu.enqueue_indirect_dma source(%dma_start3A_191 : memref<10000x64xf32, #tpu.memory_space<hbm>>) target(%dma_start3A_185 : memref<64x64xf32, #tpu.memory_space<vmem>>) offsets(%dma_start3A_188 : memref<64xi32, #tpu.memory_space<vmem>>) semaphore(%arg14 : memref<!tpu.dma_semaphore, #tpu.memory_space<semaphore_mem>>)
        %dma_start3A_192 = arith.constant 0 : i32
        %dma_start3A_193 = arith.constant 0 : i32
        %dma_start3A_194 = arith.constant 0 : i32
        %dma_start3A_195 = tpu.memref_slice %arg13[%dma_start3A_193, %dma_start3A_194] : memref<128x64xf32, #tpu.memory_space<vmem>> -> memref<64x64xf32, #tpu.memory_space<vmem>>
        %dma_start3A_196 = arith.constant 0 : i32
        %dma_start3A_197 = tpu.memref_slice %arg10[%dma_start3A_192, %dma_start3A_196] : memref<2x64xi32, #tpu.memory_space<vmem>> -> memref<1x64xi32, #tpu.memory_space<vmem>>
        %dma_start3A_198 = tpu.memref_squeeze %dma_start3A_197 : memref<1x64xi32, #tpu.memory_space<vmem>> -> memref<64xi32, #tpu.memory_space<vmem>>
        %dma_start3A_199 = arith.constant 0 : i32
        %dma_start3A_200 = arith.constant 0 : i32
        %dma_start3A_201 = tpu.memref_slice %arg3[%dma_start3A_199, %dma_start3A_200] : memref<10000x64xf32, #tpu.memory_space<hbm>> -> memref<10000x64xf32, #tpu.memory_space<hbm>>
        tpu.enqueue_indirect_dma source(%dma_start3A_201 : memref<10000x64xf32, #tpu.memory_space<hbm>>) target(%dma_start3A_195 : memref<64x64xf32, #tpu.memory_space<vmem>>) offsets(%dma_start3A_198 : memref<64xi32, #tpu.memory_space<vmem>>) semaphore(%arg14 : memref<!tpu.dma_semaphore, #tpu.memory_space<semaphore_mem>>)
        %dma_start3A_202 = arith.constant 1 : i32
        %dma_start3A_203 = arith.constant 64 : i32
        %dma_start3A_204 = arith.constant 0 : i32
        %dma_start3A_205 = tpu.memref_slice %arg13[%dma_start3A_203, %dma_start3A_204] : memref<128x64xf32, #tpu.memory_space<vmem>> -> memref<64x64xf32, #tpu.memory_space<vmem>>
        %dma_start3A_206 = arith.constant 0 : i32
        %dma_start3A_207 = tpu.memref_slice %arg10[%dma_start3A_202, %dma_start3A_206] : memref<2x64xi32, #tpu.memory_space<vmem>> -> memref<1x64xi32, #tpu.memory_space<vmem>>
        %dma_start3A_208 = tpu.memref_squeeze %dma_start3A_207 : memref<1x64xi32, #tpu.memory_space<vmem>> -> memref<64xi32, #tpu.memory_space<vmem>>
        %dma_start3A_209 = arith.constant 0 : i32
        %dma_start3A_210 = arith.constant 0 : i32
        %dma_start3A_211 = tpu.memref_slice %arg3[%dma_start3A_209, %dma_start3A_210] : memref<10000x64xf32, #tpu.memory_space<hbm>> -> memref<10000x64xf32, #tpu.memory_space<hbm>>
        tpu.enqueue_indirect_dma source(%dma_start3A_211 : memref<10000x64xf32, #tpu.memory_space<hbm>>) target(%dma_start3A_205 : memref<64x64xf32, #tpu.memory_space<vmem>>) offsets(%dma_start3A_208 : memref<64xi32, #tpu.memory_space<vmem>>) semaphore(%arg14 : memref<!tpu.dma_semaphore, #tpu.memory_space<semaphore_mem>>)
      } else {
      }
      %lt3A_159 = arith.constant 1250 : i32
      %lt3A_160 = arith.cmpi slt, %add3A_138, %lt3A_159 : i32
      %convert_element_type3A_161 = arith.extui %lt3A_160 : i1 to i32
      %cond3A_162 = arith.constant 0 : i32
      %cond3A_163 = arith.cmpi ne, %convert_element_type3A_161, %cond3A_162 : i32
      scf.if %cond3A_163 {
        %parallel_loop3A = arith.constant 0 : i32
        %parallel_loop3A_164 = arith.constant 64 : i32
        %parallel_loop3A_165 = arith.constant 1 : i32
        scf.for %parallel_loop3A_189 = %parallel_loop3A to %parallel_loop3A_164 step %parallel_loop3A_165  : i32 {
          %parallel_loop3A_190 = arith.index_cast %parallel_loop3A_189 : i32 to index
          %parallel_loop3A_191 = arith.constant 0 : index
          %parallel_loop3A_192 = tpu.vector_load %arg18[%parallel_loop3A_190, %parallel_loop3A_191] {strides = array<i32>} : memref<64x128xf32, #tpu.memory_space<vmem>>, vector<1x16xf32>,
          %parallel_loop3A_193 = vector.shape_cast %parallel_loop3A_192 : vector<1x16xf32> to vector<16xf32>
          %parallel_loop3A_194 = arith.index_cast %parallel_loop3A_189 : i32 to index
          %parallel_loop3A_195 = arith.constant 0 : index
          %parallel_loop3A_196 = tpu.vector_load %arg19[%parallel_loop3A_194, %parallel_loop3A_195] {strides = array<i32>} : memref<128x64xf32, #tpu.memory_space<vmem>>, vector<1x16xf32>,
          %parallel_loop3A_197 = vector.shape_cast %parallel_loop3A_196 : vector<1x16xf32> to vector<16xf32>
          %parallel_loop3A_198 = arith.addf %parallel_loop3A_193, %parallel_loop3A_197 : vector<16xf32>
          %parallel_loop3A_199 = arith.index_cast %parallel_loop3A_189 : i32 to index
          %parallel_loop3A_200 = arith.constant 0 : index
          %parallel_loop3A_201 = tpu.vector_load %arg20[%parallel_loop3A_199, %parallel_loop3A_200] {strides = array<i32>} : memref<128x64xf32, #tpu.memory_space<vmem>>, vector<1x16xf32>,
          %parallel_loop3A_202 = vector.shape_cast %parallel_loop3A_201 : vector<1x16xf32> to vector<16xf32>
          %parallel_loop3A_203 = arith.addf %parallel_loop3A_198, %parallel_loop3A_202 : vector<16xf32>
          %parallel_loop3A_204 = arith.constant 0.000000e+00 : f32
          %parallel_loop3A_205 = vector.broadcast %parallel_loop3A_204 : f32 to vector<16xf32>
          %parallel_loop3A_206 = arith.maximumf %parallel_loop3A_203, %parallel_loop3A_205 : vector<16xf32>
          %parallel_loop3A_207 = arith.index_cast %parallel_loop3A_189 : i32 to index
          %parallel_loop3A_208 = arith.constant 0 : index
          %parallel_loop3A_209 = tpu.vector_load %arg19[%parallel_loop3A_207, %parallel_loop3A_208] {strides = array<i32>} : memref<128x64xf32, #tpu.memory_space<vmem>>, vector<1x16xf32>,
          %parallel_loop3A_210 = vector.shape_cast %parallel_loop3A_209 : vector<1x16xf32> to vector<16xf32>
          %parallel_loop3A_211 = vector.shape_cast %parallel_loop3A_206 : vector<16xf32> to vector<1x16xf32>
          tpu.vector_store %arg19[%parallel_loop3A_207, %parallel_loop3A_208], %parallel_loop3A_211 {strides = array<i32>} : memref<128x64xf32, #tpu.memory_space<vmem>>, vector<1x16xf32>,
          %parallel_loop3A_212 = arith.index_cast %parallel_loop3A_189 : i32 to index
          %parallel_loop3A_213 = arith.constant 16 : index
          %parallel_loop3A_214 = tpu.vector_load %arg18[%parallel_loop3A_212, %parallel_loop3A_213] {strides = array<i32>} : memref<64x128xf32, #tpu.memory_space<vmem>>, vector<1x16xf32>,
          %parallel_loop3A_215 = vector.shape_cast %parallel_loop3A_214 : vector<1x16xf32> to vector<16xf32>
          %parallel_loop3A_216 = arith.index_cast %parallel_loop3A_189 : i32 to index
          %parallel_loop3A_217 = arith.constant 16 : index
          %parallel_loop3A_218 = tpu.vector_load %arg19[%parallel_loop3A_216, %parallel_loop3A_217] {strides = array<i32>} : memref<128x64xf32, #tpu.memory_space<vmem>>, vector<1x16xf32>,
          %parallel_loop3A_219 = vector.shape_cast %parallel_loop3A_218 : vector<1x16xf32> to vector<16xf32>
          %parallel_loop3A_220 = arith.addf %parallel_loop3A_215, %parallel_loop3A_219 : vector<16xf32>
          %parallel_loop3A_221 = arith.index_cast %parallel_loop3A_189 : i32 to index
          %parallel_loop3A_222 = arith.constant 16 : index
          %parallel_loop3A_223 = tpu.vector_load %arg20[%parallel_loop3A_221, %parallel_loop3A_222] {strides = array<i32>} : memref<128x64xf32, #tpu.memory_space<vmem>>, vector<1x16xf32>,
          %parallel_loop3A_224 = vector.shape_cast %parallel_loop3A_223 : vector<1x16xf32> to vector<16xf32>
          %parallel_loop3A_225 = arith.addf %parallel_loop3A_220, %parallel_loop3A_224 : vector<16xf32>
          %parallel_loop3A_226 = arith.constant 0.000000e+00 : f32
          %parallel_loop3A_227 = vector.broadcast %parallel_loop3A_226 : f32 to vector<16xf32>
          %parallel_loop3A_228 = arith.maximumf %parallel_loop3A_225, %parallel_loop3A_227 : vector<16xf32>
          %parallel_loop3A_229 = arith.index_cast %parallel_loop3A_189 : i32 to index
          %parallel_loop3A_230 = arith.constant 16 : index
          %parallel_loop3A_231 = tpu.vector_load %arg19[%parallel_loop3A_229, %parallel_loop3A_230] {strides = array<i32>} : memref<128x64xf32, #tpu.memory_space<vmem>>, vector<1x16xf32>,
          %parallel_loop3A_232 = vector.shape_cast %parallel_loop3A_231 : vector<1x16xf32> to vector<16xf32>
          %parallel_loop3A_233 = vector.shape_cast %parallel_loop3A_228 : vector<16xf32> to vector<1x16xf32>
          tpu.vector_store %arg19[%parallel_loop3A_229, %parallel_loop3A_230], %parallel_loop3A_233 {strides = array<i32>} : memref<128x64xf32, #tpu.memory_space<vmem>>, vector<1x16xf32>,
          %parallel_loop3A_234 = arith.index_cast %parallel_loop3A_189 : i32 to index
          %parallel_loop3A_235 = arith.constant 32 : index
          %parallel_loop3A_236 = tpu.vector_load %arg18[%parallel_loop3A_234, %parallel_loop3A_235] {strides = array<i32>} : memref<64x128xf32, #tpu.memory_space<vmem>>, vector<1x16xf32>,
          %parallel_loop3A_237 = vector.shape_cast %parallel_loop3A_236 : vector<1x16xf32> to vector<16xf32>
          %parallel_loop3A_238 = arith.index_cast %parallel_loop3A_189 : i32 to index
          %parallel_loop3A_239 = arith.constant 32 : index
          %parallel_loop3A_240 = tpu.vector_load %arg19[%parallel_loop3A_238, %parallel_loop3A_239] {strides = array<i32>} : memref<128x64xf32, #tpu.memory_space<vmem>>, vector<1x16xf32>,
          %parallel_loop3A_241 = vector.shape_cast %parallel_loop3A_240 : vector<1x16xf32> to vector<16xf32>
          %parallel_loop3A_242 = arith.addf %parallel_loop3A_237, %parallel_loop3A_241 : vector<16xf32>
          %parallel_loop3A_243 = arith.index_cast %parallel_loop3A_189 : i32 to index
          %parallel_loop3A_244 = arith.constant 32 : index
          %parallel_loop3A_245 = tpu.vector_load %arg20[%parallel_loop3A_243, %parallel_loop3A_244] {strides = array<i32>} : memref<128x64xf32, #tpu.memory_space<vmem>>, vector<1x16xf32>,
          %parallel_loop3A_246 = vector.shape_cast %parallel_loop3A_245 : vector<1x16xf32> to vector<16xf32>
          %parallel_loop3A_247 = arith.addf %parallel_loop3A_242, %parallel_loop3A_246 : vector<16xf32>
          %parallel_loop3A_248 = arith.constant 0.000000e+00 : f32
          %parallel_loop3A_249 = vector.broadcast %parallel_loop3A_248 : f32 to vector<16xf32>
          %parallel_loop3A_250 = arith.maximumf %parallel_loop3A_247, %parallel_loop3A_249 : vector<16xf32>
          %parallel_loop3A_251 = arith.index_cast %parallel_loop3A_189 : i32 to index
          %parallel_loop3A_252 = arith.constant 32 : index
          %parallel_loop3A_253 = tpu.vector_load %arg19[%parallel_loop3A_251, %parallel_loop3A_252] {strides = array<i32>} : memref<128x64xf32, #tpu.memory_space<vmem>>, vector<1x16xf32>,
          %parallel_loop3A_254 = vector.shape_cast %parallel_loop3A_253 : vector<1x16xf32> to vector<16xf32>
          %parallel_loop3A_255 = vector.shape_cast %parallel_loop3A_250 : vector<16xf32> to vector<1x16xf32>
          tpu.vector_store %arg19[%parallel_loop3A_251, %parallel_loop3A_252], %parallel_loop3A_255 {strides = array<i32>} : memref<128x64xf32, #tpu.memory_space<vmem>>, vector<1x16xf32>,
          %parallel_loop3A_256 = arith.index_cast %parallel_loop3A_189 : i32 to index
          %parallel_loop3A_257 = arith.constant 48 : index
          %parallel_loop3A_258 = tpu.vector_load %arg18[%parallel_loop3A_256, %parallel_loop3A_257] {strides = array<i32>} : memref<64x128xf32, #tpu.memory_space<vmem>>, vector<1x16xf32>,
          %parallel_loop3A_259 = vector.shape_cast %parallel_loop3A_258 : vector<1x16xf32> to vector<16xf32>
          %parallel_loop3A_260 = arith.index_cast %parallel_loop3A_189 : i32 to index
          %parallel_loop3A_261 = arith.constant 48 : index
          %parallel_loop3A_262 = tpu.vector_load %arg19[%parallel_loop3A_260, %parallel_loop3A_261] {strides = array<i32>} : memref<128x64xf32, #tpu.memory_space<vmem>>, vector<1x16xf32>,
          %parallel_loop3A_263 = vector.shape_cast %parallel_loop3A_262 : vector<1x16xf32> to vector<16xf32>
          %parallel_loop3A_264 = arith.addf %parallel_loop3A_259, %parallel_loop3A_263 : vector<16xf32>
          %parallel_loop3A_265 = arith.index_cast %parallel_loop3A_189 : i32 to index
          %parallel_loop3A_266 = arith.constant 48 : index
          %parallel_loop3A_267 = tpu.vector_load %arg20[%parallel_loop3A_265, %parallel_loop3A_266] {strides = array<i32>} : memref<128x64xf32, #tpu.memory_space<vmem>>, vector<1x16xf32>,
          %parallel_loop3A_268 = vector.shape_cast %parallel_loop3A_267 : vector<1x16xf32> to vector<16xf32>
          %parallel_loop3A_269 = arith.addf %parallel_loop3A_264, %parallel_loop3A_268 : vector<16xf32>
          %parallel_loop3A_270 = arith.constant 0.000000e+00 : f32
          %parallel_loop3A_271 = vector.broadcast %parallel_loop3A_270 : f32 to vector<16xf32>
          %parallel_loop3A_272 = arith.maximumf %parallel_loop3A_269, %parallel_loop3A_271 : vector<16xf32>
          %parallel_loop3A_273 = arith.index_cast %parallel_loop3A_189 : i32 to index
          %parallel_loop3A_274 = arith.constant 48 : index
          %parallel_loop3A_275 = tpu.vector_load %arg19[%parallel_loop3A_273, %parallel_loop3A_274] {strides = array<i32>} : memref<128x64xf32, #tpu.memory_space<vmem>>, vector<1x16xf32>,
          %parallel_loop3A_276 = vector.shape_cast %parallel_loop3A_275 : vector<1x16xf32> to vector<16xf32>
          %parallel_loop3A_277 = vector.shape_cast %parallel_loop3A_272 : vector<16xf32> to vector<1x16xf32>
          tpu.vector_store %arg19[%parallel_loop3A_273, %parallel_loop3A_274], %parallel_loop3A_277 {strides = array<i32>} : memref<128x64xf32, #tpu.memory_space<vmem>>, vector<1x16xf32>,
        } {sc.loop_unroll_factor = 4 : i64, sc.parallel_access}
        %parallel_loop3A_166 = arith.constant 0 : i32
        %parallel_loop3A_167 = arith.constant 64 : i32
        %parallel_loop3A_168 = arith.constant 1 : i32
        scf.for %parallel_loop3A_189 = %parallel_loop3A_166 to %parallel_loop3A_167 step %parallel_loop3A_168  : i32 {
          %parallel_loop3A_190 = arith.constant 64 : i32
          %parallel_loop3A_191 = arith.addi %parallel_loop3A_189, %parallel_loop3A_190 : i32
          %parallel_loop3A_192 = arith.index_cast %parallel_loop3A_189 : i32 to index
          %parallel_loop3A_193 = arith.constant 64 : index
          %parallel_loop3A_194 = tpu.vector_load %arg18[%parallel_loop3A_192, %parallel_loop3A_193] {strides = array<i32>} : memref<64x128xf32, #tpu.memory_space<vmem>>, vector<1x16xf32>,
          %parallel_loop3A_195 = vector.shape_cast %parallel_loop3A_194 : vector<1x16xf32> to vector<16xf32>
          %parallel_loop3A_196 = arith.index_cast %parallel_loop3A_191 : i32 to index
          %parallel_loop3A_197 = arith.constant 0 : index
          %parallel_loop3A_198 = tpu.vector_load %arg19[%parallel_loop3A_196, %parallel_loop3A_197] {strides = array<i32>} : memref<128x64xf32, #tpu.memory_space<vmem>>, vector<1x16xf32>,
          %parallel_loop3A_199 = vector.shape_cast %parallel_loop3A_198 : vector<1x16xf32> to vector<16xf32>
          %parallel_loop3A_200 = arith.addf %parallel_loop3A_195, %parallel_loop3A_199 : vector<16xf32>
          %parallel_loop3A_201 = arith.index_cast %parallel_loop3A_191 : i32 to index
          %parallel_loop3A_202 = arith.constant 0 : index
          %parallel_loop3A_203 = tpu.vector_load %arg20[%parallel_loop3A_201, %parallel_loop3A_202] {strides = array<i32>} : memref<128x64xf32, #tpu.memory_space<vmem>>, vector<1x16xf32>,
          %parallel_loop3A_204 = vector.shape_cast %parallel_loop3A_203 : vector<1x16xf32> to vector<16xf32>
          %parallel_loop3A_205 = arith.addf %parallel_loop3A_200, %parallel_loop3A_204 : vector<16xf32>
          %parallel_loop3A_206 = arith.constant 0.000000e+00 : f32
          %parallel_loop3A_207 = vector.broadcast %parallel_loop3A_206 : f32 to vector<16xf32>
          %parallel_loop3A_208 = arith.maximumf %parallel_loop3A_205, %parallel_loop3A_207 : vector<16xf32>
          %parallel_loop3A_209 = arith.index_cast %parallel_loop3A_191 : i32 to index
          %parallel_loop3A_210 = arith.constant 0 : index
          %parallel_loop3A_211 = tpu.vector_load %arg19[%parallel_loop3A_209, %parallel_loop3A_210] {strides = array<i32>} : memref<128x64xf32, #tpu.memory_space<vmem>>, vector<1x16xf32>,
          %parallel_loop3A_212 = vector.shape_cast %parallel_loop3A_211 : vector<1x16xf32> to vector<16xf32>
          %parallel_loop3A_213 = vector.shape_cast %parallel_loop3A_208 : vector<16xf32> to vector<1x16xf32>
          tpu.vector_store %arg19[%parallel_loop3A_209, %parallel_loop3A_210], %parallel_loop3A_213 {strides = array<i32>} : memref<128x64xf32, #tpu.memory_space<vmem>>, vector<1x16xf32>,
          %parallel_loop3A_214 = arith.index_cast %parallel_loop3A_189 : i32 to index
          %parallel_loop3A_215 = arith.constant 80 : index
          %parallel_loop3A_216 = tpu.vector_load %arg18[%parallel_loop3A_214, %parallel_loop3A_215] {strides = array<i32>} : memref<64x128xf32, #tpu.memory_space<vmem>>, vector<1x16xf32>,
          %parallel_loop3A_217 = vector.shape_cast %parallel_loop3A_216 : vector<1x16xf32> to vector<16xf32>
          %parallel_loop3A_218 = arith.index_cast %parallel_loop3A_191 : i32 to index
          %parallel_loop3A_219 = arith.constant 16 : index
          %parallel_loop3A_220 = tpu.vector_load %arg19[%parallel_loop3A_218, %parallel_loop3A_219] {strides = array<i32>} : memref<128x64xf32, #tpu.memory_space<vmem>>, vector<1x16xf32>,
          %parallel_loop3A_221 = vector.shape_cast %parallel_loop3A_220 : vector<1x16xf32> to vector<16xf32>
          %parallel_loop3A_222 = arith.addf %parallel_loop3A_217, %parallel_loop3A_221 : vector<16xf32>
          %parallel_loop3A_223 = arith.index_cast %parallel_loop3A_191 : i32 to index
          %parallel_loop3A_224 = arith.constant 16 : index
          %parallel_loop3A_225 = tpu.vector_load %arg20[%parallel_loop3A_223, %parallel_loop3A_224] {strides = array<i32>} : memref<128x64xf32, #tpu.memory_space<vmem>>, vector<1x16xf32>,
          %parallel_loop3A_226 = vector.shape_cast %parallel_loop3A_225 : vector<1x16xf32> to vector<16xf32>
          %parallel_loop3A_227 = arith.addf %parallel_loop3A_222, %parallel_loop3A_226 : vector<16xf32>
          %parallel_loop3A_228 = arith.constant 0.000000e+00 : f32
          %parallel_loop3A_229 = vector.broadcast %parallel_loop3A_228 : f32 to vector<16xf32>
          %parallel_loop3A_230 = arith.maximumf %parallel_loop3A_227, %parallel_loop3A_229 : vector<16xf32>
          %parallel_loop3A_231 = arith.index_cast %parallel_loop3A_191 : i32 to index
          %parallel_loop3A_232 = arith.constant 16 : index
          %parallel_loop3A_233 = tpu.vector_load %arg19[%parallel_loop3A_231, %parallel_loop3A_232] {strides = array<i32>} : memref<128x64xf32, #tpu.memory_space<vmem>>, vector<1x16xf32>,
          %parallel_loop3A_234 = vector.shape_cast %parallel_loop3A_233 : vector<1x16xf32> to vector<16xf32>
          %parallel_loop3A_235 = vector.shape_cast %parallel_loop3A_230 : vector<16xf32> to vector<1x16xf32>
          tpu.vector_store %arg19[%parallel_loop3A_231, %parallel_loop3A_232], %parallel_loop3A_235 {strides = array<i32>} : memref<128x64xf32, #tpu.memory_space<vmem>>, vector<1x16xf32>,
          %parallel_loop3A_236 = arith.index_cast %parallel_loop3A_189 : i32 to index
          %parallel_loop3A_237 = arith.constant 96 : index
          %parallel_loop3A_238 = tpu.vector_load %arg18[%parallel_loop3A_236, %parallel_loop3A_237] {strides = array<i32>} : memref<64x128xf32, #tpu.memory_space<vmem>>, vector<1x16xf32>,
          %parallel_loop3A_239 = vector.shape_cast %parallel_loop3A_238 : vector<1x16xf32> to vector<16xf32>
          %parallel_loop3A_240 = arith.index_cast %parallel_loop3A_191 : i32 to index
          %parallel_loop3A_241 = arith.constant 32 : index
          %parallel_loop3A_242 = tpu.vector_load %arg19[%parallel_loop3A_240, %parallel_loop3A_241] {strides = array<i32>} : memref<128x64xf32, #tpu.memory_space<vmem>>, vector<1x16xf32>,
          %parallel_loop3A_243 = vector.shape_cast %parallel_loop3A_242 : vector<1x16xf32> to vector<16xf32>
          %parallel_loop3A_244 = arith.addf %parallel_loop3A_239, %parallel_loop3A_243 : vector<16xf32>
          %parallel_loop3A_245 = arith.index_cast %parallel_loop3A_191 : i32 to index
          %parallel_loop3A_246 = arith.constant 32 : index
          %parallel_loop3A_247 = tpu.vector_load %arg20[%parallel_loop3A_245, %parallel_loop3A_246] {strides = array<i32>} : memref<128x64xf32, #tpu.memory_space<vmem>>, vector<1x16xf32>,
          %parallel_loop3A_248 = vector.shape_cast %parallel_loop3A_247 : vector<1x16xf32> to vector<16xf32>
          %parallel_loop3A_249 = arith.addf %parallel_loop3A_244, %parallel_loop3A_248 : vector<16xf32>
          %parallel_loop3A_250 = arith.constant 0.000000e+00 : f32
          %parallel_loop3A_251 = vector.broadcast %parallel_loop3A_250 : f32 to vector<16xf32>
          %parallel_loop3A_252 = arith.maximumf %parallel_loop3A_249, %parallel_loop3A_251 : vector<16xf32>
          %parallel_loop3A_253 = arith.index_cast %parallel_loop3A_191 : i32 to index
          %parallel_loop3A_254 = arith.constant 32 : index
          %parallel_loop3A_255 = tpu.vector_load %arg19[%parallel_loop3A_253, %parallel_loop3A_254] {strides = array<i32>} : memref<128x64xf32, #tpu.memory_space<vmem>>, vector<1x16xf32>,
          %parallel_loop3A_256 = vector.shape_cast %parallel_loop3A_255 : vector<1x16xf32> to vector<16xf32>
          %parallel_loop3A_257 = vector.shape_cast %parallel_loop3A_252 : vector<16xf32> to vector<1x16xf32>
          tpu.vector_store %arg19[%parallel_loop3A_253, %parallel_loop3A_254], %parallel_loop3A_257 {strides = array<i32>} : memref<128x64xf32, #tpu.memory_space<vmem>>, vector<1x16xf32>,
          %parallel_loop3A_258 = arith.index_cast %parallel_loop3A_189 : i32 to index
          %parallel_loop3A_259 = arith.constant 112 : index
          %parallel_loop3A_260 = tpu.vector_load %arg18[%parallel_loop3A_258, %parallel_loop3A_259] {strides = array<i32>} : memref<64x128xf32, #tpu.memory_space<vmem>>, vector<1x16xf32>,
          %parallel_loop3A_261 = vector.shape_cast %parallel_loop3A_260 : vector<1x16xf32> to vector<16xf32>
          %parallel_loop3A_262 = arith.index_cast %parallel_loop3A_191 : i32 to index
          %parallel_loop3A_263 = arith.constant 48 : index
          %parallel_loop3A_264 = tpu.vector_load %arg19[%parallel_loop3A_262, %parallel_loop3A_263] {strides = array<i32>} : memref<128x64xf32, #tpu.memory_space<vmem>>, vector<1x16xf32>,
          %parallel_loop3A_265 = vector.shape_cast %parallel_loop3A_264 : vector<1x16xf32> to vector<16xf32>
          %parallel_loop3A_266 = arith.addf %parallel_loop3A_261, %parallel_loop3A_265 : vector<16xf32>
          %parallel_loop3A_267 = arith.index_cast %parallel_loop3A_191 : i32 to index
          %parallel_loop3A_268 = arith.constant 48 : index
          %parallel_loop3A_269 = tpu.vector_load %arg20[%parallel_loop3A_267, %parallel_loop3A_268] {strides = array<i32>} : memref<128x64xf32, #tpu.memory_space<vmem>>, vector<1x16xf32>,
          %parallel_loop3A_270 = vector.shape_cast %parallel_loop3A_269 : vector<1x16xf32> to vector<16xf32>
          %parallel_loop3A_271 = arith.addf %parallel_loop3A_266, %parallel_loop3A_270 : vector<16xf32>
          %parallel_loop3A_272 = arith.constant 0.000000e+00 : f32
          %parallel_loop3A_273 = vector.broadcast %parallel_loop3A_272 : f32 to vector<16xf32>
          %parallel_loop3A_274 = arith.maximumf %parallel_loop3A_271, %parallel_loop3A_273 : vector<16xf32>
          %parallel_loop3A_275 = arith.index_cast %parallel_loop3A_191 : i32 to index
          %parallel_loop3A_276 = arith.constant 48 : index
          %parallel_loop3A_277 = tpu.vector_load %arg19[%parallel_loop3A_275, %parallel_loop3A_276] {strides = array<i32>} : memref<128x64xf32, #tpu.memory_space<vmem>>, vector<1x16xf32>,
          %parallel_loop3A_278 = vector.shape_cast %parallel_loop3A_277 : vector<1x16xf32> to vector<16xf32>
          %parallel_loop3A_279 = vector.shape_cast %parallel_loop3A_274 : vector<16xf32> to vector<1x16xf32>
          tpu.vector_store %arg19[%parallel_loop3A_275, %parallel_loop3A_276], %parallel_loop3A_279 {strides = array<i32>} : memref<128x64xf32, #tpu.memory_space<vmem>>, vector<1x16xf32>,
        } {sc.loop_unroll_factor = 4 : i64, sc.parallel_access}
        %dma_start3A_169 = arith.constant 0 : i32
        %dma_start3A_170 = arith.constant 0 : i32
        %dma_start3A_171 = arith.constant 0 : i32
        %dma_start3A_172 = tpu.memref_slice %arg19[%dma_start3A_170, %dma_start3A_171] : memref<128x64xf32, #tpu.memory_space<vmem>> -> memref<64x64xf32, #tpu.memory_space<vmem>>
        %dma_start3A_173 = arith.constant 0 : i32
        %dma_start3A_174 = tpu.memref_slice %arg16[%dma_start3A_169, %dma_start3A_173] : memref<2x64xi32, #tpu.memory_space<vmem>> -> memref<1x64xi32, #tpu.memory_space<vmem>>
        %dma_start3A_175 = tpu.memref_squeeze %dma_start3A_174 : memref<1x64xi32, #tpu.memory_space<vmem>> -> memref<64xi32, #tpu.memory_space<vmem>>
        %dma_start3A_176 = arith.constant 0 : i32
        %dma_start3A_177 = arith.constant 0 : i32
        %dma_start3A_178 = tpu.memref_slice %arg23[%dma_start3A_176, %dma_start3A_177] : memref<10000x64xf32, #tpu.memory_space<vmem_shared>> -> memref<10000x64xf32, #tpu.memory_space<vmem_shared>>
        tpu.enqueue_indirect_dma source(%dma_start3A_172 : memref<64x64xf32, #tpu.memory_space<vmem>>) target(%dma_start3A_178 : memref<10000x64xf32, #tpu.memory_space<vmem_shared>>) offsets(%dma_start3A_175 : memref<64xi32, #tpu.memory_space<vmem>>) semaphore(%arg22 : memref<!tpu.dma_semaphore, #tpu.memory_space<semaphore_mem>>) {add = true}
        %dma_start3A_179 = arith.constant 1 : i32
        %dma_start3A_180 = arith.constant 64 : i32
        %dma_start3A_181 = arith.constant 0 : i32
        %dma_start3A_182 = tpu.memref_slice %arg19[%dma_start3A_180, %dma_start3A_181] : memref<128x64xf32, #tpu.memory_space<vmem>> -> memref<64x64xf32, #tpu.memory_space<vmem>>
        %dma_start3A_183 = arith.constant 0 : i32
        %dma_start3A_184 = tpu.memref_slice %arg16[%dma_start3A_179, %dma_start3A_183] : memref<2x64xi32, #tpu.memory_space<vmem>> -> memref<1x64xi32, #tpu.memory_space<vmem>>
        %dma_start3A_185 = tpu.memref_squeeze %dma_start3A_184 : memref<1x64xi32, #tpu.memory_space<vmem>> -> memref<64xi32, #tpu.memory_space<vmem>>
        %dma_start3A_186 = arith.constant 0 : i32
        %dma_start3A_187 = arith.constant 0 : i32
        %dma_start3A_188 = tpu.memref_slice %arg23[%dma_start3A_186, %dma_start3A_187] : memref<10000x64xf32, #tpu.memory_space<vmem_shared>> -> memref<10000x64xf32, #tpu.memory_space<vmem_shared>>
        tpu.enqueue_indirect_dma source(%dma_start3A_182 : memref<64x64xf32, #tpu.memory_space<vmem>>) target(%dma_start3A_188 : memref<10000x64xf32, #tpu.memory_space<vmem_shared>>) offsets(%dma_start3A_185 : memref<64xi32, #tpu.memory_space<vmem>>) semaphore(%arg22 : memref<!tpu.dma_semaphore, #tpu.memory_space<semaphore_mem>>) {add = true}
      } else {
      }
    }
    %scan3A_56 = arith.constant 20 : i32
    %dma_wait3A = arith.constant 0 : i32
    %dma_wait3A_57 = arith.constant 0 : i32
    %dma_wait3A_58 = arith.constant 0 : i32
    %dma_wait3A_59 = tpu.memref_slice %arg12[%dma_wait3A_57, %dma_wait3A_58] : memref<128x64xf32, #tpu.memory_space<vmem>> -> memref<64x64xf32, #tpu.memory_space<vmem>>
    %dma_wait3A_60 = arith.constant 0 : i32
    %dma_wait3A_61 = tpu.memref_slice %arg9[%dma_wait3A, %dma_wait3A_60] : memref<2x64xi32, #tpu.memory_space<vmem>> -> memref<1x64xi32, #tpu.memory_space<vmem>>
    %dma_wait3A_62 = tpu.memref_squeeze %dma_wait3A_61 : memref<1x64xi32, #tpu.memory_space<vmem>> -> memref<64xi32, #tpu.memory_space<vmem>>
    %dma_wait3A_63 = arith.constant 0 : i32
    %dma_wait3A_64 = arith.constant 0 : i32
    %dma_wait3A_65 = tpu.memref_slice %arg23[%dma_wait3A_63, %dma_wait3A_64] : memref<10000x64xf32, #tpu.memory_space<vmem_shared>> -> memref<10000x64xf32, #tpu.memory_space<vmem_shared>>
    tpu.wait_indirect_dma semaphore(%arg15 : memref<!tpu.dma_semaphore, #tpu.memory_space<semaphore_mem>>) src(%dma_wait3A_59 : memref<64x64xf32, #tpu.memory_space<vmem>>) dst(%dma_wait3A_65 : memref<10000x64xf32, #tpu.memory_space<vmem_shared>>)
    %dma_wait3A_66 = arith.constant 1 : i32
    %dma_wait3A_67 = arith.constant 64 : i32
    %dma_wait3A_68 = arith.constant 0 : i32
    %dma_wait3A_69 = tpu.memref_slice %arg12[%dma_wait3A_67, %dma_wait3A_68] : memref<128x64xf32, #tpu.memory_space<vmem>> -> memref<64x64xf32, #tpu.memory_space<vmem>>
    %dma_wait3A_70 = arith.constant 0 : i32
    %dma_wait3A_71 = tpu.memref_slice %arg9[%dma_wait3A_66, %dma_wait3A_70] : memref<2x64xi32, #tpu.memory_space<vmem>> -> memref<1x64xi32, #tpu.memory_space<vmem>>
    %dma_wait3A_72 = tpu.memref_squeeze %dma_wait3A_71 : memref<1x64xi32, #tpu.memory_space<vmem>> -> memref<64xi32, #tpu.memory_space<vmem>>
    %dma_wait3A_73 = arith.constant 0 : i32
    %dma_wait3A_74 = arith.constant 0 : i32
    %dma_wait3A_75 = tpu.memref_slice %arg23[%dma_wait3A_73, %dma_wait3A_74] : memref<10000x64xf32, #tpu.memory_space<vmem_shared>> -> memref<10000x64xf32, #tpu.memory_space<vmem_shared>>
    tpu.wait_indirect_dma semaphore(%arg15 : memref<!tpu.dma_semaphore, #tpu.memory_space<semaphore_mem>>) src(%dma_wait3A_69 : memref<64x64xf32, #tpu.memory_space<vmem>>) dst(%dma_wait3A_75 : memref<10000x64xf32, #tpu.memory_space<vmem_shared>>)
    %dma_wait3A_76 = arith.constant 0 : i32
    %dma_wait3A_77 = arith.constant 0 : i32
    %dma_wait3A_78 = arith.constant 0 : i32
    %dma_wait3A_79 = tpu.memref_slice %arg19[%dma_wait3A_77, %dma_wait3A_78] : memref<128x64xf32, #tpu.memory_space<vmem>> -> memref<64x64xf32, #tpu.memory_space<vmem>>
    %dma_wait3A_80 = arith.constant 0 : i32
    %dma_wait3A_81 = tpu.memref_slice %arg16[%dma_wait3A_76, %dma_wait3A_80] : memref<2x64xi32, #tpu.memory_space<vmem>> -> memref<1x64xi32, #tpu.memory_space<vmem>>
    %dma_wait3A_82 = tpu.memref_squeeze %dma_wait3A_81 : memref<1x64xi32, #tpu.memory_space<vmem>> -> memref<64xi32, #tpu.memory_space<vmem>>
    %dma_wait3A_83 = arith.constant 0 : i32
    %dma_wait3A_84 = arith.constant 0 : i32
    %dma_wait3A_85 = tpu.memref_slice %arg23[%dma_wait3A_83, %dma_wait3A_84] : memref<10000x64xf32, #tpu.memory_space<vmem_shared>> -> memref<10000x64xf32, #tpu.memory_space<vmem_shared>>
    tpu.wait_indirect_dma semaphore(%arg22 : memref<!tpu.dma_semaphore, #tpu.memory_space<semaphore_mem>>) src(%dma_wait3A_79 : memref<64x64xf32, #tpu.memory_space<vmem>>) dst(%dma_wait3A_85 : memref<10000x64xf32, #tpu.memory_space<vmem_shared>>)
    %dma_wait3A_86 = arith.constant 1 : i32
    %dma_wait3A_87 = arith.constant 64 : i32
    %dma_wait3A_88 = arith.constant 0 : i32
    %dma_wait3A_89 = tpu.memref_slice %arg19[%dma_wait3A_87, %dma_wait3A_88] : memref<128x64xf32, #tpu.memory_space<vmem>> -> memref<64x64xf32, #tpu.memory_space<vmem>>
    %dma_wait3A_90 = arith.constant 0 : i32
    %dma_wait3A_91 = tpu.memref_slice %arg16[%dma_wait3A_86, %dma_wait3A_90] : memref<2x64xi32, #tpu.memory_space<vmem>> -> memref<1x64xi32, #tpu.memory_space<vmem>>
    %dma_wait3A_92 = tpu.memref_squeeze %dma_wait3A_91 : memref<1x64xi32, #tpu.memory_space<vmem>> -> memref<64xi32, #tpu.memory_space<vmem>>
    %dma_wait3A_93 = arith.constant 0 : i32
    %dma_wait3A_94 = arith.constant 0 : i32
    %dma_wait3A_95 = tpu.memref_slice %arg23[%dma_wait3A_93, %dma_wait3A_94] : memref<10000x64xf32, #tpu.memory_space<vmem_shared>> -> memref<10000x64xf32, #tpu.memory_space<vmem_shared>>
    tpu.wait_indirect_dma semaphore(%arg22 : memref<!tpu.dma_semaphore, #tpu.memory_space<semaphore_mem>>) src(%dma_wait3A_89 : memref<64x64xf32, #tpu.memory_space<vmem>>) dst(%dma_wait3A_95 : memref<10000x64xf32, #tpu.memory_space<vmem_shared>>)
    %barrier3A_96 = arith.constant 0 : index
    tpu.barrier barrier_id(%barrier3A_96)
    "tpu.region"() ({
      %run_scoped3A = tpu.sem_alloc : memref<!tpu.dma_semaphore, #tpu.memory_space<semaphore_mem>>
      %dma_start3A_102 = arith.constant 0 : i32
      %dma_start3A_103 = tpu.memref_slice %arg8[%arg0, %mul3A_2, %dma_start3A_102] : memref<2x10000x64xf32, #tpu.memory_space<hbm>> -> memref<1x624x64xf32, #tpu.memory_space<hbm>>
      %dma_start3A_104 = tpu.memref_squeeze %dma_start3A_103 : memref<1x624x64xf32, #tpu.memory_space<hbm>> -> memref<624x64xf32, #tpu.memory_space<hbm>>
      %dma_start3A_105 = arith.constant 0 : i32
      %dma_start3A_106 = tpu.memref_slice %arg23[%mul3A_2, %dma_start3A_105] : memref<10000x64xf32, #tpu.memory_space<vmem_shared>> -> memref<624x64xf32, #tpu.memory_space<vmem_shared>>
      tpu.enqueue_dma source(%dma_start3A_106 : memref<624x64xf32, #tpu.memory_space<vmem_shared>>) target(%dma_start3A_104 : memref<624x64xf32, #tpu.memory_space<hbm>>) target_semaphore(%run_scoped3A : memref<!tpu.dma_semaphore, #tpu.memory_space<semaphore_mem>>)
      %dma_wait3A_107 = arith.constant 0 : i32
      %dma_wait3A_108 = tpu.memref_slice %arg8[%arg0, %mul3A_2, %dma_wait3A_107] : memref<2x10000x64xf32, #tpu.memory_space<hbm>> -> memref<1x624x64xf32, #tpu.memory_space<hbm>>
      %dma_wait3A_109 = tpu.memref_squeeze %dma_wait3A_108 : memref<1x624x64xf32, #tpu.memory_space<hbm>> -> memref<624x64xf32, #tpu.memory_space<hbm>>
      %dma_wait3A_110 = arith.constant 0 : i32
      %dma_wait3A_111 = tpu.memref_slice %arg23[%mul3A_2, %dma_wait3A_110] : memref<10000x64xf32, #tpu.memory_space<vmem_shared>> -> memref<624x64xf32, #tpu.memory_space<vmem_shared>>
      tpu.wait_dma2 semaphore(%run_scoped3A : memref<!tpu.dma_semaphore, #tpu.memory_space<semaphore_mem>>) src(%dma_wait3A_111 : memref<624x64xf32, #tpu.memory_space<vmem_shared>>) dst(%dma_wait3A_109 : memref<624x64xf32, #tpu.memory_space<hbm>>)
      tpu.yield
    }) : () -> ()
    %eq3A_97 = arith.constant 15 : i32
    %eq3A_98 = arith.cmpi eq, %arg1, %eq3A_97 : i32
    %convert_element_type3A_99 = arith.extui %eq3A_98 : i1 to i32
    %cond3A_100 = arith.constant 0 : i32
    %cond3A_101 = arith.cmpi ne, %convert_element_type3A_99, %cond3A_100 : i32
    scf.if %cond3A_101 {
      "tpu.region"() ({
        %run_scoped3A = tpu.sem_alloc : memref<!tpu.dma_semaphore, #tpu.memory_space<semaphore_mem>>
        %dma_start3A_102 = arith.constant 9984 : i32
        %dma_start3A_103 = arith.constant 0 : i32
        %dma_start3A_104 = tpu.memref_slice %arg8[%arg0, %dma_start3A_102, %dma_start3A_103] : memref<2x10000x64xf32, #tpu.memory_space<hbm>> -> memref<1x16x64xf32, #tpu.memory_space<hbm>>
        %dma_start3A_105 = tpu.memref_squeeze %dma_start3A_104 : memref<1x16x64xf32, #tpu.memory_space<hbm>> -> memref<16x64xf32, #tpu.memory_space<hbm>>
        %dma_start3A_106 = arith.constant 9984 : i32
        %dma_start3A_107 = arith.constant 0 : i32
        %dma_start3A_108 = tpu.memref_slice %arg23[%dma_start3A_106, %dma_start3A_107] : memref<10000x64xf32, #tpu.memory_space<vmem_shared>> -> memref<16x64xf32, #tpu.memory_space<vmem_shared>>
        tpu.enqueue_dma source(%dma_start3A_108 : memref<16x64xf32, #tpu.memory_space<vmem_shared>>) target(%dma_start3A_105 : memref<16x64xf32, #tpu.memory_space<hbm>>) target_semaphore(%run_scoped3A : memref<!tpu.dma_semaphore, #tpu.memory_space<semaphore_mem>>)
        %dma_wait3A_109 = arith.constant 9984 : i32
        %dma_wait3A_110 = arith.constant 0 : i32
        %dma_wait3A_111 = tpu.memref_slice %arg8[%arg0, %dma_wait3A_109, %dma_wait3A_110] : memref<2x10000x64xf32, #tpu.memory_space<hbm>> -> memref<1x16x64xf32, #tpu.memory_space<hbm>>
        %dma_wait3A_112 = tpu.memref_squeeze %dma_wait3A_111 : memref<1x16x64xf32, #tpu.memory_space<hbm>> -> memref<16x64xf32, #tpu.memory_space<hbm>>
        %dma_wait3A_113 = arith.constant 9984 : i32
        %dma_wait3A_114 = arith.constant 0 : i32
        %dma_wait3A_115 = tpu.memref_slice %arg23[%dma_wait3A_113, %dma_wait3A_114] : memref<10000x64xf32, #tpu.memory_space<vmem_shared>> -> memref<16x64xf32, #tpu.memory_space<vmem_shared>>
        tpu.wait_dma2 semaphore(%run_scoped3A : memref<!tpu.dma_semaphore, #tpu.memory_space<semaphore_mem>>) src(%dma_wait3A_115 : memref<16x64xf32, #tpu.memory_space<vmem_shared>>) dst(%dma_wait3A_112 : memref<16x64xf32, #tpu.memory_space<hbm>>)
        tpu.yield
      }) : () -> ()
    } else {
    }
    return
  }
}

#map = affine_map<(d0, d1) -> (0, 0)>
#map1 = affine_map<(d0, d1) -> (0, 0, 0)>
module attributes {stable_mosaic.version = 14 : i64} {
  func.func @_sc_edge_body(%arg0: i32, %arg1: i32, %arg2: memref<10000x64xf32, #tpu.memory_space<hbm>>, %arg3: memref<10000x64xf32, #tpu.memory_space<hbm>>, %arg4: memref<1250x64x128xf32, #tpu.memory_space<hbm>>, %arg5: memref<1250x2x64xi32, #tpu.memory_space<hbm>>, %arg6: memref<1250x2x64xi32, #tpu.memory_space<hbm>>, %arg7: memref<10000x64xf32, #tpu.memory_space<hbm>>, %arg8: memref<2x10000x64xf32, #tpu.memory_space<hbm>>, %arg9: memref<2x64xi32, #tpu.memory_space<vmem>>, %arg10: memref<2x64xi32, #tpu.memory_space<vmem>>, %arg11: memref<64x128xf32, #tpu.memory_space<vmem>>, %arg12: memref<128x64xf32, #tpu.memory_space<vmem>>, %arg13: memref<128x64xf32, #tpu.memory_space<vmem>>, %arg14: memref<!tpu.dma_semaphore, #tpu.memory_space<semaphore_mem>>, %arg15: memref<!tpu.dma_semaphore, #tpu.memory_space<semaphore_mem>>, %arg16: memref<2x64xi32, #tpu.memory_space<vmem>>, %arg17: memref<2x64xi32, #tpu.memory_space<vmem>>, %arg18: memref<64x128xf32, #tpu.memory_space<vmem>>, %arg19: memref<128x64xf32, #tpu.memory_space<vmem>>, %arg20: memref<128x64xf32, #tpu.memory_space<vmem>>, %arg21: memref<!tpu.dma_semaphore, #tpu.memory_space<semaphore_mem>>, %arg22: memref<!tpu.dma_semaphore, #tpu.memory_space<semaphore_mem>>, %arg23: memref<10000x64xf32, #tpu.memory_space<vmem_shared>>) attributes {dimension_semantics = [#tpu.dimension_semantics<core_parallel>, #tpu.dimension_semantics<subcore_parallel>], iteration_bounds = array<i64: 2, 16>, scalar_prefetch = 0 : i64, scratch_operands = 15 : i64, tpu.core_type = #tpu.core_type<sc_vector_subcore>, window_params = [{transform_indices = #map}, {transform_indices = #map}, {transform_indices = #map1}, {transform_indices = #map1}, {transform_indices = #map1}, {transform_indices = #map}, {transform_indices = #map1}]} {
    %mul3A = arith.constant 2 : i32
    %mul3A_0 = arith.muli %arg1, %mul3A : i32
    %add3A = arith.addi %mul3A_0, %arg0 : i32
    %mul3A_1 = arith.constant 624 : i32
    %mul3A_2 = arith.muli %arg1, %mul3A_1 : i32
    "tpu.region"() ({
      %run_scoped3A = tpu.sem_alloc : memref<!tpu.dma_semaphore, #tpu.memory_space<semaphore_mem>>
      %dma_start3A_102 = arith.constant 0 : i32
      %dma_start3A_103 = tpu.memref_slice %arg23[%mul3A_2, %dma_start3A_102] : memref<10000x64xf32, #tpu.memory_space<vmem_shared>> -> memref<624x64xf32, #tpu.memory_space<vmem_shared>>
      %dma_start3A_104 = arith.constant 0 : i32
      %dma_start3A_105 = tpu.memref_slice %arg7[%mul3A_2, %dma_start3A_104] : memref<10000x64xf32, #tpu.memory_space<hbm>> -> memref<624x64xf32, #tpu.memory_space<hbm>>
      tpu.enqueue_dma source(%dma_start3A_105 : memref<624x64xf32, #tpu.memory_space<hbm>>) target(%dma_start3A_103 : memref<624x64xf32, #tpu.memory_space<vmem_shared>>) target_semaphore(%run_scoped3A : memref<!tpu.dma_semaphore, #tpu.memory_space<semaphore_mem>>)
      %dma_wait3A_106 = arith.constant 0 : i32
      %dma_wait3A_107 = tpu.memref_slice %arg23[%mul3A_2, %dma_wait3A_106] : memref<10000x64xf32, #tpu.memory_space<vmem_shared>> -> memref<624x64xf32, #tpu.memory_space<vmem_shared>>
      %dma_wait3A_108 = arith.constant 0 : i32
      %dma_wait3A_109 = tpu.memref_slice %arg7[%mul3A_2, %dma_wait3A_108] : memref<10000x64xf32, #tpu.memory_space<hbm>> -> memref<624x64xf32, #tpu.memory_space<hbm>>
      tpu.wait_dma2 semaphore(%run_scoped3A : memref<!tpu.dma_semaphore, #tpu.memory_space<semaphore_mem>>) src(%dma_wait3A_109 : memref<624x64xf32, #tpu.memory_space<hbm>>) dst(%dma_wait3A_107 : memref<624x64xf32, #tpu.memory_space<vmem_shared>>)
      tpu.yield
    }) : () -> ()
    %eq3A = arith.constant 15 : i32
    %eq3A_3 = arith.cmpi eq, %arg1, %eq3A : i32
    %convert_element_type3A = arith.extui %eq3A_3 : i1 to i32
    %cond3A = arith.constant 0 : i32
    %cond3A_4 = arith.cmpi ne, %convert_element_type3A, %cond3A : i32
    scf.if %cond3A_4 {
      "tpu.region"() ({
        %run_scoped3A = tpu.sem_alloc : memref<!tpu.dma_semaphore, #tpu.memory_space<semaphore_mem>>
        %dma_start3A_102 = arith.constant 9984 : i32
        %dma_start3A_103 = arith.constant 0 : i32
        %dma_start3A_104 = tpu.memref_slice %arg23[%dma_start3A_102, %dma_start3A_103] : memref<10000x64xf32, #tpu.memory_space<vmem_shared>> -> memref<16x64xf32, #tpu.memory_space<vmem_shared>>
        %dma_start3A_105 = arith.constant 9984 : i32
        %dma_start3A_106 = arith.constant 0 : i32
        %dma_start3A_107 = tpu.memref_slice %arg7[%dma_start3A_105, %dma_start3A_106] : memref<10000x64xf32, #tpu.memory_space<hbm>> -> memref<16x64xf32, #tpu.memory_space<hbm>>
        tpu.enqueue_dma source(%dma_start3A_107 : memref<16x64xf32, #tpu.memory_space<hbm>>) target(%dma_start3A_104 : memref<16x64xf32, #tpu.memory_space<vmem_shared>>) target_semaphore(%run_scoped3A : memref<!tpu.dma_semaphore, #tpu.memory_space<semaphore_mem>>)
        %dma_wait3A_108 = arith.constant 9984 : i32
        %dma_wait3A_109 = arith.constant 0 : i32
        %dma_wait3A_110 = tpu.memref_slice %arg23[%dma_wait3A_108, %dma_wait3A_109] : memref<10000x64xf32, #tpu.memory_space<vmem_shared>> -> memref<16x64xf32, #tpu.memory_space<vmem_shared>>
        %dma_wait3A_111 = arith.constant 9984 : i32
        %dma_wait3A_112 = arith.constant 0 : i32
        %dma_wait3A_113 = tpu.memref_slice %arg7[%dma_wait3A_111, %dma_wait3A_112] : memref<10000x64xf32, #tpu.memory_space<hbm>> -> memref<16x64xf32, #tpu.memory_space<hbm>>
        tpu.wait_dma2 semaphore(%run_scoped3A : memref<!tpu.dma_semaphore, #tpu.memory_space<semaphore_mem>>) src(%dma_wait3A_113 : memref<16x64xf32, #tpu.memory_space<hbm>>) dst(%dma_wait3A_110 : memref<16x64xf32, #tpu.memory_space<vmem_shared>>)
        tpu.yield
      }) : () -> ()
    } else {
    }
    %barrier3A = arith.constant 0 : index
    tpu.barrier barrier_id(%barrier3A)
    "tpu.region"() ({
      %run_scoped3A = tpu.sem_alloc : memref<!tpu.dma_semaphore, #tpu.memory_space<semaphore_mem>>
      %dma_start3A_102 = arith.constant 0 : i32
      %dma_start3A_103 = arith.constant 0 : i32
      %dma_start3A_104 = tpu.memref_slice %arg5[%add3A, %dma_start3A_102, %dma_start3A_103] : memref<1250x2x64xi32, #tpu.memory_space<hbm>> -> memref<1x2x64xi32, #tpu.memory_space<hbm>>
      %dma_start3A_105 = tpu.memref_squeeze %dma_start3A_104 : memref<1x2x64xi32, #tpu.memory_space<hbm>> -> memref<2x64xi32, #tpu.memory_space<hbm>>
      %dma_start3A_106 = arith.constant 0 : i32
      %dma_start3A_107 = arith.constant 0 : i32
      %dma_start3A_108 = tpu.memref_slice %arg5[%add3A, %dma_start3A_106, %dma_start3A_107] : memref<1250x2x64xi32, #tpu.memory_space<hbm>> -> memref<1x2x64xi32, #tpu.memory_space<hbm>>
      %dma_start3A_109 = tpu.memref_squeeze %dma_start3A_108 : memref<1x2x64xi32, #tpu.memory_space<hbm>> -> memref<2x64xi32, #tpu.memory_space<hbm>>
      tpu.enqueue_dma source(%dma_start3A_109 : memref<2x64xi32, #tpu.memory_space<hbm>>) target(%arg9 : memref<2x64xi32, #tpu.memory_space<vmem>>) target_semaphore(%run_scoped3A : memref<!tpu.dma_semaphore, #tpu.memory_space<semaphore_mem>>)
      %dma_wait3A_110 = arith.constant 0 : i32
      %dma_wait3A_111 = arith.constant 0 : i32
      %dma_wait3A_112 = tpu.memref_slice %arg5[%add3A, %dma_wait3A_110, %dma_wait3A_111] : memref<1250x2x64xi32, #tpu.memory_space<hbm>> -> memref<1x2x64xi32, #tpu.memory_space<hbm>>
      %dma_wait3A_113 = tpu.memref_squeeze %dma_wait3A_112 : memref<1x2x64xi32, #tpu.memory_space<hbm>> -> memref<2x64xi32, #tpu.memory_space<hbm>>
      %dma_wait3A_114 = arith.constant 0 : i32
      %dma_wait3A_115 = arith.constant 0 : i32
      %dma_wait3A_116 = tpu.memref_slice %arg5[%add3A, %dma_wait3A_114, %dma_wait3A_115] : memref<1250x2x64xi32, #tpu.memory_space<hbm>> -> memref<1x2x64xi32, #tpu.memory_space<hbm>>
      %dma_wait3A_117 = tpu.memref_squeeze %dma_wait3A_116 : memref<1x2x64xi32, #tpu.memory_space<hbm>> -> memref<2x64xi32, #tpu.memory_space<hbm>>
      tpu.wait_dma2 semaphore(%run_scoped3A : memref<!tpu.dma_semaphore, #tpu.memory_space<semaphore_mem>>) src(%dma_wait3A_117 : memref<2x64xi32, #tpu.memory_space<hbm>>) dst(%arg9 : memref<2x64xi32, #tpu.memory_space<vmem>>)
      tpu.yield
    }) : () -> ()
    "tpu.region"() ({
      %run_scoped3A = tpu.sem_alloc : memref<!tpu.dma_semaphore, #tpu.memory_space<semaphore_mem>>
      %dma_start3A_102 = arith.constant 0 : i32
      %dma_start3A_103 = arith.constant 0 : i32
      %dma_start3A_104 = tpu.memref_slice %arg6[%add3A, %dma_start3A_102, %dma_start3A_103] : memref<1250x2x64xi32, #tpu.memory_space<hbm>> -> memref<1x2x64xi32, #tpu.memory_space<hbm>>
      %dma_start3A_105 = tpu.memref_squeeze %dma_start3A_104 : memref<1x2x64xi32, #tpu.memory_space<hbm>> -> memref<2x64xi32, #tpu.memory_space<hbm>>
      %dma_start3A_106 = arith.constant 0 : i32
      %dma_start3A_107 = arith.constant 0 : i32
      %dma_start3A_108 = tpu.memref_slice %arg6[%add3A, %dma_start3A_106, %dma_start3A_107] : memref<1250x2x64xi32, #tpu.memory_space<hbm>> -> memref<1x2x64xi32, #tpu.memory_space<hbm>>
      %dma_start3A_109 = tpu.memref_squeeze %dma_start3A_108 : memref<1x2x64xi32, #tpu.memory_space<hbm>> -> memref<2x64xi32, #tpu.memory_space<hbm>>
      tpu.enqueue_dma source(%dma_start3A_109 : memref<2x64xi32, #tpu.memory_space<hbm>>) target(%arg10 : memref<2x64xi32, #tpu.memory_space<vmem>>) target_semaphore(%run_scoped3A : memref<!tpu.dma_semaphore, #tpu.memory_space<semaphore_mem>>)
      %dma_wait3A_110 = arith.constant 0 : i32
      %dma_wait3A_111 = arith.constant 0 : i32
      %dma_wait3A_112 = tpu.memref_slice %arg6[%add3A, %dma_wait3A_110, %dma_wait3A_111] : memref<1250x2x64xi32, #tpu.memory_space<hbm>> -> memref<1x2x64xi32, #tpu.memory_space<hbm>>
      %dma_wait3A_113 = tpu.memref_squeeze %dma_wait3A_112 : memref<1x2x64xi32, #tpu.memory_space<hbm>> -> memref<2x64xi32, #tpu.memory_space<hbm>>
      %dma_wait3A_114 = arith.constant 0 : i32
      %dma_wait3A_115 = arith.constant 0 : i32
      %dma_wait3A_116 = tpu.memref_slice %arg6[%add3A, %dma_wait3A_114, %dma_wait3A_115] : memref<1250x2x64xi32, #tpu.memory_space<hbm>> -> memref<1x2x64xi32, #tpu.memory_space<hbm>>
      %dma_wait3A_117 = tpu.memref_squeeze %dma_wait3A_116 : memref<1x2x64xi32, #tpu.memory_space<hbm>> -> memref<2x64xi32, #tpu.memory_space<hbm>>
      tpu.wait_dma2 semaphore(%run_scoped3A : memref<!tpu.dma_semaphore, #tpu.memory_space<semaphore_mem>>) src(%dma_wait3A_117 : memref<2x64xi32, #tpu.memory_space<hbm>>) dst(%arg10 : memref<2x64xi32, #tpu.memory_space<vmem>>)
      tpu.yield
    }) : () -> ()
    %dma_start3A = arith.constant 0 : i32
    %dma_start3A_5 = arith.constant 0 : i32
    %dma_start3A_6 = tpu.memref_slice %arg4[%add3A, %dma_start3A, %dma_start3A_5] : memref<1250x64x128xf32, #tpu.memory_space<hbm>> -> memref<1x64x128xf32, #tpu.memory_space<hbm>>
    %dma_start3A_7 = tpu.memref_squeeze %dma_start3A_6 : memref<1x64x128xf32, #tpu.memory_space<hbm>> -> memref<64x128xf32, #tpu.memory_space<hbm>>
    %dma_start3A_8 = arith.constant 0 : i32
    %dma_start3A_9 = arith.constant 0 : i32
    %dma_start3A_10 = tpu.memref_slice %arg4[%add3A, %dma_start3A_8, %dma_start3A_9] : memref<1250x64x128xf32, #tpu.memory_space<hbm>> -> memref<1x64x128xf32, #tpu.memory_space<hbm>>
    %dma_start3A_11 = tpu.memref_squeeze %dma_start3A_10 : memref<1x64x128xf32, #tpu.memory_space<hbm>> -> memref<64x128xf32, #tpu.memory_space<hbm>>
    tpu.enqueue_dma source(%dma_start3A_11 : memref<64x128xf32, #tpu.memory_space<hbm>>) target(%arg11 : memref<64x128xf32, #tpu.memory_space<vmem>>) target_semaphore(%arg14 : memref<!tpu.dma_semaphore, #tpu.memory_space<semaphore_mem>>)
    %dma_start3A_12 = arith.constant 0 : i32
    %dma_start3A_13 = arith.constant 0 : i32
    %dma_start3A_14 = arith.constant 0 : i32
    %dma_start3A_15 = tpu.memref_slice %arg12[%dma_start3A_13, %dma_start3A_14] : memref<128x64xf32, #tpu.memory_space<vmem>> -> memref<64x64xf32, #tpu.memory_space<vmem>>
    %dma_start3A_16 = arith.constant 0 : i32
    %dma_start3A_17 = tpu.memref_slice %arg9[%dma_start3A_12, %dma_start3A_16] : memref<2x64xi32, #tpu.memory_space<vmem>> -> memref<1x64xi32, #tpu.memory_space<vmem>>
    %dma_start3A_18 = tpu.memref_squeeze %dma_start3A_17 : memref<1x64xi32, #tpu.memory_space<vmem>> -> memref<64xi32, #tpu.memory_space<vmem>>
    %dma_start3A_19 = arith.constant 0 : i32
    %dma_start3A_20 = arith.constant 0 : i32
    %dma_start3A_21 = tpu.memref_slice %arg2[%dma_start3A_19, %dma_start3A_20] : memref<10000x64xf32, #tpu.memory_space<hbm>> -> memref<10000x64xf32, #tpu.memory_space<hbm>>
    tpu.enqueue_indirect_dma source(%dma_start3A_21 : memref<10000x64xf32, #tpu.memory_space<hbm>>) target(%dma_start3A_15 : memref<64x64xf32, #tpu.memory_space<vmem>>) offsets(%dma_start3A_18 : memref<64xi32, #tpu.memory_space<vmem>>) semaphore(%arg14 : memref<!tpu.dma_semaphore, #tpu.memory_space<semaphore_mem>>)
    %dma_start3A_22 = arith.constant 1 : i32
    %dma_start3A_23 = arith.constant 64 : i32
    %dma_start3A_24 = arith.constant 0 : i32
    %dma_start3A_25 = tpu.memref_slice %arg12[%dma_start3A_23, %dma_start3A_24] : memref<128x64xf32, #tpu.memory_space<vmem>> -> memref<64x64xf32, #tpu.memory_space<vmem>>
    %dma_start3A_26 = arith.constant 0 : i32
    %dma_start3A_27 = tpu.memref_slice %arg9[%dma_start3A_22, %dma_start3A_26] : memref<2x64xi32, #tpu.memory_space<vmem>> -> memref<1x64xi32, #tpu.memory_space<vmem>>
    %dma_start3A_28 = tpu.memref_squeeze %dma_start3A_27 : memref<1x64xi32, #tpu.memory_space<vmem>> -> memref<64xi32, #tpu.memory_space<vmem>>
    %dma_start3A_29 = arith.constant 0 : i32
    %dma_start3A_30 = arith.constant 0 : i32
    %dma_start3A_31 = tpu.memref_slice %arg2[%dma_start3A_29, %dma_start3A_30] : memref<10000x64xf32, #tpu.memory_space<hbm>> -> memref<10000x64xf32, #tpu.memory_space<hbm>>
    tpu.enqueue_indirect_dma source(%dma_start3A_31 : memref<10000x64xf32, #tpu.memory_space<hbm>>) target(%dma_start3A_25 : memref<64x64xf32, #tpu.memory_space<vmem>>) offsets(%dma_start3A_28 : memref<64xi32, #tpu.memory_space<vmem>>) semaphore(%arg14 : memref<!tpu.dma_semaphore, #tpu.memory_space<semaphore_mem>>)
    %dma_start3A_32 = arith.constant 0 : i32
    %dma_start3A_33 = arith.constant 0 : i32
    %dma_start3A_34 = arith.constant 0 : i32
    %dma_start3A_35 = tpu.memref_slice %arg13[%dma_start3A_33, %dma_start3A_34] : memref<128x64xf32, #tpu.memory_space<vmem>> -> memref<64x64xf32, #tpu.memory_space<vmem>>
    %dma_start3A_36 = arith.constant 0 : i32
    %dma_start3A_37 = tpu.memref_slice %arg10[%dma_start3A_32, %dma_start3A_36] : memref<2x64xi32, #tpu.memory_space<vmem>> -> memref<1x64xi32, #tpu.memory_space<vmem>>
    %dma_start3A_38 = tpu.memref_squeeze %dma_start3A_37 : memref<1x64xi32, #tpu.memory_space<vmem>> -> memref<64xi32, #tpu.memory_space<vmem>>
    %dma_start3A_39 = arith.constant 0 : i32
    %dma_start3A_40 = arith.constant 0 : i32
    %dma_start3A_41 = tpu.memref_slice %arg3[%dma_start3A_39, %dma_start3A_40] : memref<10000x64xf32, #tpu.memory_space<hbm>> -> memref<10000x64xf32, #tpu.memory_space<hbm>>
    tpu.enqueue_indirect_dma source(%dma_start3A_41 : memref<10000x64xf32, #tpu.memory_space<hbm>>) target(%dma_start3A_35 : memref<64x64xf32, #tpu.memory_space<vmem>>) offsets(%dma_start3A_38 : memref<64xi32, #tpu.memory_space<vmem>>) semaphore(%arg14 : memref<!tpu.dma_semaphore, #tpu.memory_space<semaphore_mem>>)
    %dma_start3A_42 = arith.constant 1 : i32
    %dma_start3A_43 = arith.constant 64 : i32
    %dma_start3A_44 = arith.constant 0 : i32
    %dma_start3A_45 = tpu.memref_slice %arg13[%dma_start3A_43, %dma_start3A_44] : memref<128x64xf32, #tpu.memory_space<vmem>> -> memref<64x64xf32, #tpu.memory_space<vmem>>
    %dma_start3A_46 = arith.constant 0 : i32
    %dma_start3A_47 = tpu.memref_slice %arg10[%dma_start3A_42, %dma_start3A_46] : memref<2x64xi32, #tpu.memory_space<vmem>> -> memref<1x64xi32, #tpu.memory_space<vmem>>
    %dma_start3A_48 = tpu.memref_squeeze %dma_start3A_47 : memref<1x64xi32, #tpu.memory_space<vmem>> -> memref<64xi32, #tpu.memory_space<vmem>>
    %dma_start3A_49 = arith.constant 0 : i32
    %dma_start3A_50 = arith.constant 0 : i32
    %dma_start3A_51 = tpu.memref_slice %arg3[%dma_start3A_49, %dma_start3A_50] : memref<10000x64xf32, #tpu.memory_space<hbm>> -> memref<10000x64xf32, #tpu.memory_space<hbm>>
    tpu.enqueue_indirect_dma source(%dma_start3A_51 : memref<10000x64xf32, #tpu.memory_space<hbm>>) target(%dma_start3A_45 : memref<64x64xf32, #tpu.memory_space<vmem>>) offsets(%dma_start3A_48 : memref<64xi32, #tpu.memory_space<vmem>>) semaphore(%arg14 : memref<!tpu.dma_semaphore, #tpu.memory_space<semaphore_mem>>)
    %scan3A = arith.constant 0 : i32
    %scan3A_52 = arith.constant 0 : i32
    %scan3A_53 = arith.constant 20 : i32
    %scan3A_54 = arith.addi %scan3A_52, %scan3A_53 : i32
    %scan3A_55 = arith.constant 1 : i32
    scf.for %scan3A_102 = %scan3A_52 to %scan3A_54 step %scan3A_55  : i32 {
      %mul3A_103 = arith.constant 2 : i32
      %mul3A_104 = arith.muli %mul3A_103, %scan3A_102 : i32
      %add3A_105 = arith.constant 0 : i32
      %add3A_106 = arith.addi %mul3A_104, %add3A_105 : i32
      %mul3A_107 = arith.constant 32 : i32
      %mul3A_108 = arith.muli %add3A_106, %mul3A_107 : i32
      %add3A_109 = arith.addi %add3A, %mul3A_108 : i32
      %add3A_110 = arith.constant 32 : i32
      %add3A_111 = arith.addi %add3A_109, %add3A_110 : i32
      %lt3A = arith.constant 1250 : i32
      %lt3A_112 = arith.cmpi slt, %add3A_109, %lt3A : i32
      %convert_element_type3A_113 = arith.extui %lt3A_112 : i1 to i32
      %cond3A_114 = arith.constant 0 : i32
      %cond3A_115 = arith.cmpi ne, %convert_element_type3A_113, %cond3A_114 : i32
      scf.if %cond3A_115 {
        %dma_wait3A_164 = arith.constant 0 : i32
        %dma_wait3A_165 = arith.constant 0 : i32
        %dma_wait3A_166 = tpu.memref_slice %arg4[%add3A_109, %dma_wait3A_164, %dma_wait3A_165] : memref<1250x64x128xf32, #tpu.memory_space<hbm>> -> memref<1x64x128xf32, #tpu.memory_space<hbm>>
        %dma_wait3A_167 = tpu.memref_squeeze %dma_wait3A_166 : memref<1x64x128xf32, #tpu.memory_space<hbm>> -> memref<64x128xf32, #tpu.memory_space<hbm>>
        %dma_wait3A_168 = arith.constant 0 : i32
        %dma_wait3A_169 = arith.constant 0 : i32
        %dma_wait3A_170 = tpu.memref_slice %arg4[%add3A_109, %dma_wait3A_168, %dma_wait3A_169] : memref<1250x64x128xf32, #tpu.memory_space<hbm>> -> memref<1x64x128xf32, #tpu.memory_space<hbm>>
        %dma_wait3A_171 = tpu.memref_squeeze %dma_wait3A_170 : memref<1x64x128xf32, #tpu.memory_space<hbm>> -> memref<64x128xf32, #tpu.memory_space<hbm>>
        tpu.wait_dma2 semaphore(%arg14 : memref<!tpu.dma_semaphore, #tpu.memory_space<semaphore_mem>>) src(%dma_wait3A_171 : memref<64x128xf32, #tpu.memory_space<hbm>>) dst(%arg11 : memref<64x128xf32, #tpu.memory_space<vmem>>)
        %dma_wait3A_172 = arith.constant 0 : i32
        %dma_wait3A_173 = arith.constant 0 : i32
        %dma_wait3A_174 = arith.constant 0 : i32
        %dma_wait3A_175 = tpu.memref_slice %arg12[%dma_wait3A_173, %dma_wait3A_174] : memref<128x64xf32, #tpu.memory_space<vmem>> -> memref<64x64xf32, #tpu.memory_space<vmem>>
        %dma_wait3A_176 = arith.constant 0 : i32
        %dma_wait3A_177 = tpu.memref_slice %arg9[%dma_wait3A_172, %dma_wait3A_176] : memref<2x64xi32, #tpu.memory_space<vmem>> -> memref<1x64xi32, #tpu.memory_space<vmem>>
        %dma_wait3A_178 = tpu.memref_squeeze %dma_wait3A_177 : memref<1x64xi32, #tpu.memory_space<vmem>> -> memref<64xi32, #tpu.memory_space<vmem>>
        %dma_wait3A_179 = arith.constant 0 : i32
        %dma_wait3A_180 = arith.constant 0 : i32
        %dma_wait3A_181 = tpu.memref_slice %arg2[%dma_wait3A_179, %dma_wait3A_180] : memref<10000x64xf32, #tpu.memory_space<hbm>> -> memref<10000x64xf32, #tpu.memory_space<hbm>>
        tpu.wait_indirect_dma semaphore(%arg14 : memref<!tpu.dma_semaphore, #tpu.memory_space<semaphore_mem>>) src(%dma_wait3A_181 : memref<10000x64xf32, #tpu.memory_space<hbm>>) dst(%dma_wait3A_175 : memref<64x64xf32, #tpu.memory_space<vmem>>)
        %dma_wait3A_182 = arith.constant 1 : i32
        %dma_wait3A_183 = arith.constant 64 : i32
        %dma_wait3A_184 = arith.constant 0 : i32
        %dma_wait3A_185 = tpu.memref_slice %arg12[%dma_wait3A_183, %dma_wait3A_184] : memref<128x64xf32, #tpu.memory_space<vmem>> -> memref<64x64xf32, #tpu.memory_space<vmem>>
        %dma_wait3A_186 = arith.constant 0 : i32
        %dma_wait3A_187 = tpu.memref_slice %arg9[%dma_wait3A_182, %dma_wait3A_186] : memref<2x64xi32, #tpu.memory_space<vmem>> -> memref<1x64xi32, #tpu.memory_space<vmem>>
        %dma_wait3A_188 = tpu.memref_squeeze %dma_wait3A_187 : memref<1x64xi32, #tpu.memory_space<vmem>> -> memref<64xi32, #tpu.memory_space<vmem>>
        %dma_wait3A_189 = arith.constant 0 : i32
        %dma_wait3A_190 = arith.constant 0 : i32
        %dma_wait3A_191 = tpu.memref_slice %arg2[%dma_wait3A_189, %dma_wait3A_190] : memref<10000x64xf32, #tpu.memory_space<hbm>> -> memref<10000x64xf32, #tpu.memory_space<hbm>>
        tpu.wait_indirect_dma semaphore(%arg14 : memref<!tpu.dma_semaphore, #tpu.memory_space<semaphore_mem>>) src(%dma_wait3A_191 : memref<10000x64xf32, #tpu.memory_space<hbm>>) dst(%dma_wait3A_185 : memref<64x64xf32, #tpu.memory_space<vmem>>)
        %dma_wait3A_192 = arith.constant 0 : i32
        %dma_wait3A_193 = arith.constant 0 : i32
        %dma_wait3A_194 = arith.constant 0 : i32
        %dma_wait3A_195 = tpu.memref_slice %arg13[%dma_wait3A_193, %dma_wait3A_194] : memref<128x64xf32, #tpu.memory_space<vmem>> -> memref<64x64xf32, #tpu.memory_space<vmem>>
        %dma_wait3A_196 = arith.constant 0 : i32
        %dma_wait3A_197 = tpu.memref_slice %arg10[%dma_wait3A_192, %dma_wait3A_196] : memref<2x64xi32, #tpu.memory_space<vmem>> -> memref<1x64xi32, #tpu.memory_space<vmem>>
        %dma_wait3A_198 = tpu.memref_squeeze %dma_wait3A_197 : memref<1x64xi32, #tpu.memory_space<vmem>> -> memref<64xi32, #tpu.memory_space<vmem>>
        %dma_wait3A_199 = arith.constant 0 : i32
        %dma_wait3A_200 = arith.constant 0 : i32
        %dma_wait3A_201 = tpu.memref_slice %arg3[%dma_wait3A_199, %dma_wait3A_200] : memref<10000x64xf32, #tpu.memory_space<hbm>> -> memref<10000x64xf32, #tpu.memory_space<hbm>>
        tpu.wait_indirect_dma semaphore(%arg14 : memref<!tpu.dma_semaphore, #tpu.memory_space<semaphore_mem>>) src(%dma_wait3A_201 : memref<10000x64xf32, #tpu.memory_space<hbm>>) dst(%dma_wait3A_195 : memref<64x64xf32, #tpu.memory_space<vmem>>)
        %dma_wait3A_202 = arith.constant 1 : i32
        %dma_wait3A_203 = arith.constant 64 : i32
        %dma_wait3A_204 = arith.constant 0 : i32
        %dma_wait3A_205 = tpu.memref_slice %arg13[%dma_wait3A_203, %dma_wait3A_204] : memref<128x64xf32, #tpu.memory_space<vmem>> -> memref<64x64xf32, #tpu.memory_space<vmem>>
        %dma_wait3A_206 = arith.constant 0 : i32
        %dma_wait3A_207 = tpu.memref_slice %arg10[%dma_wait3A_202, %dma_wait3A_206] : memref<2x64xi32, #tpu.memory_space<vmem>> -> memref<1x64xi32, #tpu.memory_space<vmem>>
        %dma_wait3A_208 = tpu.memref_squeeze %dma_wait3A_207 : memref<1x64xi32, #tpu.memory_space<vmem>> -> memref<64xi32, #tpu.memory_space<vmem>>
        %dma_wait3A_209 = arith.constant 0 : i32
        %dma_wait3A_210 = arith.constant 0 : i32
        %dma_wait3A_211 = tpu.memref_slice %arg3[%dma_wait3A_209, %dma_wait3A_210] : memref<10000x64xf32, #tpu.memory_space<hbm>> -> memref<10000x64xf32, #tpu.memory_space<hbm>>
        tpu.wait_indirect_dma semaphore(%arg14 : memref<!tpu.dma_semaphore, #tpu.memory_space<semaphore_mem>>) src(%dma_wait3A_211 : memref<10000x64xf32, #tpu.memory_space<hbm>>) dst(%dma_wait3A_205 : memref<64x64xf32, #tpu.memory_space<vmem>>)
      } else {
      }
      %lt3A_116 = arith.constant 1250 : i32
      %lt3A_117 = arith.cmpi slt, %add3A_111, %lt3A_116 : i32
      %ge3A = arith.constant 1 : i32
      %ge3A_118 = arith.cmpi sge, %add3A_106, %ge3A : i32
      %and3A = arith.andi %lt3A_117, %ge3A_118 : i1
      %convert_element_type3A_119 = arith.extui %and3A : i1 to i32
      %cond3A_120 = arith.constant 0 : i32
      %cond3A_121 = arith.cmpi ne, %convert_element_type3A_119, %cond3A_120 : i32
      scf.if %cond3A_121 {
        %dma_wait3A_164 = arith.constant 0 : i32
        %dma_wait3A_165 = arith.constant 0 : i32
        %dma_wait3A_166 = arith.constant 0 : i32
        %dma_wait3A_167 = tpu.memref_slice %arg19[%dma_wait3A_165, %dma_wait3A_166] : memref<128x64xf32, #tpu.memory_space<vmem>> -> memref<64x64xf32, #tpu.memory_space<vmem>>
        %dma_wait3A_168 = arith.constant 0 : i32
        %dma_wait3A_169 = tpu.memref_slice %arg16[%dma_wait3A_164, %dma_wait3A_168] : memref<2x64xi32, #tpu.memory_space<vmem>> -> memref<1x64xi32, #tpu.memory_space<vmem>>
        %dma_wait3A_170 = tpu.memref_squeeze %dma_wait3A_169 : memref<1x64xi32, #tpu.memory_space<vmem>> -> memref<64xi32, #tpu.memory_space<vmem>>
        %dma_wait3A_171 = arith.constant 0 : i32
        %dma_wait3A_172 = arith.constant 0 : i32
        %dma_wait3A_173 = tpu.memref_slice %arg23[%dma_wait3A_171, %dma_wait3A_172] : memref<10000x64xf32, #tpu.memory_space<vmem_shared>> -> memref<10000x64xf32, #tpu.memory_space<vmem_shared>>
        tpu.wait_indirect_dma semaphore(%arg22 : memref<!tpu.dma_semaphore, #tpu.memory_space<semaphore_mem>>) src(%dma_wait3A_167 : memref<64x64xf32, #tpu.memory_space<vmem>>) dst(%dma_wait3A_173 : memref<10000x64xf32, #tpu.memory_space<vmem_shared>>)
        %dma_wait3A_174 = arith.constant 1 : i32
        %dma_wait3A_175 = arith.constant 64 : i32
        %dma_wait3A_176 = arith.constant 0 : i32
        %dma_wait3A_177 = tpu.memref_slice %arg19[%dma_wait3A_175, %dma_wait3A_176] : memref<128x64xf32, #tpu.memory_space<vmem>> -> memref<64x64xf32, #tpu.memory_space<vmem>>
        %dma_wait3A_178 = arith.constant 0 : i32
        %dma_wait3A_179 = tpu.memref_slice %arg16[%dma_wait3A_174, %dma_wait3A_178] : memref<2x64xi32, #tpu.memory_space<vmem>> -> memref<1x64xi32, #tpu.memory_space<vmem>>
        %dma_wait3A_180 = tpu.memref_squeeze %dma_wait3A_179 : memref<1x64xi32, #tpu.memory_space<vmem>> -> memref<64xi32, #tpu.memory_space<vmem>>
        %dma_wait3A_181 = arith.constant 0 : i32
        %dma_wait3A_182 = arith.constant 0 : i32
        %dma_wait3A_183 = tpu.memref_slice %arg23[%dma_wait3A_181, %dma_wait3A_182] : memref<10000x64xf32, #tpu.memory_space<vmem_shared>> -> memref<10000x64xf32, #tpu.memory_space<vmem_shared>>
        tpu.wait_indirect_dma semaphore(%arg22 : memref<!tpu.dma_semaphore, #tpu.memory_space<semaphore_mem>>) src(%dma_wait3A_177 : memref<64x64xf32, #tpu.memory_space<vmem>>) dst(%dma_wait3A_183 : memref<10000x64xf32, #tpu.memory_space<vmem_shared>>)
      } else {
      }
      %lt3A_122 = arith.constant 1250 : i32
      %lt3A_123 = arith.cmpi slt, %add3A_111, %lt3A_122 : i32
      %convert_element_type3A_124 = arith.extui %lt3A_123 : i1 to i32
      %cond3A_125 = arith.constant 0 : i32
      %cond3A_126 = arith.cmpi ne, %convert_element_type3A_124, %cond3A_125 : i32
      scf.if %cond3A_126 {
        "tpu.region"() ({
          %run_scoped3A = tpu.sem_alloc : memref<!tpu.dma_semaphore, #tpu.memory_space<semaphore_mem>>
          %dma_start3A_212 = arith.constant 0 : i32
          %dma_start3A_213 = arith.constant 0 : i32
          %dma_start3A_214 = tpu.memref_slice %arg5[%add3A_111, %dma_start3A_212, %dma_start3A_213] : memref<1250x2x64xi32, #tpu.memory_space<hbm>> -> memref<1x2x64xi32, #tpu.memory_space<hbm>>
          %dma_start3A_215 = tpu.memref_squeeze %dma_start3A_214 : memref<1x2x64xi32, #tpu.memory_space<hbm>> -> memref<2x64xi32, #tpu.memory_space<hbm>>
          %dma_start3A_216 = arith.constant 0 : i32
          %dma_start3A_217 = arith.constant 0 : i32
          %dma_start3A_218 = tpu.memref_slice %arg5[%add3A_111, %dma_start3A_216, %dma_start3A_217] : memref<1250x2x64xi32, #tpu.memory_space<hbm>> -> memref<1x2x64xi32, #tpu.memory_space<hbm>>
          %dma_start3A_219 = tpu.memref_squeeze %dma_start3A_218 : memref<1x2x64xi32, #tpu.memory_space<hbm>> -> memref<2x64xi32, #tpu.memory_space<hbm>>
          tpu.enqueue_dma source(%dma_start3A_219 : memref<2x64xi32, #tpu.memory_space<hbm>>) target(%arg16 : memref<2x64xi32, #tpu.memory_space<vmem>>) target_semaphore(%run_scoped3A : memref<!tpu.dma_semaphore, #tpu.memory_space<semaphore_mem>>)
          %dma_wait3A_220 = arith.constant 0 : i32
          %dma_wait3A_221 = arith.constant 0 : i32
          %dma_wait3A_222 = tpu.memref_slice %arg5[%add3A_111, %dma_wait3A_220, %dma_wait3A_221] : memref<1250x2x64xi32, #tpu.memory_space<hbm>> -> memref<1x2x64xi32, #tpu.memory_space<hbm>>
          %dma_wait3A_223 = tpu.memref_squeeze %dma_wait3A_222 : memref<1x2x64xi32, #tpu.memory_space<hbm>> -> memref<2x64xi32, #tpu.memory_space<hbm>>
          %dma_wait3A_224 = arith.constant 0 : i32
          %dma_wait3A_225 = arith.constant 0 : i32
          %dma_wait3A_226 = tpu.memref_slice %arg5[%add3A_111, %dma_wait3A_224, %dma_wait3A_225] : memref<1250x2x64xi32, #tpu.memory_space<hbm>> -> memref<1x2x64xi32, #tpu.memory_space<hbm>>
          %dma_wait3A_227 = tpu.memref_squeeze %dma_wait3A_226 : memref<1x2x64xi32, #tpu.memory_space<hbm>> -> memref<2x64xi32, #tpu.memory_space<hbm>>
          tpu.wait_dma2 semaphore(%run_scoped3A : memref<!tpu.dma_semaphore, #tpu.memory_space<semaphore_mem>>) src(%dma_wait3A_227 : memref<2x64xi32, #tpu.memory_space<hbm>>) dst(%arg16 : memref<2x64xi32, #tpu.memory_space<vmem>>)
          tpu.yield
        }) : () -> ()
        "tpu.region"() ({
          %run_scoped3A = tpu.sem_alloc : memref<!tpu.dma_semaphore, #tpu.memory_space<semaphore_mem>>
          %dma_start3A_212 = arith.constant 0 : i32
          %dma_start3A_213 = arith.constant 0 : i32
          %dma_start3A_214 = tpu.memref_slice %arg6[%add3A_111, %dma_start3A_212, %dma_start3A_213] : memref<1250x2x64xi32, #tpu.memory_space<hbm>> -> memref<1x2x64xi32, #tpu.memory_space<hbm>>
          %dma_start3A_215 = tpu.memref_squeeze %dma_start3A_214 : memref<1x2x64xi32, #tpu.memory_space<hbm>> -> memref<2x64xi32, #tpu.memory_space<hbm>>
          %dma_start3A_216 = arith.constant 0 : i32
          %dma_start3A_217 = arith.constant 0 : i32
          %dma_start3A_218 = tpu.memref_slice %arg6[%add3A_111, %dma_start3A_216, %dma_start3A_217] : memref<1250x2x64xi32, #tpu.memory_space<hbm>> -> memref<1x2x64xi32, #tpu.memory_space<hbm>>
          %dma_start3A_219 = tpu.memref_squeeze %dma_start3A_218 : memref<1x2x64xi32, #tpu.memory_space<hbm>> -> memref<2x64xi32, #tpu.memory_space<hbm>>
          tpu.enqueue_dma source(%dma_start3A_219 : memref<2x64xi32, #tpu.memory_space<hbm>>) target(%arg17 : memref<2x64xi32, #tpu.memory_space<vmem>>) target_semaphore(%run_scoped3A : memref<!tpu.dma_semaphore, #tpu.memory_space<semaphore_mem>>)
          %dma_wait3A_220 = arith.constant 0 : i32
          %dma_wait3A_221 = arith.constant 0 : i32
          %dma_wait3A_222 = tpu.memref_slice %arg6[%add3A_111, %dma_wait3A_220, %dma_wait3A_221] : memref<1250x2x64xi32, #tpu.memory_space<hbm>> -> memref<1x2x64xi32, #tpu.memory_space<hbm>>
          %dma_wait3A_223 = tpu.memref_squeeze %dma_wait3A_222 : memref<1x2x64xi32, #tpu.memory_space<hbm>> -> memref<2x64xi32, #tpu.memory_space<hbm>>
          %dma_wait3A_224 = arith.constant 0 : i32
          %dma_wait3A_225 = arith.constant 0 : i32
          %dma_wait3A_226 = tpu.memref_slice %arg6[%add3A_111, %dma_wait3A_224, %dma_wait3A_225] : memref<1250x2x64xi32, #tpu.memory_space<hbm>> -> memref<1x2x64xi32, #tpu.memory_space<hbm>>
          %dma_wait3A_227 = tpu.memref_squeeze %dma_wait3A_226 : memref<1x2x64xi32, #tpu.memory_space<hbm>> -> memref<2x64xi32, #tpu.memory_space<hbm>>
          tpu.wait_dma2 semaphore(%run_scoped3A : memref<!tpu.dma_semaphore, #tpu.memory_space<semaphore_mem>>) src(%dma_wait3A_227 : memref<2x64xi32, #tpu.memory_space<hbm>>) dst(%arg17 : memref<2x64xi32, #tpu.memory_space<vmem>>)
          tpu.yield
        }) : () -> ()
        %dma_start3A_164 = arith.constant 0 : i32
        %dma_start3A_165 = arith.constant 0 : i32
        %dma_start3A_166 = tpu.memref_slice %arg4[%add3A_111, %dma_start3A_164, %dma_start3A_165] : memref<1250x64x128xf32, #tpu.memory_space<hbm>> -> memref<1x64x128xf32, #tpu.memory_space<hbm>>
        %dma_start3A_167 = tpu.memref_squeeze %dma_start3A_166 : memref<1x64x128xf32, #tpu.memory_space<hbm>> -> memref<64x128xf32, #tpu.memory_space<hbm>>
        %dma_start3A_168 = arith.constant 0 : i32
        %dma_start3A_169 = arith.constant 0 : i32
        %dma_start3A_170 = tpu.memref_slice %arg4[%add3A_111, %dma_start3A_168, %dma_start3A_169] : memref<1250x64x128xf32, #tpu.memory_space<hbm>> -> memref<1x64x128xf32, #tpu.memory_space<hbm>>
        %dma_start3A_171 = tpu.memref_squeeze %dma_start3A_170 : memref<1x64x128xf32, #tpu.memory_space<hbm>> -> memref<64x128xf32, #tpu.memory_space<hbm>>
        tpu.enqueue_dma source(%dma_start3A_171 : memref<64x128xf32, #tpu.memory_space<hbm>>) target(%arg18 : memref<64x128xf32, #tpu.memory_space<vmem>>) target_semaphore(%arg21 : memref<!tpu.dma_semaphore, #tpu.memory_space<semaphore_mem>>)
        %dma_start3A_172 = arith.constant 0 : i32
        %dma_start3A_173 = arith.constant 0 : i32
        %dma_start3A_174 = arith.constant 0 : i32
        %dma_start3A_175 = tpu.memref_slice %arg19[%dma_start3A_173, %dma_start3A_174] : memref<128x64xf32, #tpu.memory_space<vmem>> -> memref<64x64xf32, #tpu.memory_space<vmem>>
        %dma_start3A_176 = arith.constant 0 : i32
        %dma_start3A_177 = tpu.memref_slice %arg16[%dma_start3A_172, %dma_start3A_176] : memref<2x64xi32, #tpu.memory_space<vmem>> -> memref<1x64xi32, #tpu.memory_space<vmem>>
        %dma_start3A_178 = tpu.memref_squeeze %dma_start3A_177 : memref<1x64xi32, #tpu.memory_space<vmem>> -> memref<64xi32, #tpu.memory_space<vmem>>
        %dma_start3A_179 = arith.constant 0 : i32
        %dma_start3A_180 = arith.constant 0 : i32
        %dma_start3A_181 = tpu.memref_slice %arg2[%dma_start3A_179, %dma_start3A_180] : memref<10000x64xf32, #tpu.memory_space<hbm>> -> memref<10000x64xf32, #tpu.memory_space<hbm>>
        tpu.enqueue_indirect_dma source(%dma_start3A_181 : memref<10000x64xf32, #tpu.memory_space<hbm>>) target(%dma_start3A_175 : memref<64x64xf32, #tpu.memory_space<vmem>>) offsets(%dma_start3A_178 : memref<64xi32, #tpu.memory_space<vmem>>) semaphore(%arg21 : memref<!tpu.dma_semaphore, #tpu.memory_space<semaphore_mem>>)
        %dma_start3A_182 = arith.constant 1 : i32
        %dma_start3A_183 = arith.constant 64 : i32
        %dma_start3A_184 = arith.constant 0 : i32
        %dma_start3A_185 = tpu.memref_slice %arg19[%dma_start3A_183, %dma_start3A_184] : memref<128x64xf32, #tpu.memory_space<vmem>> -> memref<64x64xf32, #tpu.memory_space<vmem>>
        %dma_start3A_186 = arith.constant 0 : i32
        %dma_start3A_187 = tpu.memref_slice %arg16[%dma_start3A_182, %dma_start3A_186] : memref<2x64xi32, #tpu.memory_space<vmem>> -> memref<1x64xi32, #tpu.memory_space<vmem>>
        %dma_start3A_188 = tpu.memref_squeeze %dma_start3A_187 : memref<1x64xi32, #tpu.memory_space<vmem>> -> memref<64xi32, #tpu.memory_space<vmem>>
        %dma_start3A_189 = arith.constant 0 : i32
        %dma_start3A_190 = arith.constant 0 : i32
        %dma_start3A_191 = tpu.memref_slice %arg2[%dma_start3A_189, %dma_start3A_190] : memref<10000x64xf32, #tpu.memory_space<hbm>> -> memref<10000x64xf32, #tpu.memory_space<hbm>>
        tpu.enqueue_indirect_dma source(%dma_start3A_191 : memref<10000x64xf32, #tpu.memory_space<hbm>>) target(%dma_start3A_185 : memref<64x64xf32, #tpu.memory_space<vmem>>) offsets(%dma_start3A_188 : memref<64xi32, #tpu.memory_space<vmem>>) semaphore(%arg21 : memref<!tpu.dma_semaphore, #tpu.memory_space<semaphore_mem>>)
        %dma_start3A_192 = arith.constant 0 : i32
        %dma_start3A_193 = arith.constant 0 : i32
        %dma_start3A_194 = arith.constant 0 : i32
        %dma_start3A_195 = tpu.memref_slice %arg20[%dma_start3A_193, %dma_start3A_194] : memref<128x64xf32, #tpu.memory_space<vmem>> -> memref<64x64xf32, #tpu.memory_space<vmem>>
        %dma_start3A_196 = arith.constant 0 : i32
        %dma_start3A_197 = tpu.memref_slice %arg17[%dma_start3A_192, %dma_start3A_196] : memref<2x64xi32, #tpu.memory_space<vmem>> -> memref<1x64xi32, #tpu.memory_space<vmem>>
        %dma_start3A_198 = tpu.memref_squeeze %dma_start3A_197 : memref<1x64xi32, #tpu.memory_space<vmem>> -> memref<64xi32, #tpu.memory_space<vmem>>
        %dma_start3A_199 = arith.constant 0 : i32
        %dma_start3A_200 = arith.constant 0 : i32
        %dma_start3A_201 = tpu.memref_slice %arg3[%dma_start3A_199, %dma_start3A_200] : memref<10000x64xf32, #tpu.memory_space<hbm>> -> memref<10000x64xf32, #tpu.memory_space<hbm>>
        tpu.enqueue_indirect_dma source(%dma_start3A_201 : memref<10000x64xf32, #tpu.memory_space<hbm>>) target(%dma_start3A_195 : memref<64x64xf32, #tpu.memory_space<vmem>>) offsets(%dma_start3A_198 : memref<64xi32, #tpu.memory_space<vmem>>) semaphore(%arg21 : memref<!tpu.dma_semaphore, #tpu.memory_space<semaphore_mem>>)
        %dma_start3A_202 = arith.constant 1 : i32
        %dma_start3A_203 = arith.constant 64 : i32
        %dma_start3A_204 = arith.constant 0 : i32
        %dma_start3A_205 = tpu.memref_slice %arg20[%dma_start3A_203, %dma_start3A_204] : memref<128x64xf32, #tpu.memory_space<vmem>> -> memref<64x64xf32, #tpu.memory_space<vmem>>
        %dma_start3A_206 = arith.constant 0 : i32
        %dma_start3A_207 = tpu.memref_slice %arg17[%dma_start3A_202, %dma_start3A_206] : memref<2x64xi32, #tpu.memory_space<vmem>> -> memref<1x64xi32, #tpu.memory_space<vmem>>
        %dma_start3A_208 = tpu.memref_squeeze %dma_start3A_207 : memref<1x64xi32, #tpu.memory_space<vmem>> -> memref<64xi32, #tpu.memory_space<vmem>>
        %dma_start3A_209 = arith.constant 0 : i32
        %dma_start3A_210 = arith.constant 0 : i32
        %dma_start3A_211 = tpu.memref_slice %arg3[%dma_start3A_209, %dma_start3A_210] : memref<10000x64xf32, #tpu.memory_space<hbm>> -> memref<10000x64xf32, #tpu.memory_space<hbm>>
        tpu.enqueue_indirect_dma source(%dma_start3A_211 : memref<10000x64xf32, #tpu.memory_space<hbm>>) target(%dma_start3A_205 : memref<64x64xf32, #tpu.memory_space<vmem>>) offsets(%dma_start3A_208 : memref<64xi32, #tpu.memory_space<vmem>>) semaphore(%arg21 : memref<!tpu.dma_semaphore, #tpu.memory_space<semaphore_mem>>)
      } else {
      }
      %lt3A_127 = arith.constant 1250 : i32
      %lt3A_128 = arith.cmpi slt, %add3A_109, %lt3A_127 : i32
      %convert_element_type3A_129 = arith.extui %lt3A_128 : i1 to i32
      %cond3A_130 = arith.constant 0 : i32
      %cond3A_131 = arith.cmpi ne, %convert_element_type3A_129, %cond3A_130 : i32
      scf.if %cond3A_131 {
        %parallel_loop3A = arith.constant 0 : i32
        %parallel_loop3A_164 = arith.constant 64 : i32
        %parallel_loop3A_165 = arith.constant 1 : i32
        scf.for %parallel_loop3A_189 = %parallel_loop3A to %parallel_loop3A_164 step %parallel_loop3A_165  : i32 {
          %parallel_loop3A_190 = arith.index_cast %parallel_loop3A_189 : i32 to index
          %parallel_loop3A_191 = arith.constant 0 : index
          %parallel_loop3A_192 = tpu.vector_load %arg11[%parallel_loop3A_190, %parallel_loop3A_191] {strides = array<i32>} : memref<64x128xf32, #tpu.memory_space<vmem>>, vector<1x16xf32>,
          %parallel_loop3A_193 = vector.shape_cast %parallel_loop3A_192 : vector<1x16xf32> to vector<16xf32>
          %parallel_loop3A_194 = arith.index_cast %parallel_loop3A_189 : i32 to index
          %parallel_loop3A_195 = arith.constant 0 : index
          %parallel_loop3A_196 = tpu.vector_load %arg12[%parallel_loop3A_194, %parallel_loop3A_195] {strides = array<i32>} : memref<128x64xf32, #tpu.memory_space<vmem>>, vector<1x16xf32>,
          %parallel_loop3A_197 = vector.shape_cast %parallel_loop3A_196 : vector<1x16xf32> to vector<16xf32>
          %parallel_loop3A_198 = arith.addf %parallel_loop3A_193, %parallel_loop3A_197 : vector<16xf32>
          %parallel_loop3A_199 = arith.index_cast %parallel_loop3A_189 : i32 to index
          %parallel_loop3A_200 = arith.constant 0 : index
          %parallel_loop3A_201 = tpu.vector_load %arg13[%parallel_loop3A_199, %parallel_loop3A_200] {strides = array<i32>} : memref<128x64xf32, #tpu.memory_space<vmem>>, vector<1x16xf32>,
          %parallel_loop3A_202 = vector.shape_cast %parallel_loop3A_201 : vector<1x16xf32> to vector<16xf32>
          %parallel_loop3A_203 = arith.addf %parallel_loop3A_198, %parallel_loop3A_202 : vector<16xf32>
          %parallel_loop3A_204 = arith.constant 0.000000e+00 : f32
          %parallel_loop3A_205 = vector.broadcast %parallel_loop3A_204 : f32 to vector<16xf32>
          %parallel_loop3A_206 = arith.maximumf %parallel_loop3A_203, %parallel_loop3A_205 : vector<16xf32>
          %parallel_loop3A_207 = arith.index_cast %parallel_loop3A_189 : i32 to index
          %parallel_loop3A_208 = arith.constant 0 : index
          %parallel_loop3A_209 = tpu.vector_load %arg12[%parallel_loop3A_207, %parallel_loop3A_208] {strides = array<i32>} : memref<128x64xf32, #tpu.memory_space<vmem>>, vector<1x16xf32>,
          %parallel_loop3A_210 = vector.shape_cast %parallel_loop3A_209 : vector<1x16xf32> to vector<16xf32>
          %parallel_loop3A_211 = vector.shape_cast %parallel_loop3A_206 : vector<16xf32> to vector<1x16xf32>
          tpu.vector_store %arg12[%parallel_loop3A_207, %parallel_loop3A_208], %parallel_loop3A_211 {strides = array<i32>} : memref<128x64xf32, #tpu.memory_space<vmem>>, vector<1x16xf32>,
          %parallel_loop3A_212 = arith.index_cast %parallel_loop3A_189 : i32 to index
          %parallel_loop3A_213 = arith.constant 16 : index
          %parallel_loop3A_214 = tpu.vector_load %arg11[%parallel_loop3A_212, %parallel_loop3A_213] {strides = array<i32>} : memref<64x128xf32, #tpu.memory_space<vmem>>, vector<1x16xf32>,
          %parallel_loop3A_215 = vector.shape_cast %parallel_loop3A_214 : vector<1x16xf32> to vector<16xf32>
          %parallel_loop3A_216 = arith.index_cast %parallel_loop3A_189 : i32 to index
          %parallel_loop3A_217 = arith.constant 16 : index
          %parallel_loop3A_218 = tpu.vector_load %arg12[%parallel_loop3A_216, %parallel_loop3A_217] {strides = array<i32>} : memref<128x64xf32, #tpu.memory_space<vmem>>, vector<1x16xf32>,
          %parallel_loop3A_219 = vector.shape_cast %parallel_loop3A_218 : vector<1x16xf32> to vector<16xf32>
          %parallel_loop3A_220 = arith.addf %parallel_loop3A_215, %parallel_loop3A_219 : vector<16xf32>
          %parallel_loop3A_221 = arith.index_cast %parallel_loop3A_189 : i32 to index
          %parallel_loop3A_222 = arith.constant 16 : index
          %parallel_loop3A_223 = tpu.vector_load %arg13[%parallel_loop3A_221, %parallel_loop3A_222] {strides = array<i32>} : memref<128x64xf32, #tpu.memory_space<vmem>>, vector<1x16xf32>,
          %parallel_loop3A_224 = vector.shape_cast %parallel_loop3A_223 : vector<1x16xf32> to vector<16xf32>
          %parallel_loop3A_225 = arith.addf %parallel_loop3A_220, %parallel_loop3A_224 : vector<16xf32>
          %parallel_loop3A_226 = arith.constant 0.000000e+00 : f32
          %parallel_loop3A_227 = vector.broadcast %parallel_loop3A_226 : f32 to vector<16xf32>
          %parallel_loop3A_228 = arith.maximumf %parallel_loop3A_225, %parallel_loop3A_227 : vector<16xf32>
          %parallel_loop3A_229 = arith.index_cast %parallel_loop3A_189 : i32 to index
          %parallel_loop3A_230 = arith.constant 16 : index
          %parallel_loop3A_231 = tpu.vector_load %arg12[%parallel_loop3A_229, %parallel_loop3A_230] {strides = array<i32>} : memref<128x64xf32, #tpu.memory_space<vmem>>, vector<1x16xf32>,
          %parallel_loop3A_232 = vector.shape_cast %parallel_loop3A_231 : vector<1x16xf32> to vector<16xf32>
          %parallel_loop3A_233 = vector.shape_cast %parallel_loop3A_228 : vector<16xf32> to vector<1x16xf32>
          tpu.vector_store %arg12[%parallel_loop3A_229, %parallel_loop3A_230], %parallel_loop3A_233 {strides = array<i32>} : memref<128x64xf32, #tpu.memory_space<vmem>>, vector<1x16xf32>,
          %parallel_loop3A_234 = arith.index_cast %parallel_loop3A_189 : i32 to index
          %parallel_loop3A_235 = arith.constant 32 : index
          %parallel_loop3A_236 = tpu.vector_load %arg11[%parallel_loop3A_234, %parallel_loop3A_235] {strides = array<i32>} : memref<64x128xf32, #tpu.memory_space<vmem>>, vector<1x16xf32>,
          %parallel_loop3A_237 = vector.shape_cast %parallel_loop3A_236 : vector<1x16xf32> to vector<16xf32>
          %parallel_loop3A_238 = arith.index_cast %parallel_loop3A_189 : i32 to index
          %parallel_loop3A_239 = arith.constant 32 : index
          %parallel_loop3A_240 = tpu.vector_load %arg12[%parallel_loop3A_238, %parallel_loop3A_239] {strides = array<i32>} : memref<128x64xf32, #tpu.memory_space<vmem>>, vector<1x16xf32>,
          %parallel_loop3A_241 = vector.shape_cast %parallel_loop3A_240 : vector<1x16xf32> to vector<16xf32>
          %parallel_loop3A_242 = arith.addf %parallel_loop3A_237, %parallel_loop3A_241 : vector<16xf32>
          %parallel_loop3A_243 = arith.index_cast %parallel_loop3A_189 : i32 to index
          %parallel_loop3A_244 = arith.constant 32 : index
          %parallel_loop3A_245 = tpu.vector_load %arg13[%parallel_loop3A_243, %parallel_loop3A_244] {strides = array<i32>} : memref<128x64xf32, #tpu.memory_space<vmem>>, vector<1x16xf32>,
          %parallel_loop3A_246 = vector.shape_cast %parallel_loop3A_245 : vector<1x16xf32> to vector<16xf32>
          %parallel_loop3A_247 = arith.addf %parallel_loop3A_242, %parallel_loop3A_246 : vector<16xf32>
          %parallel_loop3A_248 = arith.constant 0.000000e+00 : f32
          %parallel_loop3A_249 = vector.broadcast %parallel_loop3A_248 : f32 to vector<16xf32>
          %parallel_loop3A_250 = arith.maximumf %parallel_loop3A_247, %parallel_loop3A_249 : vector<16xf32>
          %parallel_loop3A_251 = arith.index_cast %parallel_loop3A_189 : i32 to index
          %parallel_loop3A_252 = arith.constant 32 : index
          %parallel_loop3A_253 = tpu.vector_load %arg12[%parallel_loop3A_251, %parallel_loop3A_252] {strides = array<i32>} : memref<128x64xf32, #tpu.memory_space<vmem>>, vector<1x16xf32>,
          %parallel_loop3A_254 = vector.shape_cast %parallel_loop3A_253 : vector<1x16xf32> to vector<16xf32>
          %parallel_loop3A_255 = vector.shape_cast %parallel_loop3A_250 : vector<16xf32> to vector<1x16xf32>
          tpu.vector_store %arg12[%parallel_loop3A_251, %parallel_loop3A_252], %parallel_loop3A_255 {strides = array<i32>} : memref<128x64xf32, #tpu.memory_space<vmem>>, vector<1x16xf32>,
          %parallel_loop3A_256 = arith.index_cast %parallel_loop3A_189 : i32 to index
          %parallel_loop3A_257 = arith.constant 48 : index
          %parallel_loop3A_258 = tpu.vector_load %arg11[%parallel_loop3A_256, %parallel_loop3A_257] {strides = array<i32>} : memref<64x128xf32, #tpu.memory_space<vmem>>, vector<1x16xf32>,
          %parallel_loop3A_259 = vector.shape_cast %parallel_loop3A_258 : vector<1x16xf32> to vector<16xf32>
          %parallel_loop3A_260 = arith.index_cast %parallel_loop3A_189 : i32 to index
          %parallel_loop3A_261 = arith.constant 48 : index
          %parallel_loop3A_262 = tpu.vector_load %arg12[%parallel_loop3A_260, %parallel_loop3A_261] {strides = array<i32>} : memref<128x64xf32, #tpu.memory_space<vmem>>, vector<1x16xf32>,
          %parallel_loop3A_263 = vector.shape_cast %parallel_loop3A_262 : vector<1x16xf32> to vector<16xf32>
          %parallel_loop3A_264 = arith.addf %parallel_loop3A_259, %parallel_loop3A_263 : vector<16xf32>
          %parallel_loop3A_265 = arith.index_cast %parallel_loop3A_189 : i32 to index
          %parallel_loop3A_266 = arith.constant 48 : index
          %parallel_loop3A_267 = tpu.vector_load %arg13[%parallel_loop3A_265, %parallel_loop3A_266] {strides = array<i32>} : memref<128x64xf32, #tpu.memory_space<vmem>>, vector<1x16xf32>,
          %parallel_loop3A_268 = vector.shape_cast %parallel_loop3A_267 : vector<1x16xf32> to vector<16xf32>
          %parallel_loop3A_269 = arith.addf %parallel_loop3A_264, %parallel_loop3A_268 : vector<16xf32>
          %parallel_loop3A_270 = arith.constant 0.000000e+00 : f32
          %parallel_loop3A_271 = vector.broadcast %parallel_loop3A_270 : f32 to vector<16xf32>
          %parallel_loop3A_272 = arith.maximumf %parallel_loop3A_269, %parallel_loop3A_271 : vector<16xf32>
          %parallel_loop3A_273 = arith.index_cast %parallel_loop3A_189 : i32 to index
          %parallel_loop3A_274 = arith.constant 48 : index
          %parallel_loop3A_275 = tpu.vector_load %arg12[%parallel_loop3A_273, %parallel_loop3A_274] {strides = array<i32>} : memref<128x64xf32, #tpu.memory_space<vmem>>, vector<1x16xf32>,
          %parallel_loop3A_276 = vector.shape_cast %parallel_loop3A_275 : vector<1x16xf32> to vector<16xf32>
          %parallel_loop3A_277 = vector.shape_cast %parallel_loop3A_272 : vector<16xf32> to vector<1x16xf32>
          tpu.vector_store %arg12[%parallel_loop3A_273, %parallel_loop3A_274], %parallel_loop3A_277 {strides = array<i32>} : memref<128x64xf32, #tpu.memory_space<vmem>>, vector<1x16xf32>,
        } {sc.loop_unroll_factor = 4 : i64, sc.parallel_access}
        %parallel_loop3A_166 = arith.constant 0 : i32
        %parallel_loop3A_167 = arith.constant 64 : i32
        %parallel_loop3A_168 = arith.constant 1 : i32
        scf.for %parallel_loop3A_189 = %parallel_loop3A_166 to %parallel_loop3A_167 step %parallel_loop3A_168  : i32 {
          %parallel_loop3A_190 = arith.constant 64 : i32
          %parallel_loop3A_191 = arith.addi %parallel_loop3A_189, %parallel_loop3A_190 : i32
          %parallel_loop3A_192 = arith.index_cast %parallel_loop3A_189 : i32 to index
          %parallel_loop3A_193 = arith.constant 64 : index
          %parallel_loop3A_194 = tpu.vector_load %arg11[%parallel_loop3A_192, %parallel_loop3A_193] {strides = array<i32>} : memref<64x128xf32, #tpu.memory_space<vmem>>, vector<1x16xf32>,
          %parallel_loop3A_195 = vector.shape_cast %parallel_loop3A_194 : vector<1x16xf32> to vector<16xf32>
          %parallel_loop3A_196 = arith.index_cast %parallel_loop3A_191 : i32 to index
          %parallel_loop3A_197 = arith.constant 0 : index
          %parallel_loop3A_198 = tpu.vector_load %arg12[%parallel_loop3A_196, %parallel_loop3A_197] {strides = array<i32>} : memref<128x64xf32, #tpu.memory_space<vmem>>, vector<1x16xf32>,
          %parallel_loop3A_199 = vector.shape_cast %parallel_loop3A_198 : vector<1x16xf32> to vector<16xf32>
          %parallel_loop3A_200 = arith.addf %parallel_loop3A_195, %parallel_loop3A_199 : vector<16xf32>
          %parallel_loop3A_201 = arith.index_cast %parallel_loop3A_191 : i32 to index
          %parallel_loop3A_202 = arith.constant 0 : index
          %parallel_loop3A_203 = tpu.vector_load %arg13[%parallel_loop3A_201, %parallel_loop3A_202] {strides = array<i32>} : memref<128x64xf32, #tpu.memory_space<vmem>>, vector<1x16xf32>,
          %parallel_loop3A_204 = vector.shape_cast %parallel_loop3A_203 : vector<1x16xf32> to vector<16xf32>
          %parallel_loop3A_205 = arith.addf %parallel_loop3A_200, %parallel_loop3A_204 : vector<16xf32>
          %parallel_loop3A_206 = arith.constant 0.000000e+00 : f32
          %parallel_loop3A_207 = vector.broadcast %parallel_loop3A_206 : f32 to vector<16xf32>
          %parallel_loop3A_208 = arith.maximumf %parallel_loop3A_205, %parallel_loop3A_207 : vector<16xf32>
          %parallel_loop3A_209 = arith.index_cast %parallel_loop3A_191 : i32 to index
          %parallel_loop3A_210 = arith.constant 0 : index
          %parallel_loop3A_211 = tpu.vector_load %arg12[%parallel_loop3A_209, %parallel_loop3A_210] {strides = array<i32>} : memref<128x64xf32, #tpu.memory_space<vmem>>, vector<1x16xf32>,
          %parallel_loop3A_212 = vector.shape_cast %parallel_loop3A_211 : vector<1x16xf32> to vector<16xf32>
          %parallel_loop3A_213 = vector.shape_cast %parallel_loop3A_208 : vector<16xf32> to vector<1x16xf32>
          tpu.vector_store %arg12[%parallel_loop3A_209, %parallel_loop3A_210], %parallel_loop3A_213 {strides = array<i32>} : memref<128x64xf32, #tpu.memory_space<vmem>>, vector<1x16xf32>,
          %parallel_loop3A_214 = arith.index_cast %parallel_loop3A_189 : i32 to index
          %parallel_loop3A_215 = arith.constant 80 : index
          %parallel_loop3A_216 = tpu.vector_load %arg11[%parallel_loop3A_214, %parallel_loop3A_215] {strides = array<i32>} : memref<64x128xf32, #tpu.memory_space<vmem>>, vector<1x16xf32>,
          %parallel_loop3A_217 = vector.shape_cast %parallel_loop3A_216 : vector<1x16xf32> to vector<16xf32>
          %parallel_loop3A_218 = arith.index_cast %parallel_loop3A_191 : i32 to index
          %parallel_loop3A_219 = arith.constant 16 : index
          %parallel_loop3A_220 = tpu.vector_load %arg12[%parallel_loop3A_218, %parallel_loop3A_219] {strides = array<i32>} : memref<128x64xf32, #tpu.memory_space<vmem>>, vector<1x16xf32>,
          %parallel_loop3A_221 = vector.shape_cast %parallel_loop3A_220 : vector<1x16xf32> to vector<16xf32>
          %parallel_loop3A_222 = arith.addf %parallel_loop3A_217, %parallel_loop3A_221 : vector<16xf32>
          %parallel_loop3A_223 = arith.index_cast %parallel_loop3A_191 : i32 to index
          %parallel_loop3A_224 = arith.constant 16 : index
          %parallel_loop3A_225 = tpu.vector_load %arg13[%parallel_loop3A_223, %parallel_loop3A_224] {strides = array<i32>} : memref<128x64xf32, #tpu.memory_space<vmem>>, vector<1x16xf32>,
          %parallel_loop3A_226 = vector.shape_cast %parallel_loop3A_225 : vector<1x16xf32> to vector<16xf32>
          %parallel_loop3A_227 = arith.addf %parallel_loop3A_222, %parallel_loop3A_226 : vector<16xf32>
          %parallel_loop3A_228 = arith.constant 0.000000e+00 : f32
          %parallel_loop3A_229 = vector.broadcast %parallel_loop3A_228 : f32 to vector<16xf32>
          %parallel_loop3A_230 = arith.maximumf %parallel_loop3A_227, %parallel_loop3A_229 : vector<16xf32>
          %parallel_loop3A_231 = arith.index_cast %parallel_loop3A_191 : i32 to index
          %parallel_loop3A_232 = arith.constant 16 : index
          %parallel_loop3A_233 = tpu.vector_load %arg12[%parallel_loop3A_231, %parallel_loop3A_232] {strides = array<i32>} : memref<128x64xf32, #tpu.memory_space<vmem>>, vector<1x16xf32>,
          %parallel_loop3A_234 = vector.shape_cast %parallel_loop3A_233 : vector<1x16xf32> to vector<16xf32>
          %parallel_loop3A_235 = vector.shape_cast %parallel_loop3A_230 : vector<16xf32> to vector<1x16xf32>
          tpu.vector_store %arg12[%parallel_loop3A_231, %parallel_loop3A_232], %parallel_loop3A_235 {strides = array<i32>} : memref<128x64xf32, #tpu.memory_space<vmem>>, vector<1x16xf32>,
          %parallel_loop3A_236 = arith.index_cast %parallel_loop3A_189 : i32 to index
          %parallel_loop3A_237 = arith.constant 96 : index
          %parallel_loop3A_238 = tpu.vector_load %arg11[%parallel_loop3A_236, %parallel_loop3A_237] {strides = array<i32>} : memref<64x128xf32, #tpu.memory_space<vmem>>, vector<1x16xf32>,
          %parallel_loop3A_239 = vector.shape_cast %parallel_loop3A_238 : vector<1x16xf32> to vector<16xf32>
          %parallel_loop3A_240 = arith.index_cast %parallel_loop3A_191 : i32 to index
          %parallel_loop3A_241 = arith.constant 32 : index
          %parallel_loop3A_242 = tpu.vector_load %arg12[%parallel_loop3A_240, %parallel_loop3A_241] {strides = array<i32>} : memref<128x64xf32, #tpu.memory_space<vmem>>, vector<1x16xf32>,
          %parallel_loop3A_243 = vector.shape_cast %parallel_loop3A_242 : vector<1x16xf32> to vector<16xf32>
          %parallel_loop3A_244 = arith.addf %parallel_loop3A_239, %parallel_loop3A_243 : vector<16xf32>
          %parallel_loop3A_245 = arith.index_cast %parallel_loop3A_191 : i32 to index
          %parallel_loop3A_246 = arith.constant 32 : index
          %parallel_loop3A_247 = tpu.vector_load %arg13[%parallel_loop3A_245, %parallel_loop3A_246] {strides = array<i32>} : memref<128x64xf32, #tpu.memory_space<vmem>>, vector<1x16xf32>,
          %parallel_loop3A_248 = vector.shape_cast %parallel_loop3A_247 : vector<1x16xf32> to vector<16xf32>
          %parallel_loop3A_249 = arith.addf %parallel_loop3A_244, %parallel_loop3A_248 : vector<16xf32>
          %parallel_loop3A_250 = arith.constant 0.000000e+00 : f32
          %parallel_loop3A_251 = vector.broadcast %parallel_loop3A_250 : f32 to vector<16xf32>
          %parallel_loop3A_252 = arith.maximumf %parallel_loop3A_249, %parallel_loop3A_251 : vector<16xf32>
          %parallel_loop3A_253 = arith.index_cast %parallel_loop3A_191 : i32 to index
          %parallel_loop3A_254 = arith.constant 32 : index
          %parallel_loop3A_255 = tpu.vector_load %arg12[%parallel_loop3A_253, %parallel_loop3A_254] {strides = array<i32>} : memref<128x64xf32, #tpu.memory_space<vmem>>, vector<1x16xf32>,
          %parallel_loop3A_256 = vector.shape_cast %parallel_loop3A_255 : vector<1x16xf32> to vector<16xf32>
          %parallel_loop3A_257 = vector.shape_cast %parallel_loop3A_252 : vector<16xf32> to vector<1x16xf32>
          tpu.vector_store %arg12[%parallel_loop3A_253, %parallel_loop3A_254], %parallel_loop3A_257 {strides = array<i32>} : memref<128x64xf32, #tpu.memory_space<vmem>>, vector<1x16xf32>,
          %parallel_loop3A_258 = arith.index_cast %parallel_loop3A_189 : i32 to index
          %parallel_loop3A_259 = arith.constant 112 : index
          %parallel_loop3A_260 = tpu.vector_load %arg11[%parallel_loop3A_258, %parallel_loop3A_259] {strides = array<i32>} : memref<64x128xf32, #tpu.memory_space<vmem>>, vector<1x16xf32>,
          %parallel_loop3A_261 = vector.shape_cast %parallel_loop3A_260 : vector<1x16xf32> to vector<16xf32>
          %parallel_loop3A_262 = arith.index_cast %parallel_loop3A_191 : i32 to index
          %parallel_loop3A_263 = arith.constant 48 : index
          %parallel_loop3A_264 = tpu.vector_load %arg12[%parallel_loop3A_262, %parallel_loop3A_263] {strides = array<i32>} : memref<128x64xf32, #tpu.memory_space<vmem>>, vector<1x16xf32>,
          %parallel_loop3A_265 = vector.shape_cast %parallel_loop3A_264 : vector<1x16xf32> to vector<16xf32>
          %parallel_loop3A_266 = arith.addf %parallel_loop3A_261, %parallel_loop3A_265 : vector<16xf32>
          %parallel_loop3A_267 = arith.index_cast %parallel_loop3A_191 : i32 to index
          %parallel_loop3A_268 = arith.constant 48 : index
          %parallel_loop3A_269 = tpu.vector_load %arg13[%parallel_loop3A_267, %parallel_loop3A_268] {strides = array<i32>} : memref<128x64xf32, #tpu.memory_space<vmem>>, vector<1x16xf32>,
          %parallel_loop3A_270 = vector.shape_cast %parallel_loop3A_269 : vector<1x16xf32> to vector<16xf32>
          %parallel_loop3A_271 = arith.addf %parallel_loop3A_266, %parallel_loop3A_270 : vector<16xf32>
          %parallel_loop3A_272 = arith.constant 0.000000e+00 : f32
          %parallel_loop3A_273 = vector.broadcast %parallel_loop3A_272 : f32 to vector<16xf32>
          %parallel_loop3A_274 = arith.maximumf %parallel_loop3A_271, %parallel_loop3A_273 : vector<16xf32>
          %parallel_loop3A_275 = arith.index_cast %parallel_loop3A_191 : i32 to index
          %parallel_loop3A_276 = arith.constant 48 : index
          %parallel_loop3A_277 = tpu.vector_load %arg12[%parallel_loop3A_275, %parallel_loop3A_276] {strides = array<i32>} : memref<128x64xf32, #tpu.memory_space<vmem>>, vector<1x16xf32>,
          %parallel_loop3A_278 = vector.shape_cast %parallel_loop3A_277 : vector<1x16xf32> to vector<16xf32>
          %parallel_loop3A_279 = vector.shape_cast %parallel_loop3A_274 : vector<16xf32> to vector<1x16xf32>
          tpu.vector_store %arg12[%parallel_loop3A_275, %parallel_loop3A_276], %parallel_loop3A_279 {strides = array<i32>} : memref<128x64xf32, #tpu.memory_space<vmem>>, vector<1x16xf32>,
        } {sc.loop_unroll_factor = 4 : i64, sc.parallel_access}
        %dma_start3A_169 = arith.constant 0 : i32
        %dma_start3A_170 = arith.constant 0 : i32
        %dma_start3A_171 = arith.constant 0 : i32
        %dma_start3A_172 = tpu.memref_slice %arg12[%dma_start3A_170, %dma_start3A_171] : memref<128x64xf32, #tpu.memory_space<vmem>> -> memref<64x64xf32, #tpu.memory_space<vmem>>
        %dma_start3A_173 = arith.constant 0 : i32
        %dma_start3A_174 = tpu.memref_slice %arg9[%dma_start3A_169, %dma_start3A_173] : memref<2x64xi32, #tpu.memory_space<vmem>> -> memref<1x64xi32, #tpu.memory_space<vmem>>
        %dma_start3A_175 = tpu.memref_squeeze %dma_start3A_174 : memref<1x64xi32, #tpu.memory_space<vmem>> -> memref<64xi32, #tpu.memory_space<vmem>>
        %dma_start3A_176 = arith.constant 0 : i32
        %dma_start3A_177 = arith.constant 0 : i32
        %dma_start3A_178 = tpu.memref_slice %arg23[%dma_start3A_176, %dma_start3A_177] : memref<10000x64xf32, #tpu.memory_space<vmem_shared>> -> memref<10000x64xf32, #tpu.memory_space<vmem_shared>>
        tpu.enqueue_indirect_dma source(%dma_start3A_172 : memref<64x64xf32, #tpu.memory_space<vmem>>) target(%dma_start3A_178 : memref<10000x64xf32, #tpu.memory_space<vmem_shared>>) offsets(%dma_start3A_175 : memref<64xi32, #tpu.memory_space<vmem>>) semaphore(%arg15 : memref<!tpu.dma_semaphore, #tpu.memory_space<semaphore_mem>>) {add = true}
        %dma_start3A_179 = arith.constant 1 : i32
        %dma_start3A_180 = arith.constant 64 : i32
        %dma_start3A_181 = arith.constant 0 : i32
        %dma_start3A_182 = tpu.memref_slice %arg12[%dma_start3A_180, %dma_start3A_181] : memref<128x64xf32, #tpu.memory_space<vmem>> -> memref<64x64xf32, #tpu.memory_space<vmem>>
        %dma_start3A_183 = arith.constant 0 : i32
        %dma_start3A_184 = tpu.memref_slice %arg9[%dma_start3A_179, %dma_start3A_183] : memref<2x64xi32, #tpu.memory_space<vmem>> -> memref<1x64xi32, #tpu.memory_space<vmem>>
        %dma_start3A_185 = tpu.memref_squeeze %dma_start3A_184 : memref<1x64xi32, #tpu.memory_space<vmem>> -> memref<64xi32, #tpu.memory_space<vmem>>
        %dma_start3A_186 = arith.constant 0 : i32
        %dma_start3A_187 = arith.constant 0 : i32
        %dma_start3A_188 = tpu.memref_slice %arg23[%dma_start3A_186, %dma_start3A_187] : memref<10000x64xf32, #tpu.memory_space<vmem_shared>> -> memref<10000x64xf32, #tpu.memory_space<vmem_shared>>
        tpu.enqueue_indirect_dma source(%dma_start3A_182 : memref<64x64xf32, #tpu.memory_space<vmem>>) target(%dma_start3A_188 : memref<10000x64xf32, #tpu.memory_space<vmem_shared>>) offsets(%dma_start3A_185 : memref<64xi32, #tpu.memory_space<vmem>>) semaphore(%arg15 : memref<!tpu.dma_semaphore, #tpu.memory_space<semaphore_mem>>) {add = true}
      } else {
      }
      %mul3A_132 = arith.constant 2 : i32
      %mul3A_133 = arith.muli %mul3A_132, %scan3A_102 : i32
      %add3A_134 = arith.constant 1 : i32
      %add3A_135 = arith.addi %mul3A_133, %add3A_134 : i32
      %mul3A_136 = arith.constant 32 : i32
      %mul3A_137 = arith.muli %add3A_135, %mul3A_136 : i32
      %add3A_138 = arith.addi %add3A, %mul3A_137 : i32
      %add3A_139 = arith.constant 32 : i32
      %add3A_140 = arith.addi %add3A_138, %add3A_139 : i32
      %lt3A_141 = arith.constant 1250 : i32
      %lt3A_142 = arith.cmpi slt, %add3A_138, %lt3A_141 : i32
      %convert_element_type3A_143 = arith.extui %lt3A_142 : i1 to i32
      %cond3A_144 = arith.constant 0 : i32
      %cond3A_145 = arith.cmpi ne, %convert_element_type3A_143, %cond3A_144 : i32
      scf.if %cond3A_145 {
        %dma_wait3A_164 = arith.constant 0 : i32
        %dma_wait3A_165 = arith.constant 0 : i32
        %dma_wait3A_166 = tpu.memref_slice %arg4[%add3A_138, %dma_wait3A_164, %dma_wait3A_165] : memref<1250x64x128xf32, #tpu.memory_space<hbm>> -> memref<1x64x128xf32, #tpu.memory_space<hbm>>
        %dma_wait3A_167 = tpu.memref_squeeze %dma_wait3A_166 : memref<1x64x128xf32, #tpu.memory_space<hbm>> -> memref<64x128xf32, #tpu.memory_space<hbm>>
        %dma_wait3A_168 = arith.constant 0 : i32
        %dma_wait3A_169 = arith.constant 0 : i32
        %dma_wait3A_170 = tpu.memref_slice %arg4[%add3A_138, %dma_wait3A_168, %dma_wait3A_169] : memref<1250x64x128xf32, #tpu.memory_space<hbm>> -> memref<1x64x128xf32, #tpu.memory_space<hbm>>
        %dma_wait3A_171 = tpu.memref_squeeze %dma_wait3A_170 : memref<1x64x128xf32, #tpu.memory_space<hbm>> -> memref<64x128xf32, #tpu.memory_space<hbm>>
        tpu.wait_dma2 semaphore(%arg21 : memref<!tpu.dma_semaphore, #tpu.memory_space<semaphore_mem>>) src(%dma_wait3A_171 : memref<64x128xf32, #tpu.memory_space<hbm>>) dst(%arg18 : memref<64x128xf32, #tpu.memory_space<vmem>>)
        %dma_wait3A_172 = arith.constant 0 : i32
        %dma_wait3A_173 = arith.constant 0 : i32
        %dma_wait3A_174 = arith.constant 0 : i32
        %dma_wait3A_175 = tpu.memref_slice %arg19[%dma_wait3A_173, %dma_wait3A_174] : memref<128x64xf32, #tpu.memory_space<vmem>> -> memref<64x64xf32, #tpu.memory_space<vmem>>
        %dma_wait3A_176 = arith.constant 0 : i32
        %dma_wait3A_177 = tpu.memref_slice %arg16[%dma_wait3A_172, %dma_wait3A_176] : memref<2x64xi32, #tpu.memory_space<vmem>> -> memref<1x64xi32, #tpu.memory_space<vmem>>
        %dma_wait3A_178 = tpu.memref_squeeze %dma_wait3A_177 : memref<1x64xi32, #tpu.memory_space<vmem>> -> memref<64xi32, #tpu.memory_space<vmem>>
        %dma_wait3A_179 = arith.constant 0 : i32
        %dma_wait3A_180 = arith.constant 0 : i32
        %dma_wait3A_181 = tpu.memref_slice %arg2[%dma_wait3A_179, %dma_wait3A_180] : memref<10000x64xf32, #tpu.memory_space<hbm>> -> memref<10000x64xf32, #tpu.memory_space<hbm>>
        tpu.wait_indirect_dma semaphore(%arg21 : memref<!tpu.dma_semaphore, #tpu.memory_space<semaphore_mem>>) src(%dma_wait3A_181 : memref<10000x64xf32, #tpu.memory_space<hbm>>) dst(%dma_wait3A_175 : memref<64x64xf32, #tpu.memory_space<vmem>>)
        %dma_wait3A_182 = arith.constant 1 : i32
        %dma_wait3A_183 = arith.constant 64 : i32
        %dma_wait3A_184 = arith.constant 0 : i32
        %dma_wait3A_185 = tpu.memref_slice %arg19[%dma_wait3A_183, %dma_wait3A_184] : memref<128x64xf32, #tpu.memory_space<vmem>> -> memref<64x64xf32, #tpu.memory_space<vmem>>
        %dma_wait3A_186 = arith.constant 0 : i32
        %dma_wait3A_187 = tpu.memref_slice %arg16[%dma_wait3A_182, %dma_wait3A_186] : memref<2x64xi32, #tpu.memory_space<vmem>> -> memref<1x64xi32, #tpu.memory_space<vmem>>
        %dma_wait3A_188 = tpu.memref_squeeze %dma_wait3A_187 : memref<1x64xi32, #tpu.memory_space<vmem>> -> memref<64xi32, #tpu.memory_space<vmem>>
        %dma_wait3A_189 = arith.constant 0 : i32
        %dma_wait3A_190 = arith.constant 0 : i32
        %dma_wait3A_191 = tpu.memref_slice %arg2[%dma_wait3A_189, %dma_wait3A_190] : memref<10000x64xf32, #tpu.memory_space<hbm>> -> memref<10000x64xf32, #tpu.memory_space<hbm>>
        tpu.wait_indirect_dma semaphore(%arg21 : memref<!tpu.dma_semaphore, #tpu.memory_space<semaphore_mem>>) src(%dma_wait3A_191 : memref<10000x64xf32, #tpu.memory_space<hbm>>) dst(%dma_wait3A_185 : memref<64x64xf32, #tpu.memory_space<vmem>>)
        %dma_wait3A_192 = arith.constant 0 : i32
        %dma_wait3A_193 = arith.constant 0 : i32
        %dma_wait3A_194 = arith.constant 0 : i32
        %dma_wait3A_195 = tpu.memref_slice %arg20[%dma_wait3A_193, %dma_wait3A_194] : memref<128x64xf32, #tpu.memory_space<vmem>> -> memref<64x64xf32, #tpu.memory_space<vmem>>
        %dma_wait3A_196 = arith.constant 0 : i32
        %dma_wait3A_197 = tpu.memref_slice %arg17[%dma_wait3A_192, %dma_wait3A_196] : memref<2x64xi32, #tpu.memory_space<vmem>> -> memref<1x64xi32, #tpu.memory_space<vmem>>
        %dma_wait3A_198 = tpu.memref_squeeze %dma_wait3A_197 : memref<1x64xi32, #tpu.memory_space<vmem>> -> memref<64xi32, #tpu.memory_space<vmem>>
        %dma_wait3A_199 = arith.constant 0 : i32
        %dma_wait3A_200 = arith.constant 0 : i32
        %dma_wait3A_201 = tpu.memref_slice %arg3[%dma_wait3A_199, %dma_wait3A_200] : memref<10000x64xf32, #tpu.memory_space<hbm>> -> memref<10000x64xf32, #tpu.memory_space<hbm>>
        tpu.wait_indirect_dma semaphore(%arg21 : memref<!tpu.dma_semaphore, #tpu.memory_space<semaphore_mem>>) src(%dma_wait3A_201 : memref<10000x64xf32, #tpu.memory_space<hbm>>) dst(%dma_wait3A_195 : memref<64x64xf32, #tpu.memory_space<vmem>>)
        %dma_wait3A_202 = arith.constant 1 : i32
        %dma_wait3A_203 = arith.constant 64 : i32
        %dma_wait3A_204 = arith.constant 0 : i32
        %dma_wait3A_205 = tpu.memref_slice %arg20[%dma_wait3A_203, %dma_wait3A_204] : memref<128x64xf32, #tpu.memory_space<vmem>> -> memref<64x64xf32, #tpu.memory_space<vmem>>
        %dma_wait3A_206 = arith.constant 0 : i32
        %dma_wait3A_207 = tpu.memref_slice %arg17[%dma_wait3A_202, %dma_wait3A_206] : memref<2x64xi32, #tpu.memory_space<vmem>> -> memref<1x64xi32, #tpu.memory_space<vmem>>
        %dma_wait3A_208 = tpu.memref_squeeze %dma_wait3A_207 : memref<1x64xi32, #tpu.memory_space<vmem>> -> memref<64xi32, #tpu.memory_space<vmem>>
        %dma_wait3A_209 = arith.constant 0 : i32
        %dma_wait3A_210 = arith.constant 0 : i32
        %dma_wait3A_211 = tpu.memref_slice %arg3[%dma_wait3A_209, %dma_wait3A_210] : memref<10000x64xf32, #tpu.memory_space<hbm>> -> memref<10000x64xf32, #tpu.memory_space<hbm>>
        tpu.wait_indirect_dma semaphore(%arg21 : memref<!tpu.dma_semaphore, #tpu.memory_space<semaphore_mem>>) src(%dma_wait3A_211 : memref<10000x64xf32, #tpu.memory_space<hbm>>) dst(%dma_wait3A_205 : memref<64x64xf32, #tpu.memory_space<vmem>>)
      } else {
      }
      %lt3A_146 = arith.constant 1250 : i32
      %lt3A_147 = arith.cmpi slt, %add3A_140, %lt3A_146 : i32
      %ge3A_148 = arith.constant 1 : i32
      %ge3A_149 = arith.cmpi sge, %add3A_135, %ge3A_148 : i32
      %and3A_150 = arith.andi %lt3A_147, %ge3A_149 : i1
      %convert_element_type3A_151 = arith.extui %and3A_150 : i1 to i32
      %cond3A_152 = arith.constant 0 : i32
      %cond3A_153 = arith.cmpi ne, %convert_element_type3A_151, %cond3A_152 : i32
      scf.if %cond3A_153 {
        %dma_wait3A_164 = arith.constant 0 : i32
        %dma_wait3A_165 = arith.constant 0 : i32
        %dma_wait3A_166 = arith.constant 0 : i32
        %dma_wait3A_167 = tpu.memref_slice %arg12[%dma_wait3A_165, %dma_wait3A_166] : memref<128x64xf32, #tpu.memory_space<vmem>> -> memref<64x64xf32, #tpu.memory_space<vmem>>
        %dma_wait3A_168 = arith.constant 0 : i32
        %dma_wait3A_169 = tpu.memref_slice %arg9[%dma_wait3A_164, %dma_wait3A_168] : memref<2x64xi32, #tpu.memory_space<vmem>> -> memref<1x64xi32, #tpu.memory_space<vmem>>
        %dma_wait3A_170 = tpu.memref_squeeze %dma_wait3A_169 : memref<1x64xi32, #tpu.memory_space<vmem>> -> memref<64xi32, #tpu.memory_space<vmem>>
        %dma_wait3A_171 = arith.constant 0 : i32
        %dma_wait3A_172 = arith.constant 0 : i32
        %dma_wait3A_173 = tpu.memref_slice %arg23[%dma_wait3A_171, %dma_wait3A_172] : memref<10000x64xf32, #tpu.memory_space<vmem_shared>> -> memref<10000x64xf32, #tpu.memory_space<vmem_shared>>
        tpu.wait_indirect_dma semaphore(%arg15 : memref<!tpu.dma_semaphore, #tpu.memory_space<semaphore_mem>>) src(%dma_wait3A_167 : memref<64x64xf32, #tpu.memory_space<vmem>>) dst(%dma_wait3A_173 : memref<10000x64xf32, #tpu.memory_space<vmem_shared>>)
        %dma_wait3A_174 = arith.constant 1 : i32
        %dma_wait3A_175 = arith.constant 64 : i32
        %dma_wait3A_176 = arith.constant 0 : i32
        %dma_wait3A_177 = tpu.memref_slice %arg12[%dma_wait3A_175, %dma_wait3A_176] : memref<128x64xf32, #tpu.memory_space<vmem>> -> memref<64x64xf32, #tpu.memory_space<vmem>>
        %dma_wait3A_178 = arith.constant 0 : i32
        %dma_wait3A_179 = tpu.memref_slice %arg9[%dma_wait3A_174, %dma_wait3A_178] : memref<2x64xi32, #tpu.memory_space<vmem>> -> memref<1x64xi32, #tpu.memory_space<vmem>>
        %dma_wait3A_180 = tpu.memref_squeeze %dma_wait3A_179 : memref<1x64xi32, #tpu.memory_space<vmem>> -> memref<64xi32, #tpu.memory_space<vmem>>
        %dma_wait3A_181 = arith.constant 0 : i32
        %dma_wait3A_182 = arith.constant 0 : i32
        %dma_wait3A_183 = tpu.memref_slice %arg23[%dma_wait3A_181, %dma_wait3A_182] : memref<10000x64xf32, #tpu.memory_space<vmem_shared>> -> memref<10000x64xf32, #tpu.memory_space<vmem_shared>>
        tpu.wait_indirect_dma semaphore(%arg15 : memref<!tpu.dma_semaphore, #tpu.memory_space<semaphore_mem>>) src(%dma_wait3A_177 : memref<64x64xf32, #tpu.memory_space<vmem>>) dst(%dma_wait3A_183 : memref<10000x64xf32, #tpu.memory_space<vmem_shared>>)
      } else {
      }
      %lt3A_154 = arith.constant 1250 : i32
      %lt3A_155 = arith.cmpi slt, %add3A_140, %lt3A_154 : i32
      %convert_element_type3A_156 = arith.extui %lt3A_155 : i1 to i32
      %cond3A_157 = arith.constant 0 : i32
      %cond3A_158 = arith.cmpi ne, %convert_element_type3A_156, %cond3A_157 : i32
      scf.if %cond3A_158 {
        "tpu.region"() ({
          %run_scoped3A = tpu.sem_alloc : memref<!tpu.dma_semaphore, #tpu.memory_space<semaphore_mem>>
          %dma_start3A_212 = arith.constant 0 : i32
          %dma_start3A_213 = arith.constant 0 : i32
          %dma_start3A_214 = tpu.memref_slice %arg5[%add3A_140, %dma_start3A_212, %dma_start3A_213] : memref<1250x2x64xi32, #tpu.memory_space<hbm>> -> memref<1x2x64xi32, #tpu.memory_space<hbm>>
          %dma_start3A_215 = tpu.memref_squeeze %dma_start3A_214 : memref<1x2x64xi32, #tpu.memory_space<hbm>> -> memref<2x64xi32, #tpu.memory_space<hbm>>
          %dma_start3A_216 = arith.constant 0 : i32
          %dma_start3A_217 = arith.constant 0 : i32
          %dma_start3A_218 = tpu.memref_slice %arg5[%add3A_140, %dma_start3A_216, %dma_start3A_217] : memref<1250x2x64xi32, #tpu.memory_space<hbm>> -> memref<1x2x64xi32, #tpu.memory_space<hbm>>
          %dma_start3A_219 = tpu.memref_squeeze %dma_start3A_218 : memref<1x2x64xi32, #tpu.memory_space<hbm>> -> memref<2x64xi32, #tpu.memory_space<hbm>>
          tpu.enqueue_dma source(%dma_start3A_219 : memref<2x64xi32, #tpu.memory_space<hbm>>) target(%arg9 : memref<2x64xi32, #tpu.memory_space<vmem>>) target_semaphore(%run_scoped3A : memref<!tpu.dma_semaphore, #tpu.memory_space<semaphore_mem>>)
          %dma_wait3A_220 = arith.constant 0 : i32
          %dma_wait3A_221 = arith.constant 0 : i32
          %dma_wait3A_222 = tpu.memref_slice %arg5[%add3A_140, %dma_wait3A_220, %dma_wait3A_221] : memref<1250x2x64xi32, #tpu.memory_space<hbm>> -> memref<1x2x64xi32, #tpu.memory_space<hbm>>
          %dma_wait3A_223 = tpu.memref_squeeze %dma_wait3A_222 : memref<1x2x64xi32, #tpu.memory_space<hbm>> -> memref<2x64xi32, #tpu.memory_space<hbm>>
          %dma_wait3A_224 = arith.constant 0 : i32
          %dma_wait3A_225 = arith.constant 0 : i32
          %dma_wait3A_226 = tpu.memref_slice %arg5[%add3A_140, %dma_wait3A_224, %dma_wait3A_225] : memref<1250x2x64xi32, #tpu.memory_space<hbm>> -> memref<1x2x64xi32, #tpu.memory_space<hbm>>
          %dma_wait3A_227 = tpu.memref_squeeze %dma_wait3A_226 : memref<1x2x64xi32, #tpu.memory_space<hbm>> -> memref<2x64xi32, #tpu.memory_space<hbm>>
          tpu.wait_dma2 semaphore(%run_scoped3A : memref<!tpu.dma_semaphore, #tpu.memory_space<semaphore_mem>>) src(%dma_wait3A_227 : memref<2x64xi32, #tpu.memory_space<hbm>>) dst(%arg9 : memref<2x64xi32, #tpu.memory_space<vmem>>)
          tpu.yield
        }) : () -> ()
        "tpu.region"() ({
          %run_scoped3A = tpu.sem_alloc : memref<!tpu.dma_semaphore, #tpu.memory_space<semaphore_mem>>
          %dma_start3A_212 = arith.constant 0 : i32
          %dma_start3A_213 = arith.constant 0 : i32
          %dma_start3A_214 = tpu.memref_slice %arg6[%add3A_140, %dma_start3A_212, %dma_start3A_213] : memref<1250x2x64xi32, #tpu.memory_space<hbm>> -> memref<1x2x64xi32, #tpu.memory_space<hbm>>
          %dma_start3A_215 = tpu.memref_squeeze %dma_start3A_214 : memref<1x2x64xi32, #tpu.memory_space<hbm>> -> memref<2x64xi32, #tpu.memory_space<hbm>>
          %dma_start3A_216 = arith.constant 0 : i32
          %dma_start3A_217 = arith.constant 0 : i32
          %dma_start3A_218 = tpu.memref_slice %arg6[%add3A_140, %dma_start3A_216, %dma_start3A_217] : memref<1250x2x64xi32, #tpu.memory_space<hbm>> -> memref<1x2x64xi32, #tpu.memory_space<hbm>>
          %dma_start3A_219 = tpu.memref_squeeze %dma_start3A_218 : memref<1x2x64xi32, #tpu.memory_space<hbm>> -> memref<2x64xi32, #tpu.memory_space<hbm>>
          tpu.enqueue_dma source(%dma_start3A_219 : memref<2x64xi32, #tpu.memory_space<hbm>>) target(%arg10 : memref<2x64xi32, #tpu.memory_space<vmem>>) target_semaphore(%run_scoped3A : memref<!tpu.dma_semaphore, #tpu.memory_space<semaphore_mem>>)
          %dma_wait3A_220 = arith.constant 0 : i32
          %dma_wait3A_221 = arith.constant 0 : i32
          %dma_wait3A_222 = tpu.memref_slice %arg6[%add3A_140, %dma_wait3A_220, %dma_wait3A_221] : memref<1250x2x64xi32, #tpu.memory_space<hbm>> -> memref<1x2x64xi32, #tpu.memory_space<hbm>>
          %dma_wait3A_223 = tpu.memref_squeeze %dma_wait3A_222 : memref<1x2x64xi32, #tpu.memory_space<hbm>> -> memref<2x64xi32, #tpu.memory_space<hbm>>
          %dma_wait3A_224 = arith.constant 0 : i32
          %dma_wait3A_225 = arith.constant 0 : i32
          %dma_wait3A_226 = tpu.memref_slice %arg6[%add3A_140, %dma_wait3A_224, %dma_wait3A_225] : memref<1250x2x64xi32, #tpu.memory_space<hbm>> -> memref<1x2x64xi32, #tpu.memory_space<hbm>>
          %dma_wait3A_227 = tpu.memref_squeeze %dma_wait3A_226 : memref<1x2x64xi32, #tpu.memory_space<hbm>> -> memref<2x64xi32, #tpu.memory_space<hbm>>
          tpu.wait_dma2 semaphore(%run_scoped3A : memref<!tpu.dma_semaphore, #tpu.memory_space<semaphore_mem>>) src(%dma_wait3A_227 : memref<2x64xi32, #tpu.memory_space<hbm>>) dst(%arg10 : memref<2x64xi32, #tpu.memory_space<vmem>>)
          tpu.yield
        }) : () -> ()
        %dma_start3A_164 = arith.constant 0 : i32
        %dma_start3A_165 = arith.constant 0 : i32
        %dma_start3A_166 = tpu.memref_slice %arg4[%add3A_140, %dma_start3A_164, %dma_start3A_165] : memref<1250x64x128xf32, #tpu.memory_space<hbm>> -> memref<1x64x128xf32, #tpu.memory_space<hbm>>
        %dma_start3A_167 = tpu.memref_squeeze %dma_start3A_166 : memref<1x64x128xf32, #tpu.memory_space<hbm>> -> memref<64x128xf32, #tpu.memory_space<hbm>>
        %dma_start3A_168 = arith.constant 0 : i32
        %dma_start3A_169 = arith.constant 0 : i32
        %dma_start3A_170 = tpu.memref_slice %arg4[%add3A_140, %dma_start3A_168, %dma_start3A_169] : memref<1250x64x128xf32, #tpu.memory_space<hbm>> -> memref<1x64x128xf32, #tpu.memory_space<hbm>>
        %dma_start3A_171 = tpu.memref_squeeze %dma_start3A_170 : memref<1x64x128xf32, #tpu.memory_space<hbm>> -> memref<64x128xf32, #tpu.memory_space<hbm>>
        tpu.enqueue_dma source(%dma_start3A_171 : memref<64x128xf32, #tpu.memory_space<hbm>>) target(%arg11 : memref<64x128xf32, #tpu.memory_space<vmem>>) target_semaphore(%arg14 : memref<!tpu.dma_semaphore, #tpu.memory_space<semaphore_mem>>)
        %dma_start3A_172 = arith.constant 0 : i32
        %dma_start3A_173 = arith.constant 0 : i32
        %dma_start3A_174 = arith.constant 0 : i32
        %dma_start3A_175 = tpu.memref_slice %arg12[%dma_start3A_173, %dma_start3A_174] : memref<128x64xf32, #tpu.memory_space<vmem>> -> memref<64x64xf32, #tpu.memory_space<vmem>>
        %dma_start3A_176 = arith.constant 0 : i32
        %dma_start3A_177 = tpu.memref_slice %arg9[%dma_start3A_172, %dma_start3A_176] : memref<2x64xi32, #tpu.memory_space<vmem>> -> memref<1x64xi32, #tpu.memory_space<vmem>>
        %dma_start3A_178 = tpu.memref_squeeze %dma_start3A_177 : memref<1x64xi32, #tpu.memory_space<vmem>> -> memref<64xi32, #tpu.memory_space<vmem>>
        %dma_start3A_179 = arith.constant 0 : i32
        %dma_start3A_180 = arith.constant 0 : i32
        %dma_start3A_181 = tpu.memref_slice %arg2[%dma_start3A_179, %dma_start3A_180] : memref<10000x64xf32, #tpu.memory_space<hbm>> -> memref<10000x64xf32, #tpu.memory_space<hbm>>
        tpu.enqueue_indirect_dma source(%dma_start3A_181 : memref<10000x64xf32, #tpu.memory_space<hbm>>) target(%dma_start3A_175 : memref<64x64xf32, #tpu.memory_space<vmem>>) offsets(%dma_start3A_178 : memref<64xi32, #tpu.memory_space<vmem>>) semaphore(%arg14 : memref<!tpu.dma_semaphore, #tpu.memory_space<semaphore_mem>>)
        %dma_start3A_182 = arith.constant 1 : i32
        %dma_start3A_183 = arith.constant 64 : i32
        %dma_start3A_184 = arith.constant 0 : i32
        %dma_start3A_185 = tpu.memref_slice %arg12[%dma_start3A_183, %dma_start3A_184] : memref<128x64xf32, #tpu.memory_space<vmem>> -> memref<64x64xf32, #tpu.memory_space<vmem>>
        %dma_start3A_186 = arith.constant 0 : i32
        %dma_start3A_187 = tpu.memref_slice %arg9[%dma_start3A_182, %dma_start3A_186] : memref<2x64xi32, #tpu.memory_space<vmem>> -> memref<1x64xi32, #tpu.memory_space<vmem>>
        %dma_start3A_188 = tpu.memref_squeeze %dma_start3A_187 : memref<1x64xi32, #tpu.memory_space<vmem>> -> memref<64xi32, #tpu.memory_space<vmem>>
        %dma_start3A_189 = arith.constant 0 : i32
        %dma_start3A_190 = arith.constant 0 : i32
        %dma_start3A_191 = tpu.memref_slice %arg2[%dma_start3A_189, %dma_start3A_190] : memref<10000x64xf32, #tpu.memory_space<hbm>> -> memref<10000x64xf32, #tpu.memory_space<hbm>>
        tpu.enqueue_indirect_dma source(%dma_start3A_191 : memref<10000x64xf32, #tpu.memory_space<hbm>>) target(%dma_start3A_185 : memref<64x64xf32, #tpu.memory_space<vmem>>) offsets(%dma_start3A_188 : memref<64xi32, #tpu.memory_space<vmem>>) semaphore(%arg14 : memref<!tpu.dma_semaphore, #tpu.memory_space<semaphore_mem>>)
        %dma_start3A_192 = arith.constant 0 : i32
        %dma_start3A_193 = arith.constant 0 : i32
        %dma_start3A_194 = arith.constant 0 : i32
        %dma_start3A_195 = tpu.memref_slice %arg13[%dma_start3A_193, %dma_start3A_194] : memref<128x64xf32, #tpu.memory_space<vmem>> -> memref<64x64xf32, #tpu.memory_space<vmem>>
        %dma_start3A_196 = arith.constant 0 : i32
        %dma_start3A_197 = tpu.memref_slice %arg10[%dma_start3A_192, %dma_start3A_196] : memref<2x64xi32, #tpu.memory_space<vmem>> -> memref<1x64xi32, #tpu.memory_space<vmem>>
        %dma_start3A_198 = tpu.memref_squeeze %dma_start3A_197 : memref<1x64xi32, #tpu.memory_space<vmem>> -> memref<64xi32, #tpu.memory_space<vmem>>
        %dma_start3A_199 = arith.constant 0 : i32
        %dma_start3A_200 = arith.constant 0 : i32
        %dma_start3A_201 = tpu.memref_slice %arg3[%dma_start3A_199, %dma_start3A_200] : memref<10000x64xf32, #tpu.memory_space<hbm>> -> memref<10000x64xf32, #tpu.memory_space<hbm>>
        tpu.enqueue_indirect_dma source(%dma_start3A_201 : memref<10000x64xf32, #tpu.memory_space<hbm>>) target(%dma_start3A_195 : memref<64x64xf32, #tpu.memory_space<vmem>>) offsets(%dma_start3A_198 : memref<64xi32, #tpu.memory_space<vmem>>) semaphore(%arg14 : memref<!tpu.dma_semaphore, #tpu.memory_space<semaphore_mem>>)
        %dma_start3A_202 = arith.constant 1 : i32
        %dma_start3A_203 = arith.constant 64 : i32
        %dma_start3A_204 = arith.constant 0 : i32
        %dma_start3A_205 = tpu.memref_slice %arg13[%dma_start3A_203, %dma_start3A_204] : memref<128x64xf32, #tpu.memory_space<vmem>> -> memref<64x64xf32, #tpu.memory_space<vmem>>
        %dma_start3A_206 = arith.constant 0 : i32
        %dma_start3A_207 = tpu.memref_slice %arg10[%dma_start3A_202, %dma_start3A_206] : memref<2x64xi32, #tpu.memory_space<vmem>> -> memref<1x64xi32, #tpu.memory_space<vmem>>
        %dma_start3A_208 = tpu.memref_squeeze %dma_start3A_207 : memref<1x64xi32, #tpu.memory_space<vmem>> -> memref<64xi32, #tpu.memory_space<vmem>>
        %dma_start3A_209 = arith.constant 0 : i32
        %dma_start3A_210 = arith.constant 0 : i32
        %dma_start3A_211 = tpu.memref_slice %arg3[%dma_start3A_209, %dma_start3A_210] : memref<10000x64xf32, #tpu.memory_space<hbm>> -> memref<10000x64xf32, #tpu.memory_space<hbm>>
        tpu.enqueue_indirect_dma source(%dma_start3A_211 : memref<10000x64xf32, #tpu.memory_space<hbm>>) target(%dma_start3A_205 : memref<64x64xf32, #tpu.memory_space<vmem>>) offsets(%dma_start3A_208 : memref<64xi32, #tpu.memory_space<vmem>>) semaphore(%arg14 : memref<!tpu.dma_semaphore, #tpu.memory_space<semaphore_mem>>)
      } else {
      }
      %lt3A_159 = arith.constant 1250 : i32
      %lt3A_160 = arith.cmpi slt, %add3A_138, %lt3A_159 : i32
      %convert_element_type3A_161 = arith.extui %lt3A_160 : i1 to i32
      %cond3A_162 = arith.constant 0 : i32
      %cond3A_163 = arith.cmpi ne, %convert_element_type3A_161, %cond3A_162 : i32
      scf.if %cond3A_163 {
        %parallel_loop3A = arith.constant 0 : i32
        %parallel_loop3A_164 = arith.constant 64 : i32
        %parallel_loop3A_165 = arith.constant 1 : i32
        scf.for %parallel_loop3A_189 = %parallel_loop3A to %parallel_loop3A_164 step %parallel_loop3A_165  : i32 {
          %parallel_loop3A_190 = arith.index_cast %parallel_loop3A_189 : i32 to index
          %parallel_loop3A_191 = arith.constant 0 : index
          %parallel_loop3A_192 = tpu.vector_load %arg18[%parallel_loop3A_190, %parallel_loop3A_191] {strides = array<i32>} : memref<64x128xf32, #tpu.memory_space<vmem>>, vector<1x16xf32>,
          %parallel_loop3A_193 = vector.shape_cast %parallel_loop3A_192 : vector<1x16xf32> to vector<16xf32>
          %parallel_loop3A_194 = arith.index_cast %parallel_loop3A_189 : i32 to index
          %parallel_loop3A_195 = arith.constant 0 : index
          %parallel_loop3A_196 = tpu.vector_load %arg19[%parallel_loop3A_194, %parallel_loop3A_195] {strides = array<i32>} : memref<128x64xf32, #tpu.memory_space<vmem>>, vector<1x16xf32>,
          %parallel_loop3A_197 = vector.shape_cast %parallel_loop3A_196 : vector<1x16xf32> to vector<16xf32>
          %parallel_loop3A_198 = arith.addf %parallel_loop3A_193, %parallel_loop3A_197 : vector<16xf32>
          %parallel_loop3A_199 = arith.index_cast %parallel_loop3A_189 : i32 to index
          %parallel_loop3A_200 = arith.constant 0 : index
          %parallel_loop3A_201 = tpu.vector_load %arg20[%parallel_loop3A_199, %parallel_loop3A_200] {strides = array<i32>} : memref<128x64xf32, #tpu.memory_space<vmem>>, vector<1x16xf32>,
          %parallel_loop3A_202 = vector.shape_cast %parallel_loop3A_201 : vector<1x16xf32> to vector<16xf32>
          %parallel_loop3A_203 = arith.addf %parallel_loop3A_198, %parallel_loop3A_202 : vector<16xf32>
          %parallel_loop3A_204 = arith.constant 0.000000e+00 : f32
          %parallel_loop3A_205 = vector.broadcast %parallel_loop3A_204 : f32 to vector<16xf32>
          %parallel_loop3A_206 = arith.maximumf %parallel_loop3A_203, %parallel_loop3A_205 : vector<16xf32>
          %parallel_loop3A_207 = arith.index_cast %parallel_loop3A_189 : i32 to index
          %parallel_loop3A_208 = arith.constant 0 : index
          %parallel_loop3A_209 = tpu.vector_load %arg19[%parallel_loop3A_207, %parallel_loop3A_208] {strides = array<i32>} : memref<128x64xf32, #tpu.memory_space<vmem>>, vector<1x16xf32>,
          %parallel_loop3A_210 = vector.shape_cast %parallel_loop3A_209 : vector<1x16xf32> to vector<16xf32>
          %parallel_loop3A_211 = vector.shape_cast %parallel_loop3A_206 : vector<16xf32> to vector<1x16xf32>
          tpu.vector_store %arg19[%parallel_loop3A_207, %parallel_loop3A_208], %parallel_loop3A_211 {strides = array<i32>} : memref<128x64xf32, #tpu.memory_space<vmem>>, vector<1x16xf32>,
          %parallel_loop3A_212 = arith.index_cast %parallel_loop3A_189 : i32 to index
          %parallel_loop3A_213 = arith.constant 16 : index
          %parallel_loop3A_214 = tpu.vector_load %arg18[%parallel_loop3A_212, %parallel_loop3A_213] {strides = array<i32>} : memref<64x128xf32, #tpu.memory_space<vmem>>, vector<1x16xf32>,
          %parallel_loop3A_215 = vector.shape_cast %parallel_loop3A_214 : vector<1x16xf32> to vector<16xf32>
          %parallel_loop3A_216 = arith.index_cast %parallel_loop3A_189 : i32 to index
          %parallel_loop3A_217 = arith.constant 16 : index
          %parallel_loop3A_218 = tpu.vector_load %arg19[%parallel_loop3A_216, %parallel_loop3A_217] {strides = array<i32>} : memref<128x64xf32, #tpu.memory_space<vmem>>, vector<1x16xf32>,
          %parallel_loop3A_219 = vector.shape_cast %parallel_loop3A_218 : vector<1x16xf32> to vector<16xf32>
          %parallel_loop3A_220 = arith.addf %parallel_loop3A_215, %parallel_loop3A_219 : vector<16xf32>
          %parallel_loop3A_221 = arith.index_cast %parallel_loop3A_189 : i32 to index
          %parallel_loop3A_222 = arith.constant 16 : index
          %parallel_loop3A_223 = tpu.vector_load %arg20[%parallel_loop3A_221, %parallel_loop3A_222] {strides = array<i32>} : memref<128x64xf32, #tpu.memory_space<vmem>>, vector<1x16xf32>,
          %parallel_loop3A_224 = vector.shape_cast %parallel_loop3A_223 : vector<1x16xf32> to vector<16xf32>
          %parallel_loop3A_225 = arith.addf %parallel_loop3A_220, %parallel_loop3A_224 : vector<16xf32>
          %parallel_loop3A_226 = arith.constant 0.000000e+00 : f32
          %parallel_loop3A_227 = vector.broadcast %parallel_loop3A_226 : f32 to vector<16xf32>
          %parallel_loop3A_228 = arith.maximumf %parallel_loop3A_225, %parallel_loop3A_227 : vector<16xf32>
          %parallel_loop3A_229 = arith.index_cast %parallel_loop3A_189 : i32 to index
          %parallel_loop3A_230 = arith.constant 16 : index
          %parallel_loop3A_231 = tpu.vector_load %arg19[%parallel_loop3A_229, %parallel_loop3A_230] {strides = array<i32>} : memref<128x64xf32, #tpu.memory_space<vmem>>, vector<1x16xf32>,
          %parallel_loop3A_232 = vector.shape_cast %parallel_loop3A_231 : vector<1x16xf32> to vector<16xf32>
          %parallel_loop3A_233 = vector.shape_cast %parallel_loop3A_228 : vector<16xf32> to vector<1x16xf32>
          tpu.vector_store %arg19[%parallel_loop3A_229, %parallel_loop3A_230], %parallel_loop3A_233 {strides = array<i32>} : memref<128x64xf32, #tpu.memory_space<vmem>>, vector<1x16xf32>,
          %parallel_loop3A_234 = arith.index_cast %parallel_loop3A_189 : i32 to index
          %parallel_loop3A_235 = arith.constant 32 : index
          %parallel_loop3A_236 = tpu.vector_load %arg18[%parallel_loop3A_234, %parallel_loop3A_235] {strides = array<i32>} : memref<64x128xf32, #tpu.memory_space<vmem>>, vector<1x16xf32>,
          %parallel_loop3A_237 = vector.shape_cast %parallel_loop3A_236 : vector<1x16xf32> to vector<16xf32>
          %parallel_loop3A_238 = arith.index_cast %parallel_loop3A_189 : i32 to index
          %parallel_loop3A_239 = arith.constant 32 : index
          %parallel_loop3A_240 = tpu.vector_load %arg19[%parallel_loop3A_238, %parallel_loop3A_239] {strides = array<i32>} : memref<128x64xf32, #tpu.memory_space<vmem>>, vector<1x16xf32>,
          %parallel_loop3A_241 = vector.shape_cast %parallel_loop3A_240 : vector<1x16xf32> to vector<16xf32>
          %parallel_loop3A_242 = arith.addf %parallel_loop3A_237, %parallel_loop3A_241 : vector<16xf32>
          %parallel_loop3A_243 = arith.index_cast %parallel_loop3A_189 : i32 to index
          %parallel_loop3A_244 = arith.constant 32 : index
          %parallel_loop3A_245 = tpu.vector_load %arg20[%parallel_loop3A_243, %parallel_loop3A_244] {strides = array<i32>} : memref<128x64xf32, #tpu.memory_space<vmem>>, vector<1x16xf32>,
          %parallel_loop3A_246 = vector.shape_cast %parallel_loop3A_245 : vector<1x16xf32> to vector<16xf32>
          %parallel_loop3A_247 = arith.addf %parallel_loop3A_242, %parallel_loop3A_246 : vector<16xf32>
          %parallel_loop3A_248 = arith.constant 0.000000e+00 : f32
          %parallel_loop3A_249 = vector.broadcast %parallel_loop3A_248 : f32 to vector<16xf32>
          %parallel_loop3A_250 = arith.maximumf %parallel_loop3A_247, %parallel_loop3A_249 : vector<16xf32>
          %parallel_loop3A_251 = arith.index_cast %parallel_loop3A_189 : i32 to index
          %parallel_loop3A_252 = arith.constant 32 : index
          %parallel_loop3A_253 = tpu.vector_load %arg19[%parallel_loop3A_251, %parallel_loop3A_252] {strides = array<i32>} : memref<128x64xf32, #tpu.memory_space<vmem>>, vector<1x16xf32>,
          %parallel_loop3A_254 = vector.shape_cast %parallel_loop3A_253 : vector<1x16xf32> to vector<16xf32>
          %parallel_loop3A_255 = vector.shape_cast %parallel_loop3A_250 : vector<16xf32> to vector<1x16xf32>
          tpu.vector_store %arg19[%parallel_loop3A_251, %parallel_loop3A_252], %parallel_loop3A_255 {strides = array<i32>} : memref<128x64xf32, #tpu.memory_space<vmem>>, vector<1x16xf32>,
          %parallel_loop3A_256 = arith.index_cast %parallel_loop3A_189 : i32 to index
          %parallel_loop3A_257 = arith.constant 48 : index
          %parallel_loop3A_258 = tpu.vector_load %arg18[%parallel_loop3A_256, %parallel_loop3A_257] {strides = array<i32>} : memref<64x128xf32, #tpu.memory_space<vmem>>, vector<1x16xf32>,
          %parallel_loop3A_259 = vector.shape_cast %parallel_loop3A_258 : vector<1x16xf32> to vector<16xf32>
          %parallel_loop3A_260 = arith.index_cast %parallel_loop3A_189 : i32 to index
          %parallel_loop3A_261 = arith.constant 48 : index
          %parallel_loop3A_262 = tpu.vector_load %arg19[%parallel_loop3A_260, %parallel_loop3A_261] {strides = array<i32>} : memref<128x64xf32, #tpu.memory_space<vmem>>, vector<1x16xf32>,
          %parallel_loop3A_263 = vector.shape_cast %parallel_loop3A_262 : vector<1x16xf32> to vector<16xf32>
          %parallel_loop3A_264 = arith.addf %parallel_loop3A_259, %parallel_loop3A_263 : vector<16xf32>
          %parallel_loop3A_265 = arith.index_cast %parallel_loop3A_189 : i32 to index
          %parallel_loop3A_266 = arith.constant 48 : index
          %parallel_loop3A_267 = tpu.vector_load %arg20[%parallel_loop3A_265, %parallel_loop3A_266] {strides = array<i32>} : memref<128x64xf32, #tpu.memory_space<vmem>>, vector<1x16xf32>,
          %parallel_loop3A_268 = vector.shape_cast %parallel_loop3A_267 : vector<1x16xf32> to vector<16xf32>
          %parallel_loop3A_269 = arith.addf %parallel_loop3A_264, %parallel_loop3A_268 : vector<16xf32>
          %parallel_loop3A_270 = arith.constant 0.000000e+00 : f32
          %parallel_loop3A_271 = vector.broadcast %parallel_loop3A_270 : f32 to vector<16xf32>
          %parallel_loop3A_272 = arith.maximumf %parallel_loop3A_269, %parallel_loop3A_271 : vector<16xf32>
          %parallel_loop3A_273 = arith.index_cast %parallel_loop3A_189 : i32 to index
          %parallel_loop3A_274 = arith.constant 48 : index
          %parallel_loop3A_275 = tpu.vector_load %arg19[%parallel_loop3A_273, %parallel_loop3A_274] {strides = array<i32>} : memref<128x64xf32, #tpu.memory_space<vmem>>, vector<1x16xf32>,
          %parallel_loop3A_276 = vector.shape_cast %parallel_loop3A_275 : vector<1x16xf32> to vector<16xf32>
          %parallel_loop3A_277 = vector.shape_cast %parallel_loop3A_272 : vector<16xf32> to vector<1x16xf32>
          tpu.vector_store %arg19[%parallel_loop3A_273, %parallel_loop3A_274], %parallel_loop3A_277 {strides = array<i32>} : memref<128x64xf32, #tpu.memory_space<vmem>>, vector<1x16xf32>,
        } {sc.loop_unroll_factor = 4 : i64, sc.parallel_access}
        %parallel_loop3A_166 = arith.constant 0 : i32
        %parallel_loop3A_167 = arith.constant 64 : i32
        %parallel_loop3A_168 = arith.constant 1 : i32
        scf.for %parallel_loop3A_189 = %parallel_loop3A_166 to %parallel_loop3A_167 step %parallel_loop3A_168  : i32 {
          %parallel_loop3A_190 = arith.constant 64 : i32
          %parallel_loop3A_191 = arith.addi %parallel_loop3A_189, %parallel_loop3A_190 : i32
          %parallel_loop3A_192 = arith.index_cast %parallel_loop3A_189 : i32 to index
          %parallel_loop3A_193 = arith.constant 64 : index
          %parallel_loop3A_194 = tpu.vector_load %arg18[%parallel_loop3A_192, %parallel_loop3A_193] {strides = array<i32>} : memref<64x128xf32, #tpu.memory_space<vmem>>, vector<1x16xf32>,
          %parallel_loop3A_195 = vector.shape_cast %parallel_loop3A_194 : vector<1x16xf32> to vector<16xf32>
          %parallel_loop3A_196 = arith.index_cast %parallel_loop3A_191 : i32 to index
          %parallel_loop3A_197 = arith.constant 0 : index
          %parallel_loop3A_198 = tpu.vector_load %arg19[%parallel_loop3A_196, %parallel_loop3A_197] {strides = array<i32>} : memref<128x64xf32, #tpu.memory_space<vmem>>, vector<1x16xf32>,
          %parallel_loop3A_199 = vector.shape_cast %parallel_loop3A_198 : vector<1x16xf32> to vector<16xf32>
          %parallel_loop3A_200 = arith.addf %parallel_loop3A_195, %parallel_loop3A_199 : vector<16xf32>
          %parallel_loop3A_201 = arith.index_cast %parallel_loop3A_191 : i32 to index
          %parallel_loop3A_202 = arith.constant 0 : index
          %parallel_loop3A_203 = tpu.vector_load %arg20[%parallel_loop3A_201, %parallel_loop3A_202] {strides = array<i32>} : memref<128x64xf32, #tpu.memory_space<vmem>>, vector<1x16xf32>,
          %parallel_loop3A_204 = vector.shape_cast %parallel_loop3A_203 : vector<1x16xf32> to vector<16xf32>
          %parallel_loop3A_205 = arith.addf %parallel_loop3A_200, %parallel_loop3A_204 : vector<16xf32>
          %parallel_loop3A_206 = arith.constant 0.000000e+00 : f32
          %parallel_loop3A_207 = vector.broadcast %parallel_loop3A_206 : f32 to vector<16xf32>
          %parallel_loop3A_208 = arith.maximumf %parallel_loop3A_205, %parallel_loop3A_207 : vector<16xf32>
          %parallel_loop3A_209 = arith.index_cast %parallel_loop3A_191 : i32 to index
          %parallel_loop3A_210 = arith.constant 0 : index
          %parallel_loop3A_211 = tpu.vector_load %arg19[%parallel_loop3A_209, %parallel_loop3A_210] {strides = array<i32>} : memref<128x64xf32, #tpu.memory_space<vmem>>, vector<1x16xf32>,
          %parallel_loop3A_212 = vector.shape_cast %parallel_loop3A_211 : vector<1x16xf32> to vector<16xf32>
          %parallel_loop3A_213 = vector.shape_cast %parallel_loop3A_208 : vector<16xf32> to vector<1x16xf32>
          tpu.vector_store %arg19[%parallel_loop3A_209, %parallel_loop3A_210], %parallel_loop3A_213 {strides = array<i32>} : memref<128x64xf32, #tpu.memory_space<vmem>>, vector<1x16xf32>,
          %parallel_loop3A_214 = arith.index_cast %parallel_loop3A_189 : i32 to index
          %parallel_loop3A_215 = arith.constant 80 : index
          %parallel_loop3A_216 = tpu.vector_load %arg18[%parallel_loop3A_214, %parallel_loop3A_215] {strides = array<i32>} : memref<64x128xf32, #tpu.memory_space<vmem>>, vector<1x16xf32>,
          %parallel_loop3A_217 = vector.shape_cast %parallel_loop3A_216 : vector<1x16xf32> to vector<16xf32>
          %parallel_loop3A_218 = arith.index_cast %parallel_loop3A_191 : i32 to index
          %parallel_loop3A_219 = arith.constant 16 : index
          %parallel_loop3A_220 = tpu.vector_load %arg19[%parallel_loop3A_218, %parallel_loop3A_219] {strides = array<i32>} : memref<128x64xf32, #tpu.memory_space<vmem>>, vector<1x16xf32>,
          %parallel_loop3A_221 = vector.shape_cast %parallel_loop3A_220 : vector<1x16xf32> to vector<16xf32>
          %parallel_loop3A_222 = arith.addf %parallel_loop3A_217, %parallel_loop3A_221 : vector<16xf32>
          %parallel_loop3A_223 = arith.index_cast %parallel_loop3A_191 : i32 to index
          %parallel_loop3A_224 = arith.constant 16 : index
          %parallel_loop3A_225 = tpu.vector_load %arg20[%parallel_loop3A_223, %parallel_loop3A_224] {strides = array<i32>} : memref<128x64xf32, #tpu.memory_space<vmem>>, vector<1x16xf32>,
          %parallel_loop3A_226 = vector.shape_cast %parallel_loop3A_225 : vector<1x16xf32> to vector<16xf32>
          %parallel_loop3A_227 = arith.addf %parallel_loop3A_222, %parallel_loop3A_226 : vector<16xf32>
          %parallel_loop3A_228 = arith.constant 0.000000e+00 : f32
          %parallel_loop3A_229 = vector.broadcast %parallel_loop3A_228 : f32 to vector<16xf32>
          %parallel_loop3A_230 = arith.maximumf %parallel_loop3A_227, %parallel_loop3A_229 : vector<16xf32>
          %parallel_loop3A_231 = arith.index_cast %parallel_loop3A_191 : i32 to index
          %parallel_loop3A_232 = arith.constant 16 : index
          %parallel_loop3A_233 = tpu.vector_load %arg19[%parallel_loop3A_231, %parallel_loop3A_232] {strides = array<i32>} : memref<128x64xf32, #tpu.memory_space<vmem>>, vector<1x16xf32>,
          %parallel_loop3A_234 = vector.shape_cast %parallel_loop3A_233 : vector<1x16xf32> to vector<16xf32>
          %parallel_loop3A_235 = vector.shape_cast %parallel_loop3A_230 : vector<16xf32> to vector<1x16xf32>
          tpu.vector_store %arg19[%parallel_loop3A_231, %parallel_loop3A_232], %parallel_loop3A_235 {strides = array<i32>} : memref<128x64xf32, #tpu.memory_space<vmem>>, vector<1x16xf32>,
          %parallel_loop3A_236 = arith.index_cast %parallel_loop3A_189 : i32 to index
          %parallel_loop3A_237 = arith.constant 96 : index
          %parallel_loop3A_238 = tpu.vector_load %arg18[%parallel_loop3A_236, %parallel_loop3A_237] {strides = array<i32>} : memref<64x128xf32, #tpu.memory_space<vmem>>, vector<1x16xf32>,
          %parallel_loop3A_239 = vector.shape_cast %parallel_loop3A_238 : vector<1x16xf32> to vector<16xf32>
          %parallel_loop3A_240 = arith.index_cast %parallel_loop3A_191 : i32 to index
          %parallel_loop3A_241 = arith.constant 32 : index
          %parallel_loop3A_242 = tpu.vector_load %arg19[%parallel_loop3A_240, %parallel_loop3A_241] {strides = array<i32>} : memref<128x64xf32, #tpu.memory_space<vmem>>, vector<1x16xf32>,
          %parallel_loop3A_243 = vector.shape_cast %parallel_loop3A_242 : vector<1x16xf32> to vector<16xf32>
          %parallel_loop3A_244 = arith.addf %parallel_loop3A_239, %parallel_loop3A_243 : vector<16xf32>
          %parallel_loop3A_245 = arith.index_cast %parallel_loop3A_191 : i32 to index
          %parallel_loop3A_246 = arith.constant 32 : index
          %parallel_loop3A_247 = tpu.vector_load %arg20[%parallel_loop3A_245, %parallel_loop3A_246] {strides = array<i32>} : memref<128x64xf32, #tpu.memory_space<vmem>>, vector<1x16xf32>,
          %parallel_loop3A_248 = vector.shape_cast %parallel_loop3A_247 : vector<1x16xf32> to vector<16xf32>
          %parallel_loop3A_249 = arith.addf %parallel_loop3A_244, %parallel_loop3A_248 : vector<16xf32>
          %parallel_loop3A_250 = arith.constant 0.000000e+00 : f32
          %parallel_loop3A_251 = vector.broadcast %parallel_loop3A_250 : f32 to vector<16xf32>
          %parallel_loop3A_252 = arith.maximumf %parallel_loop3A_249, %parallel_loop3A_251 : vector<16xf32>
          %parallel_loop3A_253 = arith.index_cast %parallel_loop3A_191 : i32 to index
          %parallel_loop3A_254 = arith.constant 32 : index
          %parallel_loop3A_255 = tpu.vector_load %arg19[%parallel_loop3A_253, %parallel_loop3A_254] {strides = array<i32>} : memref<128x64xf32, #tpu.memory_space<vmem>>, vector<1x16xf32>,
          %parallel_loop3A_256 = vector.shape_cast %parallel_loop3A_255 : vector<1x16xf32> to vector<16xf32>
          %parallel_loop3A_257 = vector.shape_cast %parallel_loop3A_252 : vector<16xf32> to vector<1x16xf32>
          tpu.vector_store %arg19[%parallel_loop3A_253, %parallel_loop3A_254], %parallel_loop3A_257 {strides = array<i32>} : memref<128x64xf32, #tpu.memory_space<vmem>>, vector<1x16xf32>,
          %parallel_loop3A_258 = arith.index_cast %parallel_loop3A_189 : i32 to index
          %parallel_loop3A_259 = arith.constant 112 : index
          %parallel_loop3A_260 = tpu.vector_load %arg18[%parallel_loop3A_258, %parallel_loop3A_259] {strides = array<i32>} : memref<64x128xf32, #tpu.memory_space<vmem>>, vector<1x16xf32>,
          %parallel_loop3A_261 = vector.shape_cast %parallel_loop3A_260 : vector<1x16xf32> to vector<16xf32>
          %parallel_loop3A_262 = arith.index_cast %parallel_loop3A_191 : i32 to index
          %parallel_loop3A_263 = arith.constant 48 : index
          %parallel_loop3A_264 = tpu.vector_load %arg19[%parallel_loop3A_262, %parallel_loop3A_263] {strides = array<i32>} : memref<128x64xf32, #tpu.memory_space<vmem>>, vector<1x16xf32>,
          %parallel_loop3A_265 = vector.shape_cast %parallel_loop3A_264 : vector<1x16xf32> to vector<16xf32>
          %parallel_loop3A_266 = arith.addf %parallel_loop3A_261, %parallel_loop3A_265 : vector<16xf32>
          %parallel_loop3A_267 = arith.index_cast %parallel_loop3A_191 : i32 to index
          %parallel_loop3A_268 = arith.constant 48 : index
          %parallel_loop3A_269 = tpu.vector_load %arg20[%parallel_loop3A_267, %parallel_loop3A_268] {strides = array<i32>} : memref<128x64xf32, #tpu.memory_space<vmem>>, vector<1x16xf32>,
          %parallel_loop3A_270 = vector.shape_cast %parallel_loop3A_269 : vector<1x16xf32> to vector<16xf32>
          %parallel_loop3A_271 = arith.addf %parallel_loop3A_266, %parallel_loop3A_270 : vector<16xf32>
          %parallel_loop3A_272 = arith.constant 0.000000e+00 : f32
          %parallel_loop3A_273 = vector.broadcast %parallel_loop3A_272 : f32 to vector<16xf32>
          %parallel_loop3A_274 = arith.maximumf %parallel_loop3A_271, %parallel_loop3A_273 : vector<16xf32>
          %parallel_loop3A_275 = arith.index_cast %parallel_loop3A_191 : i32 to index
          %parallel_loop3A_276 = arith.constant 48 : index
          %parallel_loop3A_277 = tpu.vector_load %arg19[%parallel_loop3A_275, %parallel_loop3A_276] {strides = array<i32>} : memref<128x64xf32, #tpu.memory_space<vmem>>, vector<1x16xf32>,
          %parallel_loop3A_278 = vector.shape_cast %parallel_loop3A_277 : vector<1x16xf32> to vector<16xf32>
          %parallel_loop3A_279 = vector.shape_cast %parallel_loop3A_274 : vector<16xf32> to vector<1x16xf32>
          tpu.vector_store %arg19[%parallel_loop3A_275, %parallel_loop3A_276], %parallel_loop3A_279 {strides = array<i32>} : memref<128x64xf32, #tpu.memory_space<vmem>>, vector<1x16xf32>,
        } {sc.loop_unroll_factor = 4 : i64, sc.parallel_access}
        %dma_start3A_169 = arith.constant 0 : i32
        %dma_start3A_170 = arith.constant 0 : i32
        %dma_start3A_171 = arith.constant 0 : i32
        %dma_start3A_172 = tpu.memref_slice %arg19[%dma_start3A_170, %dma_start3A_171] : memref<128x64xf32, #tpu.memory_space<vmem>> -> memref<64x64xf32, #tpu.memory_space<vmem>>
        %dma_start3A_173 = arith.constant 0 : i32
        %dma_start3A_174 = tpu.memref_slice %arg16[%dma_start3A_169, %dma_start3A_173] : memref<2x64xi32, #tpu.memory_space<vmem>> -> memref<1x64xi32, #tpu.memory_space<vmem>>
        %dma_start3A_175 = tpu.memref_squeeze %dma_start3A_174 : memref<1x64xi32, #tpu.memory_space<vmem>> -> memref<64xi32, #tpu.memory_space<vmem>>
        %dma_start3A_176 = arith.constant 0 : i32
        %dma_start3A_177 = arith.constant 0 : i32
        %dma_start3A_178 = tpu.memref_slice %arg23[%dma_start3A_176, %dma_start3A_177] : memref<10000x64xf32, #tpu.memory_space<vmem_shared>> -> memref<10000x64xf32, #tpu.memory_space<vmem_shared>>
        tpu.enqueue_indirect_dma source(%dma_start3A_172 : memref<64x64xf32, #tpu.memory_space<vmem>>) target(%dma_start3A_178 : memref<10000x64xf32, #tpu.memory_space<vmem_shared>>) offsets(%dma_start3A_175 : memref<64xi32, #tpu.memory_space<vmem>>) semaphore(%arg22 : memref<!tpu.dma_semaphore, #tpu.memory_space<semaphore_mem>>) {add = true}
        %dma_start3A_179 = arith.constant 1 : i32
        %dma_start3A_180 = arith.constant 64 : i32
        %dma_start3A_181 = arith.constant 0 : i32
        %dma_start3A_182 = tpu.memref_slice %arg19[%dma_start3A_180, %dma_start3A_181] : memref<128x64xf32, #tpu.memory_space<vmem>> -> memref<64x64xf32, #tpu.memory_space<vmem>>
        %dma_start3A_183 = arith.constant 0 : i32
        %dma_start3A_184 = tpu.memref_slice %arg16[%dma_start3A_179, %dma_start3A_183] : memref<2x64xi32, #tpu.memory_space<vmem>> -> memref<1x64xi32, #tpu.memory_space<vmem>>
        %dma_start3A_185 = tpu.memref_squeeze %dma_start3A_184 : memref<1x64xi32, #tpu.memory_space<vmem>> -> memref<64xi32, #tpu.memory_space<vmem>>
        %dma_start3A_186 = arith.constant 0 : i32
        %dma_start3A_187 = arith.constant 0 : i32
        %dma_start3A_188 = tpu.memref_slice %arg23[%dma_start3A_186, %dma_start3A_187] : memref<10000x64xf32, #tpu.memory_space<vmem_shared>> -> memref<10000x64xf32, #tpu.memory_space<vmem_shared>>
        tpu.enqueue_indirect_dma source(%dma_start3A_182 : memref<64x64xf32, #tpu.memory_space<vmem>>) target(%dma_start3A_188 : memref<10000x64xf32, #tpu.memory_space<vmem_shared>>) offsets(%dma_start3A_185 : memref<64xi32, #tpu.memory_space<vmem>>) semaphore(%arg22 : memref<!tpu.dma_semaphore, #tpu.memory_space<semaphore_mem>>) {add = true}
      } else {
      }
    }
    %scan3A_56 = arith.constant 20 : i32
    %dma_wait3A = arith.constant 0 : i32
    %dma_wait3A_57 = arith.constant 0 : i32
    %dma_wait3A_58 = arith.constant 0 : i32
    %dma_wait3A_59 = tpu.memref_slice %arg12[%dma_wait3A_57, %dma_wait3A_58] : memref<128x64xf32, #tpu.memory_space<vmem>> -> memref<64x64xf32, #tpu.memory_space<vmem>>
    %dma_wait3A_60 = arith.constant 0 : i32
    %dma_wait3A_61 = tpu.memref_slice %arg9[%dma_wait3A, %dma_wait3A_60] : memref<2x64xi32, #tpu.memory_space<vmem>> -> memref<1x64xi32, #tpu.memory_space<vmem>>
    %dma_wait3A_62 = tpu.memref_squeeze %dma_wait3A_61 : memref<1x64xi32, #tpu.memory_space<vmem>> -> memref<64xi32, #tpu.memory_space<vmem>>
    %dma_wait3A_63 = arith.constant 0 : i32
    %dma_wait3A_64 = arith.constant 0 : i32
    %dma_wait3A_65 = tpu.memref_slice %arg23[%dma_wait3A_63, %dma_wait3A_64] : memref<10000x64xf32, #tpu.memory_space<vmem_shared>> -> memref<10000x64xf32, #tpu.memory_space<vmem_shared>>
    tpu.wait_indirect_dma semaphore(%arg15 : memref<!tpu.dma_semaphore, #tpu.memory_space<semaphore_mem>>) src(%dma_wait3A_59 : memref<64x64xf32, #tpu.memory_space<vmem>>) dst(%dma_wait3A_65 : memref<10000x64xf32, #tpu.memory_space<vmem_shared>>)
    %dma_wait3A_66 = arith.constant 1 : i32
    %dma_wait3A_67 = arith.constant 64 : i32
    %dma_wait3A_68 = arith.constant 0 : i32
    %dma_wait3A_69 = tpu.memref_slice %arg12[%dma_wait3A_67, %dma_wait3A_68] : memref<128x64xf32, #tpu.memory_space<vmem>> -> memref<64x64xf32, #tpu.memory_space<vmem>>
    %dma_wait3A_70 = arith.constant 0 : i32
    %dma_wait3A_71 = tpu.memref_slice %arg9[%dma_wait3A_66, %dma_wait3A_70] : memref<2x64xi32, #tpu.memory_space<vmem>> -> memref<1x64xi32, #tpu.memory_space<vmem>>
    %dma_wait3A_72 = tpu.memref_squeeze %dma_wait3A_71 : memref<1x64xi32, #tpu.memory_space<vmem>> -> memref<64xi32, #tpu.memory_space<vmem>>
    %dma_wait3A_73 = arith.constant 0 : i32
    %dma_wait3A_74 = arith.constant 0 : i32
    %dma_wait3A_75 = tpu.memref_slice %arg23[%dma_wait3A_73, %dma_wait3A_74] : memref<10000x64xf32, #tpu.memory_space<vmem_shared>> -> memref<10000x64xf32, #tpu.memory_space<vmem_shared>>
    tpu.wait_indirect_dma semaphore(%arg15 : memref<!tpu.dma_semaphore, #tpu.memory_space<semaphore_mem>>) src(%dma_wait3A_69 : memref<64x64xf32, #tpu.memory_space<vmem>>) dst(%dma_wait3A_75 : memref<10000x64xf32, #tpu.memory_space<vmem_shared>>)
    %dma_wait3A_76 = arith.constant 0 : i32
    %dma_wait3A_77 = arith.constant 0 : i32
    %dma_wait3A_78 = arith.constant 0 : i32
    %dma_wait3A_79 = tpu.memref_slice %arg19[%dma_wait3A_77, %dma_wait3A_78] : memref<128x64xf32, #tpu.memory_space<vmem>> -> memref<64x64xf32, #tpu.memory_space<vmem>>
    %dma_wait3A_80 = arith.constant 0 : i32
    %dma_wait3A_81 = tpu.memref_slice %arg16[%dma_wait3A_76, %dma_wait3A_80] : memref<2x64xi32, #tpu.memory_space<vmem>> -> memref<1x64xi32, #tpu.memory_space<vmem>>
    %dma_wait3A_82 = tpu.memref_squeeze %dma_wait3A_81 : memref<1x64xi32, #tpu.memory_space<vmem>> -> memref<64xi32, #tpu.memory_space<vmem>>
    %dma_wait3A_83 = arith.constant 0 : i32
    %dma_wait3A_84 = arith.constant 0 : i32
    %dma_wait3A_85 = tpu.memref_slice %arg23[%dma_wait3A_83, %dma_wait3A_84] : memref<10000x64xf32, #tpu.memory_space<vmem_shared>> -> memref<10000x64xf32, #tpu.memory_space<vmem_shared>>
    tpu.wait_indirect_dma semaphore(%arg22 : memref<!tpu.dma_semaphore, #tpu.memory_space<semaphore_mem>>) src(%dma_wait3A_79 : memref<64x64xf32, #tpu.memory_space<vmem>>) dst(%dma_wait3A_85 : memref<10000x64xf32, #tpu.memory_space<vmem_shared>>)
    %dma_wait3A_86 = arith.constant 1 : i32
    %dma_wait3A_87 = arith.constant 64 : i32
    %dma_wait3A_88 = arith.constant 0 : i32
    %dma_wait3A_89 = tpu.memref_slice %arg19[%dma_wait3A_87, %dma_wait3A_88] : memref<128x64xf32, #tpu.memory_space<vmem>> -> memref<64x64xf32, #tpu.memory_space<vmem>>
    %dma_wait3A_90 = arith.constant 0 : i32
    %dma_wait3A_91 = tpu.memref_slice %arg16[%dma_wait3A_86, %dma_wait3A_90] : memref<2x64xi32, #tpu.memory_space<vmem>> -> memref<1x64xi32, #tpu.memory_space<vmem>>
    %dma_wait3A_92 = tpu.memref_squeeze %dma_wait3A_91 : memref<1x64xi32, #tpu.memory_space<vmem>> -> memref<64xi32, #tpu.memory_space<vmem>>
    %dma_wait3A_93 = arith.constant 0 : i32
    %dma_wait3A_94 = arith.constant 0 : i32
    %dma_wait3A_95 = tpu.memref_slice %arg23[%dma_wait3A_93, %dma_wait3A_94] : memref<10000x64xf32, #tpu.memory_space<vmem_shared>> -> memref<10000x64xf32, #tpu.memory_space<vmem_shared>>
    tpu.wait_indirect_dma semaphore(%arg22 : memref<!tpu.dma_semaphore, #tpu.memory_space<semaphore_mem>>) src(%dma_wait3A_89 : memref<64x64xf32, #tpu.memory_space<vmem>>) dst(%dma_wait3A_95 : memref<10000x64xf32, #tpu.memory_space<vmem_shared>>)
    %barrier3A_96 = arith.constant 0 : index
    tpu.barrier barrier_id(%barrier3A_96)
    "tpu.region"() ({
      %run_scoped3A = tpu.sem_alloc : memref<!tpu.dma_semaphore, #tpu.memory_space<semaphore_mem>>
      %dma_start3A_102 = arith.constant 0 : i32
      %dma_start3A_103 = tpu.memref_slice %arg8[%arg0, %mul3A_2, %dma_start3A_102] : memref<2x10000x64xf32, #tpu.memory_space<hbm>> -> memref<1x624x64xf32, #tpu.memory_space<hbm>>
      %dma_start3A_104 = tpu.memref_squeeze %dma_start3A_103 : memref<1x624x64xf32, #tpu.memory_space<hbm>> -> memref<624x64xf32, #tpu.memory_space<hbm>>
      %dma_start3A_105 = arith.constant 0 : i32
      %dma_start3A_106 = tpu.memref_slice %arg23[%mul3A_2, %dma_start3A_105] : memref<10000x64xf32, #tpu.memory_space<vmem_shared>> -> memref<624x64xf32, #tpu.memory_space<vmem_shared>>
      tpu.enqueue_dma source(%dma_start3A_106 : memref<624x64xf32, #tpu.memory_space<vmem_shared>>) target(%dma_start3A_104 : memref<624x64xf32, #tpu.memory_space<hbm>>) target_semaphore(%run_scoped3A : memref<!tpu.dma_semaphore, #tpu.memory_space<semaphore_mem>>)
      %dma_wait3A_107 = arith.constant 0 : i32
      %dma_wait3A_108 = tpu.memref_slice %arg8[%arg0, %mul3A_2, %dma_wait3A_107] : memref<2x10000x64xf32, #tpu.memory_space<hbm>> -> memref<1x624x64xf32, #tpu.memory_space<hbm>>
      %dma_wait3A_109 = tpu.memref_squeeze %dma_wait3A_108 : memref<1x624x64xf32, #tpu.memory_space<hbm>> -> memref<624x64xf32, #tpu.memory_space<hbm>>
      %dma_wait3A_110 = arith.constant 0 : i32
      %dma_wait3A_111 = tpu.memref_slice %arg23[%mul3A_2, %dma_wait3A_110] : memref<10000x64xf32, #tpu.memory_space<vmem_shared>> -> memref<624x64xf32, #tpu.memory_space<vmem_shared>>
      tpu.wait_dma2 semaphore(%run_scoped3A : memref<!tpu.dma_semaphore, #tpu.memory_space<semaphore_mem>>) src(%dma_wait3A_111 : memref<624x64xf32, #tpu.memory_space<vmem_shared>>) dst(%dma_wait3A_109 : memref<624x64xf32, #tpu.memory_space<hbm>>)
      tpu.yield
    }) : () -> ()
    %eq3A_97 = arith.constant 15 : i32
    %eq3A_98 = arith.cmpi eq, %arg1, %eq3A_97 : i32
    %convert_element_type3A_99 = arith.extui %eq3A_98 : i1 to i32
    %cond3A_100 = arith.constant 0 : i32
    %cond3A_101 = arith.cmpi ne, %convert_element_type3A_99, %cond3A_100 : i32
    scf.if %cond3A_101 {
      "tpu.region"() ({
        %run_scoped3A = tpu.sem_alloc : memref<!tpu.dma_semaphore, #tpu.memory_space<semaphore_mem>>
        %dma_start3A_102 = arith.constant 9984 : i32
        %dma_start3A_103 = arith.constant 0 : i32
        %dma_start3A_104 = tpu.memref_slice %arg8[%arg0, %dma_start3A_102, %dma_start3A_103] : memref<2x10000x64xf32, #tpu.memory_space<hbm>> -> memref<1x16x64xf32, #tpu.memory_space<hbm>>
        %dma_start3A_105 = tpu.memref_squeeze %dma_start3A_104 : memref<1x16x64xf32, #tpu.memory_space<hbm>> -> memref<16x64xf32, #tpu.memory_space<hbm>>
        %dma_start3A_106 = arith.constant 9984 : i32
        %dma_start3A_107 = arith.constant 0 : i32
        %dma_start3A_108 = tpu.memref_slice %arg23[%dma_start3A_106, %dma_start3A_107] : memref<10000x64xf32, #tpu.memory_space<vmem_shared>> -> memref<16x64xf32, #tpu.memory_space<vmem_shared>>
        tpu.enqueue_dma source(%dma_start3A_108 : memref<16x64xf32, #tpu.memory_space<vmem_shared>>) target(%dma_start3A_105 : memref<16x64xf32, #tpu.memory_space<hbm>>) target_semaphore(%run_scoped3A : memref<!tpu.dma_semaphore, #tpu.memory_space<semaphore_mem>>)
        %dma_wait3A_109 = arith.constant 9984 : i32
        %dma_wait3A_110 = arith.constant 0 : i32
        %dma_wait3A_111 = tpu.memref_slice %arg8[%arg0, %dma_wait3A_109, %dma_wait3A_110] : memref<2x10000x64xf32, #tpu.memory_space<hbm>> -> memref<1x16x64xf32, #tpu.memory_space<hbm>>
        %dma_wait3A_112 = tpu.memref_squeeze %dma_wait3A_111 : memref<1x16x64xf32, #tpu.memory_space<hbm>> -> memref<16x64xf32, #tpu.memory_space<hbm>>
        %dma_wait3A_113 = arith.constant 9984 : i32
        %dma_wait3A_114 = arith.constant 0 : i32
        %dma_wait3A_115 = tpu.memref_slice %arg23[%dma_wait3A_113, %dma_wait3A_114] : memref<10000x64xf32, #tpu.memory_space<vmem_shared>> -> memref<16x64xf32, #tpu.memory_space<vmem_shared>>
        tpu.wait_dma2 semaphore(%run_scoped3A : memref<!tpu.dma_semaphore, #tpu.memory_space<semaphore_mem>>) src(%dma_wait3A_115 : memref<16x64xf32, #tpu.memory_space<vmem_shared>>) dst(%dma_wait3A_112 : memref<16x64xf32, #tpu.memory_space<hbm>>)
        tpu.yield
      }) : () -> ()
    } else {
    }
    return
  }
}

module attributes {stable_mosaic.version = 14 : i64} {
  func.func @_uv_body(%arg0: i32, %arg1: memref<2000x128xf32, #tpu.memory_space<vmem>>, %arg2: memref<2000x128xf32, #tpu.memory_space<vmem>>, %arg3: memref<128x64xf32, #tpu.memory_space<vmem>>, %arg4: memref<128x64xf32, #tpu.memory_space<vmem>>, %arg5: memref<1x64xf32, #tpu.memory_space<vmem>>, %arg6: memref<2000x64xf32, #tpu.memory_space<vmem>>, %arg7: memref<2000x64xf32, #tpu.memory_space<vmem>>) attributes {dimension_semantics = [#tpu.dimension_semantics<arbitrary>], iteration_bounds = array<i64: 5>, scalar_prefetch = 0 : i64, scratch_operands = 0 : i64, tpu.core_type = #tpu.core_type<tc>, window_params = [{transform_indices = @transform_0, window_bounds = array<i64: 2000, 128>}, {transform_indices = @transform_1, window_bounds = array<i64: 2000, 128>}, {pipeline_mode = #tpu.pipeline_mode<synchronous>, transform_indices = @transform_2, window_bounds = array<i64: 128, 64>}, {pipeline_mode = #tpu.pipeline_mode<synchronous>, transform_indices = @transform_3, window_bounds = array<i64: 128, 64>}, {pipeline_mode = #tpu.pipeline_mode<synchronous>, transform_indices = @transform_4, window_bounds = array<i64: 1, 64>}, {transform_indices = @transform_5, window_bounds = array<i64: 2000, 64>}, {transform_indices = @transform_6, window_bounds = array<i64: 2000, 64>}]} {
    %get3A = arith.constant 0 : index
    %get3A_0 = arith.constant 0 : index
    %get3A_1 = vector.load %arg1[%get3A, %get3A_0] : memref<2000x128xf32, #tpu.memory_space<vmem>>, vector<2000x128xf32>
    %get3A_2 = arith.constant 0 : index
    %get3A_3 = arith.constant 0 : index
    %get3A_4 = vector.load %arg3[%get3A_2, %get3A_3] : memref<128x64xf32, #tpu.memory_space<vmem>>, vector<128x64xf32>
    %dot_general3A = arith.constant dense<0.000000e+00> : vector<2000x64xf32>
    %dot_general3A_5 = tpu.matmul %get3A_1, %get3A_4, %dot_general3A {dimension_numbers = #tpu.dot_dimension_numbers<[1], [0], [0], [1], [0, 0, 1, 1], [], []>, transpose_lhs_hint = false} : vector<2000x128xf32>, vector<128x64xf32>, vector<2000x64xf32> -> vector<2000x64xf32>
    %get3A_6 = arith.constant 0 : index
    %get3A_7 = arith.constant 0 : index
    %get3A_8 = vector.load %arg5[%get3A_6, %get3A_7] : memref<1x64xf32, #tpu.memory_space<vmem>>, vector<1x64xf32>
    %add3A = vector.broadcast %get3A_8 : vector<1x64xf32> to vector<2000x64xf32>
    %add3A_9 = arith.addf %dot_general3A_5, %add3A : vector<2000x64xf32>
    %swap3A = arith.constant 0 : index
    %swap3A_10 = arith.constant 0 : index
    %swap3A_11 = vector.load %arg6[%swap3A, %swap3A_10] : memref<2000x64xf32, #tpu.memory_space<vmem>>, vector<2000x64xf32>
    tpu.vector_store %arg6[%swap3A, %swap3A_10], %add3A_9 {strides = array<i32>} : memref<2000x64xf32, #tpu.memory_space<vmem>>, vector<2000x64xf32>,
    %get3A_12 = arith.constant 0 : index
    %get3A_13 = arith.constant 0 : index
    %get3A_14 = vector.load %arg2[%get3A_12, %get3A_13] : memref<2000x128xf32, #tpu.memory_space<vmem>>, vector<2000x128xf32>
    %get3A_15 = arith.constant 0 : index
    %get3A_16 = arith.constant 0 : index
    %get3A_17 = vector.load %arg4[%get3A_15, %get3A_16] : memref<128x64xf32, #tpu.memory_space<vmem>>, vector<128x64xf32>
    %dot_general3A_18 = arith.constant dense<0.000000e+00> : vector<2000x64xf32>
    %dot_general3A_19 = tpu.matmul %get3A_14, %get3A_17, %dot_general3A_18 {dimension_numbers = #tpu.dot_dimension_numbers<[1], [0], [0], [1], [0, 0, 1, 1], [], []>, transpose_lhs_hint = false} : vector<2000x128xf32>, vector<128x64xf32>, vector<2000x64xf32> -> vector<2000x64xf32>
    %swap3A_20 = arith.constant 0 : index
    %swap3A_21 = arith.constant 0 : index
    %swap3A_22 = vector.load %arg7[%swap3A_20, %swap3A_21] : memref<2000x64xf32, #tpu.memory_space<vmem>>, vector<2000x64xf32>
    tpu.vector_store %arg7[%swap3A_20, %swap3A_21], %dot_general3A_19 {strides = array<i32>} : memref<2000x64xf32, #tpu.memory_space<vmem>>, vector<2000x64xf32>,
    return
  }
  func.func @transform_0(%arg0: i32) -> (i32, i32) {
    %c0_i32 = arith.constant 0 : i32
    %c0_i32_0 = arith.constant 0 : i32
    return %arg0, %c0_i32 : i32, i32
  }
  func.func @transform_1(%arg0: i32) -> (i32, i32) {
    %c0_i32 = arith.constant 0 : i32
    %c0_i32_0 = arith.constant 0 : i32
    return %arg0, %c0_i32 : i32, i32
  }
  func.func @transform_2(%arg0: i32) -> (i32, i32) {
    %c0_i32 = arith.constant 0 : i32
    %c0_i32_0 = arith.constant 0 : i32
    %c0_i32_1 = arith.constant 0 : i32
    return %c0_i32, %c0_i32_0 : i32, i32
  }
  func.func @transform_3(%arg0: i32) -> (i32, i32) {
    %c0_i32 = arith.constant 0 : i32
    %c0_i32_0 = arith.constant 0 : i32
    %c0_i32_1 = arith.constant 0 : i32
    return %c0_i32, %c0_i32_0 : i32, i32
  }
  func.func @transform_4(%arg0: i32) -> (i32, i32) {
    %c0_i32 = arith.constant 0 : i32
    %c0_i32_0 = arith.constant 0 : i32
    %c0_i32_1 = arith.constant 0 : i32
    return %c0_i32, %c0_i32_0 : i32, i32
  }
  func.func @transform_5(%arg0: i32) -> (i32, i32) {
    %c0_i32 = arith.constant 0 : i32
    %c0_i32_0 = arith.constant 0 : i32
    return %arg0, %c0_i32 : i32, i32
  }
  func.func @transform_6(%arg0: i32) -> (i32, i32) {
    %c0_i32 = arith.constant 0 : i32
    %c0_i32_0 = arith.constant 0 : i32
    return %arg0, %c0_i32 : i32, i32
  }
}

module attributes {stable_mosaic.version = 14 : i64} {
  func.func @_eg_body(%arg0: i32, %arg1: memref<8000x16xf32, #tpu.memory_space<vmem>>, %arg2: memref<8000x16xf32, #tpu.memory_space<vmem>>, %arg3: memref<16x64xf32, #tpu.memory_space<vmem>>, %arg4: memref<8000x128xf32, #tpu.memory_space<vmem>>) attributes {dimension_semantics = [#tpu.dimension_semantics<arbitrary>], iteration_bounds = array<i64: 10>, scalar_prefetch = 0 : i64, scratch_operands = 0 : i64, tpu.core_type = #tpu.core_type<tc>, window_params = [{transform_indices = @transform_0, window_bounds = array<i64: 8000, 16>}, {transform_indices = @transform_1, window_bounds = array<i64: 8000, 16>}, {pipeline_mode = #tpu.pipeline_mode<synchronous>, transform_indices = @transform_2, window_bounds = array<i64: 16, 64>}, {transform_indices = @transform_3, window_bounds = array<i64: 8000, 128>}]} {
    %get3A = arith.constant 0 : index
    %get3A_0 = arith.constant 0 : index
    %get3A_1 = vector.load %arg1[%get3A, %get3A_0] : memref<8000x16xf32, #tpu.memory_space<vmem>>, vector<8000x16xf32>
    %get3A_2 = arith.constant 0 : index
    %get3A_3 = arith.constant 0 : index
    %get3A_4 = vector.load %arg3[%get3A_2, %get3A_3] : memref<16x64xf32, #tpu.memory_space<vmem>>, vector<16x64xf32>
    %dot_general3A = arith.constant dense<0.000000e+00> : vector<8000x64xf32>
    %dot_general3A_5 = tpu.matmul %get3A_1, %get3A_4, %dot_general3A {dimension_numbers = #tpu.dot_dimension_numbers<[1], [0], [0], [1], [0, 0, 1, 1], [], []>, transpose_lhs_hint = false} : vector<8000x16xf32>, vector<16x64xf32>, vector<8000x64xf32> -> vector<8000x64xf32>
    %get3A_6 = arith.constant 0 : index
    %get3A_7 = arith.constant 0 : index
    %get3A_8 = vector.load %arg2[%get3A_6, %get3A_7] : memref<8000x16xf32, #tpu.memory_space<vmem>>, vector<8000x16xf32>
    %get3A_9 = arith.constant 0 : index
    %get3A_10 = arith.constant 0 : index
    %get3A_11 = vector.load %arg3[%get3A_9, %get3A_10] : memref<16x64xf32, #tpu.memory_space<vmem>>, vector<16x64xf32>
    %dot_general3A_12 = arith.constant dense<0.000000e+00> : vector<8000x64xf32>
    %dot_general3A_13 = tpu.matmul %get3A_8, %get3A_11, %dot_general3A_12 {dimension_numbers = #tpu.dot_dimension_numbers<[1], [0], [0], [1], [0, 0, 1, 1], [], []>, transpose_lhs_hint = false} : vector<8000x16xf32>, vector<16x64xf32>, vector<8000x64xf32> -> vector<8000x64xf32>
    %concatenate3A = tpu.concatenate %dot_general3A_5, %dot_general3A_13 in 1 : vector<8000x64xf32>, vector<8000x64xf32> -> vector<8000x128xf32>
    %swap3A = arith.constant 0 : index
    %swap3A_14 = arith.constant 0 : index
    %swap3A_15 = vector.load %arg4[%swap3A, %swap3A_14] : memref<8000x128xf32, #tpu.memory_space<vmem>>, vector<8000x128xf32>
    tpu.vector_store %arg4[%swap3A, %swap3A_14], %concatenate3A {strides = array<i32>} : memref<8000x128xf32, #tpu.memory_space<vmem>>, vector<8000x128xf32>,
    return
  }
  func.func @transform_0(%arg0: i32) -> (i32, i32) {
    %mul3A = arith.constant 2 : i32
    %mul3A_0 = arith.muli %mul3A, %arg0 : i32
    %c0_i32 = arith.constant 0 : i32
    %c0_i32_1 = arith.constant 0 : i32
    return %mul3A_0, %c0_i32 : i32, i32
  }
  func.func @transform_1(%arg0: i32) -> (i32, i32) {
    %mul3A = arith.constant 2 : i32
    %mul3A_0 = arith.muli %mul3A, %arg0 : i32
    %add3A = arith.constant 1 : i32
    %add3A_1 = arith.addi %mul3A_0, %add3A : i32
    %c0_i32 = arith.constant 0 : i32
    %c0_i32_2 = arith.constant 0 : i32
    return %add3A_1, %c0_i32 : i32, i32
  }
  func.func @transform_2(%arg0: i32) -> (i32, i32) {
    %c0_i32 = arith.constant 0 : i32
    %c0_i32_0 = arith.constant 0 : i32
    %c0_i32_1 = arith.constant 0 : i32
    return %c0_i32, %c0_i32_0 : i32, i32
  }
  func.func @transform_3(%arg0: i32) -> (i32, i32) {
    %c0_i32 = arith.constant 0 : i32
    %c0_i32_0 = arith.constant 0 : i32
    return %arg0, %c0_i32 : i32, i32
  }
}

module attributes {stable_mosaic.version = 14 : i64} {
  func.func @_f_body(%arg0: i32, %arg1: memref<1000x128xf32, #tpu.memory_space<vmem>>, %arg2: memref<1000x64xf32, #tpu.memory_space<vmem>>, %arg3: memref<1000x64xf32, #tpu.memory_space<vmem>>, %arg4: memref<1000x64xf32, #tpu.memory_space<vmem>>, %arg5: memref<1000x64xf32, #tpu.memory_space<vmem>>, %arg6: memref<128x128xf32, #tpu.memory_space<vmem>>, %arg7: memref<64x128xf32, #tpu.memory_space<vmem>>, %arg8: memref<1x128xf32, #tpu.memory_space<vmem>>, %arg9: memref<1000x128xf32, #tpu.memory_space<vmem>>) attributes {dimension_semantics = [#tpu.dimension_semantics<arbitrary>], iteration_bounds = array<i64: 10>, scalar_prefetch = 0 : i64, scratch_operands = 0 : i64, tpu.core_type = #tpu.core_type<tc>, window_params = [{transform_indices = @transform_0, window_bounds = array<i64: 1000, 128>}, {transform_indices = @transform_1, window_bounds = array<i64: 1000, 64>}, {transform_indices = @transform_2, window_bounds = array<i64: 1000, 64>}, {transform_indices = @transform_3, window_bounds = array<i64: 1000, 64>}, {transform_indices = @transform_4, window_bounds = array<i64: 1000, 64>}, {pipeline_mode = #tpu.pipeline_mode<synchronous>, transform_indices = @transform_5, window_bounds = array<i64: 128, 128>}, {pipeline_mode = #tpu.pipeline_mode<synchronous>, transform_indices = @transform_6, window_bounds = array<i64: 64, 128>}, {pipeline_mode = #tpu.pipeline_mode<synchronous>, transform_indices = @transform_7, window_bounds = array<i64: 1, 128>}, {transform_indices = @transform_8, window_bounds = array<i64: 1000, 128>}]} {
    %get3A = arith.constant 0 : index
    %get3A_0 = arith.constant 0 : index
    %get3A_1 = vector.load %arg1[%get3A, %get3A_0] : memref<1000x128xf32, #tpu.memory_space<vmem>>, vector<1000x128xf32>
    %get3A_2 = arith.constant 0 : index
    %get3A_3 = arith.constant 0 : index
    %get3A_4 = vector.load %arg6[%get3A_2, %get3A_3] : memref<128x128xf32, #tpu.memory_space<vmem>>, vector<128x128xf32>
    %dot_general3A = arith.constant dense<0.000000e+00> : vector<1000x128xf32>
    %dot_general3A_5 = tpu.matmul %get3A_1, %get3A_4, %dot_general3A {dimension_numbers = #tpu.dot_dimension_numbers<[1], [0], [0], [1], [0, 0, 1, 1], [], []>, transpose_lhs_hint = false} : vector<1000x128xf32>, vector<128x128xf32>, vector<1000x128xf32> -> vector<1000x128xf32>
    %get3A_6 = arith.constant 0 : index
    %get3A_7 = arith.constant 0 : index
    %get3A_8 = vector.load %arg2[%get3A_6, %get3A_7] : memref<1000x64xf32, #tpu.memory_space<vmem>>, vector<1000x64xf32>
    %get3A_9 = arith.constant 0 : index
    %get3A_10 = arith.constant 0 : index
    %get3A_11 = vector.load %arg3[%get3A_9, %get3A_10] : memref<1000x64xf32, #tpu.memory_space<vmem>>, vector<1000x64xf32>
    %add3A = arith.addf %get3A_8, %get3A_11 : vector<1000x64xf32>
    %get3A_12 = arith.constant 0 : index
    %get3A_13 = arith.constant 0 : index
    %get3A_14 = vector.load %arg4[%get3A_12, %get3A_13] : memref<1000x64xf32, #tpu.memory_space<vmem>>, vector<1000x64xf32>
    %get3A_15 = arith.constant 0 : index
    %get3A_16 = arith.constant 0 : index
    %get3A_17 = vector.load %arg5[%get3A_15, %get3A_16] : memref<1000x64xf32, #tpu.memory_space<vmem>>, vector<1000x64xf32>
    %add3A_18 = arith.addf %get3A_14, %get3A_17 : vector<1000x64xf32>
    %add3A_19 = arith.addf %add3A, %add3A_18 : vector<1000x64xf32>
    %get3A_20 = arith.constant 0 : index
    %get3A_21 = arith.constant 0 : index
    %get3A_22 = vector.load %arg7[%get3A_20, %get3A_21] : memref<64x128xf32, #tpu.memory_space<vmem>>, vector<64x128xf32>
    %dot_general3A_23 = arith.constant dense<0.000000e+00> : vector<1000x128xf32>
    %dot_general3A_24 = tpu.matmul %add3A_19, %get3A_22, %dot_general3A_23 {dimension_numbers = #tpu.dot_dimension_numbers<[1], [0], [0], [1], [0, 0, 1, 1], [], []>, transpose_lhs_hint = false} : vector<1000x64xf32>, vector<64x128xf32>, vector<1000x128xf32> -> vector<1000x128xf32>
    %add3A_25 = arith.addf %dot_general3A_5, %dot_general3A_24 : vector<1000x128xf32>
    %get3A_26 = arith.constant 0 : index
    %get3A_27 = arith.constant 0 : index
    %get3A_28 = vector.load %arg8[%get3A_26, %get3A_27] : memref<1x128xf32, #tpu.memory_space<vmem>>, vector<1x128xf32>
    %add3A_29 = vector.broadcast %get3A_28 : vector<1x128xf32> to vector<1000x128xf32>
    %add3A_30 = arith.addf %add3A_25, %add3A_29 : vector<1000x128xf32>
    %max3A = arith.constant 0.000000e+00 : f32
    %max3A_31 = vector.broadcast %max3A : f32 to vector<1000x128xf32>
    %max3A_32 = arith.maximumf %add3A_30, %max3A_31 : vector<1000x128xf32>
    %swap3A = arith.constant 0 : index
    %swap3A_33 = arith.constant 0 : index
    %swap3A_34 = vector.load %arg9[%swap3A, %swap3A_33] : memref<1000x128xf32, #tpu.memory_space<vmem>>, vector<1000x128xf32>
    tpu.vector_store %arg9[%swap3A, %swap3A_33], %max3A_32 {strides = array<i32>} : memref<1000x128xf32, #tpu.memory_space<vmem>>, vector<1000x128xf32>,
    return
  }
  func.func @transform_0(%arg0: i32) -> (i32, i32) {
    %c0_i32 = arith.constant 0 : i32
    %c0_i32_0 = arith.constant 0 : i32
    return %arg0, %c0_i32 : i32, i32
  }
  func.func @transform_1(%arg0: i32) -> (i32, i32) {
    %c0_i32 = arith.constant 0 : i32
    %c0_i32_0 = arith.constant 0 : i32
    return %arg0, %c0_i32 : i32, i32
  }
  func.func @transform_2(%arg0: i32) -> (i32, i32) {
    %c0_i32 = arith.constant 0 : i32
    %c0_i32_0 = arith.constant 0 : i32
    return %arg0, %c0_i32 : i32, i32
  }
  func.func @transform_3(%arg0: i32) -> (i32, i32) {
    %c0_i32 = arith.constant 0 : i32
    %c0_i32_0 = arith.constant 0 : i32
    return %arg0, %c0_i32 : i32, i32
  }
  func.func @transform_4(%arg0: i32) -> (i32, i32) {
    %c0_i32 = arith.constant 0 : i32
    %c0_i32_0 = arith.constant 0 : i32
    return %arg0, %c0_i32 : i32, i32
  }
  func.func @transform_5(%arg0: i32) -> (i32, i32) {
    %c0_i32 = arith.constant 0 : i32
    %c0_i32_0 = arith.constant 0 : i32
    %c0_i32_1 = arith.constant 0 : i32
    return %c0_i32, %c0_i32_0 : i32, i32
  }
  func.func @transform_6(%arg0: i32) -> (i32, i32) {
    %c0_i32 = arith.constant 0 : i32
    %c0_i32_0 = arith.constant 0 : i32
    %c0_i32_1 = arith.constant 0 : i32
    return %c0_i32, %c0_i32_0 : i32, i32
  }
  func.func @transform_7(%arg0: i32) -> (i32, i32) {
    %c0_i32 = arith.constant 0 : i32
    %c0_i32_0 = arith.constant 0 : i32
    %c0_i32_1 = arith.constant 0 : i32
    return %c0_i32, %c0_i32_0 : i32, i32
  }
  func.func @transform_8(%arg0: i32) -> (i32, i32) {
    %c0_i32 = arith.constant 0 : i32
    %c0_i32_0 = arith.constant 0 : i32
    return %arg0, %c0_i32 : i32, i32
  }
}

</mosaic_0001>

<sc_bundles>
// kernel: _impl.11.cloned.1.call-start
scs
__scs_entry_jumppad:
0x0: {  	(pc) =	sbr.rel $0x88, $3  }
0x1: {  	(tag) =	ssettag $0x0;
	lr =	simm.s32 $0x1  }
0x2: {  	[smem:$0x3F99] =	sst lr;
	_ =	strace $0xD0000000  }
0x3: {  	_ = 	snop  }
0x4: {  	_ = 	snop  }
0x5: {  	_ = 	snop  }
0x6: {  	_ = 	snop  }
0x7: {  	_ = 	snop  }
__scs_overlays_trampoline_lowered:
0x8: {  	[smem:$0x3FA8] =	sst s0  }
0x9: {  	[smem:$0x3FA9] =	sst s1  }
0xa: {  	[smem:$0x3FAA] =	sst s2  }
0xb: {  	[smem:$0x3FAB] =	sst s3  }
0xc: {  	[smem:$0x3FAC] =	sst s4  }
0xd: {  	[smem:$0x3FAD] =	sst s5  }
0xe: {  	[smem:$0x3FAE] =	sst s6  }
0xf: {  	[smem:$0x3FAF] =	sst s7  }
0x10: {  	[smem:$0x3FB0] =	sst s8  }
0x11: {  	[smem:$0x3FB1] =	sst s9;
	s0 =	simm.s32 @!p0 $0x0  }
0x12: {  	s1 =	sld [smem:$0x3F97];
	s0 =	simm.s32 @p0 $0x1  }
0x13: {  	[smem:$0x3FB2] =	sst s0;
	s0 =	simm.s32 @!p1 $0x0  }
0x14: {  	s2 =	sld [smem:$0x3F96];
	s0 =	simm.s32 @p1 $0x1  }
0x15: {  	[smem:$0x3FB3] =	sst s0;
	s0 =	simm.s32 @!p2 $0x0  }
0x16: {  	s3 =	sld [smem:$0x3FDB];
	s0 =	simm.s32 @p2 $0x1  }
0x17: {  	s4 =	simm.s32 $0x1BF5;
	[smem:$0x3FB5] =	sst s0  }
0x18: {  	s0 =	sld [smem:$0x3F98];
	_ =	swait.ge [sflag:s4], $0x0  }
0x19: {  	s7 =	sld [smem:$0x3F99]  }
0x1a: {  	s8 =	sadd.s32 $0xFFFFE003, lr  }
0x1b: {  	s9 =	sadd.s32 $0xFFFFFEF7, lr;
	s5 =	simm.s32 $0xFFFFFFFF;
	p2 =	slt.u32 s8, $0xFFFFF086  }
0x1c: {  	p1 =	slt.u32 s9, $0xF7A;
	s5 =	simm.s32 @!p2 $0x0  }
0x1d: {  	s5 =	simm.s32 @p1 $0x1;
	p0 =	seq.s32 s7, s2  }
0x1e: {  	s7 =	smul.u32 @!p0 $0xF7A, s2;
	p2 =	seq.s32 @!p0 s5, $0x0  }
0x1f: {  	s9 =	smul.u32 $0xF7A, s1;
	s8 =	simm.s32 @!p0 $0x1BF5;
	p2 =	por !p2, p0  }
0x20: {  	[sflag:s8] =	ssyncset.s32 @!p0 $0xFFFFF086;
	s6 =	sadd.s32 @!p0 s3, s7;
	s7 =	simm.s32 @!p0 $0x108  }
0x21: {  	s3 =	sadd.s32 s3, s9;
	s6 =	sadd.s32 @!p0 $0x88, s6;
	s7 =	simm.s32 @p2 $0x1082  }
0x22: {  	[simem:s7], [sflag:s8] =	dma.local @!p0 [hbm:s6], $0xF7A  }
0x23: {  	s9 =	sor.u32 $0xD0000000, s2;
	s6 =	simm.s32 $0x108;
	_ =	swait.ge @!p0 [sflag:s8], $0x0  }
0x24: {  	s3 =	sadd.s32 $0x88, s3;
	s6 =	simm.s32 @!p1 $0x1082;
	[sflag:s4] =	ssyncset.s32 $0xFFFFF086  }
0x25: {  	[simem:s6], [sflag:s4] =	dma.local [hbm:s3], $0xF7A  }
0x26: {  	[smem:$0x3F99] =	sst s1;
	(tag) =	ssettag s2;
	_ =	strace s9  }
0x27: {  	s1 =	sld [smem:$0x3FA9]  }
0x28: {  	s2 =	sld [smem:$0x3FAA]  }
0x29: {  	s4 =	sld [smem:$0x3FAC]  }
0x2a: {  	p0 =	seq.s32 s5, $0x0;
	s5 =	sld [smem:$0x3FAD]  }
0x2b: {  	s6 =	sld [smem:$0x3FAE]  }
0x2c: {  	s7 =	sld [smem:$0x3FAF]  }
0x2d: {  	s3 =	simm.s32 $0x108;
	s8 =	sld [smem:$0x3FB0]  }
0x2e: {  	s3 =	simm.s32 @!p0 $0x1082;
	s9 =	sld [smem:$0x3FB1]  }
0x2f: {  	lr =	sadd.s32 s0, s3;
	s0 =	sld [smem:$0x3FA8]  }
0x30: {  	s3 =	sld [smem:$0x3FAB]  }
0x31: {  	[smem:$0x3FB4] =	sst s10  }
0x32: {  	s10 =	sld [smem:$0x3FB2];
	_ =	sdelay $0x3  }
0x33: {  	p0 =	seq.s32 s10, $0x1;
	s10 =	sld [smem:$0x3FB4];
	_ =	sdelay $0x3  }
0x34: {  	[smem:$0x3FB4] =	sst s10  }
0x35: {  	s10 =	sld [smem:$0x3FB3];
	_ =	sdelay $0x3  }
0x36: {  	p1 =	seq.s32 s10, $0x1;
	s10 =	sld [smem:$0x3FB4];
	_ =	sdelay $0x3  }
0x37: {  	[smem:$0x3FB4] =	sst s10  }
0x38: {  	s10 =	sld [smem:$0x3FB5]  }
0x39: {  	_ = 	snop;
	(pc) =	sbr.ind lr, $3  }
0x3a: {  	_ = 	snop  }
0x3b: {  	_ = 	snop  }
0x3c: {  	p2 =	seq.s32 s10, $0x1;
	s10 =	sld [smem:$0x3FB4]  }
0x3d: {  	_ =	shalt  }
0x3e: {  	_ =	shalt  }
0x3f: {  	_ =	shalt  }
0x40: {  	_ =	shalt  }
0x41: {  	_ =	shalt  }
0x42: {  	_ =	shalt  }
0x43: {  	_ =	shalt  }
0x44: {  	_ =	shalt  }
0x45: {  	_ =	shalt  }
0x46: {  	_ =	shalt  }
0x47: {  	_ =	shalt  }
0x48: {  	_ =	shalt  }
0x49: {  	_ =	shalt  }
0x4a: {  	_ =	shalt  }
0x4b: {  	_ =	shalt  }
0x4c: {  	_ =	shalt  }
0x4d: {  	_ =	shalt  }
0x4e: {  	_ =	shalt  }
0x4f: {  	_ =	shalt  }
0x50: {  	_ =	shalt  }
0x51: {  	_ =	shalt  }
0x52: {  	_ =	shalt  }
0x53: {  	_ =	shalt  }
0x54: {  	_ =	shalt  }
0x55: {  	_ =	shalt  }
0x56: {  	_ =	shalt  }
0x57: {  	_ =	shalt  }
0x58: {  	_ =	shalt  }
0x59: {  	_ =	shalt  }
0x5a: {  	_ =	shalt  }
0x5b: {  	_ =	shalt  }
0x5c: {  	_ =	shalt  }
0x5d: {  	_ =	shalt  }
0x5e: {  	_ =	shalt  }
0x5f: {  	_ =	shalt  }
0x60: {  	_ =	shalt  }
0x61: {  	_ =	shalt  }
0x62: {  	_ =	shalt  }
0x63: {  	_ =	shalt  }
0x64: {  	_ =	shalt  }
0x65: {  	_ =	shalt  }
0x66: {  	_ =	shalt  }
0x67: {  	_ =	shalt  }
0x68: {  	_ =	shalt  }
0x69: {  	_ =	shalt  }
0x6a: {  	_ =	shalt  }
0x6b: {  	_ =	shalt  }
0x6c: {  	_ =	shalt  }
0x6d: {  	_ =	shalt  }
0x6e: {  	_ =	shalt  }
0x6f: {  	_ =	shalt  }
0x70: {  	_ =	shalt  }
0x71: {  	_ =	shalt  }
0x72: {  	_ =	shalt  }
0x73: {  	_ =	shalt  }
0x74: {  	_ =	shalt  }
0x75: {  	_ =	shalt  }
0x76: {  	_ =	shalt  }
0x77: {  	_ =	shalt  }
0x78: {  	_ =	shalt  }
0x79: {  	_ =	shalt  }
0x7a: {  	_ =	shalt  }
0x7b: {  	_ =	shalt  }
0x7c: {  	_ =	shalt  }
0x7d: {  	_ =	shalt  }
0x7e: {  	_ =	shalt  }
0x7f: {  	_ =	shalt  }
0x80: {  	_ =	shalt  }
0x81: {  	_ =	shalt  }
0x82: {  	_ =	shalt  }
0x83: {  	_ =	shalt  }
0x84: {  	_ =	shalt  }
0x85: {  	_ =	shalt  }
0x86: {  	_ =	shalt  }
0x87: {  	_ =	shalt  }
.Lfunc_end0:
.L_simem_size_0:
called_computation.1_lowered:
.L_overlay_start_0:
0x88: {  	s2 =	sld [smem:$0x3FD9]  }
0x89: {  	s3 =	sld [smem:$0x3FFE];
	_ =	sdelay $0x1  }
0x8a: {  	s1 =	srdreg.scid  }
0x8b: {  	s0 =	sand.u32 $0x1, s1  }
0x8c: {  	s17 =	sshll.u32 s0, $0xA;
	s2 =	sadd.s32 s3, s2  }
0x8d: {  	s2 =	sadd.s32 s2, s17  }
0x8e: {  	[smem:$0x3FC0] =	sst s2  }
0x8f: {  	_ = 	snop  }
0x90: {  	s18 =	sld [smem:$0x3FD0];
	(tm) =	ssettm $0x1  }
0x91: {  	s19 =	sld [smem:$0x3FFB];
	_ =	sdelay $0x3  }
0x92: {  	_ =	strace s19  }
0x93: {  	s2 =	sld [smem:$0x3FFC];
	_ =	sdelay $0x3  }
0x94: {  	_ =	strace s2  }
0x95: {  	s2 =	sld [smem:$0x3FFD];
	_ =	sdelay $0x3  }
0x96: {  	_ =	strace s2  }
0x97: {  	_ =	strace $0x8FFFFFFF  }
0x98: {  	s20 =	sld [smem:$0x3FDB];
	_ =	sdelay $0x1  }
0x99: {  	s4 =	simm.s32 $_scs_section_size  }
0x9a: {  	s5 =	simm.s32 $_size__tile_overlayer_lowered;
	s6 =	simm.s32 $_tile_overlayer_lowered  }
0x9b: {  	s7 =	simm.s32 $0x1BFF;
	s21 =	sshll.u32 s6, $0x1;
	s4 =	sadd.s32 s4, s20  }
0x9c: {  	s22 =	simm.s32 $0x0;
	s5 =	sshll.u32 s5, $0x1;
	s6 =	sadd.s32 s21, s4  }
0x9d: {  	[timem:s22], [sflag:s7] =	dma.local [hbm:s6], s5  }
0x9e: {  	_ =	swait.ge [sflag:s7], s5  }
0x9f: {  	s5 =	ssub.s32 $0x0, s5;
	[sflag:s7] =	ssyncset.done $0x0  }
0xa0: {  	[sflag:s7] =	ssyncadd.s32 s5;
	_ =	sdelay $0x1  }
0xa1: {  	s23 =	simm.s32 $0x1B8B  }
0xa2: {  	_ =	swait.ge [sflag:s23], $0x1  }
0xa3: {  	[sflag:s23] =	ssyncset.done $0x0  }
0xa4: {  	[sflag:s23] =	ssyncadd.s32 $0xFFFFFFFF  }
0xa5: {  	s5 =	sld [smem:$0x0]  }
0xa6: {  	s6 =	sand.u32 $0xFFFFFFFE, s1  }
0xa7: {  	p0 =	sne.s32 s1, s6  }
0xa8: {  	s6 =	sshll.u32 @p0 s6, $0xE  }
0xa9: {  	s6 =	sadd.s32 @p0 $0x11B8D, s6;
	s7 =	sshll.u32 @p0 s5, $0x11  }
0xaa: {  	s6 =	sor.u32 @p0 s7, s6  }
0xab: {  	[sflag:s6] =	ssyncadd.remote.s32 @p0 $0x1;
	_ =	sdelay $0x1  }
0xac: {  	s6 =	simm.s32 @p0 $0x1B8D  }
0xad: {  	_ =	swait.eq @p0 [sflag:s6], $0x1  }
0xae: {  	[sflag:s6] =	ssyncadd.s32 @p0 $0xFFFFFFFF  }
0xaf: {  	s7 =	sshll.u32 @!p0 s1, $0xE  }
0xb0: {  	s7 =	sor.u32 @!p0 $0x4000, s7;
	s6 =	simm.s32 @!p0 $0x1B8D  }
0xb1: {  	s5 =	sshll.u32 @!p0 s5, $0x11;
	s7 =	sadd.s32 @!p0 $0x11B8D, s7;
	_ =	swait.eq @!p0 [sflag:s6], $0x1  }
0xb2: {  	s5 =	sor.u32 @!p0 s5, s7;
	[sflag:s6] =	ssyncadd.s32 @!p0 $0xFFFFFFFF  }
0xb3: {  	s25 =	simm.s32 $0x1B8E;
	s24 =	sld [smem:$0x3FFE];
	[sflag:s5] =	ssyncadd.remote.s32 @!p0 $0x1  }
0xb4: {  	s26 =	simm.s32 $execute0_lowered;
	[smem:$0x3FD2] =	sst s25  }
0xb5: {  	s6 =	sshll.u32 s26, $0x1;
	_ =	strace $0x80000049;
	[dreg:$0x1] =	wrdreg $0xFFFFFFFF  }
0xb6: {  	s28 =	simm.s32 $_size_execute0_lowered;
	s4 =	sadd.s32 s4, s6;
	[dreg:$0x0] =	wrdreg $0x0  }
0xb7: {  	s6 =	sshll.u32 s28, $0x1;
	[dreg:$0x2] =	wrdreg s4  }
0xb8: {  	[dreg:$0x3] =	wrdreg s6  }
0xb9: {  	[dreg:$0x4] =	wrdreg $0xC0  }
0xba: {  	_ =	task [dreg:s22], $0x5FFFF  }
0xbb: {  	[dreg:$0x1] =	wrdreg $0xFFFFFFFF  }
0xbc: {  	[dreg:$0x0] =	wrdreg $0x60  }
0xbd: {  	[dreg:$0x2] =	wrdreg s24  }
0xbe: {  	[dreg:$0x3] =	wrdreg s18  }
0xbf: {  	[dreg:$0x4] =	wrdreg $0xC2000  }
0xc0: {  	[dreg:$0x5] =	wrdreg $0xA  }
0xc1: {  	_ =	task.clear_ibuf [dreg:s22], $0x6FFFF;
	_ =	strace $0x90000049  }
0xc2: {  	s29 =	simm.s32 $0xA;
	_ =	strace $0x8000004B  }
0xc3: {  	_ =	swait.ge [sflag:s29], $0x1  }
0xc4: {  	[sflag:s29] =	ssyncadd.s32 $0xFFFFFFFF  }
0xc5: {  	_ =	strace $0x9000004B  }
0xc6: {  	_ =	sfence  }
0xc7: {  	s30 =	sld [smem:$0x0];
	_ =	sdelay $0x2  }
0xc8: {  	s31 =	sshll.u32 s1, $0xD;
	s1 =	sshrl.u32 s1, $0x2  }
0xc9: {  	s4 =	sand.u32 $0x4000, s31;
	s1 =	sadd.s32 s1, s30  }
0xca: {  	s0 =	sor.u32 s4, s0;
	s1 =	sshll.u32 s1, $0x11  }
0xcb: {  	s0 =	sor.u32 s1, s0  }
0xcc: {  	s0 =	sadd.s32 $0x8F2B, s0  }
0xcd: {  	[sflag:s0] =	ssyncadd.remote.s32 $0x1  }
0xce: {  	_ =	sfence.sel $0xFFFF  }
0xcf: {  	[dreg:$0x0] =	wrdreg $0xFFFFFFFF;
	(pc) =	sbr.abs _section_cstart, $3  }
0xd0: {  	[dreg:$0x1] =	wrdreg $0xFFFFFFFF  }
0xd1: {  	_ =	task.clear_ibuf [dreg:s22], $0x2FFFF;
	_ =	strace $0x9FFFFFFF  }
0xd2: {  	(tm) =	ssettm $0x7FFFFFFF  }
0xd3: {  	_ =	shalt  }
tec
execute0_lowered:
.L_overlay_start_1:
0x0: {  	(tag) =	ssettag $0x1  }
0x1: {  	s0 =	rddreg [dreg:$0x0]  }
0x2: {  	s3 =	rddreg [dreg:$0x1]  }
0x3: {  	s1 =	rddreg [dreg:$0x2]  }
0x4: {  	s2 =	simm.s32 $0x0;
	s16 =	stileid.u32;
	s7 =	srdreg.scid  }
0x5: {  	s31 =	simm.s32 $0x1;
	s30 =	simm.s32 $0x6140;
	[smem:$0x7FF] =	sst s2  }
0x6: {  	s4 =	sadd.s32 $0x15200, s0;
	s5 =	sadd.s32 $0x1800, s0;
	s6 =	sadd.s32 $0x63800, s0  }
0x7: {  	s10 =	smul.u32 $0x9C00, s16;
	s11 =	sand.u32 $0x1, s7;
	s7 =	sadd.s32 $0x1A1000, s0  }
0x8: {  	s8 =	sadd.s32 $0x19C000, s0;
	s14 =	sshll.u32 s16, $0x1;
	s20 =	sshll.u32 s16, $0x6  }
0x9: {  	s15 =	sadd.s32 $0x9C000, s1;
	p0 =	sne.s32 s16, $0xF;
	_ =	strace $0x8000004A  }
0xa: {  	s9 =	ssub.s32 $0x2, s11;
	s17 =	sor.u32 $0x1C05, s20;
	s20 =	simm.s32 $0x5  }
0xb: {  	s12 =	sshrl.u32 s10, $0x3;
	s13 =	sshrl.u32 s9, $0x1;
	s19 =	sadd.s32 s10, s1  }
0xc: {  	[dreg:$0x5] =	wrdreg s17;
	s12 =	sadd.s32 s12, s0;
	s13 =	ssub.s32 s9, s13  }
0xd: {  	s9 =	sor.u32 s11, s14;
	s11 =	smul.u32 $0x9C400, s11;
	s0 =	sadd.s32 $0x3C400, s0  }
0xe: {  	s14 =	simm.s32 $0x3;
	s12 =	sadd.s32 $0x28C00, s12;
	s21 =	sshll.u32 s9, $0x4  }
0xf: {  	[dreg:$0x6] =	wrdreg s0;
	s26 =	sshll.u32 s9, $0xA;
	s29 =	smax.u32 s13, $0x1  }
0x10: {  	s13 =	sshrl.u32 @!p0 s15, $0x3;
	s15 =	simm.s32 $0x0;
	[dreg:$0x4] =	wrdreg s12  }
0x11: {  	s22 =	sadd.s32 s7, s21;
	s23 =	sadd.s32 s8, s21;
	[dreg:$0xc] =	wrdreg s29  }
0x12: {  	s24 =	sadd.s32 s10, s11;
	s25 =	sshrl.u32 s11, $0x3;
	[dreg:$0xe] =	wrdreg s13  }
0x13: {  	s11 =	sadd.s32 s6, s26;
	s12 =	sshrl.u32 s19, $0x3;
	[dreg:$0x7] =	wrdreg s22  }
.Ltmp0:
0x14: {  	[dreg:$0x8] =	wrdreg s23;
	s0 =	sshrl.u32 s24, $0x3;
	(pc) =	sbr.rel .LBB2_1-.Ltmp0, $4  }
0x15: {  	s10 =	sadd.s32 s3, s25;
	[dreg:$0x9] =	wrdreg s11;
	s24 =	simm.s32 $0x40  }
0x16: {  	s23 =	simm.s32 $0x6180;
	[dreg:$0xd] =	wrdreg s12;
	s0 =	sadd.s32 s3, s0  }
0x17: {  	s22 =	simm.s32 $0x9200;
	s28 =	sadd.s32 $0x13800, s10;
	[dreg:$0xa] =	wrdreg s0  }
0x18: {  	s3 =	simm.s32 $0x6100;
	[dreg:$0xb] =	wrdreg s28;
	s0 =	simm.s32 $0x4  }
.LBB2_17:
0x19: {  	s10 =	simm.s32 $0x2  }
0x1a: {  	_ =	swait.ge [sflag:s10], $0x1000  }
0x1b: {  	[sflag:s10] =	ssyncset.done $0x0  }
0x1c: {  	[sflag:s10] =	ssyncadd.s32 $0xFFFFF000  }
0x1d: {  	_ =	swait.ge [sflag:s10], $0x1000  }
0x1e: {  	[sflag:s10] =	ssyncset.done $0x0  }
0x1f: {  	[sflag:s10] =	ssyncadd.s32 $0xFFFFF000  }
0x20: {  	_ =	swait.ge [sflag:s0], $0x1000  }
0x21: {  	[sflag:s0] =	ssyncset.done $0x0  }
0x22: {  	[sflag:s0] =	ssyncadd.s32 $0xFFFFF000  }
0x23: {  	_ =	swait.ge [sflag:s0], $0x1000  }
0x24: {  	[sflag:s0] =	ssyncset.done $0x0  }
0x25: {  	[sflag:s0] =	ssyncadd.s32 $0xFFFFF000  }
0x26: {  	[bflag:$0x0] =	sbarrier.arrive $0xFFFF  }
0x27: {  	s17 =	rddreg [dreg:$0x5]  }
0x28: {  	s29 =	rddreg [dreg:$0xa]  }
0x29: {  	s12 =	rddreg [dreg:$0xd]  }
0x2a: {  	[hbm:s29], [sflag:s17] =	dma.local [spmem:s12], $0x1380  }
0x2b: {  	_ =	swait.ge [sflag:s20], $0x1380  }
0x2c: {  	[sflag:s20] =	ssyncset.done $0x0;
	s10 =	rddreg [dreg:$0xb]  }
0x2d: {  	s13 =	rddreg [dreg:$0xe];
	[sflag:s20] =	ssyncadd.s32 $0xFFFFEC80  }
0x2e: {  	[hbm:s10], [sflag:s17] =	dma.local @!p0 [spmem:s13], $0x80  }
0x2f: {  	s10 =	simm.s32 @!p0 $0x5  }
0x30: {  	_ =	swait.ge @!p0 [sflag:s10], $0x80  }
0x31: {  	s15 =	rddreg [dreg:$0xf]  }
0x32: {  	s11 =	rddreg [dreg:$0xc];
	s15 =	sadd.s32 $0x1, s15  }
0x33: {  	p1 =	sne.s32 s15, s11  }
.Ltmp1:
0x34: {  	_ = 	snop;
	(pc) =	sbr.rel @!p1 .LBB2_18-.Ltmp1, $3  }
0x35: {  	_ =	sdelay $0x1  }
0x36: {  	[sflag:s10] =	ssyncset.done @!p0 $0x0  }
0x37: {  	[sflag:s10] =	ssyncadd.s32 @!p0 $0xFFFFFF80  }
.LBB2_1:
0x38: {  	[dreg:$0xf] =	wrdreg s15  }
0x39: {  	s10 =	rddreg [dreg:$0x4]  }
0x3a: {  	[spmem:s12], [sflag:s17] =	dma.local [hbm:s10], $0x1380  }
0x3b: {  	_ =	swait.ge [sflag:s20], $0x1380  }
0x3c: {  	[sflag:s20] =	ssyncset.done $0x0  }
0x3d: {  	s10 =	rddreg [dreg:$0x6];
	[sflag:s20] =	ssyncadd.s32 $0xFFFFEC80  }
0x3e: {  	[spmem:s13], [sflag:s17] =	dma.local @!p0 [hbm:s10], $0x80  }
0x3f: {  	s10 =	simm.s32 @!p0 $0x5  }
0x40: {  	_ =	swait.ge @!p0 [sflag:s10], $0x80  }
0x41: {  	[sflag:s10] =	ssyncset.done @!p0 $0x0  }
0x42: {  	[sflag:s10] =	ssyncadd.s32 @!p0 $0xFFFFFF80  }
0x43: {  	[bflag:$0x0] =	sbarrier.arrive $0xFFFF  }
0x44: {  	s16 =	rddreg [dreg:$0x7]  }
0x45: {  	[tilespmem:s2], [sflag:$0x5] =	stream.linear.gather [hbm4b:s16+s2], $0x80, $0x38;
	[tilespmem:$0x15E40] =	vst v63  }
0x46: {  	_ =	swait.ge [sflag:s20], $0x80  }
0x47: {  	[sflag:s20] =	ssyncset.done $0x0  }
0x48: {  	s11 =	simm.s32 $0x80;
	s17 =	rddreg [dreg:$0x8];
	[sflag:s20] =	ssyncadd.s32 $0xFFFFFF80  }
0x49: {  	[tilespmem:s11], [sflag:$0x5] =	stream.linear.gather [hbm4b:s17+s2], $0x80, $0x38;
	[tilespmem:$0x15E40] =	vst v63  }
0x4a: {  	_ =	swait.ge [sflag:s20], $0x80  }
0x4b: {  	[sflag:s20] =	ssyncset.done $0x0  }
0x4c: {  	s19 =	simm.s32 $0x100;
	s18 =	rddreg [dreg:$0x9];
	[sflag:s20] =	ssyncadd.s32 $0xFFFFFF80  }
0x4d: {  	[tilespmem:s19], [sflag:$0x1] =	stream.linear.gather [hbm4b:s18+s2], $0x2000, $0x38;
	[tilespmem:$0x15E40] =	vst v63  }
0x4e: {  	s21 =	simm.s32 $0x2100  }
0x4f: {  	[tilespmem:s21], [sflag:$0x1] =	stream.indirect.gather [hbm4b:s4+s24], $0x40, s2, s24, $0xb8;
	[tilespmem:$0x15E40] =	vst v63  }
0x50: {  	s25 =	simm.s32 $0x3100  }
0x51: {  	[tilespmem:s25], [sflag:$0x1] =	stream.indirect.gather [hbm4b:s4+s24], $0x40, s24, s24, $0xb8;
	[tilespmem:$0x15E40] =	vst v63  }
.Ltmp2:
0x52: {  	_ = 	snop;
	(pc) =	sbr.rel .LBB2_2-.Ltmp2, $4  }
0x53: {  	s26 =	simm.s32 $0x4100  }
0x54: {  	[tilespmem:s26], [sflag:$0x1] =	stream.indirect.gather [hbm4b:s5+s24], $0x40, s11, s24, $0xb8;
	[tilespmem:$0x15E40] =	vst v63  }
0x55: {  	s28 =	simm.s32 $0xC0;
	s29 =	simm.s32 $0x5100;
	s17 =	simm.s32 $0x0  }
0x56: {  	[tilespmem:s29], [sflag:$0x1] =	stream.indirect.gather [hbm4b:s5+s24], $0x40, s28, s24, $0xb8;
	[tilespmem:$0x15E40] =	vst v63  }
.LBB2_16:
0x57: {  	s17 =	sadd.s32 $0x1, s17  }
0x58: {  	p1 =	sne.s32 s17, $0x14  }
.Ltmp3:
0x59: {  	_ = 	snop;
	(pc) =	sbr.rel @!p1 .LBB2_17-.Ltmp3, $1  }
0x5a: {  	_ =	sdelay $0x3  }
.LBB2_2:
0x5b: {  	_ =	swait.ge [sflag:s31], $0x2000  }
0x5c: {  	[sflag:s31] =	ssyncset.done $0x0  }
0x5d: {  	[sflag:s31] =	ssyncadd.s32 $0xFFFFE000  }
0x5e: {  	_ =	swait.ge [sflag:s31], $0x1000  }
0x5f: {  	[sflag:s31] =	ssyncset.done $0x0  }
0x60: {  	s10 =	sshll.u32 s17, $0x6;
	[sflag:s31] =	ssyncadd.s32 $0xFFFFF000  }
0x61: {  	s18 =	sor.u32 s9, s10;
	_ =	swait.ge [sflag:s31], $0x1000  }
0x62: {  	p1 =	seq.s32 s17, $0x0;
	s19 =	sor.u32 $0x20, s18;
	[sflag:s31] =	ssyncset.done $0x0  }
0x63: {  	p2 =	sgt.u32 @!p1 s19, $0x4E1;
	[sflag:s31] =	ssyncadd.s32 $0xFFFFF000  }
0x64: {  	p1 =	por p1, p2;
	_ =	swait.ge [sflag:s31], $0x1000  }
.Ltmp4:
0x65: {  	[sflag:s31] =	ssyncset.done $0x0;
	(pc) =	sbr.rel @p1 .LBB2_4-.Ltmp4, $4  }
0x66: {  	[sflag:s31] =	ssyncadd.s32 $0xFFFFF000  }
0x67: {  	_ =	swait.ge [sflag:s31], $0x1000  }
0x68: {  	[sflag:s31] =	ssyncset.done $0x0  }
0x69: {  	[sflag:s31] =	ssyncadd.s32 $0xFFFFF000  }
0x6a: {  	_ =	swait.ge [sflag:s0], $0x1000  }
0x6b: {  	[sflag:s0] =	ssyncset.done $0x0  }
0x6c: {  	[sflag:s0] =	ssyncadd.s32 $0xFFFFF000  }
0x6d: {  	_ =	swait.ge [sflag:s0], $0x1000  }
0x6e: {  	[sflag:s0] =	ssyncset.done $0x0  }
0x6f: {  	[sflag:s0] =	ssyncadd.s32 $0xFFFFF000  }
.LBB2_5:
0x70: {  	s10 =	sshll.u32 s19, $0x4  }
0x71: {  	s11 =	sadd.s32 s7, s10  }
0x72: {  	[tilespmem:s3], [sflag:$0x5] =	stream.linear.gather [hbm4b:s11+s2], $0x80, $0x38;
	[tilespmem:$0x15E40] =	vst v63  }
0x73: {  	_ =	swait.ge [sflag:s20], $0x80  }
0x74: {  	[sflag:s20] =	ssyncset.done $0x0  }
0x75: {  	s10 =	sadd.s32 s8, s10;
	[sflag:s20] =	ssyncadd.s32 $0xFFFFFF80  }
0x76: {  	[tilespmem:s23], [sflag:$0x5] =	stream.linear.gather [hbm4b:s10+s2], $0x80, $0x38;
	[tilespmem:$0x15E40] =	vst v63  }
0x77: {  	_ =	swait.ge [sflag:s20], $0x80  }
0x78: {  	s16 =	sshll.u32 s19, $0xA;
	[sflag:s20] =	ssyncset.done $0x0  }
0x79: {  	s21 =	simm.s32 $0x6200;
	s10 =	sadd.s32 s6, s16;
	[sflag:s20] =	ssyncadd.s32 $0xFFFFFF80  }
0x7a: {  	[tilespmem:s21], [sflag:$0x3] =	stream.linear.gather [hbm4b:s10+s2], $0x2000, $0x38;
	[tilespmem:$0x15E40] =	vst v63  }
0x7b: {  	s25 =	simm.s32 $0x8200  }
0x7c: {  	[tilespmem:s25], [sflag:$0x3] =	stream.indirect.gather [hbm4b:s4+s24], $0x40, s3, s24, $0xb8;
	[tilespmem:$0x15E40] =	vst v63  }
0x7d: {  	_ = 	snop  }
0x7e: {  	[tilespmem:s22], [sflag:$0x3] =	stream.indirect.gather [hbm4b:s4+s24], $0x40, s30, s24, $0xb8;
	[tilespmem:$0x15E40] =	vst v63  }
0x7f: {  	s26 =	simm.s32 $0xA200  }
0x80: {  	[tilespmem:s26], [sflag:$0x3] =	stream.indirect.gather [hbm4b:s5+s24], $0x40, s23, s24, $0xb8;
	[tilespmem:$0x15E40] =	vst v63  }
0x81: {  	s28 =	simm.s32 $0x61C0;
	s29 =	simm.s32 $0xB200  }
0x82: {  	[tilespmem:s29], [sflag:$0x3] =	stream.indirect.gather [hbm4b:s5+s24], $0x40, s28, s24, $0xb8;
	[tilespmem:$0x15E40] =	vst v63  }
.LBB2_6:
0x83: {  	s15 =	simm.s32 $0x200  }
0x84: {  	s11 =	simm.s32 $0x2180;
	v0 =	vld [tilespmem:s15+$0x80]  }
0x85: {  	s13 =	simm.s32 $0x4180;
	v1 =	vld [tilespmem:s11+$0x40]  }
0x86: {  	v2 =	vld [tilespmem:s13+$0x40]  }
0x87: {  	v3 =	vld [tilespmem:s15+$0xFFFFFF80]  }
0x88: {  	v4 =	vld [tilespmem:s15+$0xFFFFFF00]  }
0x89: {  	v5 =	vld [tilespmem:s13+$0xFFFFFF80]  }
0x8a: {  	v7 =	vld [tilespmem:s15+$0x0]  }
0x8b: {  	v8 =	vld [tilespmem:s11+$0x0]  }
0x8c: {  	v9 =	vld [tilespmem:s13+$0xFFFFFFC0];
	v0 =	vadd.f32 v1, v0  }
0x8d: {  	v11 =	vld [tilespmem:s11+$0xFFFFFFF0]  }
0x8e: {  	v1 =	vld [tilespmem:s11+$0xFFFFFF80];
	v0 =	vadd.f32 v2, v0  }
0x8f: {  	s12 =	simm.s32 $0x4280;
	v12 =	vld [tilespmem:s11+$0x30]  }
0x90: {  	v13 =	vld [tilespmem:s12+$0x40];
	v0 =	vmax.f32 v0, $0.0e+00  }
0x91: {  	[tilespmem:s11+$0x40] =	vst v0;
	v0 =	vld [tilespmem:s11+$0x50]  }
0x92: {  	v6 =	vld [tilespmem:s15+$0x90]  }
0x93: {  	v2 =	vld [tilespmem:s11+$0xFFFFFFC0];
	v1 =	vadd.f32 v1, v4  }
0x94: {  	s10 =	simm.s32 $0x2280;
	v4 =	vld [tilespmem:s13+$0x50]  }
0x95: {  	s28 =	simm.s32 $0x400;
	v16 =	vld [tilespmem:s10+$0xFFFFFFC0];
	v1 =	vadd.f32 v5, v1  }
0x96: {  	v48 =	vld [tilespmem:s28+$0x0]  }
0x97: {  	v5 =	vld [tilespmem:s13+$0x0];
	v1 =	vmax.f32 v1, $0.0e+00;
	v0 =	vadd.f32 v0, v6  }
0x98: {  	v2 =	vadd.f32 v2, v3;
	[tilespmem:s11+$0xFFFFFF80] =	vst v1;
	v6 =	vld [tilespmem:s11+$0xFFFFFF90]  }
0x99: {  	v1 =	vld [tilespmem:s15+$0xFFFFFF10];
	v0 =	vadd.f32 v4, v0  }
0x9a: {  	v3 =	vld [tilespmem:s11+$0xFFFFFFD0];
	v2 =	vadd.f32 v9, v2  }
0x9b: {  	v4 =	vadd.f32 v8, v7;
	v8 =	vld [tilespmem:s13+$0xFFFFFF90];
	v0 =	vmax.f32 v0, $0.0e+00  }
0x9c: {  	v7 =	vld [tilespmem:s11+$0x10];
	[tilespmem:s11+$0x50] =	vst v0;
	v0 =	vmax.f32 v2, $0.0e+00  }
0x9d: {  	v2 =	vadd.f32 v5, v4;
	v4 =	vld [tilespmem:s11+$0x60];
	[tilespmem:s11+$0xFFFFFFC0] =	vst v0  }
0x9e: {  	v1 =	vadd.f32 v6, v1;
	v5 =	vld [tilespmem:s15+$0xFFFFFF90]  }
0x9f: {  	v0 =	vld [tilespmem:s15+$0xA0]  }
0xa0: {  	v2 =	vmax.f32 v2, $0.0e+00;
	v1 =	vadd.f32 v8, v1;
	v8 =	vld [tilespmem:s13+$0xFFFFFFD0]  }
0xa1: {  	[tilespmem:s11+$0x0] =	vst v2;
	v2 =	vld [tilespmem:s13+$0x60]  }
0xa2: {  	v6 =	vld [tilespmem:s15+$0x10];
	v1 =	vmax.f32 v1, $0.0e+00  }
0xa3: {  	v17 =	vld [tilespmem:s28+$0xFFFFFF00];
	[tilespmem:s11+$0xFFFFFF90] =	vst v1;
	v1 =	vadd.f32 v3, v5  }
0xa4: {  	v0 =	vadd.f32 v4, v0;
	v4 =	vld [tilespmem:s13+$0x10]  }
0xa5: {  	v18 =	vld [tilespmem:s12+$0xFFFFFF80];
	v1 =	vadd.f32 v8, v1  }
0xa6: {  	v20 =	vld [tilespmem:s10+$0x0];
	v0 =	vadd.f32 v2, v0  }
0xa7: {  	v21 =	vld [tilespmem:s12+$0xFFFFFFC0];
	v5 =	vadd.f32 v7, v6;
	v1 =	vmax.f32 v1, $0.0e+00  }
0xa8: {  	v2 =	vld [tilespmem:s11+$0xFFFFFFE0];
	v0 =	vmax.f32 v0, $0.0e+00;
	[tilespmem:s11+$0xFFFFFFD0] =	vst v1  }
0xa9: {  	[tilespmem:s11+$0x60] =	vst v0;
	v0 =	vadd.f32 v4, v5;
	v5 =	vld [tilespmem:s15+$0xFFFFFFA0]  }
0xaa: {  	v22 =	vld [tilespmem:s12+$0x0]  }
0xab: {  	v8 =	vld [tilespmem:s13+$0xFFFFFFE0]  }
0xac: {  	v50 =	vld [tilespmem:s10+$0xFFFFFF90]  }
0xad: {  	v51 =	vld [tilespmem:s10+$0xFFFFFFD0]  }
0xae: {  	v53 =	vld [tilespmem:s10+$0xFFFFFFA0];
	v2 =	vadd.f32 v2, v5  }
0xaf: {  	v5 =	vld [tilespmem:s28+$0x80]  }
0xb0: {  	v2 =	vadd.f32 v8, v2;
	v8 =	vld [tilespmem:s10+$0x40]  }
0xb1: {  	v54 =	vld [tilespmem:s10+$0x60]  }
0xb2: {  	v60 =	vld [tilespmem:s10+$0x20]  }
0xb3: {  	v9 =	vld [tilespmem:s11+$0xFFFFFFA0]  }
0xb4: {  	v3 =	vld [tilespmem:s15+$0xFFFFFF20]  }
0xb5: {  	v6 =	vld [tilespmem:s13+$0xFFFFFFA0];
	v5 =	vadd.f32 v8, v5  }
0xb6: {  	v7 =	vld [tilespmem:s11+$0x20]  }
0xb7: {  	v4 =	vld [tilespmem:s11+$0x70];
	v2 =	vmax.f32 v2, $0.0e+00;
	v5 =	vadd.f32 v13, v5  }
0xb8: {  	[tilespmem:s11+$0xFFFFFFE0] =	vst v2;
	v2 =	vld [tilespmem:s10+$0xFFFFFF80]  }
0xb9: {  	v1 =	vld [tilespmem:s15+$0xB0];
	v5 =	vmax.f32 v5, $0.0e+00  }
0xba: {  	[tilespmem:s10+$0x40] =	vst v5;
	v5 =	vld [tilespmem:s10+$0x50]  }
0xbb: {  	v19 =	vld [tilespmem:s28+$0x90]  }
0xbc: {  	v3 =	vadd.f32 v9, v3;
	v8 =	vld [tilespmem:s28+$0xFFFFFF80]  }
0xbd: {  	v0 =	vmax.f32 v0, $0.0e+00;
	v2 =	vadd.f32 v2, v17;
	v49 =	vld [tilespmem:s12+$0x50]  }
0xbe: {  	[tilespmem:s11+$0x10] =	vst v0;
	v0 =	vld [tilespmem:s13+$0x70];
	v3 =	vadd.f32 v6, v3  }
0xbf: {  	v6 =	vld [tilespmem:s15+$0x20];
	v13 =	vadd.f32 v20, v48;
	v2 =	vadd.f32 v18, v2  }
0xc0: {  	v9 =	vld [tilespmem:s13+$0x20];
	v3 =	vmax.f32 v3, $0.0e+00;
	v5 =	vadd.f32 v5, v19  }
0xc1: {  	[tilespmem:s11+$0xFFFFFFA0] =	vst v3;
	v3 =	vld [tilespmem:s11+$0xFFFFFFB0];
	v13 =	vadd.f32 v22, v13;
	v2 =	vmax.f32 v2, $0.0e+00  }
0xc2: {  	v10 =	vld [tilespmem:s15+$0xFFFFFF30];
	v8 =	vadd.f32 v16, v8;
	[tilespmem:s10+$0xFFFFFF80] =	vst v2;
	v5 =	vadd.f32 v49, v5  }
0xc3: {  	v13 =	vmax.f32 v13, $0.0e+00;
	v52 =	vld [tilespmem:s28+$0xFFFFFF10]  }
0xc4: {  	v8 =	vadd.f32 v21, v8;
	[tilespmem:s10+$0x0] =	vst v13;
	v2 =	vld [tilespmem:s10+$0x10];
	v5 =	vmax.f32 v5, $0.0e+00  }
0xc5: {  	[tilespmem:s10+$0x50] =	vst v5;
	v5 =	vld [tilespmem:s12+$0xFFFFFF90]  }
0xc6: {  	v57 =	vld [tilespmem:s28+$0x10];
	v8 =	vmax.f32 v8, $0.0e+00  }
0xc7: {  	v1 =	vadd.f32 v4, v1;
	v58 =	vld [tilespmem:s12+$0x10];
	[tilespmem:s10+$0xFFFFFFC0] =	vst v8  }
0xc8: {  	v55 =	vld [tilespmem:s28+$0xFFFFFF90];
	v16 =	vadd.f32 v50, v52  }
0xc9: {  	v0 =	vadd.f32 v0, v1;
	v8 =	vld [tilespmem:s28+$0xA0]  }
0xca: {  	v6 =	vadd.f32 v7, v6;
	v7 =	vld [tilespmem:s12+$0xFFFFFFD0];
	v5 =	vadd.f32 v5, v16  }
0xcb: {  	v0 =	vmax.f32 v0, $0.0e+00;
	v56 =	vld [tilespmem:s12+$0x60]  }
0xcc: {  	v14 =	vld [tilespmem:s13+$0xFFFFFFB0];
	v6 =	vadd.f32 v9, v6;
	[tilespmem:s11+$0x70] =	vst v0;
	v2 =	vadd.f32 v2, v57;
	v5 =	vmax.f32 v5, $0.0e+00  }
0xcd: {  	v0 =	vld [tilespmem:s10+$0x30];
	v9 =	vadd.f32 v51, v55;
	[tilespmem:s10+$0xFFFFFF90] =	vst v5  }
0xce: {  	v6 =	vmax.f32 v6, $0.0e+00;
	v2 =	vadd.f32 v58, v2;
	v8 =	vadd.f32 v54, v8;
	v59 =	vld [tilespmem:s28+$0xFFFFFF20]  }
0xcf: {  	v15 =	vld [tilespmem:s15+$0xFFFFFFB0];
	[tilespmem:s11+$0x20] =	vst v6;
	v6 =	vadd.f32 v7, v9  }
0xd0: {  	v2 =	vmax.f32 v2, $0.0e+00;
	v8 =	vadd.f32 v56, v8;
	v7 =	vld [tilespmem:s12+$0xFFFFFFA0]  }
0xd1: {  	v9 =	vld [tilespmem:s10+$0x70];
	[tilespmem:s10+$0x10] =	vst v2;
	v6 =	vmax.f32 v6, $0.0e+00  }
0xd2: {  	v63 =	vld [tilespmem:s28+$0x20];
	[tilespmem:s10+$0xFFFFFFD0] =	vst v6;
	v8 =	vmax.f32 v8, $0.0e+00  }
0xd3: {  	v62 =	vld [tilespmem:s28+$0xFFFFFFA0];
	[tilespmem:s10+$0x60] =	vst v8;
	v61 =	vadd.f32 v53, v59  }
0xd4: {  	v6 =	vld [tilespmem:s28+$0xB0]  }
0xd5: {  	v5 =	vld [tilespmem:s10+$0xFFFFFFE0];
	v7 =	vadd.f32 v7, v61  }
0xd6: {  	v2 =	vld [tilespmem:s12+$0x70]  }
0xd7: {  	v4 =	vld [tilespmem:s12+$0xFFFFFFE0];
	v7 =	vmax.f32 v7, $0.0e+00  }
0xd8: {  	v3 =	vadd.f32 v3, v10;
	[tilespmem:s10+$0xFFFFFFA0] =	vst v7;
	v7 =	vld [tilespmem:s12+$0x20]  }
0xd9: {  	v8 =	vld [tilespmem:s15+$0x30];
	v1 =	vadd.f32 v9, v6  }
0xda: {  	v3 =	vadd.f32 v14, v3;
	v5 =	vadd.f32 v5, v62;
	v9 =	vld [tilespmem:s10+$0xFFFFFFB0]  }
0xdb: {  	v6 =	vadd.f32 v60, v63;
	v1 =	vadd.f32 v2, v1;
	v10 =	vld [tilespmem:s28+$0xFFFFFF30]  }
0xdc: {  	v3 =	vmax.f32 v3, $0.0e+00;
	v5 =	vadd.f32 v4, v5;
	v2 =	vld [tilespmem:s10+$0xFFFFFFF0]  }
0xdd: {  	[tilespmem:s11+$0xFFFFFFB0] =	vst v3;
	v4 =	vld [tilespmem:s12+$0xFFFFFFB0];
	v1 =	vmax.f32 v1, $0.0e+00;
	v3 =	vadd.f32 v7, v6  }
0xde: {  	s16 =	simm.s32 $0x240;
	[tilespmem:s10+$0x70] =	vst v1;
	v6 =	vmax.f32 v5, $0.0e+00;
	v5 =	vld [tilespmem:s13+$0xFFFFFFF0]  }
0xdf: {  	s21 =	simm.s32 $0x31F0;
	s25 =	simm.s32 $0x4;
	s29 =	simm.s32 $0x600;
	v1 =	vadd.f32 v11, v15;
	[tilespmem:s10+$0xFFFFFFE0] =	vst v6;
	v6 =	vld [tilespmem:s13+$0x30];
	v11 =	vmax.f32 v3, $0.0e+00  }
0xe0: {  	s26 =	simm.s32 $0x4280;
	s15 =	simm.s32 $0x51F0;
	s13 =	simm.s32 $0x2280;
	v3 =	vadd.f32 v12, v8;
	v8 =	vadd.f32 v9, v10;
	v7 =	vld [tilespmem:s28+$0xFFFFFFB0];
	[tilespmem:s10+$0x20] =	vst v11  }
.LBB2_7:
0xe1: {  	v9 =	vld [tilespmem:s29+$0x80];
	s10 =	sadd.s32 $0x100, s10  }
0xe2: {  	s25 =	sadd.s32 $0x4, s25;
	v10 =	vld [tilespmem:s10+$0x40];
	v4 =	vadd.f32 v4, v8  }
0xe3: {  	s12 =	sadd.s32 $0x100, s12;
	p1 =	slt.u32 s25, $0x3C;
	v8 =	vld [tilespmem:s10+$0xFFFFFF80];
	v5 =	vadd.f32 v5, v1  }
0xe4: {  	v11 =	vld [tilespmem:s12+$0x40];
	v1 =	vmax.f32 v4, $0.0e+00;
	v3 =	vadd.f32 v6, v3  }
0xe5: {  	v4 =	vld [tilespmem:s29+$0xFFFFFF80];
	[tilespmem:s13+$0xFFFFFFB0] =	vst v1;
	v1 =	vadd.f32 v2, v7;
	v2 =	vmax.f32 v5, $0.0e+00  }
0xe6: {  	v5 =	vld [tilespmem:s10+$0xFFFFFFC0];
	[tilespmem:s11+$0xFFFFFFF0] =	vst v2;
	v2 =	vmax.f32 v3, $0.0e+00  }
0xe7: {  	v3 =	vld [tilespmem:s29+$0x0];
	v6 =	vadd.f32 v10, v9;
	[tilespmem:s11+$0x30] =	vst v2;
	s11 =	smov.u32 s13;
	s13 =	smov.u32 s10  }
0xe8: {  	v2 =	vld [tilespmem:s10+$0x0]  }
0xe9: {  	v7 =	vld [tilespmem:s29+$0xFFFFFF00];
	v6 =	vadd.f32 v11, v6  }
0xea: {  	v9 =	vld [tilespmem:s12+$0xFFFFFF80]  }
0xeb: {  	v4 =	vadd.f32 v5, v4;
	v5 =	vld [tilespmem:s12+$0xFFFFFFC0];
	v6 =	vmax.f32 v6, $0.0e+00  }
0xec: {  	[tilespmem:s10+$0x40] =	vst v6;
	v6 =	vld [tilespmem:s10+$0x50]  }
0xed: {  	v2 =	vadd.f32 v2, v3;
	v3 =	vld [tilespmem:s29+$0x90]  }
0xee: {  	v7 =	vadd.f32 v8, v7;
	v8 =	vld [tilespmem:s12+$0x0]  }
0xef: {  	v10 =	vld [tilespmem:s12+$0x50]  }
0xf0: {  	v7 =	vadd.f32 v9, v7;
	v9 =	vld [tilespmem:s10+$0xFFFFFF90];
	v4 =	vadd.f32 v5, v4  }
0xf1: {  	v5 =	vld [tilespmem:s10+$0xFFFFFFD0]  }
0xf2: {  	v7 =	vmax.f32 v7, $0.0e+00;
	v4 =	vmax.f32 v4, $0.0e+00;
	v11 =	vld [tilespmem:s10+$0x10];
	v3 =	vadd.f32 v6, v3  }
0xf3: {  	[tilespmem:s10+$0xFFFFFF80] =	vst v7;
	v6 =	vld [tilespmem:s10+$0xFFFFFFA0];
	v2 =	vadd.f32 v8, v2  }
0xf4: {  	v7 =	vld [tilespmem:s29+$0xFFFFFF10];
	[tilespmem:s10+$0xFFFFFFC0] =	vst v4;
	v3 =	vadd.f32 v10, v3  }
0xf5: {  	v4 =	vld [tilespmem:s29+$0xFFFFFF90];
	v2 =	vmax.f32 v2, $0.0e+00  }
0xf6: {  	v8 =	vld [tilespmem:s12+$0xFFFFFF90];
	[tilespmem:s10+$0x0] =	vst v2;
	v2 =	vmax.f32 v3, $0.0e+00  }
0xf7: {  	[tilespmem:s10+$0x50] =	vst v2;
	v2 =	vld [tilespmem:s10+$0x60]  }
0xf8: {  	v3 =	vld [tilespmem:s29+$0xA0]  }
0xf9: {  	v7 =	vadd.f32 v9, v7;
	v9 =	vld [tilespmem:s29+$0x10]  }
0xfa: {  	v4 =	vadd.f32 v5, v4;
	v5 =	vld [tilespmem:s12+$0x60]  }
0xfb: {  	v7 =	vadd.f32 v8, v7;
	v8 =	vld [tilespmem:s12+$0xFFFFFFD0]  }
0xfc: {  	v10 =	vld [tilespmem:s12+$0x10]  }
0xfd: {  	v7 =	vmax.f32 v7, $0.0e+00;
	v12 =	vld [tilespmem:s10+$0xFFFFFFE0];
	v2 =	vadd.f32 v2, v3  }
0xfe: {  	[tilespmem:s10+$0xFFFFFF90] =	vst v7;
	v3 =	vadd.f32 v11, v9;
	v7 =	vld [tilespmem:s10+$0x20]  }
0xff: {  	v9 =	vld [tilespmem:s29+$0xFFFFFF20];
	v2 =	vadd.f32 v5, v2  }
0x100: {  	v5 =	vld [tilespmem:s12+$0xFFFFFFA0];
	v4 =	vadd.f32 v8, v4  }
0x101: {  	v3 =	vadd.f32 v10, v3;
	v2 =	vmax.f32 v2, $0.0e+00;
	v8 =	vld [tilespmem:s28+$0x30];
	s28 =	smov.u32 s29  }
0x102: {  	v4 =	vmax.f32 v4, $0.0e+00;
	[tilespmem:s10+$0x60] =	vst v2;
	v2 =	vld [tilespmem:s10+$0x70]  }
0x103: {  	[tilespmem:s10+$0xFFFFFFD0] =	vst v4;
	v3 =	vmax.f32 v3, $0.0e+00;
	v4 =	vld [tilespmem:s29+$0xB0]  }
0x104: {  	v6 =	vadd.f32 v6, v9;
	v9 =	vld [tilespmem:s29+$0xFFFFFFA0];
	[tilespmem:s10+$0x10] =	vst v3  }
0x105: {  	v10 =	vld [tilespmem:s12+$0x70]  }
0x106: {  	v5 =	vadd.f32 v5, v6;
	v6 =	vld [tilespmem:s29+$0x20];
	v3 =	vadd.f32 v0, v8  }
0x107: {  	v0 =	vld [tilespmem:s12+$0xFFFFFFE0]  }
0x108: {  	v5 =	vmax.f32 v5, $0.0e+00;
	v8 =	vld [tilespmem:s12+$0x20];
	v2 =	vadd.f32 v2, v4  }
0x109: {  	[tilespmem:s10+$0xFFFFFFA0] =	vst v5;
	v11 =	vld [tilespmem:s10+$0xFFFFFFB0];
	v4 =	vadd.f32 v12, v9  }
0x10a: {  	v9 =	vld [tilespmem:s29+$0xFFFFFF30];
	v5 =	vadd.f32 v10, v2  }
0x10b: {  	v2 =	vld [tilespmem:s10+$0xFFFFFFF0];
	v6 =	vadd.f32 v7, v6  }
.Ltmp5:
0x10c: {  	v7 =	vadd.f32 v0, v4;
	v0 =	vld [tilespmem:s10+$0x30];
	v5 =	vmax.f32 v5, $0.0e+00;
	(pc) =	sbr.rel @p1 .LBB2_7-.Ltmp5, $4  }
0x10d: {  	v4 =	vld [tilespmem:s12+$0xFFFFFFB0];
	v6 =	vadd.f32 v8, v6;
	[tilespmem:s10+$0x70] =	vst v5  }
0x10e: {  	v7 =	vmax.f32 v7, $0.0e+00;
	v5 =	vld [tilespmem:s26+$0xFFFFFFF0]  }
0x10f: {  	v8 =	vadd.f32 v11, v9;
	[tilespmem:s10+$0xFFFFFFE0] =	vst v7;
	v9 =	vmax.f32 v6, $0.0e+00;
	v6 =	vld [tilespmem:s26+$0x30];
	s26 =	smov.u32 s12  }
0x110: {  	s29 =	sadd.s32 $0x200, s29;
	v7 =	vld [tilespmem:s28+$0xFFFFFFB0];
	[tilespmem:s10+$0x20] =	vst v9  }
0x111: {  	v9 =	vld [tilespmem:s28+$0x30]  }
0x112: {  	v10 =	vld [tilespmem:s26+$0xFFFFFFF0]  }
0x113: {  	v11 =	vld [tilespmem:s26+$0x30]  }
0x114: {  	v4 =	vadd.f32 v4, v8  }
0x115: {  	v1 =	vadd.f32 v5, v1;
	v2 =	vadd.f32 v2, v7  }
0x116: {  	v4 =	vmax.f32 v4, $0.0e+00;
	v3 =	vadd.f32 v6, v3;
	v0 =	vadd.f32 v0, v9  }
0x117: {  	[tilespmem:s13+$0xFFFFFFB0] =	vst v4;
	v1 =	vmax.f32 v1, $0.0e+00;
	v2 =	vadd.f32 v10, v2  }
0x118: {  	[tilespmem:s11+$0xFFFFFFF0] =	vst v1;
	v1 =	vmax.f32 v3, $0.0e+00;
	v0 =	vadd.f32 v11, v0  }
0x119: {  	[tilespmem:s11+$0x30] =	vst v1;
	v1 =	vmax.f32 v2, $0.0e+00  }
0x11a: {  	[tilespmem:s13+$0xFFFFFFF0] =	vst v1;
	v0 =	vmax.f32 v0, $0.0e+00  }
0x11b: {  	[tilespmem:s13+$0x30] =	vst v0  }
0x11c: {  	v0 =	vld [tilespmem:s16+$0x80]  }
0x11d: {  	v1 =	vld [tilespmem:s21+$0xFFFFFFD0]  }
0x11e: {  	v2 =	vld [tilespmem:s15+$0xFFFFFFD0]  }
0x11f: {  	v3 =	vld [tilespmem:s16+$0xFFFFFF80]  }
0x120: {  	v4 =	vld [tilespmem:s16+$0xFFFFFF00]  }
0x121: {  	v5 =	vld [tilespmem:s15+$0xFFFFFF10]  }
0x122: {  	v7 =	vld [tilespmem:s16+$0x0]  }
0x123: {  	v8 =	vld [tilespmem:s21+$0xFFFFFF90]  }
0x124: {  	v9 =	vld [tilespmem:s15+$0xFFFFFF50];
	v0 =	vadd.f32 v1, v0  }
0x125: {  	v11 =	vld [tilespmem:s21+$0xFFFFFF80]  }
0x126: {  	v1 =	vld [tilespmem:s21+$0xFFFFFF10];
	v0 =	vadd.f32 v2, v0  }
0x127: {  	s12 =	simm.s32 $0x52F0;
	v12 =	vld [tilespmem:s21+$0xFFFFFFC0]  }
0x128: {  	v13 =	vld [tilespmem:s12+$0xFFFFFFD0];
	v0 =	vmax.f32 v0, $0.0e+00  }
0x129: {  	[tilespmem:s21+$0xFFFFFFD0] =	vst v0;
	v0 =	vld [tilespmem:s21+$0xFFFFFFE0]  }
0x12a: {  	v6 =	vld [tilespmem:s16+$0x90]  }
0x12b: {  	v2 =	vld [tilespmem:s21+$0xFFFFFF50];
	v1 =	vadd.f32 v1, v4  }
0x12c: {  	s11 =	simm.s32 $0x32F0;
	v4 =	vld [tilespmem:s15+$0xFFFFFFE0]  }
0x12d: {  	s10 =	simm.s32 $0x440;
	v16 =	vld [tilespmem:s11+$0xFFFFFF50];
	v1 =	vadd.f32 v5, v1  }
0x12e: {  	v48 =	vld [tilespmem:s10+$0x0]  }
0x12f: {  	v5 =	vld [tilespmem:s15+$0xFFFFFF90];
	v1 =	vmax.f32 v1, $0.0e+00;
	v0 =	vadd.f32 v0, v6  }
0x130: {  	v2 =	vadd.f32 v2, v3;
	[tilespmem:s21+$0xFFFFFF10] =	vst v1;
	v6 =	vld [tilespmem:s21+$0xFFFFFF20]  }
0x131: {  	v1 =	vld [tilespmem:s16+$0xFFFFFF10];
	v0 =	vadd.f32 v4, v0  }
0x132: {  	v3 =	vld [tilespmem:s21+$0xFFFFFF60];
	v2 =	vadd.f32 v9, v2  }
0x133: {  	v4 =	vadd.f32 v8, v7;
	v8 =	vld [tilespmem:s15+$0xFFFFFF20];
	v0 =	vmax.f32 v0, $0.0e+00  }
0x134: {  	v7 =	vld [tilespmem:s21+$0xFFFFFFA0];
	[tilespmem:s21+$0xFFFFFFE0] =	vst v0;
	v0 =	vmax.f32 v2, $0.0e+00  }
0x135: {  	v2 =	vadd.f32 v5, v4;
	v4 =	vld [tilespmem:s21+$0xFFFFFFF0];
	[tilespmem:s21+$0xFFFFFF50] =	vst v0  }
0x136: {  	v1 =	vadd.f32 v6, v1;
	v5 =	vld [tilespmem:s16+$0xFFFFFF90]  }
0x137: {  	v0 =	vld [tilespmem:s16+$0xA0]  }
0x138: {  	v2 =	vmax.f32 v2, $0.0e+00;
	v1 =	vadd.f32 v8, v1;
	v8 =	vld [tilespmem:s15+$0xFFFFFF60]  }
0x139: {  	[tilespmem:s21+$0xFFFFFF90] =	vst v2;
	v2 =	vld [tilespmem:s15+$0xFFFFFFF0]  }
0x13a: {  	v6 =	vld [tilespmem:s16+$0x10];
	v1 =	vmax.f32 v1, $0.0e+00  }
0x13b: {  	v17 =	vld [tilespmem:s10+$0xFFFFFF00];
	[tilespmem:s21+$0xFFFFFF20] =	vst v1;
	v1 =	vadd.f32 v3, v5  }
0x13c: {  	v0 =	vadd.f32 v4, v0;
	v4 =	vld [tilespmem:s15+$0xFFFFFFA0]  }
0x13d: {  	v18 =	vld [tilespmem:s12+$0xFFFFFF10];
	v1 =	vadd.f32 v8, v1  }
0x13e: {  	v20 =	vld [tilespmem:s11+$0xFFFFFF90];
	v0 =	vadd.f32 v2, v0  }
0x13f: {  	v21 =	vld [tilespmem:s12+$0xFFFFFF50];
	v5 =	vadd.f32 v7, v6;
	v1 =	vmax.f32 v1, $0.0e+00  }
0x140: {  	v2 =	vld [tilespmem:s21+$0xFFFFFF70];
	v0 =	vmax.f32 v0, $0.0e+00;
	[tilespmem:s21+$0xFFFFFF60] =	vst v1  }
0x141: {  	[tilespmem:s21+$0xFFFFFFF0] =	vst v0;
	v0 =	vadd.f32 v4, v5;
	v5 =	vld [tilespmem:s16+$0xFFFFFFA0]  }
0x142: {  	v22 =	vld [tilespmem:s12+$0xFFFFFF90]  }
0x143: {  	v8 =	vld [tilespmem:s15+$0xFFFFFF70]  }
0x144: {  	v50 =	vld [tilespmem:s11+$0xFFFFFF20]  }
0x145: {  	v51 =	vld [tilespmem:s11+$0xFFFFFF60]  }
0x146: {  	v53 =	vld [tilespmem:s11+$0xFFFFFF30];
	v2 =	vadd.f32 v2, v5  }
0x147: {  	v5 =	vld [tilespmem:s10+$0x80]  }
0x148: {  	v2 =	vadd.f32 v8, v2;
	v8 =	vld [tilespmem:s11+$0xFFFFFFD0]  }
0x149: {  	v54 =	vld [tilespmem:s11+$0xFFFFFFF0]  }
0x14a: {  	v60 =	vld [tilespmem:s11+$0xFFFFFFB0]  }
0x14b: {  	v9 =	vld [tilespmem:s21+$0xFFFFFF30]  }
0x14c: {  	v3 =	vld [tilespmem:s16+$0xFFFFFF20]  }
0x14d: {  	v6 =	vld [tilespmem:s15+$0xFFFFFF30];
	v5 =	vadd.f32 v8, v5  }
0x14e: {  	v7 =	vld [tilespmem:s21+$0xFFFFFFB0]  }
0x14f: {  	v4 =	vld [tilespmem:s21+$0x0];
	v2 =	vmax.f32 v2, $0.0e+00;
	v5 =	vadd.f32 v13, v5  }
0x150: {  	[tilespmem:s21+$0xFFFFFF70] =	vst v2;
	v2 =	vld [tilespmem:s11+$0xFFFFFF10]  }
0x151: {  	v1 =	vld [tilespmem:s16+$0xB0];
	v5 =	vmax.f32 v5, $0.0e+00  }
0x152: {  	[tilespmem:s11+$0xFFFFFFD0] =	vst v5;
	v5 =	vld [tilespmem:s11+$0xFFFFFFE0]  }
0x153: {  	v19 =	vld [tilespmem:s10+$0x90]  }
0x154: {  	v3 =	vadd.f32 v9, v3;
	v8 =	vld [tilespmem:s10+$0xFFFFFF80]  }
0x155: {  	v0 =	vmax.f32 v0, $0.0e+00;
	v2 =	vadd.f32 v2, v17;
	v49 =	vld [tilespmem:s12+$0xFFFFFFE0]  }
0x156: {  	[tilespmem:s21+$0xFFFFFFA0] =	vst v0;
	v0 =	vld [tilespmem:s15+$0x0];
	v3 =	vadd.f32 v6, v3  }
0x157: {  	v6 =	vld [tilespmem:s16+$0x20];
	v13 =	vadd.f32 v20, v48;
	v2 =	vadd.f32 v18, v2  }
0x158: {  	v9 =	vld [tilespmem:s15+$0xFFFFFFB0];
	v3 =	vmax.f32 v3, $0.0e+00;
	v5 =	vadd.f32 v5, v19  }
0x159: {  	[tilespmem:s21+$0xFFFFFF30] =	vst v3;
	v3 =	vld [tilespmem:s21+$0xFFFFFF40];
	v13 =	vadd.f32 v22, v13;
	v2 =	vmax.f32 v2, $0.0e+00  }
0x15a: {  	v10 =	vld [tilespmem:s16+$0xFFFFFF30];
	v8 =	vadd.f32 v16, v8;
	[tilespmem:s11+$0xFFFFFF10] =	vst v2;
	v5 =	vadd.f32 v49, v5  }
0x15b: {  	v13 =	vmax.f32 v13, $0.0e+00;
	v52 =	vld [tilespmem:s10+$0xFFFFFF10]  }
0x15c: {  	v8 =	vadd.f32 v21, v8;
	[tilespmem:s11+$0xFFFFFF90] =	vst v13;
	v2 =	vld [tilespmem:s11+$0xFFFFFFA0];
	v5 =	vmax.f32 v5, $0.0e+00  }
0x15d: {  	[tilespmem:s11+$0xFFFFFFE0] =	vst v5;
	v5 =	vld [tilespmem:s12+$0xFFFFFF20]  }
0x15e: {  	v57 =	vld [tilespmem:s10+$0x10];
	v8 =	vmax.f32 v8, $0.0e+00  }
0x15f: {  	v1 =	vadd.f32 v4, v1;
	v58 =	vld [tilespmem:s12+$0xFFFFFFA0];
	[tilespmem:s11+$0xFFFFFF50] =	vst v8  }
0x160: {  	v55 =	vld [tilespmem:s10+$0xFFFFFF90];
	v16 =	vadd.f32 v50, v52  }
0x161: {  	v0 =	vadd.f32 v0, v1;
	v8 =	vld [tilespmem:s10+$0xA0]  }
0x162: {  	v6 =	vadd.f32 v7, v6;
	v7 =	vld [tilespmem:s12+$0xFFFFFF60];
	v5 =	vadd.f32 v5, v16  }
0x163: {  	v0 =	vmax.f32 v0, $0.0e+00;
	v56 =	vld [tilespmem:s12+$0xFFFFFFF0]  }
0x164: {  	v14 =	vld [tilespmem:s15+$0xFFFFFF40];
	v6 =	vadd.f32 v9, v6;
	[tilespmem:s21+$0x0] =	vst v0;
	v2 =	vadd.f32 v2, v57;
	v5 =	vmax.f32 v5, $0.0e+00  }
0x165: {  	v0 =	vld [tilespmem:s11+$0xFFFFFFC0];
	v9 =	vadd.f32 v51, v55;
	[tilespmem:s11+$0xFFFFFF20] =	vst v5  }
0x166: {  	v6 =	vmax.f32 v6, $0.0e+00;
	v2 =	vadd.f32 v58, v2;
	v8 =	vadd.f32 v54, v8;
	v59 =	vld [tilespmem:s10+$0xFFFFFF20]  }
0x167: {  	v15 =	vld [tilespmem:s16+$0xFFFFFFB0];
	[tilespmem:s21+$0xFFFFFFB0] =	vst v6;
	v6 =	vadd.f32 v7, v9  }
0x168: {  	v2 =	vmax.f32 v2, $0.0e+00;
	v8 =	vadd.f32 v56, v8;
	v7 =	vld [tilespmem:s12+$0xFFFFFF30]  }
0x169: {  	v9 =	vld [tilespmem:s11+$0x0];
	[tilespmem:s11+$0xFFFFFFA0] =	vst v2;
	v6 =	vmax.f32 v6, $0.0e+00  }
0x16a: {  	v63 =	vld [tilespmem:s10+$0x20];
	[tilespmem:s11+$0xFFFFFF60] =	vst v6;
	v8 =	vmax.f32 v8, $0.0e+00  }
0x16b: {  	v62 =	vld [tilespmem:s10+$0xFFFFFFA0];
	[tilespmem:s11+$0xFFFFFFF0] =	vst v8;
	v61 =	vadd.f32 v53, v59  }
0x16c: {  	v6 =	vld [tilespmem:s10+$0xB0]  }
0x16d: {  	v5 =	vld [tilespmem:s11+$0xFFFFFF70];
	v7 =	vadd.f32 v7, v61  }
0x16e: {  	v2 =	vld [tilespmem:s12+$0x0]  }
0x16f: {  	v4 =	vld [tilespmem:s12+$0xFFFFFF70];
	v7 =	vmax.f32 v7, $0.0e+00  }
0x170: {  	v3 =	vadd.f32 v3, v10;
	[tilespmem:s11+$0xFFFFFF30] =	vst v7;
	v7 =	vld [tilespmem:s12+$0xFFFFFFB0]  }
0x171: {  	v8 =	vld [tilespmem:s16+$0x30];
	v1 =	vadd.f32 v9, v6  }
0x172: {  	v3 =	vadd.f32 v14, v3;
	v5 =	vadd.f32 v5, v62;
	v9 =	vld [tilespmem:s11+$0xFFFFFF40]  }
0x173: {  	v6 =	vadd.f32 v60, v63;
	v1 =	vadd.f32 v2, v1;
	v10 =	vld [tilespmem:s10+$0xFFFFFF30]  }
0x174: {  	v3 =	vmax.f32 v3, $0.0e+00;
	v5 =	vadd.f32 v4, v5;
	v2 =	vld [tilespmem:s11+$0xFFFFFF80]  }
0x175: {  	[tilespmem:s21+$0xFFFFFF40] =	vst v3;
	v4 =	vld [tilespmem:s12+$0xFFFFFF40];
	v1 =	vmax.f32 v1, $0.0e+00;
	v3 =	vadd.f32 v7, v6  }
0x176: {  	[tilespmem:s11+$0x0] =	vst v1;
	v6 =	vmax.f32 v5, $0.0e+00;
	v5 =	vld [tilespmem:s15+$0xFFFFFF80]  }
0x177: {  	s25 =	simm.s32 $0x640;
	v1 =	vadd.f32 v11, v15;
	[tilespmem:s11+$0xFFFFFF70] =	vst v6;
	v6 =	vld [tilespmem:s15+$0xFFFFFFC0];
	v11 =	vmax.f32 v3, $0.0e+00  }
0x178: {  	s13 =	simm.s32 $0x32F0;
	s16 =	simm.s32 $0x4;
	s15 =	simm.s32 $0x52F0;
	v3 =	vadd.f32 v12, v8;
	v8 =	vadd.f32 v9, v10;
	v7 =	vld [tilespmem:s10+$0xFFFFFFB0];
	[tilespmem:s11+$0xFFFFFFB0] =	vst v11  }
.LBB2_9:
0x179: {  	v9 =	vld [tilespmem:s25+$0x80];
	s11 =	sadd.s32 $0x100, s11  }
0x17a: {  	s16 =	sadd.s32 $0x4, s16;
	v10 =	vld [tilespmem:s11+$0xFFFFFFD0];
	v4 =	vadd.f32 v4, v8  }
0x17b: {  	s12 =	sadd.s32 $0x100, s12;
	p1 =	slt.u32 s16, $0x3C;
	v8 =	vld [tilespmem:s11+$0xFFFFFF10];
	v5 =	vadd.f32 v5, v1  }
0x17c: {  	v11 =	vld [tilespmem:s12+$0xFFFFFFD0];
	v1 =	vmax.f32 v4, $0.0e+00;
	v3 =	vadd.f32 v6, v3  }
0x17d: {  	v4 =	vld [tilespmem:s25+$0xFFFFFF80];
	[tilespmem:s13+$0xFFFFFF40] =	vst v1;
	v1 =	vadd.f32 v2, v7;
	v2 =	vmax.f32 v5, $0.0e+00  }
0x17e: {  	v5 =	vld [tilespmem:s11+$0xFFFFFF50];
	[tilespmem:s21+$0xFFFFFF80] =	vst v2;
	v2 =	vmax.f32 v3, $0.0e+00  }
0x17f: {  	v3 =	vld [tilespmem:s25+$0x0];
	v6 =	vadd.f32 v10, v9;
	[tilespmem:s21+$0xFFFFFFC0] =	vst v2;
	s21 =	smov.u32 s13;
	s13 =	smov.u32 s11  }
0x180: {  	v2 =	vld [tilespmem:s11+$0xFFFFFF90]  }
0x181: {  	v7 =	vld [tilespmem:s25+$0xFFFFFF00];
	v6 =	vadd.f32 v11, v6  }
0x182: {  	v9 =	vld [tilespmem:s12+$0xFFFFFF10]  }
0x183: {  	v4 =	vadd.f32 v5, v4;
	v5 =	vld [tilespmem:s12+$0xFFFFFF50];
	v6 =	vmax.f32 v6, $0.0e+00  }
0x184: {  	[tilespmem:s11+$0xFFFFFFD0] =	vst v6;
	v6 =	vld [tilespmem:s11+$0xFFFFFFE0]  }
0x185: {  	v2 =	vadd.f32 v2, v3;
	v3 =	vld [tilespmem:s25+$0x90]  }
0x186: {  	v7 =	vadd.f32 v8, v7;
	v8 =	vld [tilespmem:s12+$0xFFFFFF90]  }
0x187: {  	v10 =	vld [tilespmem:s12+$0xFFFFFFE0]  }
0x188: {  	v7 =	vadd.f32 v9, v7;
	v9 =	vld [tilespmem:s11+$0xFFFFFF20];
	v4 =	vadd.f32 v5, v4  }
0x189: {  	v5 =	vld [tilespmem:s11+$0xFFFFFF60]  }
0x18a: {  	v7 =	vmax.f32 v7, $0.0e+00;
	v4 =	vmax.f32 v4, $0.0e+00;
	v11 =	vld [tilespmem:s11+$0xFFFFFFA0];
	v3 =	vadd.f32 v6, v3  }
0x18b: {  	[tilespmem:s11+$0xFFFFFF10] =	vst v7;
	v6 =	vld [tilespmem:s11+$0xFFFFFF30];
	v2 =	vadd.f32 v8, v2  }
0x18c: {  	v7 =	vld [tilespmem:s25+$0xFFFFFF10];
	[tilespmem:s11+$0xFFFFFF50] =	vst v4;
	v3 =	vadd.f32 v10, v3  }
0x18d: {  	v4 =	vld [tilespmem:s25+$0xFFFFFF90];
	v2 =	vmax.f32 v2, $0.0e+00  }
0x18e: {  	v8 =	vld [tilespmem:s12+$0xFFFFFF20];
	[tilespmem:s11+$0xFFFFFF90] =	vst v2;
	v2 =	vmax.f32 v3, $0.0e+00  }
0x18f: {  	[tilespmem:s11+$0xFFFFFFE0] =	vst v2;
	v2 =	vld [tilespmem:s11+$0xFFFFFFF0]  }
0x190: {  	v3 =	vld [tilespmem:s25+$0xA0]  }
0x191: {  	v7 =	vadd.f32 v9, v7;
	v9 =	vld [tilespmem:s25+$0x10]  }
0x192: {  	v4 =	vadd.f32 v5, v4;
	v5 =	vld [tilespmem:s12+$0xFFFFFFF0]  }
0x193: {  	v7 =	vadd.f32 v8, v7;
	v8 =	vld [tilespmem:s12+$0xFFFFFF60]  }
0x194: {  	v10 =	vld [tilespmem:s12+$0xFFFFFFA0]  }
0x195: {  	v7 =	vmax.f32 v7, $0.0e+00;
	v12 =	vld [tilespmem:s11+$0xFFFFFF70];
	v2 =	vadd.f32 v2, v3  }
0x196: {  	[tilespmem:s11+$0xFFFFFF20] =	vst v7;
	v3 =	vadd.f32 v11, v9;
	v7 =	vld [tilespmem:s11+$0xFFFFFFB0]  }
0x197: {  	v9 =	vld [tilespmem:s25+$0xFFFFFF20];
	v2 =	vadd.f32 v5, v2  }
0x198: {  	v5 =	vld [tilespmem:s12+$0xFFFFFF30];
	v4 =	vadd.f32 v8, v4  }
0x199: {  	v3 =	vadd.f32 v10, v3;
	v2 =	vmax.f32 v2, $0.0e+00;
	v8 =	vld [tilespmem:s10+$0x30];
	s10 =	smov.u32 s25  }
0x19a: {  	v4 =	vmax.f32 v4, $0.0e+00;
	[tilespmem:s11+$0xFFFFFFF0] =	vst v2;
	v2 =	vld [tilespmem:s11+$0x0]  }
0x19b: {  	[tilespmem:s11+$0xFFFFFF60] =	vst v4;
	v3 =	vmax.f32 v3, $0.0e+00;
	v4 =	vld [tilespmem:s25+$0xB0]  }
0x19c: {  	v6 =	vadd.f32 v6, v9;
	v9 =	vld [tilespmem:s25+$0xFFFFFFA0];
	[tilespmem:s11+$0xFFFFFFA0] =	vst v3  }
0x19d: {  	v10 =	vld [tilespmem:s12+$0x0]  }
0x19e: {  	v5 =	vadd.f32 v5, v6;
	v6 =	vld [tilespmem:s25+$0x20];
	v3 =	vadd.f32 v0, v8  }
0x19f: {  	v0 =	vld [tilespmem:s12+$0xFFFFFF70]  }
0x1a0: {  	v5 =	vmax.f32 v5, $0.0e+00;
	v8 =	vld [tilespmem:s12+$0xFFFFFFB0];
	v2 =	vadd.f32 v2, v4  }
0x1a1: {  	[tilespmem:s11+$0xFFFFFF30] =	vst v5;
	v11 =	vld [tilespmem:s11+$0xFFFFFF40];
	v4 =	vadd.f32 v12, v9  }
0x1a2: {  	v9 =	vld [tilespmem:s25+$0xFFFFFF30];
	v5 =	vadd.f32 v10, v2  }
0x1a3: {  	v2 =	vld [tilespmem:s11+$0xFFFFFF80];
	v6 =	vadd.f32 v7, v6  }
.Ltmp6:
0x1a4: {  	v7 =	vadd.f32 v0, v4;
	v0 =	vld [tilespmem:s11+$0xFFFFFFC0];
	v5 =	vmax.f32 v5, $0.0e+00;
	(pc) =	sbr.rel @p1 .LBB2_9-.Ltmp6, $4  }
0x1a5: {  	v4 =	vld [tilespmem:s12+$0xFFFFFF40];
	v6 =	vadd.f32 v8, v6;
	[tilespmem:s11+$0x0] =	vst v5  }
0x1a6: {  	v7 =	vmax.f32 v7, $0.0e+00;
	v5 =	vld [tilespmem:s15+$0xFFFFFF80]  }
0x1a7: {  	v8 =	vadd.f32 v11, v9;
	[tilespmem:s11+$0xFFFFFF70] =	vst v7;
	v9 =	vmax.f32 v6, $0.0e+00;
	v6 =	vld [tilespmem:s15+$0xFFFFFFC0];
	s15 =	smov.u32 s12  }
0x1a8: {  	s25 =	sadd.s32 $0x200, s25;
	v7 =	vld [tilespmem:s10+$0xFFFFFFB0];
	[tilespmem:s11+$0xFFFFFFB0] =	vst v9  }
0x1a9: {  	v9 =	vld [tilespmem:s10+$0x30]  }
0x1aa: {  	v10 =	vld [tilespmem:s15+$0xFFFFFF80]  }
0x1ab: {  	v11 =	vld [tilespmem:s15+$0xFFFFFFC0]  }
0x1ac: {  	v4 =	vadd.f32 v4, v8  }
0x1ad: {  	v1 =	vadd.f32 v5, v1;
	v2 =	vadd.f32 v2, v7  }
0x1ae: {  	v4 =	vmax.f32 v4, $0.0e+00;
	v3 =	vadd.f32 v6, v3;
	v0 =	vadd.f32 v0, v9  }
0x1af: {  	[tilespmem:s13+$0xFFFFFF40] =	vst v4;
	v1 =	vmax.f32 v1, $0.0e+00;
	v2 =	vadd.f32 v10, v2  }
0x1b0: {  	[tilespmem:s21+$0xFFFFFF80] =	vst v1;
	v62 =	vmax.f32 v3, $0.0e+00;
	v0 =	vadd.f32 v11, v0  }
0x1b1: {  	p1 =	sgt.u32 s19, $0x4E1;
	[tilespmem:s21+$0xFFFFFFC0] =	vst v62;
	v63 =	vmax.f32 v2, $0.0e+00  }
.Ltmp7:
0x1b2: {  	[tilespmem:s13+$0xFFFFFF80] =	vst v63;
	v0 =	vmax.f32 v0, $0.0e+00;
	(pc) =	sbr.rel @p1 .LBB2_16-.Ltmp7, $4  }
0x1b3: {  	s28 =	simm.s32 $0x2100;
	[tilespmem:s13+$0xFFFFFFC0] =	vst v0  }
0x1b4: {  	[spmem:s1] =	stream.indirect.scatter.add.f32 [tilespmem:s28], [sflag:$0x2], $0x40, s2, s24, $0xb8;
	[tilespmem:$0x15E40] =	vst v63  }
0x1b5: {  	s29 =	simm.s32 $0x3100  }
0x1b6: {  	[spmem:s1] =	stream.indirect.scatter.add.f32 [tilespmem:s29], [sflag:$0x2], $0x40, s24, s24, $0xb8;
	[tilespmem:$0x15E40] =	vst v63  }
0x1b7: {  	_ =	swait.ge [sflag:s14], $0x2000  }
0x1b8: {  	[sflag:s14] =	ssyncset.done $0x0  }
0x1b9: {  	[sflag:s14] =	ssyncadd.s32 $0xFFFFE000  }
0x1ba: {  	_ =	swait.ge [sflag:s14], $0x1000  }
0x1bb: {  	[sflag:s14] =	ssyncset.done $0x0  }
0x1bc: {  	[sflag:s14] =	ssyncadd.s32 $0xFFFFF000  }
0x1bd: {  	_ =	swait.ge [sflag:s14], $0x1000  }
0x1be: {  	[sflag:s14] =	ssyncset.done $0x0  }
0x1bf: {  	[sflag:s14] =	ssyncadd.s32 $0xFFFFF000  }
0x1c0: {  	_ =	swait.ge [sflag:s14], $0x1000  }
0x1c1: {  	[sflag:s14] =	ssyncset.done $0x0  }
0x1c2: {  	[sflag:s14] =	ssyncadd.s32 $0xFFFFF000  }
0x1c3: {  	_ =	swait.ge [sflag:s14], $0x1000  }
0x1c4: {  	p1 =	sgt.u32 s19, $0x4C1;
	[sflag:s14] =	ssyncset.done $0x0  }
0x1c5: {  	s10 =	simm.s32 @!p1 $0x2;
	[sflag:s14] =	ssyncadd.s32 $0xFFFFF000  }
0x1c6: {  	_ =	swait.ge @!p1 [sflag:s10], $0x1000  }
0x1c7: {  	[sflag:s10] =	ssyncset.done @!p1 $0x0  }
0x1c8: {  	[sflag:s10] =	ssyncadd.s32 @!p1 $0xFFFFF000  }
0x1c9: {  	s11 =	sadd.s32 $0x40, s18;
	_ =	swait.ge @!p1 [sflag:s10], $0x1000  }
0x1ca: {  	s12 =	sshll.u32 @!p1 s11, $0x4;
	[sflag:s10] =	ssyncset.done @!p1 $0x0  }
0x1cb: {  	s13 =	simm.s32 @!p1 $0x0;
	[sflag:s10] =	ssyncadd.s32 @!p1 $0xFFFFF000;
	s10 =	sadd.s32 @!p1 s7, s12  }
0x1cc: {  	[tilespmem:s13], [sflag:$0x5] =	stream.linear.gather @!p1 [hbm4b:s10+s13], $0x80, $0x38;
	[tilespmem:$0x15E40] =	vst v63  }
0x1cd: {  	s10 =	simm.s32 @!p1 $0x5  }
0x1ce: {  	_ =	swait.ge @!p1 [sflag:s10], $0x80  }
0x1cf: {  	[sflag:s10] =	ssyncset.done @!p1 $0x0  }
0x1d0: {  	s15 =	simm.s32 @!p1 $0x80;
	s12 =	sadd.s32 @!p1 s8, s12;
	[sflag:s10] =	ssyncadd.s32 @!p1 $0xFFFFFF80  }
0x1d1: {  	[tilespmem:s15], [sflag:$0x5] =	stream.linear.gather @!p1 [hbm4b:s12+s13], $0x80, $0x38;
	[tilespmem:$0x15E40] =	vst v63  }
0x1d2: {  	_ =	swait.ge @!p1 [sflag:s10], $0x80  }
0x1d3: {  	s11 =	sshll.u32 @!p1 s11, $0xA;
	[sflag:s10] =	ssyncset.done @!p1 $0x0  }
0x1d4: {  	[sflag:s10] =	ssyncadd.s32 @!p1 $0xFFFFFF80;
	s10 =	sadd.s32 @!p1 s6, s11;
	s11 =	simm.s32 @!p1 $0x100  }
0x1d5: {  	[tilespmem:s11], [sflag:$0x1] =	stream.linear.gather @!p1 [hbm4b:s10+s13], $0x2000, $0x38;
	[tilespmem:$0x15E40] =	vst v63  }
0x1d6: {  	s10 =	simm.s32 @!p1 $0x40;
	s11 =	simm.s32 @!p1 $0x2100  }
0x1d7: {  	[tilespmem:s11], [sflag:$0x1] =	stream.indirect.gather @!p1 [hbm4b:s4+s10], $0x40, s13, s10, $0xb8;
	[tilespmem:$0x15E40] =	vst v63  }
0x1d8: {  	s11 =	simm.s32 @!p1 $0x3100  }
0x1d9: {  	[tilespmem:s11], [sflag:$0x1] =	stream.indirect.gather @!p1 [hbm4b:s4+s10], $0x40, s10, s10, $0xb8;
	[tilespmem:$0x15E40] =	vst v63  }
0x1da: {  	s11 =	simm.s32 @!p1 $0x4100  }
0x1db: {  	[tilespmem:s11], [sflag:$0x1] =	stream.indirect.gather @!p1 [hbm4b:s5+s10], $0x40, s15, s10, $0xb8;
	[tilespmem:$0x15E40] =	vst v63  }
0x1dc: {  	s28 =	simm.s32 $0x6300;
	s12 =	simm.s32 @!p1 $0x5100;
	s11 =	simm.s32 @!p1 $0xC0  }
0x1dd: {  	[tilespmem:s12], [sflag:$0x1] =	stream.indirect.gather @!p1 [hbm4b:s5+s10], $0x40, s11, s10, $0xb8;
	[tilespmem:$0x15E40] =	vst v63  }
0x1de: {  	s11 =	simm.s32 $0x8280;
	v0 =	vld [tilespmem:s28+$0x80]  }
0x1df: {  	s29 =	simm.s32 $0xA280;
	v1 =	vld [tilespmem:s11+$0x40]  }
0x1e0: {  	v2 =	vld [tilespmem:s29+$0x40]  }
0x1e1: {  	v3 =	vld [tilespmem:s28+$0xFFFFFF80]  }
0x1e2: {  	v4 =	vld [tilespmem:s28+$0xFFFFFF00]  }
0x1e3: {  	v5 =	vld [tilespmem:s29+$0xFFFFFF80]  }
0x1e4: {  	v7 =	vld [tilespmem:s28+$0x0]  }
0x1e5: {  	v8 =	vld [tilespmem:s11+$0x0]  }
0x1e6: {  	v9 =	vld [tilespmem:s29+$0xFFFFFFC0];
	v0 =	vadd.f32 v1, v0  }
0x1e7: {  	v11 =	vld [tilespmem:s11+$0xFFFFFFF0]  }
0x1e8: {  	v1 =	vld [tilespmem:s11+$0xFFFFFF80];
	v0 =	vadd.f32 v2, v0  }
0x1e9: {  	s12 =	simm.s32 $0xA380;
	v12 =	vld [tilespmem:s11+$0x30]  }
0x1ea: {  	v13 =	vld [tilespmem:s12+$0x40];
	v0 =	vmax.f32 v0, $0.0e+00  }
0x1eb: {  	[tilespmem:s11+$0x40] =	vst v0;
	v0 =	vld [tilespmem:s11+$0x50]  }
0x1ec: {  	v6 =	vld [tilespmem:s28+$0x90]  }
0x1ed: {  	v2 =	vld [tilespmem:s11+$0xFFFFFFC0];
	v1 =	vadd.f32 v1, v4  }
0x1ee: {  	s10 =	simm.s32 $0x8380;
	v4 =	vld [tilespmem:s29+$0x50]  }
0x1ef: {  	s19 =	simm.s32 $0x6500;
	v16 =	vld [tilespmem:s10+$0xFFFFFFC0];
	v1 =	vadd.f32 v5, v1  }
0x1f0: {  	v48 =	vld [tilespmem:s19+$0x0]  }
0x1f1: {  	v5 =	vld [tilespmem:s29+$0x0];
	v1 =	vmax.f32 v1, $0.0e+00;
	v0 =	vadd.f32 v0, v6  }
0x1f2: {  	v2 =	vadd.f32 v2, v3;
	[tilespmem:s11+$0xFFFFFF80] =	vst v1;
	v6 =	vld [tilespmem:s11+$0xFFFFFF90]  }
0x1f3: {  	v1 =	vld [tilespmem:s28+$0xFFFFFF10];
	v0 =	vadd.f32 v4, v0  }
0x1f4: {  	v3 =	vld [tilespmem:s11+$0xFFFFFFD0];
	v2 =	vadd.f32 v9, v2  }
0x1f5: {  	v4 =	vadd.f32 v8, v7;
	v8 =	vld [tilespmem:s29+$0xFFFFFF90];
	v0 =	vmax.f32 v0, $0.0e+00  }
0x1f6: {  	v7 =	vld [tilespmem:s11+$0x10];
	[tilespmem:s11+$0x50] =	vst v0;
	v0 =	vmax.f32 v2, $0.0e+00  }
0x1f7: {  	v2 =	vadd.f32 v5, v4;
	v4 =	vld [tilespmem:s11+$0x60];
	[tilespmem:s11+$0xFFFFFFC0] =	vst v0  }
0x1f8: {  	v1 =	vadd.f32 v6, v1;
	v5 =	vld [tilespmem:s28+$0xFFFFFF90]  }
0x1f9: {  	v0 =	vld [tilespmem:s28+$0xA0]  }
0x1fa: {  	v2 =	vmax.f32 v2, $0.0e+00;
	v1 =	vadd.f32 v8, v1;
	v8 =	vld [tilespmem:s29+$0xFFFFFFD0]  }
0x1fb: {  	[tilespmem:s11+$0x0] =	vst v2;
	v2 =	vld [tilespmem:s29+$0x60]  }
0x1fc: {  	v6 =	vld [tilespmem:s28+$0x10];
	v1 =	vmax.f32 v1, $0.0e+00  }
0x1fd: {  	v17 =	vld [tilespmem:s19+$0xFFFFFF00];
	[tilespmem:s11+$0xFFFFFF90] =	vst v1;
	v1 =	vadd.f32 v3, v5  }
0x1fe: {  	v0 =	vadd.f32 v4, v0;
	v4 =	vld [tilespmem:s29+$0x10]  }
0x1ff: {  	v18 =	vld [tilespmem:s12+$0xFFFFFF80];
	v1 =	vadd.f32 v8, v1  }
0x200: {  	v20 =	vld [tilespmem:s10+$0x0];
	v0 =	vadd.f32 v2, v0  }
0x201: {  	v21 =	vld [tilespmem:s12+$0xFFFFFFC0];
	v5 =	vadd.f32 v7, v6;
	v1 =	vmax.f32 v1, $0.0e+00  }
0x202: {  	v2 =	vld [tilespmem:s11+$0xFFFFFFE0];
	v0 =	vmax.f32 v0, $0.0e+00;
	[tilespmem:s11+$0xFFFFFFD0] =	vst v1  }
0x203: {  	[tilespmem:s11+$0x60] =	vst v0;
	v0 =	vadd.f32 v4, v5;
	v5 =	vld [tilespmem:s28+$0xFFFFFFA0]  }
0x204: {  	v22 =	vld [tilespmem:s12+$0x0]  }
0x205: {  	v8 =	vld [tilespmem:s29+$0xFFFFFFE0]  }
0x206: {  	v50 =	vld [tilespmem:s10+$0xFFFFFF90]  }
0x207: {  	v51 =	vld [tilespmem:s10+$0xFFFFFFD0]  }
0x208: {  	v53 =	vld [tilespmem:s10+$0xFFFFFFA0];
	v2 =	vadd.f32 v2, v5  }
0x209: {  	v5 =	vld [tilespmem:s19+$0x80]  }
0x20a: {  	v2 =	vadd.f32 v8, v2;
	v8 =	vld [tilespmem:s10+$0x40]  }
0x20b: {  	v54 =	vld [tilespmem:s10+$0x60]  }
0x20c: {  	v60 =	vld [tilespmem:s10+$0x20]  }
0x20d: {  	v9 =	vld [tilespmem:s11+$0xFFFFFFA0]  }
0x20e: {  	v3 =	vld [tilespmem:s28+$0xFFFFFF20]  }
0x20f: {  	v6 =	vld [tilespmem:s29+$0xFFFFFFA0];
	v5 =	vadd.f32 v8, v5  }
0x210: {  	v7 =	vld [tilespmem:s11+$0x20]  }
0x211: {  	v4 =	vld [tilespmem:s11+$0x70];
	v2 =	vmax.f32 v2, $0.0e+00;
	v5 =	vadd.f32 v13, v5  }
0x212: {  	[tilespmem:s11+$0xFFFFFFE0] =	vst v2;
	v2 =	vld [tilespmem:s10+$0xFFFFFF80]  }
0x213: {  	v1 =	vld [tilespmem:s28+$0xB0];
	v5 =	vmax.f32 v5, $0.0e+00  }
0x214: {  	[tilespmem:s10+$0x40] =	vst v5;
	v5 =	vld [tilespmem:s10+$0x50]  }
0x215: {  	v19 =	vld [tilespmem:s19+$0x90]  }
0x216: {  	v3 =	vadd.f32 v9, v3;
	v8 =	vld [tilespmem:s19+$0xFFFFFF80]  }
0x217: {  	v0 =	vmax.f32 v0, $0.0e+00;
	v2 =	vadd.f32 v2, v17;
	v49 =	vld [tilespmem:s12+$0x50]  }
0x218: {  	[tilespmem:s11+$0x10] =	vst v0;
	v0 =	vld [tilespmem:s29+$0x70];
	v3 =	vadd.f32 v6, v3  }
0x219: {  	v6 =	vld [tilespmem:s28+$0x20];
	v13 =	vadd.f32 v20, v48;
	v2 =	vadd.f32 v18, v2  }
0x21a: {  	v9 =	vld [tilespmem:s29+$0x20];
	v3 =	vmax.f32 v3, $0.0e+00;
	v5 =	vadd.f32 v5, v19  }
0x21b: {  	[tilespmem:s11+$0xFFFFFFA0] =	vst v3;
	v3 =	vld [tilespmem:s11+$0xFFFFFFB0];
	v13 =	vadd.f32 v22, v13;
	v2 =	vmax.f32 v2, $0.0e+00  }
0x21c: {  	v10 =	vld [tilespmem:s28+$0xFFFFFF30];
	v8 =	vadd.f32 v16, v8;
	[tilespmem:s10+$0xFFFFFF80] =	vst v2;
	v5 =	vadd.f32 v49, v5  }
0x21d: {  	v13 =	vmax.f32 v13, $0.0e+00;
	v52 =	vld [tilespmem:s19+$0xFFFFFF10]  }
0x21e: {  	v8 =	vadd.f32 v21, v8;
	[tilespmem:s10+$0x0] =	vst v13;
	v2 =	vld [tilespmem:s10+$0x10];
	v5 =	vmax.f32 v5, $0.0e+00  }
0x21f: {  	[tilespmem:s10+$0x50] =	vst v5;
	v5 =	vld [tilespmem:s12+$0xFFFFFF90]  }
0x220: {  	v57 =	vld [tilespmem:s19+$0x10];
	v8 =	vmax.f32 v8, $0.0e+00  }
0x221: {  	v1 =	vadd.f32 v4, v1;
	v58 =	vld [tilespmem:s12+$0x10];
	[tilespmem:s10+$0xFFFFFFC0] =	vst v8  }
0x222: {  	v55 =	vld [tilespmem:s19+$0xFFFFFF90];
	v16 =	vadd.f32 v50, v52  }
0x223: {  	v0 =	vadd.f32 v0, v1;
	v8 =	vld [tilespmem:s19+$0xA0]  }
0x224: {  	v6 =	vadd.f32 v7, v6;
	v7 =	vld [tilespmem:s12+$0xFFFFFFD0];
	v5 =	vadd.f32 v5, v16  }
0x225: {  	v0 =	vmax.f32 v0, $0.0e+00;
	v56 =	vld [tilespmem:s12+$0x60]  }
0x226: {  	v14 =	vld [tilespmem:s29+$0xFFFFFFB0];
	v6 =	vadd.f32 v9, v6;
	[tilespmem:s11+$0x70] =	vst v0;
	v2 =	vadd.f32 v2, v57;
	v5 =	vmax.f32 v5, $0.0e+00  }
0x227: {  	v0 =	vld [tilespmem:s10+$0x30];
	v9 =	vadd.f32 v51, v55;
	[tilespmem:s10+$0xFFFFFF90] =	vst v5  }
0x228: {  	v6 =	vmax.f32 v6, $0.0e+00;
	v2 =	vadd.f32 v58, v2;
	v8 =	vadd.f32 v54, v8;
	v59 =	vld [tilespmem:s19+$0xFFFFFF20]  }
0x229: {  	v15 =	vld [tilespmem:s28+$0xFFFFFFB0];
	[tilespmem:s11+$0x20] =	vst v6;
	v6 =	vadd.f32 v7, v9  }
0x22a: {  	v2 =	vmax.f32 v2, $0.0e+00;
	v8 =	vadd.f32 v56, v8;
	v7 =	vld [tilespmem:s12+$0xFFFFFFA0]  }
0x22b: {  	v9 =	vld [tilespmem:s10+$0x70];
	[tilespmem:s10+$0x10] =	vst v2;
	v6 =	vmax.f32 v6, $0.0e+00  }
0x22c: {  	v63 =	vld [tilespmem:s19+$0x20];
	[tilespmem:s10+$0xFFFFFFD0] =	vst v6;
	v8 =	vmax.f32 v8, $0.0e+00  }
0x22d: {  	v62 =	vld [tilespmem:s19+$0xFFFFFFA0];
	[tilespmem:s10+$0x60] =	vst v8;
	v61 =	vadd.f32 v53, v59  }
0x22e: {  	v6 =	vld [tilespmem:s19+$0xB0]  }
0x22f: {  	v5 =	vld [tilespmem:s10+$0xFFFFFFE0];
	v7 =	vadd.f32 v7, v61  }
0x230: {  	v2 =	vld [tilespmem:s12+$0x70]  }
0x231: {  	v4 =	vld [tilespmem:s12+$0xFFFFFFE0];
	v7 =	vmax.f32 v7, $0.0e+00  }
0x232: {  	v3 =	vadd.f32 v3, v10;
	[tilespmem:s10+$0xFFFFFFA0] =	vst v7;
	v7 =	vld [tilespmem:s12+$0x20]  }
0x233: {  	v8 =	vld [tilespmem:s28+$0x30];
	v1 =	vadd.f32 v9, v6  }
0x234: {  	v3 =	vadd.f32 v14, v3;
	v5 =	vadd.f32 v5, v62;
	v9 =	vld [tilespmem:s10+$0xFFFFFFB0]  }
0x235: {  	v6 =	vadd.f32 v60, v63;
	v1 =	vadd.f32 v2, v1;
	v10 =	vld [tilespmem:s19+$0xFFFFFF30]  }
0x236: {  	v3 =	vmax.f32 v3, $0.0e+00;
	v5 =	vadd.f32 v4, v5;
	v2 =	vld [tilespmem:s10+$0xFFFFFFF0]  }
0x237: {  	[tilespmem:s11+$0xFFFFFFB0] =	vst v3;
	v4 =	vld [tilespmem:s12+$0xFFFFFFB0];
	v1 =	vmax.f32 v1, $0.0e+00;
	v3 =	vadd.f32 v7, v6  }
0x238: {  	s16 =	simm.s32 $0x6340;
	[tilespmem:s10+$0x70] =	vst v1;
	v6 =	vmax.f32 v5, $0.0e+00;
	v5 =	vld [tilespmem:s29+$0xFFFFFFF0]  }
0x239: {  	s18 =	simm.s32 $0x92F0;
	s21 =	simm.s32 $0x4;
	s26 =	simm.s32 $0x6700;
	v1 =	vadd.f32 v11, v15;
	[tilespmem:s10+$0xFFFFFFE0] =	vst v6;
	v6 =	vld [tilespmem:s29+$0x30];
	v11 =	vmax.f32 v3, $0.0e+00  }
0x23a: {  	s25 =	simm.s32 $0xA380;
	s13 =	simm.s32 $0x8380;
	s15 =	simm.s32 $0xB2F0;
	v3 =	vadd.f32 v12, v8;
	v8 =	vadd.f32 v9, v10;
	v7 =	vld [tilespmem:s19+$0xFFFFFFB0];
	[tilespmem:s10+$0x20] =	vst v11  }
.LBB2_12:
0x23b: {  	v9 =	vld [tilespmem:s26+$0x80];
	s10 =	sadd.s32 $0x100, s10  }
0x23c: {  	s21 =	sadd.s32 $0x4, s21;
	v10 =	vld [tilespmem:s10+$0x40];
	v4 =	vadd.f32 v4, v8  }
0x23d: {  	s12 =	sadd.s32 $0x100, s12;
	p1 =	slt.u32 s21, $0x3C;
	v8 =	vld [tilespmem:s10+$0xFFFFFF80];
	v5 =	vadd.f32 v5, v1  }
0x23e: {  	v11 =	vld [tilespmem:s12+$0x40];
	v1 =	vmax.f32 v4, $0.0e+00;
	v3 =	vadd.f32 v6, v3  }
0x23f: {  	v4 =	vld [tilespmem:s26+$0xFFFFFF80];
	[tilespmem:s13+$0xFFFFFFB0] =	vst v1;
	v1 =	vadd.f32 v2, v7;
	v2 =	vmax.f32 v5, $0.0e+00  }
0x240: {  	v5 =	vld [tilespmem:s10+$0xFFFFFFC0];
	[tilespmem:s11+$0xFFFFFFF0] =	vst v2;
	v2 =	vmax.f32 v3, $0.0e+00  }
0x241: {  	v3 =	vld [tilespmem:s26+$0x0];
	v6 =	vadd.f32 v10, v9;
	[tilespmem:s11+$0x30] =	vst v2;
	s11 =	smov.u32 s13;
	s13 =	smov.u32 s10  }
0x242: {  	v2 =	vld [tilespmem:s10+$0x0]  }
0x243: {  	v7 =	vld [tilespmem:s26+$0xFFFFFF00];
	v6 =	vadd.f32 v11, v6  }
0x244: {  	v9 =	vld [tilespmem:s12+$0xFFFFFF80]  }
0x245: {  	v4 =	vadd.f32 v5, v4;
	v5 =	vld [tilespmem:s12+$0xFFFFFFC0];
	v6 =	vmax.f32 v6, $0.0e+00  }
0x246: {  	[tilespmem:s10+$0x40] =	vst v6;
	v6 =	vld [tilespmem:s10+$0x50]  }
0x247: {  	v2 =	vadd.f32 v2, v3;
	v3 =	vld [tilespmem:s26+$0x90]  }
0x248: {  	v7 =	vadd.f32 v8, v7;
	v8 =	vld [tilespmem:s12+$0x0]  }
0x249: {  	v10 =	vld [tilespmem:s12+$0x50]  }
0x24a: {  	v7 =	vadd.f32 v9, v7;
	v9 =	vld [tilespmem:s10+$0xFFFFFF90];
	v4 =	vadd.f32 v5, v4  }
0x24b: {  	v5 =	vld [tilespmem:s10+$0xFFFFFFD0]  }
0x24c: {  	v7 =	vmax.f32 v7, $0.0e+00;
	v4 =	vmax.f32 v4, $0.0e+00;
	v11 =	vld [tilespmem:s10+$0x10];
	v3 =	vadd.f32 v6, v3  }
0x24d: {  	[tilespmem:s10+$0xFFFFFF80] =	vst v7;
	v6 =	vld [tilespmem:s10+$0xFFFFFFA0];
	v2 =	vadd.f32 v8, v2  }
0x24e: {  	v7 =	vld [tilespmem:s26+$0xFFFFFF10];
	[tilespmem:s10+$0xFFFFFFC0] =	vst v4;
	v3 =	vadd.f32 v10, v3  }
0x24f: {  	v4 =	vld [tilespmem:s26+$0xFFFFFF90];
	v2 =	vmax.f32 v2, $0.0e+00  }
0x250: {  	v8 =	vld [tilespmem:s12+$0xFFFFFF90];
	[tilespmem:s10+$0x0] =	vst v2;
	v2 =	vmax.f32 v3, $0.0e+00  }
0x251: {  	[tilespmem:s10+$0x50] =	vst v2;
	v2 =	vld [tilespmem:s10+$0x60]  }
0x252: {  	v3 =	vld [tilespmem:s26+$0xA0]  }
0x253: {  	v7 =	vadd.f32 v9, v7;
	v9 =	vld [tilespmem:s26+$0x10]  }
0x254: {  	v4 =	vadd.f32 v5, v4;
	v5 =	vld [tilespmem:s12+$0x60]  }
0x255: {  	v7 =	vadd.f32 v8, v7;
	v8 =	vld [tilespmem:s12+$0xFFFFFFD0]  }
0x256: {  	v10 =	vld [tilespmem:s12+$0x10]  }
0x257: {  	v7 =	vmax.f32 v7, $0.0e+00;
	v12 =	vld [tilespmem:s10+$0xFFFFFFE0];
	v2 =	vadd.f32 v2, v3  }
0x258: {  	[tilespmem:s10+$0xFFFFFF90] =	vst v7;
	v3 =	vadd.f32 v11, v9;
	v7 =	vld [tilespmem:s10+$0x20]  }
0x259: {  	v9 =	vld [tilespmem:s26+$0xFFFFFF20];
	v2 =	vadd.f32 v5, v2  }
0x25a: {  	v5 =	vld [tilespmem:s12+$0xFFFFFFA0];
	v4 =	vadd.f32 v8, v4  }
0x25b: {  	v3 =	vadd.f32 v10, v3;
	v2 =	vmax.f32 v2, $0.0e+00;
	v8 =	vld [tilespmem:s19+$0x30];
	s19 =	smov.u32 s26  }
0x25c: {  	v4 =	vmax.f32 v4, $0.0e+00;
	[tilespmem:s10+$0x60] =	vst v2;
	v2 =	vld [tilespmem:s10+$0x70]  }
0x25d: {  	[tilespmem:s10+$0xFFFFFFD0] =	vst v4;
	v3 =	vmax.f32 v3, $0.0e+00;
	v4 =	vld [tilespmem:s26+$0xB0]  }
0x25e: {  	v6 =	vadd.f32 v6, v9;
	v9 =	vld [tilespmem:s26+$0xFFFFFFA0];
	[tilespmem:s10+$0x10] =	vst v3  }
0x25f: {  	v10 =	vld [tilespmem:s12+$0x70]  }
0x260: {  	v5 =	vadd.f32 v5, v6;
	v6 =	vld [tilespmem:s26+$0x20];
	v3 =	vadd.f32 v0, v8  }
0x261: {  	v0 =	vld [tilespmem:s12+$0xFFFFFFE0]  }
0x262: {  	v5 =	vmax.f32 v5, $0.0e+00;
	v8 =	vld [tilespmem:s12+$0x20];
	v2 =	vadd.f32 v2, v4  }
0x263: {  	[tilespmem:s10+$0xFFFFFFA0] =	vst v5;
	v11 =	vld [tilespmem:s10+$0xFFFFFFB0];
	v4 =	vadd.f32 v12, v9  }
0x264: {  	v9 =	vld [tilespmem:s26+$0xFFFFFF30];
	v5 =	vadd.f32 v10, v2  }
0x265: {  	v2 =	vld [tilespmem:s10+$0xFFFFFFF0];
	v6 =	vadd.f32 v7, v6  }
.Ltmp8:
0x266: {  	v7 =	vadd.f32 v0, v4;
	v0 =	vld [tilespmem:s10+$0x30];
	v5 =	vmax.f32 v5, $0.0e+00;
	(pc) =	sbr.rel @p1 .LBB2_12-.Ltmp8, $4  }
0x267: {  	v4 =	vld [tilespmem:s12+$0xFFFFFFB0];
	v6 =	vadd.f32 v8, v6;
	[tilespmem:s10+$0x70] =	vst v5  }
0x268: {  	v7 =	vmax.f32 v7, $0.0e+00;
	v5 =	vld [tilespmem:s25+$0xFFFFFFF0]  }
0x269: {  	v8 =	vadd.f32 v11, v9;
	[tilespmem:s10+$0xFFFFFFE0] =	vst v7;
	v9 =	vmax.f32 v6, $0.0e+00;
	v6 =	vld [tilespmem:s25+$0x30];
	s25 =	smov.u32 s12  }
0x26a: {  	s26 =	sadd.s32 $0x200, s26;
	v7 =	vld [tilespmem:s19+$0xFFFFFFB0];
	[tilespmem:s10+$0x20] =	vst v9  }
0x26b: {  	v9 =	vld [tilespmem:s19+$0x30]  }
0x26c: {  	v10 =	vld [tilespmem:s25+$0xFFFFFFF0]  }
0x26d: {  	v11 =	vld [tilespmem:s25+$0x30]  }
0x26e: {  	v4 =	vadd.f32 v4, v8  }
0x26f: {  	v1 =	vadd.f32 v5, v1;
	v2 =	vadd.f32 v2, v7  }
0x270: {  	v4 =	vmax.f32 v4, $0.0e+00;
	v3 =	vadd.f32 v6, v3;
	v0 =	vadd.f32 v0, v9  }
0x271: {  	[tilespmem:s13+$0xFFFFFFB0] =	vst v4;
	v1 =	vmax.f32 v1, $0.0e+00;
	v2 =	vadd.f32 v10, v2  }
0x272: {  	[tilespmem:s11+$0xFFFFFFF0] =	vst v1;
	v1 =	vmax.f32 v3, $0.0e+00;
	v0 =	vadd.f32 v11, v0  }
0x273: {  	[tilespmem:s11+$0x30] =	vst v1;
	v1 =	vmax.f32 v2, $0.0e+00  }
0x274: {  	[tilespmem:s13+$0xFFFFFFF0] =	vst v1;
	v0 =	vmax.f32 v0, $0.0e+00  }
0x275: {  	[tilespmem:s13+$0x30] =	vst v0  }
0x276: {  	v0 =	vld [tilespmem:s16+$0x80]  }
0x277: {  	v1 =	vld [tilespmem:s18+$0xFFFFFFD0]  }
0x278: {  	v2 =	vld [tilespmem:s15+$0xFFFFFFD0]  }
0x279: {  	v3 =	vld [tilespmem:s16+$0xFFFFFF80]  }
0x27a: {  	v4 =	vld [tilespmem:s16+$0xFFFFFF00]  }
0x27b: {  	v5 =	vld [tilespmem:s15+$0xFFFFFF10]  }
0x27c: {  	v7 =	vld [tilespmem:s16+$0x0]  }
0x27d: {  	v8 =	vld [tilespmem:s18+$0xFFFFFF90]  }
0x27e: {  	v9 =	vld [tilespmem:s15+$0xFFFFFF50];
	v0 =	vadd.f32 v1, v0  }
0x27f: {  	v11 =	vld [tilespmem:s18+$0xFFFFFF80]  }
0x280: {  	v1 =	vld [tilespmem:s18+$0xFFFFFF10];
	v0 =	vadd.f32 v2, v0  }
0x281: {  	s12 =	simm.s32 $0xB3F0;
	v12 =	vld [tilespmem:s18+$0xFFFFFFC0]  }
0x282: {  	v13 =	vld [tilespmem:s12+$0xFFFFFFD0];
	v0 =	vmax.f32 v0, $0.0e+00  }
0x283: {  	[tilespmem:s18+$0xFFFFFFD0] =	vst v0;
	v0 =	vld [tilespmem:s18+$0xFFFFFFE0]  }
0x284: {  	v6 =	vld [tilespmem:s16+$0x90]  }
0x285: {  	v2 =	vld [tilespmem:s18+$0xFFFFFF50];
	v1 =	vadd.f32 v1, v4  }
0x286: {  	s11 =	simm.s32 $0x93F0;
	v4 =	vld [tilespmem:s15+$0xFFFFFFE0]  }
0x287: {  	s10 =	simm.s32 $0x6540;
	v16 =	vld [tilespmem:s11+$0xFFFFFF50];
	v1 =	vadd.f32 v5, v1  }
0x288: {  	v48 =	vld [tilespmem:s10+$0x0]  }
0x289: {  	v5 =	vld [tilespmem:s15+$0xFFFFFF90];
	v1 =	vmax.f32 v1, $0.0e+00;
	v0 =	vadd.f32 v0, v6  }
0x28a: {  	v2 =	vadd.f32 v2, v3;
	[tilespmem:s18+$0xFFFFFF10] =	vst v1;
	v6 =	vld [tilespmem:s18+$0xFFFFFF20]  }
0x28b: {  	v1 =	vld [tilespmem:s16+$0xFFFFFF10];
	v0 =	vadd.f32 v4, v0  }
0x28c: {  	v3 =	vld [tilespmem:s18+$0xFFFFFF60];
	v2 =	vadd.f32 v9, v2  }
0x28d: {  	v4 =	vadd.f32 v8, v7;
	v8 =	vld [tilespmem:s15+$0xFFFFFF20];
	v0 =	vmax.f32 v0, $0.0e+00  }
0x28e: {  	v7 =	vld [tilespmem:s18+$0xFFFFFFA0];
	[tilespmem:s18+$0xFFFFFFE0] =	vst v0;
	v0 =	vmax.f32 v2, $0.0e+00  }
0x28f: {  	v2 =	vadd.f32 v5, v4;
	v4 =	vld [tilespmem:s18+$0xFFFFFFF0];
	[tilespmem:s18+$0xFFFFFF50] =	vst v0  }
0x290: {  	v1 =	vadd.f32 v6, v1;
	v5 =	vld [tilespmem:s16+$0xFFFFFF90]  }
0x291: {  	v0 =	vld [tilespmem:s16+$0xA0]  }
0x292: {  	v2 =	vmax.f32 v2, $0.0e+00;
	v1 =	vadd.f32 v8, v1;
	v8 =	vld [tilespmem:s15+$0xFFFFFF60]  }
0x293: {  	[tilespmem:s18+$0xFFFFFF90] =	vst v2;
	v2 =	vld [tilespmem:s15+$0xFFFFFFF0]  }
0x294: {  	v6 =	vld [tilespmem:s16+$0x10];
	v1 =	vmax.f32 v1, $0.0e+00  }
0x295: {  	v17 =	vld [tilespmem:s10+$0xFFFFFF00];
	[tilespmem:s18+$0xFFFFFF20] =	vst v1;
	v1 =	vadd.f32 v3, v5  }
0x296: {  	v0 =	vadd.f32 v4, v0;
	v4 =	vld [tilespmem:s15+$0xFFFFFFA0]  }
0x297: {  	v18 =	vld [tilespmem:s12+$0xFFFFFF10];
	v1 =	vadd.f32 v8, v1  }
0x298: {  	v20 =	vld [tilespmem:s11+$0xFFFFFF90];
	v0 =	vadd.f32 v2, v0  }
0x299: {  	v21 =	vld [tilespmem:s12+$0xFFFFFF50];
	v5 =	vadd.f32 v7, v6;
	v1 =	vmax.f32 v1, $0.0e+00  }
0x29a: {  	v2 =	vld [tilespmem:s18+$0xFFFFFF70];
	v0 =	vmax.f32 v0, $0.0e+00;
	[tilespmem:s18+$0xFFFFFF60] =	vst v1  }
0x29b: {  	[tilespmem:s18+$0xFFFFFFF0] =	vst v0;
	v0 =	vadd.f32 v4, v5;
	v5 =	vld [tilespmem:s16+$0xFFFFFFA0]  }
0x29c: {  	v22 =	vld [tilespmem:s12+$0xFFFFFF90]  }
0x29d: {  	v8 =	vld [tilespmem:s15+$0xFFFFFF70]  }
0x29e: {  	v50 =	vld [tilespmem:s11+$0xFFFFFF20]  }
0x29f: {  	v51 =	vld [tilespmem:s11+$0xFFFFFF60]  }
0x2a0: {  	v53 =	vld [tilespmem:s11+$0xFFFFFF30];
	v2 =	vadd.f32 v2, v5  }
0x2a1: {  	v5 =	vld [tilespmem:s10+$0x80]  }
0x2a2: {  	v2 =	vadd.f32 v8, v2;
	v8 =	vld [tilespmem:s11+$0xFFFFFFD0]  }
0x2a3: {  	v54 =	vld [tilespmem:s11+$0xFFFFFFF0]  }
0x2a4: {  	v60 =	vld [tilespmem:s11+$0xFFFFFFB0]  }
0x2a5: {  	v9 =	vld [tilespmem:s18+$0xFFFFFF30]  }
0x2a6: {  	v3 =	vld [tilespmem:s16+$0xFFFFFF20]  }
0x2a7: {  	v6 =	vld [tilespmem:s15+$0xFFFFFF30];
	v5 =	vadd.f32 v8, v5  }
0x2a8: {  	v7 =	vld [tilespmem:s18+$0xFFFFFFB0]  }
0x2a9: {  	v4 =	vld [tilespmem:s18+$0x0];
	v2 =	vmax.f32 v2, $0.0e+00;
	v5 =	vadd.f32 v13, v5  }
0x2aa: {  	[tilespmem:s18+$0xFFFFFF70] =	vst v2;
	v2 =	vld [tilespmem:s11+$0xFFFFFF10]  }
0x2ab: {  	v1 =	vld [tilespmem:s16+$0xB0];
	v5 =	vmax.f32 v5, $0.0e+00  }
0x2ac: {  	[tilespmem:s11+$0xFFFFFFD0] =	vst v5;
	v5 =	vld [tilespmem:s11+$0xFFFFFFE0]  }
0x2ad: {  	v19 =	vld [tilespmem:s10+$0x90]  }
0x2ae: {  	v3 =	vadd.f32 v9, v3;
	v8 =	vld [tilespmem:s10+$0xFFFFFF80]  }
0x2af: {  	v0 =	vmax.f32 v0, $0.0e+00;
	v2 =	vadd.f32 v2, v17;
	v49 =	vld [tilespmem:s12+$0xFFFFFFE0]  }
0x2b0: {  	[tilespmem:s18+$0xFFFFFFA0] =	vst v0;
	v0 =	vld [tilespmem:s15+$0x0];
	v3 =	vadd.f32 v6, v3  }
0x2b1: {  	v6 =	vld [tilespmem:s16+$0x20];
	v13 =	vadd.f32 v20, v48;
	v2 =	vadd.f32 v18, v2  }
0x2b2: {  	v9 =	vld [tilespmem:s15+$0xFFFFFFB0];
	v3 =	vmax.f32 v3, $0.0e+00;
	v5 =	vadd.f32 v5, v19  }
0x2b3: {  	[tilespmem:s18+$0xFFFFFF30] =	vst v3;
	v3 =	vld [tilespmem:s18+$0xFFFFFF40];
	v13 =	vadd.f32 v22, v13;
	v2 =	vmax.f32 v2, $0.0e+00  }
0x2b4: {  	v10 =	vld [tilespmem:s16+$0xFFFFFF30];
	v8 =	vadd.f32 v16, v8;
	[tilespmem:s11+$0xFFFFFF10] =	vst v2;
	v5 =	vadd.f32 v49, v5  }
0x2b5: {  	v13 =	vmax.f32 v13, $0.0e+00;
	v52 =	vld [tilespmem:s10+$0xFFFFFF10]  }
0x2b6: {  	v8 =	vadd.f32 v21, v8;
	[tilespmem:s11+$0xFFFFFF90] =	vst v13;
	v2 =	vld [tilespmem:s11+$0xFFFFFFA0];
	v5 =	vmax.f32 v5, $0.0e+00  }
0x2b7: {  	[tilespmem:s11+$0xFFFFFFE0] =	vst v5;
	v5 =	vld [tilespmem:s12+$0xFFFFFF20]  }
0x2b8: {  	v57 =	vld [tilespmem:s10+$0x10];
	v8 =	vmax.f32 v8, $0.0e+00  }
0x2b9: {  	v1 =	vadd.f32 v4, v1;
	v58 =	vld [tilespmem:s12+$0xFFFFFFA0];
	[tilespmem:s11+$0xFFFFFF50] =	vst v8  }
0x2ba: {  	v55 =	vld [tilespmem:s10+$0xFFFFFF90];
	v16 =	vadd.f32 v50, v52  }
0x2bb: {  	v0 =	vadd.f32 v0, v1;
	v8 =	vld [tilespmem:s10+$0xA0]  }
0x2bc: {  	v6 =	vadd.f32 v7, v6;
	v7 =	vld [tilespmem:s12+$0xFFFFFF60];
	v5 =	vadd.f32 v5, v16  }
0x2bd: {  	v0 =	vmax.f32 v0, $0.0e+00;
	v56 =	vld [tilespmem:s12+$0xFFFFFFF0]  }
0x2be: {  	v14 =	vld [tilespmem:s15+$0xFFFFFF40];
	v6 =	vadd.f32 v9, v6;
	[tilespmem:s18+$0x0] =	vst v0;
	v2 =	vadd.f32 v2, v57;
	v5 =	vmax.f32 v5, $0.0e+00  }
0x2bf: {  	v0 =	vld [tilespmem:s11+$0xFFFFFFC0];
	v9 =	vadd.f32 v51, v55;
	[tilespmem:s11+$0xFFFFFF20] =	vst v5  }
0x2c0: {  	v6 =	vmax.f32 v6, $0.0e+00;
	v2 =	vadd.f32 v58, v2;
	v8 =	vadd.f32 v54, v8;
	v59 =	vld [tilespmem:s10+$0xFFFFFF20]  }
0x2c1: {  	v15 =	vld [tilespmem:s16+$0xFFFFFFB0];
	[tilespmem:s18+$0xFFFFFFB0] =	vst v6;
	v6 =	vadd.f32 v7, v9  }
0x2c2: {  	v2 =	vmax.f32 v2, $0.0e+00;
	v8 =	vadd.f32 v56, v8;
	v7 =	vld [tilespmem:s12+$0xFFFFFF30]  }
0x2c3: {  	v9 =	vld [tilespmem:s11+$0x0];
	[tilespmem:s11+$0xFFFFFFA0] =	vst v2;
	v6 =	vmax.f32 v6, $0.0e+00  }
0x2c4: {  	v63 =	vld [tilespmem:s10+$0x20];
	[tilespmem:s11+$0xFFFFFF60] =	vst v6;
	v8 =	vmax.f32 v8, $0.0e+00  }
0x2c5: {  	v62 =	vld [tilespmem:s10+$0xFFFFFFA0];
	[tilespmem:s11+$0xFFFFFFF0] =	vst v8;
	v61 =	vadd.f32 v53, v59  }
0x2c6: {  	v6 =	vld [tilespmem:s10+$0xB0]  }
0x2c7: {  	v5 =	vld [tilespmem:s11+$0xFFFFFF70];
	v7 =	vadd.f32 v7, v61  }
0x2c8: {  	v2 =	vld [tilespmem:s12+$0x0]  }
0x2c9: {  	v4 =	vld [tilespmem:s12+$0xFFFFFF70];
	v7 =	vmax.f32 v7, $0.0e+00  }
0x2ca: {  	v3 =	vadd.f32 v3, v10;
	[tilespmem:s11+$0xFFFFFF30] =	vst v7;
	v7 =	vld [tilespmem:s12+$0xFFFFFFB0]  }
0x2cb: {  	v8 =	vld [tilespmem:s16+$0x30];
	v1 =	vadd.f32 v9, v6  }
0x2cc: {  	v3 =	vadd.f32 v14, v3;
	v5 =	vadd.f32 v5, v62;
	v9 =	vld [tilespmem:s11+$0xFFFFFF40]  }
0x2cd: {  	v6 =	vadd.f32 v60, v63;
	v1 =	vadd.f32 v2, v1;
	v10 =	vld [tilespmem:s10+$0xFFFFFF30]  }
0x2ce: {  	v3 =	vmax.f32 v3, $0.0e+00;
	v5 =	vadd.f32 v4, v5;
	v2 =	vld [tilespmem:s11+$0xFFFFFF80]  }
0x2cf: {  	[tilespmem:s18+$0xFFFFFF40] =	vst v3;
	v4 =	vld [tilespmem:s12+$0xFFFFFF40];
	v1 =	vmax.f32 v1, $0.0e+00;
	v3 =	vadd.f32 v7, v6  }
0x2d0: {  	[tilespmem:s11+$0x0] =	vst v1;
	v6 =	vmax.f32 v5, $0.0e+00;
	v5 =	vld [tilespmem:s15+$0xFFFFFF80]  }
0x2d1: {  	s19 =	simm.s32 $0x6740;
	v1 =	vadd.f32 v11, v15;
	[tilespmem:s11+$0xFFFFFF70] =	vst v6;
	v6 =	vld [tilespmem:s15+$0xFFFFFFC0];
	v11 =	vmax.f32 v3, $0.0e+00  }
0x2d2: {  	s13 =	simm.s32 $0x93F0;
	s16 =	simm.s32 $0x4;
	s15 =	simm.s32 $0xB3F0;
	v3 =	vadd.f32 v12, v8;
	v8 =	vadd.f32 v9, v10;
	v7 =	vld [tilespmem:s10+$0xFFFFFFB0];
	[tilespmem:s11+$0xFFFFFFB0] =	vst v11  }
.LBB2_14:
0x2d3: {  	v9 =	vld [tilespmem:s19+$0x80];
	s11 =	sadd.s32 $0x100, s11  }
0x2d4: {  	s16 =	sadd.s32 $0x4, s16;
	v10 =	vld [tilespmem:s11+$0xFFFFFFD0];
	v4 =	vadd.f32 v4, v8  }
0x2d5: {  	s12 =	sadd.s32 $0x100, s12;
	p1 =	slt.u32 s16, $0x3C;
	v8 =	vld [tilespmem:s11+$0xFFFFFF10];
	v5 =	vadd.f32 v5, v1  }
0x2d6: {  	v11 =	vld [tilespmem:s12+$0xFFFFFFD0];
	v1 =	vmax.f32 v4, $0.0e+00;
	v3 =	vadd.f32 v6, v3  }
0x2d7: {  	v4 =	vld [tilespmem:s19+$0xFFFFFF80];
	[tilespmem:s13+$0xFFFFFF40] =	vst v1;
	v1 =	vadd.f32 v2, v7;
	v2 =	vmax.f32 v5, $0.0e+00  }
0x2d8: {  	v5 =	vld [tilespmem:s11+$0xFFFFFF50];
	[tilespmem:s18+$0xFFFFFF80] =	vst v2;
	v2 =	vmax.f32 v3, $0.0e+00  }
0x2d9: {  	v3 =	vld [tilespmem:s19+$0x0];
	v6 =	vadd.f32 v10, v9;
	[tilespmem:s18+$0xFFFFFFC0] =	vst v2;
	s18 =	smov.u32 s13;
	s13 =	smov.u32 s11  }
0x2da: {  	v2 =	vld [tilespmem:s11+$0xFFFFFF90]  }
0x2db: {  	v7 =	vld [tilespmem:s19+$0xFFFFFF00];
	v6 =	vadd.f32 v11, v6  }
0x2dc: {  	v9 =	vld [tilespmem:s12+$0xFFFFFF10]  }
0x2dd: {  	v4 =	vadd.f32 v5, v4;
	v5 =	vld [tilespmem:s12+$0xFFFFFF50];
	v6 =	vmax.f32 v6, $0.0e+00  }
0x2de: {  	[tilespmem:s11+$0xFFFFFFD0] =	vst v6;
	v6 =	vld [tilespmem:s11+$0xFFFFFFE0]  }
0x2df: {  	v2 =	vadd.f32 v2, v3;
	v3 =	vld [tilespmem:s19+$0x90]  }
0x2e0: {  	v7 =	vadd.f32 v8, v7;
	v8 =	vld [tilespmem:s12+$0xFFFFFF90]  }
0x2e1: {  	v10 =	vld [tilespmem:s12+$0xFFFFFFE0]  }
0x2e2: {  	v7 =	vadd.f32 v9, v7;
	v9 =	vld [tilespmem:s11+$0xFFFFFF20];
	v4 =	vadd.f32 v5, v4  }
0x2e3: {  	v5 =	vld [tilespmem:s11+$0xFFFFFF60]  }
0x2e4: {  	v7 =	vmax.f32 v7, $0.0e+00;
	v4 =	vmax.f32 v4, $0.0e+00;
	v11 =	vld [tilespmem:s11+$0xFFFFFFA0];
	v3 =	vadd.f32 v6, v3  }
0x2e5: {  	[tilespmem:s11+$0xFFFFFF10] =	vst v7;
	v6 =	vld [tilespmem:s11+$0xFFFFFF30];
	v2 =	vadd.f32 v8, v2  }
0x2e6: {  	v7 =	vld [tilespmem:s19+$0xFFFFFF10];
	[tilespmem:s11+$0xFFFFFF50] =	vst v4;
	v3 =	vadd.f32 v10, v3  }
0x2e7: {  	v4 =	vld [tilespmem:s19+$0xFFFFFF90];
	v2 =	vmax.f32 v2, $0.0e+00  }
0x2e8: {  	v8 =	vld [tilespmem:s12+$0xFFFFFF20];
	[tilespmem:s11+$0xFFFFFF90] =	vst v2;
	v2 =	vmax.f32 v3, $0.0e+00  }
0x2e9: {  	[tilespmem:s11+$0xFFFFFFE0] =	vst v2;
	v2 =	vld [tilespmem:s11+$0xFFFFFFF0]  }
0x2ea: {  	v3 =	vld [tilespmem:s19+$0xA0]  }
0x2eb: {  	v7 =	vadd.f32 v9, v7;
	v9 =	vld [tilespmem:s19+$0x10]  }
0x2ec: {  	v4 =	vadd.f32 v5, v4;
	v5 =	vld [tilespmem:s12+$0xFFFFFFF0]  }
0x2ed: {  	v7 =	vadd.f32 v8, v7;
	v8 =	vld [tilespmem:s12+$0xFFFFFF60]  }
0x2ee: {  	v10 =	vld [tilespmem:s12+$0xFFFFFFA0]  }
0x2ef: {  	v7 =	vmax.f32 v7, $0.0e+00;
	v12 =	vld [tilespmem:s11+$0xFFFFFF70];
	v2 =	vadd.f32 v2, v3  }
0x2f0: {  	[tilespmem:s11+$0xFFFFFF20] =	vst v7;
	v3 =	vadd.f32 v11, v9;
	v7 =	vld [tilespmem:s11+$0xFFFFFFB0]  }
0x2f1: {  	v9 =	vld [tilespmem:s19+$0xFFFFFF20];
	v2 =	vadd.f32 v5, v2  }
0x2f2: {  	v5 =	vld [tilespmem:s12+$0xFFFFFF30];
	v4 =	vadd.f32 v8, v4  }
0x2f3: {  	v3 =	vadd.f32 v10, v3;
	v2 =	vmax.f32 v2, $0.0e+00;
	v8 =	vld [tilespmem:s10+$0x30];
	s10 =	smov.u32 s19  }
0x2f4: {  	v4 =	vmax.f32 v4, $0.0e+00;
	[tilespmem:s11+$0xFFFFFFF0] =	vst v2;
	v2 =	vld [tilespmem:s11+$0x0]  }
0x2f5: {  	[tilespmem:s11+$0xFFFFFF60] =	vst v4;
	v3 =	vmax.f32 v3, $0.0e+00;
	v4 =	vld [tilespmem:s19+$0xB0]  }
0x2f6: {  	v6 =	vadd.f32 v6, v9;
	v9 =	vld [tilespmem:s19+$0xFFFFFFA0];
	[tilespmem:s11+$0xFFFFFFA0] =	vst v3  }
0x2f7: {  	v10 =	vld [tilespmem:s12+$0x0]  }
0x2f8: {  	v5 =	vadd.f32 v5, v6;
	v6 =	vld [tilespmem:s19+$0x20];
	v3 =	vadd.f32 v0, v8  }
0x2f9: {  	v0 =	vld [tilespmem:s12+$0xFFFFFF70]  }
0x2fa: {  	v5 =	vmax.f32 v5, $0.0e+00;
	v8 =	vld [tilespmem:s12+$0xFFFFFFB0];
	v2 =	vadd.f32 v2, v4  }
0x2fb: {  	[tilespmem:s11+$0xFFFFFF30] =	vst v5;
	v11 =	vld [tilespmem:s11+$0xFFFFFF40];
	v4 =	vadd.f32 v12, v9  }
0x2fc: {  	v9 =	vld [tilespmem:s19+$0xFFFFFF30];
	v5 =	vadd.f32 v10, v2  }
0x2fd: {  	v2 =	vld [tilespmem:s11+$0xFFFFFF80];
	v6 =	vadd.f32 v7, v6  }
.Ltmp9:
0x2fe: {  	v7 =	vadd.f32 v0, v4;
	v0 =	vld [tilespmem:s11+$0xFFFFFFC0];
	v5 =	vmax.f32 v5, $0.0e+00;
	(pc) =	sbr.rel @p1 .LBB2_14-.Ltmp9, $4  }
0x2ff: {  	v4 =	vld [tilespmem:s12+$0xFFFFFF40];
	v6 =	vadd.f32 v8, v6;
	[tilespmem:s11+$0x0] =	vst v5  }
0x300: {  	v7 =	vmax.f32 v7, $0.0e+00;
	v5 =	vld [tilespmem:s15+$0xFFFFFF80]  }
0x301: {  	v8 =	vadd.f32 v11, v9;
	[tilespmem:s11+$0xFFFFFF70] =	vst v7;
	v9 =	vmax.f32 v6, $0.0e+00;
	v6 =	vld [tilespmem:s15+$0xFFFFFFC0];
	s15 =	smov.u32 s12  }
0x302: {  	s19 =	sadd.s32 $0x200, s19;
	v7 =	vld [tilespmem:s10+$0xFFFFFFB0];
	[tilespmem:s11+$0xFFFFFFB0] =	vst v9  }
0x303: {  	v9 =	vld [tilespmem:s10+$0x30]  }
0x304: {  	v10 =	vld [tilespmem:s15+$0xFFFFFF80]  }
0x305: {  	v11 =	vld [tilespmem:s15+$0xFFFFFFC0]  }
0x306: {  	v4 =	vadd.f32 v4, v8  }
0x307: {  	v1 =	vadd.f32 v5, v1;
	v2 =	vadd.f32 v2, v7  }
0x308: {  	v4 =	vmax.f32 v4, $0.0e+00;
	v3 =	vadd.f32 v6, v3;
	v0 =	vadd.f32 v0, v9  }
0x309: {  	[tilespmem:s13+$0xFFFFFF40] =	vst v4;
	v1 =	vmax.f32 v1, $0.0e+00;
	v2 =	vadd.f32 v10, v2  }
0x30a: {  	[tilespmem:s18+$0xFFFFFF80] =	vst v1;
	v62 =	vmax.f32 v3, $0.0e+00;
	v0 =	vadd.f32 v11, v0  }
0x30b: {  	[tilespmem:s18+$0xFFFFFFC0] =	vst v62;
	v63 =	vmax.f32 v2, $0.0e+00  }
.Ltmp10:
0x30c: {  	[tilespmem:s13+$0xFFFFFF80] =	vst v63;
	v0 =	vmax.f32 v0, $0.0e+00;
	(pc) =	sbr.rel .LBB2_16-.Ltmp10, $4  }
0x30d: {  	s29 =	simm.s32 $0x8200;
	[tilespmem:s13+$0xFFFFFFC0] =	vst v0  }
0x30e: {  	[spmem:s1] =	stream.indirect.scatter.add.f32 [tilespmem:s29], [sflag:$0x4], $0x40, s3, s24, $0xb8;
	[tilespmem:$0x15E40] =	vst v63  }
0x30f: {  	_ = 	snop  }
0x310: {  	[spmem:s1] =	stream.indirect.scatter.add.f32 [tilespmem:s22], [sflag:$0x4], $0x40, s30, s24, $0xb8;
	[tilespmem:$0x15E40] =	vst v63  }
.LBB2_4:
0x311: {  	p1 =	sgt.u32 s19, $0x4E1  }
.Ltmp11:
0x312: {  	_ = 	snop;
	(pc) =	sbr.rel @p1 .LBB2_6-.Ltmp11, $4  }
.Ltmp12:
0x313: {  	_ = 	snop;
	(pc) =	sbr.rel @!p1 .LBB2_5-.Ltmp12, $4  }
0x314: {  	_ = 	snop  }
0x315: {  	_ = 	snop  }
0x316: {  	_ = 	snop  }
0x317: {  	_ = 	snop  }
.LBB2_18:
0x318: {  	_ =	sfence.sel $0x180000  }
0x319: {  	[bflag:$0x0] =	sbarrier.arrive $0xFFFF  }
0x31a: {  	_ =	strace $0x9000004A  }
0x31b: {  	s0 =	stileid.u32;
	[bflag:$0x2] =	sbarrier.arrive $0xFFFF  }
0x31c: {  	p0 =	sne.s32 s0, $0x0;
	s0 =	rddreg [dreg:$0x3]  }
0x31d: {  	s0 =	sadd.s32 @!p0 $0x100000, s0  }
0x31e: {  	[sflag:s0] =	ssyncadd.tile.s32 @!p0 $0x1;
	_ =	shalt  }
.Lfunc_end2:
_tile_overlayer_lowered:
.L_overlay_start_2:
0x31f: {  	(tag) =	ssettag $0x2  }
0x320: {  	s0 =	rddreg [dreg:$0x0];
	s2 =	stileid.u32  }
0x321: {  	s1 =	rddreg [dreg:$0x1];
	p0 =	sne.s32 s2, $0x0  }
0x322: {  	s3 =	rddreg [dreg:$0x2];
	[bflag:$0x3] =	sbarrier.arrive $0xFFFF;
	s2 =	simm.s32 @!p0 $0x1C05  }
0x323: {  	[timem:s3], [sflag:s2] =	dma.local @!p0 [hbm:s0], s1  }
0x324: {  	s0 =	simm.s32 @!p0 $0x5  }
0x325: {  	_ =	swait.ge @!p0 [sflag:s0], s1  }
0x326: {  	s1 =	ssub.s32 @!p0 $0x0, s1;
	[sflag:s0] =	ssyncset.done @!p0 $0x0  }
0x327: {  	[sflag:s0] =	ssyncadd.s32 @!p0 s1  }
0x328: {  	[bflag:$0x3] =	sbarrier.arrive $0xFFFF  }
0x329: {  	_ =	shalt  }

// kernel: _impl.8.cloned.1.call-start
scs
__scs_entry_jumppad:
0x0: {  	(pc) =	sbr.rel $0x88, $3  }
0x1: {  	(tag) =	ssettag $0x0;
	lr =	simm.s32 $0x1  }
0x2: {  	[smem:$0x3F99] =	sst lr;
	_ =	strace $0xD0000000  }
0x3: {  	_ = 	snop  }
0x4: {  	_ = 	snop  }
0x5: {  	_ = 	snop  }
0x6: {  	_ = 	snop  }
0x7: {  	_ = 	snop  }
__scs_overlays_trampoline_lowered:
0x8: {  	[smem:$0x3FA8] =	sst s0  }
0x9: {  	[smem:$0x3FA9] =	sst s1  }
0xa: {  	[smem:$0x3FAA] =	sst s2  }
0xb: {  	[smem:$0x3FAB] =	sst s3  }
0xc: {  	[smem:$0x3FAC] =	sst s4  }
0xd: {  	[smem:$0x3FAD] =	sst s5  }
0xe: {  	[smem:$0x3FAE] =	sst s6  }
0xf: {  	[smem:$0x3FAF] =	sst s7  }
0x10: {  	[smem:$0x3FB0] =	sst s8  }
0x11: {  	[smem:$0x3FB1] =	sst s9;
	s0 =	simm.s32 @!p0 $0x0  }
0x12: {  	s1 =	sld [smem:$0x3F97];
	s0 =	simm.s32 @p0 $0x1  }
0x13: {  	[smem:$0x3FB2] =	sst s0;
	s0 =	simm.s32 @!p1 $0x0  }
0x14: {  	s2 =	sld [smem:$0x3F96];
	s0 =	simm.s32 @p1 $0x1  }
0x15: {  	[smem:$0x3FB3] =	sst s0;
	s0 =	simm.s32 @!p2 $0x0  }
0x16: {  	s3 =	sld [smem:$0x3FDB];
	s0 =	simm.s32 @p2 $0x1  }
0x17: {  	s4 =	simm.s32 $0x1BF5;
	[smem:$0x3FB5] =	sst s0  }
0x18: {  	s0 =	sld [smem:$0x3F98];
	_ =	swait.ge [sflag:s4], $0x0  }
0x19: {  	s7 =	sld [smem:$0x3F99]  }
0x1a: {  	s8 =	sadd.s32 $0xFFFFE003, lr  }
0x1b: {  	s9 =	sadd.s32 $0xFFFFFEF7, lr;
	s5 =	simm.s32 $0xFFFFFFFF;
	p2 =	slt.u32 s8, $0xFFFFF086  }
0x1c: {  	p1 =	slt.u32 s9, $0xF7A;
	s5 =	simm.s32 @!p2 $0x0  }
0x1d: {  	s5 =	simm.s32 @p1 $0x1;
	p0 =	seq.s32 s7, s2  }
0x1e: {  	s7 =	smul.u32 @!p0 $0xF7A, s2;
	p2 =	seq.s32 @!p0 s5, $0x0  }
0x1f: {  	s9 =	smul.u32 $0xF7A, s1;
	s8 =	simm.s32 @!p0 $0x1BF5;
	p2 =	por !p2, p0  }
0x20: {  	[sflag:s8] =	ssyncset.s32 @!p0 $0xFFFFF086;
	s6 =	sadd.s32 @!p0 s3, s7;
	s7 =	simm.s32 @!p0 $0x108  }
0x21: {  	s3 =	sadd.s32 s3, s9;
	s6 =	sadd.s32 @!p0 $0x88, s6;
	s7 =	simm.s32 @p2 $0x1082  }
0x22: {  	[simem:s7], [sflag:s8] =	dma.local @!p0 [hbm:s6], $0xF7A  }
0x23: {  	s9 =	sor.u32 $0xD0000000, s2;
	s6 =	simm.s32 $0x108;
	_ =	swait.ge @!p0 [sflag:s8], $0x0  }
0x24: {  	s3 =	sadd.s32 $0x88, s3;
	s6 =	simm.s32 @!p1 $0x1082;
	[sflag:s4] =	ssyncset.s32 $0xFFFFF086  }
0x25: {  	[simem:s6], [sflag:s4] =	dma.local [hbm:s3], $0xF7A  }
0x26: {  	[smem:$0x3F99] =	sst s1;
	(tag) =	ssettag s2;
	_ =	strace s9  }
0x27: {  	s1 =	sld [smem:$0x3FA9]  }
0x28: {  	s2 =	sld [smem:$0x3FAA]  }
0x29: {  	s4 =	sld [smem:$0x3FAC]  }
0x2a: {  	p0 =	seq.s32 s5, $0x0;
	s5 =	sld [smem:$0x3FAD]  }
0x2b: {  	s6 =	sld [smem:$0x3FAE]  }
0x2c: {  	s7 =	sld [smem:$0x3FAF]  }
0x2d: {  	s3 =	simm.s32 $0x108;
	s8 =	sld [smem:$0x3FB0]  }
0x2e: {  	s3 =	simm.s32 @!p0 $0x1082;
	s9 =	sld [smem:$0x3FB1]  }
0x2f: {  	lr =	sadd.s32 s0, s3;
	s0 =	sld [smem:$0x3FA8]  }
0x30: {  	s3 =	sld [smem:$0x3FAB]  }
0x31: {  	[smem:$0x3FB4] =	sst s10  }
0x32: {  	s10 =	sld [smem:$0x3FB2];
	_ =	sdelay $0x3  }
0x33: {  	p0 =	seq.s32 s10, $0x1;
	s10 =	sld [smem:$0x3FB4];
	_ =	sdelay $0x3  }
0x34: {  	[smem:$0x3FB4] =	sst s10  }
0x35: {  	s10 =	sld [smem:$0x3FB3];
	_ =	sdelay $0x3  }
0x36: {  	p1 =	seq.s32 s10, $0x1;
	s10 =	sld [smem:$0x3FB4];
	_ =	sdelay $0x3  }
0x37: {  	[smem:$0x3FB4] =	sst s10  }
0x38: {  	s10 =	sld [smem:$0x3FB5]  }
0x39: {  	_ = 	snop;
	(pc) =	sbr.ind lr, $3  }
0x3a: {  	_ = 	snop  }
0x3b: {  	_ = 	snop  }
0x3c: {  	p2 =	seq.s32 s10, $0x1;
	s10 =	sld [smem:$0x3FB4]  }
0x3d: {  	_ =	shalt  }
0x3e: {  	_ =	shalt  }
0x3f: {  	_ =	shalt  }
0x40: {  	_ =	shalt  }
0x41: {  	_ =	shalt  }
0x42: {  	_ =	shalt  }
0x43: {  	_ =	shalt  }
0x44: {  	_ =	shalt  }
0x45: {  	_ =	shalt  }
0x46: {  	_ =	shalt  }
0x47: {  	_ =	shalt  }
0x48: {  	_ =	shalt  }
0x49: {  	_ =	shalt  }
0x4a: {  	_ =	shalt  }
0x4b: {  	_ =	shalt  }
0x4c: {  	_ =	shalt  }
0x4d: {  	_ =	shalt  }
0x4e: {  	_ =	shalt  }
0x4f: {  	_ =	shalt  }
0x50: {  	_ =	shalt  }
0x51: {  	_ =	shalt  }
0x52: {  	_ =	shalt  }
0x53: {  	_ =	shalt  }
0x54: {  	_ =	shalt  }
0x55: {  	_ =	shalt  }
0x56: {  	_ =	shalt  }
0x57: {  	_ =	shalt  }
0x58: {  	_ =	shalt  }
0x59: {  	_ =	shalt  }
0x5a: {  	_ =	shalt  }
0x5b: {  	_ =	shalt  }
0x5c: {  	_ =	shalt  }
0x5d: {  	_ =	shalt  }
0x5e: {  	_ =	shalt  }
0x5f: {  	_ =	shalt  }
0x60: {  	_ =	shalt  }
0x61: {  	_ =	shalt  }
0x62: {  	_ =	shalt  }
0x63: {  	_ =	shalt  }
0x64: {  	_ =	shalt  }
0x65: {  	_ =	shalt  }
0x66: {  	_ =	shalt  }
0x67: {  	_ =	shalt  }
0x68: {  	_ =	shalt  }
0x69: {  	_ =	shalt  }
0x6a: {  	_ =	shalt  }
0x6b: {  	_ =	shalt  }
0x6c: {  	_ =	shalt  }
0x6d: {  	_ =	shalt  }
0x6e: {  	_ =	shalt  }
0x6f: {  	_ =	shalt  }
0x70: {  	_ =	shalt  }
0x71: {  	_ =	shalt  }
0x72: {  	_ =	shalt  }
0x73: {  	_ =	shalt  }
0x74: {  	_ =	shalt  }
0x75: {  	_ =	shalt  }
0x76: {  	_ =	shalt  }
0x77: {  	_ =	shalt  }
0x78: {  	_ =	shalt  }
0x79: {  	_ =	shalt  }
0x7a: {  	_ =	shalt  }
0x7b: {  	_ =	shalt  }
0x7c: {  	_ =	shalt  }
0x7d: {  	_ =	shalt  }
0x7e: {  	_ =	shalt  }
0x7f: {  	_ =	shalt  }
0x80: {  	_ =	shalt  }
0x81: {  	_ =	shalt  }
0x82: {  	_ =	shalt  }
0x83: {  	_ =	shalt  }
0x84: {  	_ =	shalt  }
0x85: {  	_ =	shalt  }
0x86: {  	_ =	shalt  }
0x87: {  	_ =	shalt  }
.Lfunc_end0:
.L_simem_size_0:
called_computation_lowered:
.L_overlay_start_0:
0x88: {  	s2 =	sld [smem:$0x3FD9]  }
0x89: {  	s3 =	sld [smem:$0x3FFE];
	_ =	sdelay $0x1  }
0x8a: {  	s1 =	srdreg.scid  }
0x8b: {  	s0 =	sand.u32 $0x1, s1  }
0x8c: {  	s16 =	sshll.u32 s0, $0xA;
	s2 =	sadd.s32 s3, s2  }
0x8d: {  	s2 =	sadd.s32 s2, s16  }
0x8e: {  	[smem:$0x3FC0] =	sst s2  }
0x8f: {  	_ = 	snop  }
0x90: {  	(tm) =	ssettm $0x1  }
0x91: {  	s17 =	sld [smem:$0x3FFB];
	_ =	sdelay $0x3  }
0x92: {  	_ =	strace s17  }
0x93: {  	s2 =	sld [smem:$0x3FFC];
	_ =	sdelay $0x3  }
0x94: {  	_ =	strace s2  }
0x95: {  	s2 =	sld [smem:$0x3FFD];
	_ =	sdelay $0x3  }
0x96: {  	_ =	strace s2  }
0x97: {  	_ =	strace $0x8FFFFFFF  }
0x98: {  	s18 =	sld [smem:$0x3FDB];
	_ =	sdelay $0x1  }
0x99: {  	s19 =	simm.s32 $_scs_section_size  }
0x9a: {  	s4 =	simm.s32 $_size__tile_overlayer_lowered;
	s5 =	simm.s32 $_tile_overlayer_lowered  }
0x9b: {  	s22 =	simm.s32 $0x1BFF;
	s21 =	sshll.u32 s5, $0x1;
	s2 =	sadd.s32 s19, s18  }
0x9c: {  	s6 =	simm.s32 $0x0;
	s20 =	sshll.u32 s4, $0x1;
	s4 =	sadd.s32 s21, s2  }
0x9d: {  	[timem:s6], [sflag:s22] =	dma.local [hbm:s4], s20  }
0x9e: {  	_ =	swait.ge [sflag:s22], s20  }
0x9f: {  	s3 =	ssub.s32 $0x0, s20;
	[sflag:s22] =	ssyncset.done $0x0  }
0xa0: {  	[sflag:s22] =	ssyncadd.s32 s3;
	_ =	sdelay $0x1  }
0xa1: {  	s23 =	simm.s32 $0x1B8B  }
0xa2: {  	_ =	swait.ge [sflag:s23], $0x1  }
0xa3: {  	[sflag:s23] =	ssyncset.done $0x0  }
0xa4: {  	s25 =	simm.s32 $0x1B8E;
	s24 =	sld [smem:$0x3FFE];
	[sflag:s23] =	ssyncadd.s32 $0xFFFFFFFF  }
0xa5: {  	s26 =	simm.s32 $execute0_lowered;
	[smem:$0x3FD2] =	sst s25  }
0xa6: {  	s4 =	sshll.u32 s26, $0x1;
	_ =	strace $0x80000046;
	[dreg:$0x1] =	wrdreg $0xFFFFFFFF  }
0xa7: {  	s28 =	simm.s32 $_size_execute0_lowered;
	s2 =	sadd.s32 s2, s4;
	[dreg:$0x0] =	wrdreg $0x0  }
0xa8: {  	s4 =	sshll.u32 s28, $0x1;
	[dreg:$0x2] =	wrdreg s2  }
0xa9: {  	[dreg:$0x3] =	wrdreg s4  }
0xaa: {  	[dreg:$0x4] =	wrdreg $0xC0  }
0xab: {  	_ =	task [dreg:s6], $0x5FFFF  }
0xac: {  	[dreg:$0x1] =	wrdreg $0xFFFFFFFF  }
0xad: {  	[dreg:$0x0] =	wrdreg $0x60  }
0xae: {  	[dreg:$0x2] =	wrdreg s24  }
0xaf: {  	[dreg:$0x3] =	wrdreg $0xC2000  }
0xb0: {  	[dreg:$0x4] =	wrdreg $0x9  }
0xb1: {  	_ =	task.clear_ibuf [dreg:s6], $0x5FFFF;
	_ =	strace $0x90000046  }
0xb2: {  	s29 =	simm.s32 $0x9;
	_ =	strace $0x80000048  }
0xb3: {  	_ =	swait.ge [sflag:s29], $0x1  }
0xb4: {  	[sflag:s29] =	ssyncadd.s32 $0xFFFFFFFF  }
0xb5: {  	_ =	strace $0x90000048  }
0xb6: {  	_ =	sfence  }
0xb7: {  	s30 =	sld [smem:$0x0];
	_ =	sdelay $0x2  }
0xb8: {  	s31 =	sshll.u32 s1, $0xD;
	s1 =	sshrl.u32 s1, $0x2  }
0xb9: {  	s3 =	sand.u32 $0x4000, s31;
	s1 =	sadd.s32 s1, s30  }
0xba: {  	s0 =	sor.u32 s3, s0;
	s1 =	sshll.u32 s1, $0x11  }
0xbb: {  	s0 =	sor.u32 s1, s0  }
0xbc: {  	s0 =	sadd.s32 $0x8F2B, s0  }
0xbd: {  	[sflag:s0] =	ssyncadd.remote.s32 $0x1  }
0xbe: {  	_ =	sfence.sel $0xFFFF  }
0xbf: {  	[dreg:$0x0] =	wrdreg $0xFFFFFFFF;
	(pc) =	sbr.abs _section_cstart, $3  }
0xc0: {  	[dreg:$0x1] =	wrdreg $0xFFFFFFFF  }
0xc1: {  	_ =	task.clear_ibuf [dreg:s6], $0x2FFFF;
	_ =	strace $0x9FFFFFFF  }
0xc2: {  	(tm) =	ssettm $0x7FFFFFFF  }
0xc3: {  	_ =	shalt  }
tec
execute0_lowered:
.L_overlay_start_1:
0x0: {  	(tag) =	ssettag $0x1  }
0x1: {  	s0 =	rddreg [dreg:$0x0]  }
0x2: {  	s1 =	rddreg [dreg:$0x1];
	s3 =	simm.s32 $0x0  }
0x3: {  	s16 =	stileid.u32;
	s8 =	srdreg.scid;
	s31 =	simm.s32 $0x1  }
0x4: {  	s30 =	simm.s32 $0x6140;
	[smem:$0x7FF] =	sst s3;
	s4 =	sadd.s32 $0x15200, s0  }
0x5: {  	s5 =	sadd.s32 $0x1800, s0;
	s2 =	smul.u32 $0x9C00, s16;
	s6 =	sadd.s32 $0x2A3C00, s0  }
0x6: {  	s7 =	sadd.s32 $0x29EC00, s0;
	s10 =	sand.u32 $0x1, s8;
	s8 =	sadd.s32 $0x299C00, s0  }
0x7: {  	s13 =	sshll.u32 s16, $0x1;
	s14 =	sadd.s32 $0x3C600, s0;
	s20 =	sshll.u32 s16, $0x6  }
0x8: {  	s15 =	sadd.s32 $0x9C000, s1;
	p0 =	sne.s32 s16, $0xF;
	_ =	strace $0x80000047  }
0x9: {  	s11 =	ssub.s32 $0x2, s10;
	s17 =	sor.u32 $0x1C05, s20;
	s20 =	simm.s32 $0x5  }
0xa: {  	s9 =	sshrl.u32 s2, $0x3;
	s18 =	sshrl.u32 s11, $0x1;
	s19 =	sadd.s32 s2, s1  }
0xb: {  	[dreg:$0x4] =	wrdreg s17;
	s12 =	sadd.s32 s9, s0;
	s11 =	ssub.s32 s11, s18  }
0xc: {  	s9 =	sor.u32 s10, s13;
	s10 =	smul.u32 $0x9C400, s10;
	s0 =	sadd.s32 $0x3C400, s0  }
0xd: {  	s13 =	sshrl.u32 @!p0 s15, $0x3;
	s15 =	simm.s32 $0x0;
	[dreg:$0x5] =	wrdreg s0  }
0xe: {  	s12 =	sadd.s32 $0x28C00, s12;
	s21 =	sshll.u32 s9, $0x4;
	[dreg:$0xd] =	wrdreg s13  }
0xf: {  	s26 =	sshll.u32 s9, $0xA;
	s29 =	smax.u32 s11, $0x1;
	[dreg:$0x3] =	wrdreg s12  }
0x10: {  	s22 =	sadd.s32 s7, s21;
	s23 =	sadd.s32 s8, s21;
	[dreg:$0xb] =	wrdreg s29  }
0x11: {  	s24 =	sadd.s32 s2, s10;
	s25 =	sshrl.u32 s10, $0x3;
	[dreg:$0x6] =	wrdreg s22  }
0x12: {  	s10 =	sadd.s32 s6, s26;
	s12 =	sshrl.u32 s19, $0x3;
	[dreg:$0x7] =	wrdreg s23  }
.Ltmp0:
0x13: {  	s0 =	sshrl.u32 s24, $0x3;
	s2 =	sadd.s32 s14, s25;
	(pc) =	sbr.rel .LBB2_1-.Ltmp0, $4  }
0x14: {  	[dreg:$0x8] =	wrdreg s10;
	s24 =	simm.s32 $0x40;
	s23 =	simm.s32 $0x6180  }
0x15: {  	s22 =	simm.s32 $0x9200;
	[dreg:$0xc] =	wrdreg s12;
	s0 =	sadd.s32 s14, s0  }
0x16: {  	s28 =	sadd.s32 $0x13800, s2;
	s2 =	simm.s32 $0x6100;
	[dreg:$0x9] =	wrdreg s0  }
0x17: {  	s14 =	simm.s32 $0x3;
	[dreg:$0xa] =	wrdreg s28;
	s0 =	simm.s32 $0x4  }
.LBB2_17:
0x18: {  	s10 =	simm.s32 $0x2  }
0x19: {  	_ =	swait.ge [sflag:s10], $0x1000  }
0x1a: {  	[sflag:s10] =	ssyncset.done $0x0  }
0x1b: {  	[sflag:s10] =	ssyncadd.s32 $0xFFFFF000  }
0x1c: {  	_ =	swait.ge [sflag:s10], $0x1000  }
0x1d: {  	[sflag:s10] =	ssyncset.done $0x0  }
0x1e: {  	[sflag:s10] =	ssyncadd.s32 $0xFFFFF000  }
0x1f: {  	_ =	swait.ge [sflag:s0], $0x1000  }
0x20: {  	[sflag:s0] =	ssyncset.done $0x0  }
0x21: {  	[sflag:s0] =	ssyncadd.s32 $0xFFFFF000  }
0x22: {  	_ =	swait.ge [sflag:s0], $0x1000  }
0x23: {  	[sflag:s0] =	ssyncset.done $0x0  }
0x24: {  	[sflag:s0] =	ssyncadd.s32 $0xFFFFF000  }
0x25: {  	[bflag:$0x0] =	sbarrier.arrive $0xFFFF  }
0x26: {  	s17 =	rddreg [dreg:$0x4]  }
0x27: {  	s29 =	rddreg [dreg:$0x9]  }
0x28: {  	s12 =	rddreg [dreg:$0xc]  }
0x29: {  	[hbm:s29], [sflag:s17] =	dma.local [spmem:s12], $0x1380  }
0x2a: {  	_ =	swait.ge [sflag:s20], $0x1380  }
0x2b: {  	[sflag:s20] =	ssyncset.done $0x0;
	s10 =	rddreg [dreg:$0xa]  }
0x2c: {  	s13 =	rddreg [dreg:$0xd];
	[sflag:s20] =	ssyncadd.s32 $0xFFFFEC80  }
0x2d: {  	[hbm:s10], [sflag:s17] =	dma.local @!p0 [spmem:s13], $0x80  }
0x2e: {  	s10 =	simm.s32 @!p0 $0x5  }
0x2f: {  	_ =	swait.ge @!p0 [sflag:s10], $0x80  }
0x30: {  	s15 =	rddreg [dreg:$0xe]  }
0x31: {  	s11 =	rddreg [dreg:$0xb];
	s15 =	sadd.s32 $0x1, s15  }
0x32: {  	p1 =	sne.s32 s15, s11  }
.Ltmp1:
0x33: {  	_ = 	snop;
	(pc) =	sbr.rel @!p1 .LBB2_18-.Ltmp1, $3  }
0x34: {  	_ =	sdelay $0x1  }
0x35: {  	[sflag:s10] =	ssyncset.done @!p0 $0x0  }
0x36: {  	[sflag:s10] =	ssyncadd.s32 @!p0 $0xFFFFFF80  }
.LBB2_1:
0x37: {  	[dreg:$0xe] =	wrdreg s15  }
0x38: {  	s10 =	rddreg [dreg:$0x3]  }
0x39: {  	[spmem:s12], [sflag:s17] =	dma.local [hbm:s10], $0x1380  }
0x3a: {  	_ =	swait.ge [sflag:s20], $0x1380  }
0x3b: {  	[sflag:s20] =	ssyncset.done $0x0  }
0x3c: {  	s10 =	rddreg [dreg:$0x5];
	[sflag:s20] =	ssyncadd.s32 $0xFFFFEC80  }
0x3d: {  	[spmem:s13], [sflag:s17] =	dma.local @!p0 [hbm:s10], $0x80  }
0x3e: {  	s10 =	simm.s32 @!p0 $0x5  }
0x3f: {  	_ =	swait.ge @!p0 [sflag:s10], $0x80  }
0x40: {  	[sflag:s10] =	ssyncset.done @!p0 $0x0  }
0x41: {  	[sflag:s10] =	ssyncadd.s32 @!p0 $0xFFFFFF80  }
0x42: {  	[bflag:$0x0] =	sbarrier.arrive $0xFFFF  }
0x43: {  	s16 =	rddreg [dreg:$0x6]  }
0x44: {  	[tilespmem:s3], [sflag:$0x5] =	stream.linear.gather [hbm4b:s16+s3], $0x80, $0x38;
	[tilespmem:$0x15E40] =	vst v63  }
0x45: {  	_ =	swait.ge [sflag:s20], $0x80  }
0x46: {  	[sflag:s20] =	ssyncset.done $0x0  }
0x47: {  	s11 =	simm.s32 $0x80;
	s17 =	rddreg [dreg:$0x7];
	[sflag:s20] =	ssyncadd.s32 $0xFFFFFF80  }
0x48: {  	[tilespmem:s11], [sflag:$0x5] =	stream.linear.gather [hbm4b:s17+s3], $0x80, $0x38;
	[tilespmem:$0x15E40] =	vst v63  }
0x49: {  	_ =	swait.ge [sflag:s20], $0x80  }
0x4a: {  	[sflag:s20] =	ssyncset.done $0x0  }
0x4b: {  	s19 =	simm.s32 $0x100;
	s18 =	rddreg [dreg:$0x8];
	[sflag:s20] =	ssyncadd.s32 $0xFFFFFF80  }
0x4c: {  	[tilespmem:s19], [sflag:$0x1] =	stream.linear.gather [hbm4b:s18+s3], $0x2000, $0x38;
	[tilespmem:$0x15E40] =	vst v63  }
0x4d: {  	s21 =	simm.s32 $0x2100  }
0x4e: {  	[tilespmem:s21], [sflag:$0x1] =	stream.indirect.gather [hbm4b:s4+s24], $0x40, s3, s24, $0xb8;
	[tilespmem:$0x15E40] =	vst v63  }
0x4f: {  	s25 =	simm.s32 $0x3100  }
0x50: {  	[tilespmem:s25], [sflag:$0x1] =	stream.indirect.gather [hbm4b:s4+s24], $0x40, s24, s24, $0xb8;
	[tilespmem:$0x15E40] =	vst v63  }
.Ltmp2:
0x51: {  	_ = 	snop;
	(pc) =	sbr.rel .LBB2_2-.Ltmp2, $4  }
0x52: {  	s26 =	simm.s32 $0x4100  }
0x53: {  	[tilespmem:s26], [sflag:$0x1] =	stream.indirect.gather [hbm4b:s5+s24], $0x40, s11, s24, $0xb8;
	[tilespmem:$0x15E40] =	vst v63  }
0x54: {  	s28 =	simm.s32 $0xC0;
	s29 =	simm.s32 $0x5100;
	s17 =	simm.s32 $0x0  }
0x55: {  	[tilespmem:s29], [sflag:$0x1] =	stream.indirect.gather [hbm4b:s5+s24], $0x40, s28, s24, $0xb8;
	[tilespmem:$0x15E40] =	vst v63  }
.LBB2_16:
0x56: {  	s17 =	sadd.s32 $0x1, s17  }
0x57: {  	p1 =	sne.s32 s17, $0x14  }
.Ltmp3:
0x58: {  	_ = 	snop;
	(pc) =	sbr.rel @!p1 .LBB2_17-.Ltmp3, $1  }
0x59: {  	_ =	sdelay $0x3  }
.LBB2_2:
0x5a: {  	_ =	swait.ge [sflag:s31], $0x2000  }
0x5b: {  	[sflag:s31] =	ssyncset.done $0x0  }
0x5c: {  	[sflag:s31] =	ssyncadd.s32 $0xFFFFE000  }
0x5d: {  	_ =	swait.ge [sflag:s31], $0x1000  }
0x5e: {  	[sflag:s31] =	ssyncset.done $0x0  }
0x5f: {  	s10 =	sshll.u32 s17, $0x6;
	[sflag:s31] =	ssyncadd.s32 $0xFFFFF000  }
0x60: {  	s18 =	sor.u32 s9, s10;
	_ =	swait.ge [sflag:s31], $0x1000  }
0x61: {  	p1 =	seq.s32 s17, $0x0;
	s19 =	sor.u32 $0x20, s18;
	[sflag:s31] =	ssyncset.done $0x0  }
0x62: {  	p2 =	sgt.u32 @!p1 s19, $0x4E1;
	[sflag:s31] =	ssyncadd.s32 $0xFFFFF000  }
0x63: {  	p1 =	por p1, p2;
	_ =	swait.ge [sflag:s31], $0x1000  }
.Ltmp4:
0x64: {  	[sflag:s31] =	ssyncset.done $0x0;
	(pc) =	sbr.rel @p1 .LBB2_4-.Ltmp4, $4  }
0x65: {  	[sflag:s31] =	ssyncadd.s32 $0xFFFFF000  }
0x66: {  	_ =	swait.ge [sflag:s31], $0x1000  }
0x67: {  	[sflag:s31] =	ssyncset.done $0x0  }
0x68: {  	[sflag:s31] =	ssyncadd.s32 $0xFFFFF000  }
0x69: {  	_ =	swait.ge [sflag:s0], $0x1000  }
0x6a: {  	[sflag:s0] =	ssyncset.done $0x0  }
0x6b: {  	[sflag:s0] =	ssyncadd.s32 $0xFFFFF000  }
0x6c: {  	_ =	swait.ge [sflag:s0], $0x1000  }
0x6d: {  	[sflag:s0] =	ssyncset.done $0x0  }
0x6e: {  	[sflag:s0] =	ssyncadd.s32 $0xFFFFF000  }
.LBB2_5:
0x6f: {  	s10 =	sshll.u32 s19, $0x4  }
0x70: {  	s11 =	sadd.s32 s7, s10  }
0x71: {  	[tilespmem:s2], [sflag:$0x5] =	stream.linear.gather [hbm4b:s11+s3], $0x80, $0x38;
	[tilespmem:$0x15E40] =	vst v63  }
0x72: {  	_ =	swait.ge [sflag:s20], $0x80  }
0x73: {  	[sflag:s20] =	ssyncset.done $0x0  }
0x74: {  	s10 =	sadd.s32 s8, s10;
	[sflag:s20] =	ssyncadd.s32 $0xFFFFFF80  }
0x75: {  	[tilespmem:s23], [sflag:$0x5] =	stream.linear.gather [hbm4b:s10+s3], $0x80, $0x38;
	[tilespmem:$0x15E40] =	vst v63  }
0x76: {  	_ =	swait.ge [sflag:s20], $0x80  }
0x77: {  	s16 =	sshll.u32 s19, $0xA;
	[sflag:s20] =	ssyncset.done $0x0  }
0x78: {  	s21 =	simm.s32 $0x6200;
	s10 =	sadd.s32 s6, s16;
	[sflag:s20] =	ssyncadd.s32 $0xFFFFFF80  }
0x79: {  	[tilespmem:s21], [sflag:$0x3] =	stream.linear.gather [hbm4b:s10+s3], $0x2000, $0x38;
	[tilespmem:$0x15E40] =	vst v63  }
0x7a: {  	s25 =	simm.s32 $0x8200  }
0x7b: {  	[tilespmem:s25], [sflag:$0x3] =	stream.indirect.gather [hbm4b:s4+s24], $0x40, s2, s24, $0xb8;
	[tilespmem:$0x15E40] =	vst v63  }
0x7c: {  	_ = 	snop  }
0x7d: {  	[tilespmem:s22], [sflag:$0x3] =	stream.indirect.gather [hbm4b:s4+s24], $0x40, s30, s24, $0xb8;
	[tilespmem:$0x15E40] =	vst v63  }
0x7e: {  	s26 =	simm.s32 $0xA200  }
0x7f: {  	[tilespmem:s26], [sflag:$0x3] =	stream.indirect.gather [hbm4b:s5+s24], $0x40, s23, s24, $0xb8;
	[tilespmem:$0x15E40] =	vst v63  }
0x80: {  	s28 =	simm.s32 $0x61C0;
	s29 =	simm.s32 $0xB200  }
0x81: {  	[tilespmem:s29], [sflag:$0x3] =	stream.indirect.gather [hbm4b:s5+s24], $0x40, s28, s24, $0xb8;
	[tilespmem:$0x15E40] =	vst v63  }
.LBB2_6:
0x82: {  	s15 =	simm.s32 $0x200  }
0x83: {  	s11 =	simm.s32 $0x2180;
	v0 =	vld [tilespmem:s15+$0x80]  }
0x84: {  	s13 =	simm.s32 $0x4180;
	v1 =	vld [tilespmem:s11+$0x40]  }
0x85: {  	v2 =	vld [tilespmem:s13+$0x40]  }
0x86: {  	v3 =	vld [tilespmem:s15+$0xFFFFFF80]  }
0x87: {  	v4 =	vld [tilespmem:s15+$0xFFFFFF00]  }
0x88: {  	v5 =	vld [tilespmem:s13+$0xFFFFFF80]  }
0x89: {  	v7 =	vld [tilespmem:s15+$0x0]  }
0x8a: {  	v8 =	vld [tilespmem:s11+$0x0]  }
0x8b: {  	v9 =	vld [tilespmem:s13+$0xFFFFFFC0];
	v0 =	vadd.f32 v1, v0  }
0x8c: {  	v11 =	vld [tilespmem:s11+$0xFFFFFFF0]  }
0x8d: {  	v1 =	vld [tilespmem:s11+$0xFFFFFF80];
	v0 =	vadd.f32 v2, v0  }
0x8e: {  	s12 =	simm.s32 $0x4280;
	v12 =	vld [tilespmem:s11+$0x30]  }
0x8f: {  	v13 =	vld [tilespmem:s12+$0x40];
	v0 =	vmax.f32 v0, $0.0e+00  }
0x90: {  	[tilespmem:s11+$0x40] =	vst v0;
	v0 =	vld [tilespmem:s11+$0x50]  }
0x91: {  	v6 =	vld [tilespmem:s15+$0x90]  }
0x92: {  	v2 =	vld [tilespmem:s11+$0xFFFFFFC0];
	v1 =	vadd.f32 v1, v4  }
0x93: {  	s10 =	simm.s32 $0x2280;
	v4 =	vld [tilespmem:s13+$0x50]  }
0x94: {  	s28 =	simm.s32 $0x400;
	v16 =	vld [tilespmem:s10+$0xFFFFFFC0];
	v1 =	vadd.f32 v5, v1  }
0x95: {  	v48 =	vld [tilespmem:s28+$0x0]  }
0x96: {  	v5 =	vld [tilespmem:s13+$0x0];
	v1 =	vmax.f32 v1, $0.0e+00;
	v0 =	vadd.f32 v0, v6  }
0x97: {  	v2 =	vadd.f32 v2, v3;
	[tilespmem:s11+$0xFFFFFF80] =	vst v1;
	v6 =	vld [tilespmem:s11+$0xFFFFFF90]  }
0x98: {  	v1 =	vld [tilespmem:s15+$0xFFFFFF10];
	v0 =	vadd.f32 v4, v0  }
0x99: {  	v3 =	vld [tilespmem:s11+$0xFFFFFFD0];
	v2 =	vadd.f32 v9, v2  }
0x9a: {  	v4 =	vadd.f32 v8, v7;
	v8 =	vld [tilespmem:s13+$0xFFFFFF90];
	v0 =	vmax.f32 v0, $0.0e+00  }
0x9b: {  	v7 =	vld [tilespmem:s11+$0x10];
	[tilespmem:s11+$0x50] =	vst v0;
	v0 =	vmax.f32 v2, $0.0e+00  }
0x9c: {  	v2 =	vadd.f32 v5, v4;
	v4 =	vld [tilespmem:s11+$0x60];
	[tilespmem:s11+$0xFFFFFFC0] =	vst v0  }
0x9d: {  	v1 =	vadd.f32 v6, v1;
	v5 =	vld [tilespmem:s15+$0xFFFFFF90]  }
0x9e: {  	v0 =	vld [tilespmem:s15+$0xA0]  }
0x9f: {  	v2 =	vmax.f32 v2, $0.0e+00;
	v1 =	vadd.f32 v8, v1;
	v8 =	vld [tilespmem:s13+$0xFFFFFFD0]  }
0xa0: {  	[tilespmem:s11+$0x0] =	vst v2;
	v2 =	vld [tilespmem:s13+$0x60]  }
0xa1: {  	v6 =	vld [tilespmem:s15+$0x10];
	v1 =	vmax.f32 v1, $0.0e+00  }
0xa2: {  	v17 =	vld [tilespmem:s28+$0xFFFFFF00];
	[tilespmem:s11+$0xFFFFFF90] =	vst v1;
	v1 =	vadd.f32 v3, v5  }
0xa3: {  	v0 =	vadd.f32 v4, v0;
	v4 =	vld [tilespmem:s13+$0x10]  }
0xa4: {  	v18 =	vld [tilespmem:s12+$0xFFFFFF80];
	v1 =	vadd.f32 v8, v1  }
0xa5: {  	v20 =	vld [tilespmem:s10+$0x0];
	v0 =	vadd.f32 v2, v0  }
0xa6: {  	v21 =	vld [tilespmem:s12+$0xFFFFFFC0];
	v5 =	vadd.f32 v7, v6;
	v1 =	vmax.f32 v1, $0.0e+00  }
0xa7: {  	v2 =	vld [tilespmem:s11+$0xFFFFFFE0];
	v0 =	vmax.f32 v0, $0.0e+00;
	[tilespmem:s11+$0xFFFFFFD0] =	vst v1  }
0xa8: {  	[tilespmem:s11+$0x60] =	vst v0;
	v0 =	vadd.f32 v4, v5;
	v5 =	vld [tilespmem:s15+$0xFFFFFFA0]  }
0xa9: {  	v22 =	vld [tilespmem:s12+$0x0]  }
0xaa: {  	v8 =	vld [tilespmem:s13+$0xFFFFFFE0]  }
0xab: {  	v50 =	vld [tilespmem:s10+$0xFFFFFF90]  }
0xac: {  	v51 =	vld [tilespmem:s10+$0xFFFFFFD0]  }
0xad: {  	v53 =	vld [tilespmem:s10+$0xFFFFFFA0];
	v2 =	vadd.f32 v2, v5  }
0xae: {  	v5 =	vld [tilespmem:s28+$0x80]  }
0xaf: {  	v2 =	vadd.f32 v8, v2;
	v8 =	vld [tilespmem:s10+$0x40]  }
0xb0: {  	v54 =	vld [tilespmem:s10+$0x60]  }
0xb1: {  	v60 =	vld [tilespmem:s10+$0x20]  }
0xb2: {  	v9 =	vld [tilespmem:s11+$0xFFFFFFA0]  }
0xb3: {  	v3 =	vld [tilespmem:s15+$0xFFFFFF20]  }
0xb4: {  	v6 =	vld [tilespmem:s13+$0xFFFFFFA0];
	v5 =	vadd.f32 v8, v5  }
0xb5: {  	v7 =	vld [tilespmem:s11+$0x20]  }
0xb6: {  	v4 =	vld [tilespmem:s11+$0x70];
	v2 =	vmax.f32 v2, $0.0e+00;
	v5 =	vadd.f32 v13, v5  }
0xb7: {  	[tilespmem:s11+$0xFFFFFFE0] =	vst v2;
	v2 =	vld [tilespmem:s10+$0xFFFFFF80]  }
0xb8: {  	v1 =	vld [tilespmem:s15+$0xB0];
	v5 =	vmax.f32 v5, $0.0e+00  }
0xb9: {  	[tilespmem:s10+$0x40] =	vst v5;
	v5 =	vld [tilespmem:s10+$0x50]  }
0xba: {  	v19 =	vld [tilespmem:s28+$0x90]  }
0xbb: {  	v3 =	vadd.f32 v9, v3;
	v8 =	vld [tilespmem:s28+$0xFFFFFF80]  }
0xbc: {  	v0 =	vmax.f32 v0, $0.0e+00;
	v2 =	vadd.f32 v2, v17;
	v49 =	vld [tilespmem:s12+$0x50]  }
0xbd: {  	[tilespmem:s11+$0x10] =	vst v0;
	v0 =	vld [tilespmem:s13+$0x70];
	v3 =	vadd.f32 v6, v3  }
0xbe: {  	v6 =	vld [tilespmem:s15+$0x20];
	v13 =	vadd.f32 v20, v48;
	v2 =	vadd.f32 v18, v2  }
0xbf: {  	v9 =	vld [tilespmem:s13+$0x20];
	v3 =	vmax.f32 v3, $0.0e+00;
	v5 =	vadd.f32 v5, v19  }
0xc0: {  	[tilespmem:s11+$0xFFFFFFA0] =	vst v3;
	v3 =	vld [tilespmem:s11+$0xFFFFFFB0];
	v13 =	vadd.f32 v22, v13;
	v2 =	vmax.f32 v2, $0.0e+00  }
0xc1: {  	v10 =	vld [tilespmem:s15+$0xFFFFFF30];
	v8 =	vadd.f32 v16, v8;
	[tilespmem:s10+$0xFFFFFF80] =	vst v2;
	v5 =	vadd.f32 v49, v5  }
0xc2: {  	v13 =	vmax.f32 v13, $0.0e+00;
	v52 =	vld [tilespmem:s28+$0xFFFFFF10]  }
0xc3: {  	v8 =	vadd.f32 v21, v8;
	[tilespmem:s10+$0x0] =	vst v13;
	v2 =	vld [tilespmem:s10+$0x10];
	v5 =	vmax.f32 v5, $0.0e+00  }
0xc4: {  	[tilespmem:s10+$0x50] =	vst v5;
	v5 =	vld [tilespmem:s12+$0xFFFFFF90]  }
0xc5: {  	v57 =	vld [tilespmem:s28+$0x10];
	v8 =	vmax.f32 v8, $0.0e+00  }
0xc6: {  	v1 =	vadd.f32 v4, v1;
	v58 =	vld [tilespmem:s12+$0x10];
	[tilespmem:s10+$0xFFFFFFC0] =	vst v8  }
0xc7: {  	v55 =	vld [tilespmem:s28+$0xFFFFFF90];
	v16 =	vadd.f32 v50, v52  }
0xc8: {  	v0 =	vadd.f32 v0, v1;
	v8 =	vld [tilespmem:s28+$0xA0]  }
0xc9: {  	v6 =	vadd.f32 v7, v6;
	v7 =	vld [tilespmem:s12+$0xFFFFFFD0];
	v5 =	vadd.f32 v5, v16  }
0xca: {  	v0 =	vmax.f32 v0, $0.0e+00;
	v56 =	vld [tilespmem:s12+$0x60]  }
0xcb: {  	v14 =	vld [tilespmem:s13+$0xFFFFFFB0];
	v6 =	vadd.f32 v9, v6;
	[tilespmem:s11+$0x70] =	vst v0;
	v2 =	vadd.f32 v2, v57;
	v5 =	vmax.f32 v5, $0.0e+00  }
0xcc: {  	v0 =	vld [tilespmem:s10+$0x30];
	v9 =	vadd.f32 v51, v55;
	[tilespmem:s10+$0xFFFFFF90] =	vst v5  }
0xcd: {  	v6 =	vmax.f32 v6, $0.0e+00;
	v2 =	vadd.f32 v58, v2;
	v8 =	vadd.f32 v54, v8;
	v59 =	vld [tilespmem:s28+$0xFFFFFF20]  }
0xce: {  	v15 =	vld [tilespmem:s15+$0xFFFFFFB0];
	[tilespmem:s11+$0x20] =	vst v6;
	v6 =	vadd.f32 v7, v9  }
0xcf: {  	v2 =	vmax.f32 v2, $0.0e+00;
	v8 =	vadd.f32 v56, v8;
	v7 =	vld [tilespmem:s12+$0xFFFFFFA0]  }
0xd0: {  	v9 =	vld [tilespmem:s10+$0x70];
	[tilespmem:s10+$0x10] =	vst v2;
	v6 =	vmax.f32 v6, $0.0e+00  }
0xd1: {  	v63 =	vld [tilespmem:s28+$0x20];
	[tilespmem:s10+$0xFFFFFFD0] =	vst v6;
	v8 =	vmax.f32 v8, $0.0e+00  }
0xd2: {  	v62 =	vld [tilespmem:s28+$0xFFFFFFA0];
	[tilespmem:s10+$0x60] =	vst v8;
	v61 =	vadd.f32 v53, v59  }
0xd3: {  	v6 =	vld [tilespmem:s28+$0xB0]  }
0xd4: {  	v5 =	vld [tilespmem:s10+$0xFFFFFFE0];
	v7 =	vadd.f32 v7, v61  }
0xd5: {  	v2 =	vld [tilespmem:s12+$0x70]  }
0xd6: {  	v4 =	vld [tilespmem:s12+$0xFFFFFFE0];
	v7 =	vmax.f32 v7, $0.0e+00  }
0xd7: {  	v3 =	vadd.f32 v3, v10;
	[tilespmem:s10+$0xFFFFFFA0] =	vst v7;
	v7 =	vld [tilespmem:s12+$0x20]  }
0xd8: {  	v8 =	vld [tilespmem:s15+$0x30];
	v1 =	vadd.f32 v9, v6  }
0xd9: {  	v3 =	vadd.f32 v14, v3;
	v5 =	vadd.f32 v5, v62;
	v9 =	vld [tilespmem:s10+$0xFFFFFFB0]  }
0xda: {  	v6 =	vadd.f32 v60, v63;
	v1 =	vadd.f32 v2, v1;
	v10 =	vld [tilespmem:s28+$0xFFFFFF30]  }
0xdb: {  	v3 =	vmax.f32 v3, $0.0e+00;
	v5 =	vadd.f32 v4, v5;
	v2 =	vld [tilespmem:s10+$0xFFFFFFF0]  }
0xdc: {  	[tilespmem:s11+$0xFFFFFFB0] =	vst v3;
	v4 =	vld [tilespmem:s12+$0xFFFFFFB0];
	v1 =	vmax.f32 v1, $0.0e+00;
	v3 =	vadd.f32 v7, v6  }
0xdd: {  	s16 =	simm.s32 $0x240;
	[tilespmem:s10+$0x70] =	vst v1;
	v6 =	vmax.f32 v5, $0.0e+00;
	v5 =	vld [tilespmem:s13+$0xFFFFFFF0]  }
0xde: {  	s21 =	simm.s32 $0x31F0;
	s25 =	simm.s32 $0x4;
	s29 =	simm.s32 $0x600;
	v1 =	vadd.f32 v11, v15;
	[tilespmem:s10+$0xFFFFFFE0] =	vst v6;
	v6 =	vld [tilespmem:s13+$0x30];
	v11 =	vmax.f32 v3, $0.0e+00  }
0xdf: {  	s26 =	simm.s32 $0x4280;
	s15 =	simm.s32 $0x51F0;
	s13 =	simm.s32 $0x2280;
	v3 =	vadd.f32 v12, v8;
	v8 =	vadd.f32 v9, v10;
	v7 =	vld [tilespmem:s28+$0xFFFFFFB0];
	[tilespmem:s10+$0x20] =	vst v11  }
.LBB2_7:
0xe0: {  	v9 =	vld [tilespmem:s29+$0x80];
	s10 =	sadd.s32 $0x100, s10  }
0xe1: {  	s25 =	sadd.s32 $0x4, s25;
	v10 =	vld [tilespmem:s10+$0x40];
	v4 =	vadd.f32 v4, v8  }
0xe2: {  	s12 =	sadd.s32 $0x100, s12;
	p1 =	slt.u32 s25, $0x3C;
	v8 =	vld [tilespmem:s10+$0xFFFFFF80];
	v5 =	vadd.f32 v5, v1  }
0xe3: {  	v11 =	vld [tilespmem:s12+$0x40];
	v1 =	vmax.f32 v4, $0.0e+00;
	v3 =	vadd.f32 v6, v3  }
0xe4: {  	v4 =	vld [tilespmem:s29+$0xFFFFFF80];
	[tilespmem:s13+$0xFFFFFFB0] =	vst v1;
	v1 =	vadd.f32 v2, v7;
	v2 =	vmax.f32 v5, $0.0e+00  }
0xe5: {  	v5 =	vld [tilespmem:s10+$0xFFFFFFC0];
	[tilespmem:s11+$0xFFFFFFF0] =	vst v2;
	v2 =	vmax.f32 v3, $0.0e+00  }
0xe6: {  	v3 =	vld [tilespmem:s29+$0x0];
	v6 =	vadd.f32 v10, v9;
	[tilespmem:s11+$0x30] =	vst v2;
	s11 =	smov.u32 s13;
	s13 =	smov.u32 s10  }
0xe7: {  	v2 =	vld [tilespmem:s10+$0x0]  }
0xe8: {  	v7 =	vld [tilespmem:s29+$0xFFFFFF00];
	v6 =	vadd.f32 v11, v6  }
0xe9: {  	v9 =	vld [tilespmem:s12+$0xFFFFFF80]  }
0xea: {  	v4 =	vadd.f32 v5, v4;
	v5 =	vld [tilespmem:s12+$0xFFFFFFC0];
	v6 =	vmax.f32 v6, $0.0e+00  }
0xeb: {  	[tilespmem:s10+$0x40] =	vst v6;
	v6 =	vld [tilespmem:s10+$0x50]  }
0xec: {  	v2 =	vadd.f32 v2, v3;
	v3 =	vld [tilespmem:s29+$0x90]  }
0xed: {  	v7 =	vadd.f32 v8, v7;
	v8 =	vld [tilespmem:s12+$0x0]  }
0xee: {  	v10 =	vld [tilespmem:s12+$0x50]  }
0xef: {  	v7 =	vadd.f32 v9, v7;
	v9 =	vld [tilespmem:s10+$0xFFFFFF90];
	v4 =	vadd.f32 v5, v4  }
0xf0: {  	v5 =	vld [tilespmem:s10+$0xFFFFFFD0]  }
0xf1: {  	v7 =	vmax.f32 v7, $0.0e+00;
	v4 =	vmax.f32 v4, $0.0e+00;
	v11 =	vld [tilespmem:s10+$0x10];
	v3 =	vadd.f32 v6, v3  }
0xf2: {  	[tilespmem:s10+$0xFFFFFF80] =	vst v7;
	v6 =	vld [tilespmem:s10+$0xFFFFFFA0];
	v2 =	vadd.f32 v8, v2  }
0xf3: {  	v7 =	vld [tilespmem:s29+$0xFFFFFF10];
	[tilespmem:s10+$0xFFFFFFC0] =	vst v4;
	v3 =	vadd.f32 v10, v3  }
0xf4: {  	v4 =	vld [tilespmem:s29+$0xFFFFFF90];
	v2 =	vmax.f32 v2, $0.0e+00  }
0xf5: {  	v8 =	vld [tilespmem:s12+$0xFFFFFF90];
	[tilespmem:s10+$0x0] =	vst v2;
	v2 =	vmax.f32 v3, $0.0e+00  }
0xf6: {  	[tilespmem:s10+$0x50] =	vst v2;
	v2 =	vld [tilespmem:s10+$0x60]  }
0xf7: {  	v3 =	vld [tilespmem:s29+$0xA0]  }
0xf8: {  	v7 =	vadd.f32 v9, v7;
	v9 =	vld [tilespmem:s29+$0x10]  }
0xf9: {  	v4 =	vadd.f32 v5, v4;
	v5 =	vld [tilespmem:s12+$0x60]  }
0xfa: {  	v7 =	vadd.f32 v8, v7;
	v8 =	vld [tilespmem:s12+$0xFFFFFFD0]  }
0xfb: {  	v10 =	vld [tilespmem:s12+$0x10]  }
0xfc: {  	v7 =	vmax.f32 v7, $0.0e+00;
	v12 =	vld [tilespmem:s10+$0xFFFFFFE0];
	v2 =	vadd.f32 v2, v3  }
0xfd: {  	[tilespmem:s10+$0xFFFFFF90] =	vst v7;
	v3 =	vadd.f32 v11, v9;
	v7 =	vld [tilespmem:s10+$0x20]  }
0xfe: {  	v9 =	vld [tilespmem:s29+$0xFFFFFF20];
	v2 =	vadd.f32 v5, v2  }
0xff: {  	v5 =	vld [tilespmem:s12+$0xFFFFFFA0];
	v4 =	vadd.f32 v8, v4  }
0x100: {  	v3 =	vadd.f32 v10, v3;
	v2 =	vmax.f32 v2, $0.0e+00;
	v8 =	vld [tilespmem:s28+$0x30];
	s28 =	smov.u32 s29  }
0x101: {  	v4 =	vmax.f32 v4, $0.0e+00;
	[tilespmem:s10+$0x60] =	vst v2;
	v2 =	vld [tilespmem:s10+$0x70]  }
0x102: {  	[tilespmem:s10+$0xFFFFFFD0] =	vst v4;
	v3 =	vmax.f32 v3, $0.0e+00;
	v4 =	vld [tilespmem:s29+$0xB0]  }
0x103: {  	v6 =	vadd.f32 v6, v9;
	v9 =	vld [tilespmem:s29+$0xFFFFFFA0];
	[tilespmem:s10+$0x10] =	vst v3  }
0x104: {  	v10 =	vld [tilespmem:s12+$0x70]  }
0x105: {  	v5 =	vadd.f32 v5, v6;
	v6 =	vld [tilespmem:s29+$0x20];
	v3 =	vadd.f32 v0, v8  }
0x106: {  	v0 =	vld [tilespmem:s12+$0xFFFFFFE0]  }
0x107: {  	v5 =	vmax.f32 v5, $0.0e+00;
	v8 =	vld [tilespmem:s12+$0x20];
	v2 =	vadd.f32 v2, v4  }
0x108: {  	[tilespmem:s10+$0xFFFFFFA0] =	vst v5;
	v11 =	vld [tilespmem:s10+$0xFFFFFFB0];
	v4 =	vadd.f32 v12, v9  }
0x109: {  	v9 =	vld [tilespmem:s29+$0xFFFFFF30];
	v5 =	vadd.f32 v10, v2  }
0x10a: {  	v2 =	vld [tilespmem:s10+$0xFFFFFFF0];
	v6 =	vadd.f32 v7, v6  }
.Ltmp5:
0x10b: {  	v7 =	vadd.f32 v0, v4;
	v0 =	vld [tilespmem:s10+$0x30];
	v5 =	vmax.f32 v5, $0.0e+00;
	(pc) =	sbr.rel @p1 .LBB2_7-.Ltmp5, $4  }
0x10c: {  	v4 =	vld [tilespmem:s12+$0xFFFFFFB0];
	v6 =	vadd.f32 v8, v6;
	[tilespmem:s10+$0x70] =	vst v5  }
0x10d: {  	v7 =	vmax.f32 v7, $0.0e+00;
	v5 =	vld [tilespmem:s26+$0xFFFFFFF0]  }
0x10e: {  	v8 =	vadd.f32 v11, v9;
	[tilespmem:s10+$0xFFFFFFE0] =	vst v7;
	v9 =	vmax.f32 v6, $0.0e+00;
	v6 =	vld [tilespmem:s26+$0x30];
	s26 =	smov.u32 s12  }
0x10f: {  	s29 =	sadd.s32 $0x200, s29;
	v7 =	vld [tilespmem:s28+$0xFFFFFFB0];
	[tilespmem:s10+$0x20] =	vst v9  }
0x110: {  	v9 =	vld [tilespmem:s28+$0x30]  }
0x111: {  	v10 =	vld [tilespmem:s26+$0xFFFFFFF0]  }
0x112: {  	v11 =	vld [tilespmem:s26+$0x30]  }
0x113: {  	v4 =	vadd.f32 v4, v8  }
0x114: {  	v1 =	vadd.f32 v5, v1;
	v2 =	vadd.f32 v2, v7  }
0x115: {  	v4 =	vmax.f32 v4, $0.0e+00;
	v3 =	vadd.f32 v6, v3;
	v0 =	vadd.f32 v0, v9  }
0x116: {  	[tilespmem:s13+$0xFFFFFFB0] =	vst v4;
	v1 =	vmax.f32 v1, $0.0e+00;
	v2 =	vadd.f32 v10, v2  }
0x117: {  	[tilespmem:s11+$0xFFFFFFF0] =	vst v1;
	v1 =	vmax.f32 v3, $0.0e+00;
	v0 =	vadd.f32 v11, v0  }
0x118: {  	[tilespmem:s11+$0x30] =	vst v1;
	v1 =	vmax.f32 v2, $0.0e+00  }
0x119: {  	[tilespmem:s13+$0xFFFFFFF0] =	vst v1;
	v0 =	vmax.f32 v0, $0.0e+00  }
0x11a: {  	[tilespmem:s13+$0x30] =	vst v0  }
0x11b: {  	v0 =	vld [tilespmem:s16+$0x80]  }
0x11c: {  	v1 =	vld [tilespmem:s21+$0xFFFFFFD0]  }
0x11d: {  	v2 =	vld [tilespmem:s15+$0xFFFFFFD0]  }
0x11e: {  	v3 =	vld [tilespmem:s16+$0xFFFFFF80]  }
0x11f: {  	v4 =	vld [tilespmem:s16+$0xFFFFFF00]  }
0x120: {  	v5 =	vld [tilespmem:s15+$0xFFFFFF10]  }
0x121: {  	v7 =	vld [tilespmem:s16+$0x0]  }
0x122: {  	v8 =	vld [tilespmem:s21+$0xFFFFFF90]  }
0x123: {  	v9 =	vld [tilespmem:s15+$0xFFFFFF50];
	v0 =	vadd.f32 v1, v0  }
0x124: {  	v11 =	vld [tilespmem:s21+$0xFFFFFF80]  }
0x125: {  	v1 =	vld [tilespmem:s21+$0xFFFFFF10];
	v0 =	vadd.f32 v2, v0  }
0x126: {  	s12 =	simm.s32 $0x52F0;
	v12 =	vld [tilespmem:s21+$0xFFFFFFC0]  }
0x127: {  	v13 =	vld [tilespmem:s12+$0xFFFFFFD0];
	v0 =	vmax.f32 v0, $0.0e+00  }
0x128: {  	[tilespmem:s21+$0xFFFFFFD0] =	vst v0;
	v0 =	vld [tilespmem:s21+$0xFFFFFFE0]  }
0x129: {  	v6 =	vld [tilespmem:s16+$0x90]  }
0x12a: {  	v2 =	vld [tilespmem:s21+$0xFFFFFF50];
	v1 =	vadd.f32 v1, v4  }
0x12b: {  	s11 =	simm.s32 $0x32F0;
	v4 =	vld [tilespmem:s15+$0xFFFFFFE0]  }
0x12c: {  	s10 =	simm.s32 $0x440;
	v16 =	vld [tilespmem:s11+$0xFFFFFF50];
	v1 =	vadd.f32 v5, v1  }
0x12d: {  	v48 =	vld [tilespmem:s10+$0x0]  }
0x12e: {  	v5 =	vld [tilespmem:s15+$0xFFFFFF90];
	v1 =	vmax.f32 v1, $0.0e+00;
	v0 =	vadd.f32 v0, v6  }
0x12f: {  	v2 =	vadd.f32 v2, v3;
	[tilespmem:s21+$0xFFFFFF10] =	vst v1;
	v6 =	vld [tilespmem:s21+$0xFFFFFF20]  }
0x130: {  	v1 =	vld [tilespmem:s16+$0xFFFFFF10];
	v0 =	vadd.f32 v4, v0  }
0x131: {  	v3 =	vld [tilespmem:s21+$0xFFFFFF60];
	v2 =	vadd.f32 v9, v2  }
0x132: {  	v4 =	vadd.f32 v8, v7;
	v8 =	vld [tilespmem:s15+$0xFFFFFF20];
	v0 =	vmax.f32 v0, $0.0e+00  }
0x133: {  	v7 =	vld [tilespmem:s21+$0xFFFFFFA0];
	[tilespmem:s21+$0xFFFFFFE0] =	vst v0;
	v0 =	vmax.f32 v2, $0.0e+00  }
0x134: {  	v2 =	vadd.f32 v5, v4;
	v4 =	vld [tilespmem:s21+$0xFFFFFFF0];
	[tilespmem:s21+$0xFFFFFF50] =	vst v0  }
0x135: {  	v1 =	vadd.f32 v6, v1;
	v5 =	vld [tilespmem:s16+$0xFFFFFF90]  }
0x136: {  	v0 =	vld [tilespmem:s16+$0xA0]  }
0x137: {  	v2 =	vmax.f32 v2, $0.0e+00;
	v1 =	vadd.f32 v8, v1;
	v8 =	vld [tilespmem:s15+$0xFFFFFF60]  }
0x138: {  	[tilespmem:s21+$0xFFFFFF90] =	vst v2;
	v2 =	vld [tilespmem:s15+$0xFFFFFFF0]  }
0x139: {  	v6 =	vld [tilespmem:s16+$0x10];
	v1 =	vmax.f32 v1, $0.0e+00  }
0x13a: {  	v17 =	vld [tilespmem:s10+$0xFFFFFF00];
	[tilespmem:s21+$0xFFFFFF20] =	vst v1;
	v1 =	vadd.f32 v3, v5  }
0x13b: {  	v0 =	vadd.f32 v4, v0;
	v4 =	vld [tilespmem:s15+$0xFFFFFFA0]  }
0x13c: {  	v18 =	vld [tilespmem:s12+$0xFFFFFF10];
	v1 =	vadd.f32 v8, v1  }
0x13d: {  	v20 =	vld [tilespmem:s11+$0xFFFFFF90];
	v0 =	vadd.f32 v2, v0  }
0x13e: {  	v21 =	vld [tilespmem:s12+$0xFFFFFF50];
	v5 =	vadd.f32 v7, v6;
	v1 =	vmax.f32 v1, $0.0e+00  }
0x13f: {  	v2 =	vld [tilespmem:s21+$0xFFFFFF70];
	v0 =	vmax.f32 v0, $0.0e+00;
	[tilespmem:s21+$0xFFFFFF60] =	vst v1  }
0x140: {  	[tilespmem:s21+$0xFFFFFFF0] =	vst v0;
	v0 =	vadd.f32 v4, v5;
	v5 =	vld [tilespmem:s16+$0xFFFFFFA0]  }
0x141: {  	v22 =	vld [tilespmem:s12+$0xFFFFFF90]  }
0x142: {  	v8 =	vld [tilespmem:s15+$0xFFFFFF70]  }
0x143: {  	v50 =	vld [tilespmem:s11+$0xFFFFFF20]  }
0x144: {  	v51 =	vld [tilespmem:s11+$0xFFFFFF60]  }
0x145: {  	v53 =	vld [tilespmem:s11+$0xFFFFFF30];
	v2 =	vadd.f32 v2, v5  }
0x146: {  	v5 =	vld [tilespmem:s10+$0x80]  }
0x147: {  	v2 =	vadd.f32 v8, v2;
	v8 =	vld [tilespmem:s11+$0xFFFFFFD0]  }
0x148: {  	v54 =	vld [tilespmem:s11+$0xFFFFFFF0]  }
0x149: {  	v60 =	vld [tilespmem:s11+$0xFFFFFFB0]  }
0x14a: {  	v9 =	vld [tilespmem:s21+$0xFFFFFF30]  }
0x14b: {  	v3 =	vld [tilespmem:s16+$0xFFFFFF20]  }
0x14c: {  	v6 =	vld [tilespmem:s15+$0xFFFFFF30];
	v5 =	vadd.f32 v8, v5  }
0x14d: {  	v7 =	vld [tilespmem:s21+$0xFFFFFFB0]  }
0x14e: {  	v4 =	vld [tilespmem:s21+$0x0];
	v2 =	vmax.f32 v2, $0.0e+00;
	v5 =	vadd.f32 v13, v5  }
0x14f: {  	[tilespmem:s21+$0xFFFFFF70] =	vst v2;
	v2 =	vld [tilespmem:s11+$0xFFFFFF10]  }
0x150: {  	v1 =	vld [tilespmem:s16+$0xB0];
	v5 =	vmax.f32 v5, $0.0e+00  }
0x151: {  	[tilespmem:s11+$0xFFFFFFD0] =	vst v5;
	v5 =	vld [tilespmem:s11+$0xFFFFFFE0]  }
0x152: {  	v19 =	vld [tilespmem:s10+$0x90]  }
0x153: {  	v3 =	vadd.f32 v9, v3;
	v8 =	vld [tilespmem:s10+$0xFFFFFF80]  }
0x154: {  	v0 =	vmax.f32 v0, $0.0e+00;
	v2 =	vadd.f32 v2, v17;
	v49 =	vld [tilespmem:s12+$0xFFFFFFE0]  }
0x155: {  	[tilespmem:s21+$0xFFFFFFA0] =	vst v0;
	v0 =	vld [tilespmem:s15+$0x0];
	v3 =	vadd.f32 v6, v3  }
0x156: {  	v6 =	vld [tilespmem:s16+$0x20];
	v13 =	vadd.f32 v20, v48;
	v2 =	vadd.f32 v18, v2  }
0x157: {  	v9 =	vld [tilespmem:s15+$0xFFFFFFB0];
	v3 =	vmax.f32 v3, $0.0e+00;
	v5 =	vadd.f32 v5, v19  }
0x158: {  	[tilespmem:s21+$0xFFFFFF30] =	vst v3;
	v3 =	vld [tilespmem:s21+$0xFFFFFF40];
	v13 =	vadd.f32 v22, v13;
	v2 =	vmax.f32 v2, $0.0e+00  }
0x159: {  	v10 =	vld [tilespmem:s16+$0xFFFFFF30];
	v8 =	vadd.f32 v16, v8;
	[tilespmem:s11+$0xFFFFFF10] =	vst v2;
	v5 =	vadd.f32 v49, v5  }
0x15a: {  	v13 =	vmax.f32 v13, $0.0e+00;
	v52 =	vld [tilespmem:s10+$0xFFFFFF10]  }
0x15b: {  	v8 =	vadd.f32 v21, v8;
	[tilespmem:s11+$0xFFFFFF90] =	vst v13;
	v2 =	vld [tilespmem:s11+$0xFFFFFFA0];
	v5 =	vmax.f32 v5, $0.0e+00  }
0x15c: {  	[tilespmem:s11+$0xFFFFFFE0] =	vst v5;
	v5 =	vld [tilespmem:s12+$0xFFFFFF20]  }
0x15d: {  	v57 =	vld [tilespmem:s10+$0x10];
	v8 =	vmax.f32 v8, $0.0e+00  }
0x15e: {  	v1 =	vadd.f32 v4, v1;
	v58 =	vld [tilespmem:s12+$0xFFFFFFA0];
	[tilespmem:s11+$0xFFFFFF50] =	vst v8  }
0x15f: {  	v55 =	vld [tilespmem:s10+$0xFFFFFF90];
	v16 =	vadd.f32 v50, v52  }
0x160: {  	v0 =	vadd.f32 v0, v1;
	v8 =	vld [tilespmem:s10+$0xA0]  }
0x161: {  	v6 =	vadd.f32 v7, v6;
	v7 =	vld [tilespmem:s12+$0xFFFFFF60];
	v5 =	vadd.f32 v5, v16  }
0x162: {  	v0 =	vmax.f32 v0, $0.0e+00;
	v56 =	vld [tilespmem:s12+$0xFFFFFFF0]  }
0x163: {  	v14 =	vld [tilespmem:s15+$0xFFFFFF40];
	v6 =	vadd.f32 v9, v6;
	[tilespmem:s21+$0x0] =	vst v0;
	v2 =	vadd.f32 v2, v57;
	v5 =	vmax.f32 v5, $0.0e+00  }
0x164: {  	v0 =	vld [tilespmem:s11+$0xFFFFFFC0];
	v9 =	vadd.f32 v51, v55;
	[tilespmem:s11+$0xFFFFFF20] =	vst v5  }
0x165: {  	v6 =	vmax.f32 v6, $0.0e+00;
	v2 =	vadd.f32 v58, v2;
	v8 =	vadd.f32 v54, v8;
	v59 =	vld [tilespmem:s10+$0xFFFFFF20]  }
0x166: {  	v15 =	vld [tilespmem:s16+$0xFFFFFFB0];
	[tilespmem:s21+$0xFFFFFFB0] =	vst v6;
	v6 =	vadd.f32 v7, v9  }
0x167: {  	v2 =	vmax.f32 v2, $0.0e+00;
	v8 =	vadd.f32 v56, v8;
	v7 =	vld [tilespmem:s12+$0xFFFFFF30]  }
0x168: {  	v9 =	vld [tilespmem:s11+$0x0];
	[tilespmem:s11+$0xFFFFFFA0] =	vst v2;
	v6 =	vmax.f32 v6, $0.0e+00  }
0x169: {  	v63 =	vld [tilespmem:s10+$0x20];
	[tilespmem:s11+$0xFFFFFF60] =	vst v6;
	v8 =	vmax.f32 v8, $0.0e+00  }
0x16a: {  	v62 =	vld [tilespmem:s10+$0xFFFFFFA0];
	[tilespmem:s11+$0xFFFFFFF0] =	vst v8;
	v61 =	vadd.f32 v53, v59  }
0x16b: {  	v6 =	vld [tilespmem:s10+$0xB0]  }
0x16c: {  	v5 =	vld [tilespmem:s11+$0xFFFFFF70];
	v7 =	vadd.f32 v7, v61  }
0x16d: {  	v2 =	vld [tilespmem:s12+$0x0]  }
0x16e: {  	v4 =	vld [tilespmem:s12+$0xFFFFFF70];
	v7 =	vmax.f32 v7, $0.0e+00  }
0x16f: {  	v3 =	vadd.f32 v3, v10;
	[tilespmem:s11+$0xFFFFFF30] =	vst v7;
	v7 =	vld [tilespmem:s12+$0xFFFFFFB0]  }
0x170: {  	v8 =	vld [tilespmem:s16+$0x30];
	v1 =	vadd.f32 v9, v6  }
0x171: {  	v3 =	vadd.f32 v14, v3;
	v5 =	vadd.f32 v5, v62;
	v9 =	vld [tilespmem:s11+$0xFFFFFF40]  }
0x172: {  	v6 =	vadd.f32 v60, v63;
	v1 =	vadd.f32 v2, v1;
	v10 =	vld [tilespmem:s10+$0xFFFFFF30]  }
0x173: {  	v3 =	vmax.f32 v3, $0.0e+00;
	v5 =	vadd.f32 v4, v5;
	v2 =	vld [tilespmem:s11+$0xFFFFFF80]  }
0x174: {  	[tilespmem:s21+$0xFFFFFF40] =	vst v3;
	v4 =	vld [tilespmem:s12+$0xFFFFFF40];
	v1 =	vmax.f32 v1, $0.0e+00;
	v3 =	vadd.f32 v7, v6  }
0x175: {  	[tilespmem:s11+$0x0] =	vst v1;
	v6 =	vmax.f32 v5, $0.0e+00;
	v5 =	vld [tilespmem:s15+$0xFFFFFF80]  }
0x176: {  	s25 =	simm.s32 $0x640;
	v1 =	vadd.f32 v11, v15;
	[tilespmem:s11+$0xFFFFFF70] =	vst v6;
	v6 =	vld [tilespmem:s15+$0xFFFFFFC0];
	v11 =	vmax.f32 v3, $0.0e+00  }
0x177: {  	s13 =	simm.s32 $0x32F0;
	s16 =	simm.s32 $0x4;
	s15 =	simm.s32 $0x52F0;
	v3 =	vadd.f32 v12, v8;
	v8 =	vadd.f32 v9, v10;
	v7 =	vld [tilespmem:s10+$0xFFFFFFB0];
	[tilespmem:s11+$0xFFFFFFB0] =	vst v11  }
.LBB2_9:
0x178: {  	v9 =	vld [tilespmem:s25+$0x80];
	s11 =	sadd.s32 $0x100, s11  }
0x179: {  	s16 =	sadd.s32 $0x4, s16;
	v10 =	vld [tilespmem:s11+$0xFFFFFFD0];
	v4 =	vadd.f32 v4, v8  }
0x17a: {  	s12 =	sadd.s32 $0x100, s12;
	p1 =	slt.u32 s16, $0x3C;
	v8 =	vld [tilespmem:s11+$0xFFFFFF10];
	v5 =	vadd.f32 v5, v1  }
0x17b: {  	v11 =	vld [tilespmem:s12+$0xFFFFFFD0];
	v1 =	vmax.f32 v4, $0.0e+00;
	v3 =	vadd.f32 v6, v3  }
0x17c: {  	v4 =	vld [tilespmem:s25+$0xFFFFFF80];
	[tilespmem:s13+$0xFFFFFF40] =	vst v1;
	v1 =	vadd.f32 v2, v7;
	v2 =	vmax.f32 v5, $0.0e+00  }
0x17d: {  	v5 =	vld [tilespmem:s11+$0xFFFFFF50];
	[tilespmem:s21+$0xFFFFFF80] =	vst v2;
	v2 =	vmax.f32 v3, $0.0e+00  }
0x17e: {  	v3 =	vld [tilespmem:s25+$0x0];
	v6 =	vadd.f32 v10, v9;
	[tilespmem:s21+$0xFFFFFFC0] =	vst v2;
	s21 =	smov.u32 s13;
	s13 =	smov.u32 s11  }
0x17f: {  	v2 =	vld [tilespmem:s11+$0xFFFFFF90]  }
0x180: {  	v7 =	vld [tilespmem:s25+$0xFFFFFF00];
	v6 =	vadd.f32 v11, v6  }
0x181: {  	v9 =	vld [tilespmem:s12+$0xFFFFFF10]  }
0x182: {  	v4 =	vadd.f32 v5, v4;
	v5 =	vld [tilespmem:s12+$0xFFFFFF50];
	v6 =	vmax.f32 v6, $0.0e+00  }
0x183: {  	[tilespmem:s11+$0xFFFFFFD0] =	vst v6;
	v6 =	vld [tilespmem:s11+$0xFFFFFFE0]  }
0x184: {  	v2 =	vadd.f32 v2, v3;
	v3 =	vld [tilespmem:s25+$0x90]  }
0x185: {  	v7 =	vadd.f32 v8, v7;
	v8 =	vld [tilespmem:s12+$0xFFFFFF90]  }
0x186: {  	v10 =	vld [tilespmem:s12+$0xFFFFFFE0]  }
0x187: {  	v7 =	vadd.f32 v9, v7;
	v9 =	vld [tilespmem:s11+$0xFFFFFF20];
	v4 =	vadd.f32 v5, v4  }
0x188: {  	v5 =	vld [tilespmem:s11+$0xFFFFFF60]  }
0x189: {  	v7 =	vmax.f32 v7, $0.0e+00;
	v4 =	vmax.f32 v4, $0.0e+00;
	v11 =	vld [tilespmem:s11+$0xFFFFFFA0];
	v3 =	vadd.f32 v6, v3  }
0x18a: {  	[tilespmem:s11+$0xFFFFFF10] =	vst v7;
	v6 =	vld [tilespmem:s11+$0xFFFFFF30];
	v2 =	vadd.f32 v8, v2  }
0x18b: {  	v7 =	vld [tilespmem:s25+$0xFFFFFF10];
	[tilespmem:s11+$0xFFFFFF50] =	vst v4;
	v3 =	vadd.f32 v10, v3  }
0x18c: {  	v4 =	vld [tilespmem:s25+$0xFFFFFF90];
	v2 =	vmax.f32 v2, $0.0e+00  }
0x18d: {  	v8 =	vld [tilespmem:s12+$0xFFFFFF20];
	[tilespmem:s11+$0xFFFFFF90] =	vst v2;
	v2 =	vmax.f32 v3, $0.0e+00  }
0x18e: {  	[tilespmem:s11+$0xFFFFFFE0] =	vst v2;
	v2 =	vld [tilespmem:s11+$0xFFFFFFF0]  }
0x18f: {  	v3 =	vld [tilespmem:s25+$0xA0]  }
0x190: {  	v7 =	vadd.f32 v9, v7;
	v9 =	vld [tilespmem:s25+$0x10]  }
0x191: {  	v4 =	vadd.f32 v5, v4;
	v5 =	vld [tilespmem:s12+$0xFFFFFFF0]  }
0x192: {  	v7 =	vadd.f32 v8, v7;
	v8 =	vld [tilespmem:s12+$0xFFFFFF60]  }
0x193: {  	v10 =	vld [tilespmem:s12+$0xFFFFFFA0]  }
0x194: {  	v7 =	vmax.f32 v7, $0.0e+00;
	v12 =	vld [tilespmem:s11+$0xFFFFFF70];
	v2 =	vadd.f32 v2, v3  }
0x195: {  	[tilespmem:s11+$0xFFFFFF20] =	vst v7;
	v3 =	vadd.f32 v11, v9;
	v7 =	vld [tilespmem:s11+$0xFFFFFFB0]  }
0x196: {  	v9 =	vld [tilespmem:s25+$0xFFFFFF20];
	v2 =	vadd.f32 v5, v2  }
0x197: {  	v5 =	vld [tilespmem:s12+$0xFFFFFF30];
	v4 =	vadd.f32 v8, v4  }
0x198: {  	v3 =	vadd.f32 v10, v3;
	v2 =	vmax.f32 v2, $0.0e+00;
	v8 =	vld [tilespmem:s10+$0x30];
	s10 =	smov.u32 s25  }
0x199: {  	v4 =	vmax.f32 v4, $0.0e+00;
	[tilespmem:s11+$0xFFFFFFF0] =	vst v2;
	v2 =	vld [tilespmem:s11+$0x0]  }
0x19a: {  	[tilespmem:s11+$0xFFFFFF60] =	vst v4;
	v3 =	vmax.f32 v3, $0.0e+00;
	v4 =	vld [tilespmem:s25+$0xB0]  }
0x19b: {  	v6 =	vadd.f32 v6, v9;
	v9 =	vld [tilespmem:s25+$0xFFFFFFA0];
	[tilespmem:s11+$0xFFFFFFA0] =	vst v3  }
0x19c: {  	v10 =	vld [tilespmem:s12+$0x0]  }
0x19d: {  	v5 =	vadd.f32 v5, v6;
	v6 =	vld [tilespmem:s25+$0x20];
	v3 =	vadd.f32 v0, v8  }
0x19e: {  	v0 =	vld [tilespmem:s12+$0xFFFFFF70]  }
0x19f: {  	v5 =	vmax.f32 v5, $0.0e+00;
	v8 =	vld [tilespmem:s12+$0xFFFFFFB0];
	v2 =	vadd.f32 v2, v4  }
0x1a0: {  	[tilespmem:s11+$0xFFFFFF30] =	vst v5;
	v11 =	vld [tilespmem:s11+$0xFFFFFF40];
	v4 =	vadd.f32 v12, v9  }
0x1a1: {  	v9 =	vld [tilespmem:s25+$0xFFFFFF30];
	v5 =	vadd.f32 v10, v2  }
0x1a2: {  	v2 =	vld [tilespmem:s11+$0xFFFFFF80];
	v6 =	vadd.f32 v7, v6  }
.Ltmp6:
0x1a3: {  	v7 =	vadd.f32 v0, v4;
	v0 =	vld [tilespmem:s11+$0xFFFFFFC0];
	v5 =	vmax.f32 v5, $0.0e+00;
	(pc) =	sbr.rel @p1 .LBB2_9-.Ltmp6, $4  }
0x1a4: {  	v4 =	vld [tilespmem:s12+$0xFFFFFF40];
	v6 =	vadd.f32 v8, v6;
	[tilespmem:s11+$0x0] =	vst v5  }
0x1a5: {  	v7 =	vmax.f32 v7, $0.0e+00;
	v5 =	vld [tilespmem:s15+$0xFFFFFF80]  }
0x1a6: {  	v8 =	vadd.f32 v11, v9;
	[tilespmem:s11+$0xFFFFFF70] =	vst v7;
	v9 =	vmax.f32 v6, $0.0e+00;
	v6 =	vld [tilespmem:s15+$0xFFFFFFC0];
	s15 =	smov.u32 s12  }
0x1a7: {  	s25 =	sadd.s32 $0x200, s25;
	v7 =	vld [tilespmem:s10+$0xFFFFFFB0];
	[tilespmem:s11+$0xFFFFFFB0] =	vst v9  }
0x1a8: {  	v9 =	vld [tilespmem:s10+$0x30]  }
0x1a9: {  	v10 =	vld [tilespmem:s15+$0xFFFFFF80]  }
0x1aa: {  	v11 =	vld [tilespmem:s15+$0xFFFFFFC0]  }
0x1ab: {  	v4 =	vadd.f32 v4, v8  }
0x1ac: {  	v1 =	vadd.f32 v5, v1;
	v2 =	vadd.f32 v2, v7  }
0x1ad: {  	v4 =	vmax.f32 v4, $0.0e+00;
	v3 =	vadd.f32 v6, v3;
	v0 =	vadd.f32 v0, v9  }
0x1ae: {  	[tilespmem:s13+$0xFFFFFF40] =	vst v4;
	v1 =	vmax.f32 v1, $0.0e+00;
	v2 =	vadd.f32 v10, v2  }
0x1af: {  	[tilespmem:s21+$0xFFFFFF80] =	vst v1;
	v62 =	vmax.f32 v3, $0.0e+00;
	v0 =	vadd.f32 v11, v0  }
0x1b0: {  	p1 =	sgt.u32 s19, $0x4E1;
	[tilespmem:s21+$0xFFFFFFC0] =	vst v62;
	v63 =	vmax.f32 v2, $0.0e+00  }
.Ltmp7:
0x1b1: {  	[tilespmem:s13+$0xFFFFFF80] =	vst v63;
	v0 =	vmax.f32 v0, $0.0e+00;
	(pc) =	sbr.rel @p1 .LBB2_16-.Ltmp7, $4  }
0x1b2: {  	s28 =	simm.s32 $0x2100;
	[tilespmem:s13+$0xFFFFFFC0] =	vst v0  }
0x1b3: {  	[spmem:s1] =	stream.indirect.scatter.add.f32 [tilespmem:s28], [sflag:$0x2], $0x40, s3, s24, $0xb8;
	[tilespmem:$0x15E40] =	vst v63  }
0x1b4: {  	s29 =	simm.s32 $0x3100  }
0x1b5: {  	[spmem:s1] =	stream.indirect.scatter.add.f32 [tilespmem:s29], [sflag:$0x2], $0x40, s24, s24, $0xb8;
	[tilespmem:$0x15E40] =	vst v63  }
0x1b6: {  	_ =	swait.ge [sflag:s14], $0x2000  }
0x1b7: {  	[sflag:s14] =	ssyncset.done $0x0  }
0x1b8: {  	[sflag:s14] =	ssyncadd.s32 $0xFFFFE000  }
0x1b9: {  	_ =	swait.ge [sflag:s14], $0x1000  }
0x1ba: {  	[sflag:s14] =	ssyncset.done $0x0  }
0x1bb: {  	[sflag:s14] =	ssyncadd.s32 $0xFFFFF000  }
0x1bc: {  	_ =	swait.ge [sflag:s14], $0x1000  }
0x1bd: {  	[sflag:s14] =	ssyncset.done $0x0  }
0x1be: {  	[sflag:s14] =	ssyncadd.s32 $0xFFFFF000  }
0x1bf: {  	_ =	swait.ge [sflag:s14], $0x1000  }
0x1c0: {  	[sflag:s14] =	ssyncset.done $0x0  }
0x1c1: {  	[sflag:s14] =	ssyncadd.s32 $0xFFFFF000  }
0x1c2: {  	_ =	swait.ge [sflag:s14], $0x1000  }
0x1c3: {  	p1 =	sgt.u32 s19, $0x4C1;
	[sflag:s14] =	ssyncset.done $0x0  }
0x1c4: {  	s10 =	simm.s32 @!p1 $0x2;
	[sflag:s14] =	ssyncadd.s32 $0xFFFFF000  }
0x1c5: {  	_ =	swait.ge @!p1 [sflag:s10], $0x1000  }
0x1c6: {  	[sflag:s10] =	ssyncset.done @!p1 $0x0  }
0x1c7: {  	[sflag:s10] =	ssyncadd.s32 @!p1 $0xFFFFF000  }
0x1c8: {  	s11 =	sadd.s32 $0x40, s18;
	_ =	swait.ge @!p1 [sflag:s10], $0x1000  }
0x1c9: {  	s12 =	sshll.u32 @!p1 s11, $0x4;
	[sflag:s10] =	ssyncset.done @!p1 $0x0  }
0x1ca: {  	s13 =	simm.s32 @!p1 $0x0;
	[sflag:s10] =	ssyncadd.s32 @!p1 $0xFFFFF000;
	s10 =	sadd.s32 @!p1 s7, s12  }
0x1cb: {  	[tilespmem:s13], [sflag:$0x5] =	stream.linear.gather @!p1 [hbm4b:s10+s13], $0x80, $0x38;
	[tilespmem:$0x15E40] =	vst v63  }
0x1cc: {  	s10 =	simm.s32 @!p1 $0x5  }
0x1cd: {  	_ =	swait.ge @!p1 [sflag:s10], $0x80  }
0x1ce: {  	[sflag:s10] =	ssyncset.done @!p1 $0x0  }
0x1cf: {  	s15 =	simm.s32 @!p1 $0x80;
	s12 =	sadd.s32 @!p1 s8, s12;
	[sflag:s10] =	ssyncadd.s32 @!p1 $0xFFFFFF80  }
0x1d0: {  	[tilespmem:s15], [sflag:$0x5] =	stream.linear.gather @!p1 [hbm4b:s12+s13], $0x80, $0x38;
	[tilespmem:$0x15E40] =	vst v63  }
0x1d1: {  	_ =	swait.ge @!p1 [sflag:s10], $0x80  }
0x1d2: {  	s11 =	sshll.u32 @!p1 s11, $0xA;
	[sflag:s10] =	ssyncset.done @!p1 $0x0  }
0x1d3: {  	[sflag:s10] =	ssyncadd.s32 @!p1 $0xFFFFFF80;
	s10 =	sadd.s32 @!p1 s6, s11;
	s11 =	simm.s32 @!p1 $0x100  }
0x1d4: {  	[tilespmem:s11], [sflag:$0x1] =	stream.linear.gather @!p1 [hbm4b:s10+s13], $0x2000, $0x38;
	[tilespmem:$0x15E40] =	vst v63  }
0x1d5: {  	s10 =	simm.s32 @!p1 $0x40;
	s11 =	simm.s32 @!p1 $0x2100  }
0x1d6: {  	[tilespmem:s11], [sflag:$0x1] =	stream.indirect.gather @!p1 [hbm4b:s4+s10], $0x40, s13, s10, $0xb8;
	[tilespmem:$0x15E40] =	vst v63  }
0x1d7: {  	s11 =	simm.s32 @!p1 $0x3100  }
0x1d8: {  	[tilespmem:s11], [sflag:$0x1] =	stream.indirect.gather @!p1 [hbm4b:s4+s10], $0x40, s10, s10, $0xb8;
	[tilespmem:$0x15E40] =	vst v63  }
0x1d9: {  	s11 =	simm.s32 @!p1 $0x4100  }
0x1da: {  	[tilespmem:s11], [sflag:$0x1] =	stream.indirect.gather @!p1 [hbm4b:s5+s10], $0x40, s15, s10, $0xb8;
	[tilespmem:$0x15E40] =	vst v63  }
0x1db: {  	s28 =	simm.s32 $0x6300;
	s12 =	simm.s32 @!p1 $0x5100;
	s11 =	simm.s32 @!p1 $0xC0  }
0x1dc: {  	[tilespmem:s12], [sflag:$0x1] =	stream.indirect.gather @!p1 [hbm4b:s5+s10], $0x40, s11, s10, $0xb8;
	[tilespmem:$0x15E40] =	vst v63  }
0x1dd: {  	s11 =	simm.s32 $0x8280;
	v0 =	vld [tilespmem:s28+$0x80]  }
0x1de: {  	s29 =	simm.s32 $0xA280;
	v1 =	vld [tilespmem:s11+$0x40]  }
0x1df: {  	v2 =	vld [tilespmem:s29+$0x40]  }
0x1e0: {  	v3 =	vld [tilespmem:s28+$0xFFFFFF80]  }
0x1e1: {  	v4 =	vld [tilespmem:s28+$0xFFFFFF00]  }
0x1e2: {  	v5 =	vld [tilespmem:s29+$0xFFFFFF80]  }
0x1e3: {  	v7 =	vld [tilespmem:s28+$0x0]  }
0x1e4: {  	v8 =	vld [tilespmem:s11+$0x0]  }
0x1e5: {  	v9 =	vld [tilespmem:s29+$0xFFFFFFC0];
	v0 =	vadd.f32 v1, v0  }
0x1e6: {  	v11 =	vld [tilespmem:s11+$0xFFFFFFF0]  }
0x1e7: {  	v1 =	vld [tilespmem:s11+$0xFFFFFF80];
	v0 =	vadd.f32 v2, v0  }
0x1e8: {  	s12 =	simm.s32 $0xA380;
	v12 =	vld [tilespmem:s11+$0x30]  }
0x1e9: {  	v13 =	vld [tilespmem:s12+$0x40];
	v0 =	vmax.f32 v0, $0.0e+00  }
0x1ea: {  	[tilespmem:s11+$0x40] =	vst v0;
	v0 =	vld [tilespmem:s11+$0x50]  }
0x1eb: {  	v6 =	vld [tilespmem:s28+$0x90]  }
0x1ec: {  	v2 =	vld [tilespmem:s11+$0xFFFFFFC0];
	v1 =	vadd.f32 v1, v4  }
0x1ed: {  	s10 =	simm.s32 $0x8380;
	v4 =	vld [tilespmem:s29+$0x50]  }
0x1ee: {  	s19 =	simm.s32 $0x6500;
	v16 =	vld [tilespmem:s10+$0xFFFFFFC0];
	v1 =	vadd.f32 v5, v1  }
0x1ef: {  	v48 =	vld [tilespmem:s19+$0x0]  }
0x1f0: {  	v5 =	vld [tilespmem:s29+$0x0];
	v1 =	vmax.f32 v1, $0.0e+00;
	v0 =	vadd.f32 v0, v6  }
0x1f1: {  	v2 =	vadd.f32 v2, v3;
	[tilespmem:s11+$0xFFFFFF80] =	vst v1;
	v6 =	vld [tilespmem:s11+$0xFFFFFF90]  }
0x1f2: {  	v1 =	vld [tilespmem:s28+$0xFFFFFF10];
	v0 =	vadd.f32 v4, v0  }
0x1f3: {  	v3 =	vld [tilespmem:s11+$0xFFFFFFD0];
	v2 =	vadd.f32 v9, v2  }
0x1f4: {  	v4 =	vadd.f32 v8, v7;
	v8 =	vld [tilespmem:s29+$0xFFFFFF90];
	v0 =	vmax.f32 v0, $0.0e+00  }
0x1f5: {  	v7 =	vld [tilespmem:s11+$0x10];
	[tilespmem:s11+$0x50] =	vst v0;
	v0 =	vmax.f32 v2, $0.0e+00  }
0x1f6: {  	v2 =	vadd.f32 v5, v4;
	v4 =	vld [tilespmem:s11+$0x60];
	[tilespmem:s11+$0xFFFFFFC0] =	vst v0  }
0x1f7: {  	v1 =	vadd.f32 v6, v1;
	v5 =	vld [tilespmem:s28+$0xFFFFFF90]  }
0x1f8: {  	v0 =	vld [tilespmem:s28+$0xA0]  }
0x1f9: {  	v2 =	vmax.f32 v2, $0.0e+00;
	v1 =	vadd.f32 v8, v1;
	v8 =	vld [tilespmem:s29+$0xFFFFFFD0]  }
0x1fa: {  	[tilespmem:s11+$0x0] =	vst v2;
	v2 =	vld [tilespmem:s29+$0x60]  }
0x1fb: {  	v6 =	vld [tilespmem:s28+$0x10];
	v1 =	vmax.f32 v1, $0.0e+00  }
0x1fc: {  	v17 =	vld [tilespmem:s19+$0xFFFFFF00];
	[tilespmem:s11+$0xFFFFFF90] =	vst v1;
	v1 =	vadd.f32 v3, v5  }
0x1fd: {  	v0 =	vadd.f32 v4, v0;
	v4 =	vld [tilespmem:s29+$0x10]  }
0x1fe: {  	v18 =	vld [tilespmem:s12+$0xFFFFFF80];
	v1 =	vadd.f32 v8, v1  }
0x1ff: {  	v20 =	vld [tilespmem:s10+$0x0];
	v0 =	vadd.f32 v2, v0  }
0x200: {  	v21 =	vld [tilespmem:s12+$0xFFFFFFC0];
	v5 =	vadd.f32 v7, v6;
	v1 =	vmax.f32 v1, $0.0e+00  }
0x201: {  	v2 =	vld [tilespmem:s11+$0xFFFFFFE0];
	v0 =	vmax.f32 v0, $0.0e+00;
	[tilespmem:s11+$0xFFFFFFD0] =	vst v1  }
0x202: {  	[tilespmem:s11+$0x60] =	vst v0;
	v0 =	vadd.f32 v4, v5;
	v5 =	vld [tilespmem:s28+$0xFFFFFFA0]  }
0x203: {  	v22 =	vld [tilespmem:s12+$0x0]  }
0x204: {  	v8 =	vld [tilespmem:s29+$0xFFFFFFE0]  }
0x205: {  	v50 =	vld [tilespmem:s10+$0xFFFFFF90]  }
0x206: {  	v51 =	vld [tilespmem:s10+$0xFFFFFFD0]  }
0x207: {  	v53 =	vld [tilespmem:s10+$0xFFFFFFA0];
	v2 =	vadd.f32 v2, v5  }
0x208: {  	v5 =	vld [tilespmem:s19+$0x80]  }
0x209: {  	v2 =	vadd.f32 v8, v2;
	v8 =	vld [tilespmem:s10+$0x40]  }
0x20a: {  	v54 =	vld [tilespmem:s10+$0x60]  }
0x20b: {  	v60 =	vld [tilespmem:s10+$0x20]  }
0x20c: {  	v9 =	vld [tilespmem:s11+$0xFFFFFFA0]  }
0x20d: {  	v3 =	vld [tilespmem:s28+$0xFFFFFF20]  }
0x20e: {  	v6 =	vld [tilespmem:s29+$0xFFFFFFA0];
	v5 =	vadd.f32 v8, v5  }
0x20f: {  	v7 =	vld [tilespmem:s11+$0x20]  }
0x210: {  	v4 =	vld [tilespmem:s11+$0x70];
	v2 =	vmax.f32 v2, $0.0e+00;
	v5 =	vadd.f32 v13, v5  }
0x211: {  	[tilespmem:s11+$0xFFFFFFE0] =	vst v2;
	v2 =	vld [tilespmem:s10+$0xFFFFFF80]  }
0x212: {  	v1 =	vld [tilespmem:s28+$0xB0];
	v5 =	vmax.f32 v5, $0.0e+00  }
0x213: {  	[tilespmem:s10+$0x40] =	vst v5;
	v5 =	vld [tilespmem:s10+$0x50]  }
0x214: {  	v19 =	vld [tilespmem:s19+$0x90]  }
0x215: {  	v3 =	vadd.f32 v9, v3;
	v8 =	vld [tilespmem:s19+$0xFFFFFF80]  }
0x216: {  	v0 =	vmax.f32 v0, $0.0e+00;
	v2 =	vadd.f32 v2, v17;
	v49 =	vld [tilespmem:s12+$0x50]  }
0x217: {  	[tilespmem:s11+$0x10] =	vst v0;
	v0 =	vld [tilespmem:s29+$0x70];
	v3 =	vadd.f32 v6, v3  }
0x218: {  	v6 =	vld [tilespmem:s28+$0x20];
	v13 =	vadd.f32 v20, v48;
	v2 =	vadd.f32 v18, v2  }
0x219: {  	v9 =	vld [tilespmem:s29+$0x20];
	v3 =	vmax.f32 v3, $0.0e+00;
	v5 =	vadd.f32 v5, v19  }
0x21a: {  	[tilespmem:s11+$0xFFFFFFA0] =	vst v3;
	v3 =	vld [tilespmem:s11+$0xFFFFFFB0];
	v13 =	vadd.f32 v22, v13;
	v2 =	vmax.f32 v2, $0.0e+00  }
0x21b: {  	v10 =	vld [tilespmem:s28+$0xFFFFFF30];
	v8 =	vadd.f32 v16, v8;
	[tilespmem:s10+$0xFFFFFF80] =	vst v2;
	v5 =	vadd.f32 v49, v5  }
0x21c: {  	v13 =	vmax.f32 v13, $0.0e+00;
	v52 =	vld [tilespmem:s19+$0xFFFFFF10]  }
0x21d: {  	v8 =	vadd.f32 v21, v8;
	[tilespmem:s10+$0x0] =	vst v13;
	v2 =	vld [tilespmem:s10+$0x10];
	v5 =	vmax.f32 v5, $0.0e+00  }
0x21e: {  	[tilespmem:s10+$0x50] =	vst v5;
	v5 =	vld [tilespmem:s12+$0xFFFFFF90]  }
0x21f: {  	v57 =	vld [tilespmem:s19+$0x10];
	v8 =	vmax.f32 v8, $0.0e+00  }
0x220: {  	v1 =	vadd.f32 v4, v1;
	v58 =	vld [tilespmem:s12+$0x10];
	[tilespmem:s10+$0xFFFFFFC0] =	vst v8  }
0x221: {  	v55 =	vld [tilespmem:s19+$0xFFFFFF90];
	v16 =	vadd.f32 v50, v52  }
0x222: {  	v0 =	vadd.f32 v0, v1;
	v8 =	vld [tilespmem:s19+$0xA0]  }
0x223: {  	v6 =	vadd.f32 v7, v6;
	v7 =	vld [tilespmem:s12+$0xFFFFFFD0];
	v5 =	vadd.f32 v5, v16  }
0x224: {  	v0 =	vmax.f32 v0, $0.0e+00;
	v56 =	vld [tilespmem:s12+$0x60]  }
0x225: {  	v14 =	vld [tilespmem:s29+$0xFFFFFFB0];
	v6 =	vadd.f32 v9, v6;
	[tilespmem:s11+$0x70] =	vst v0;
	v2 =	vadd.f32 v2, v57;
	v5 =	vmax.f32 v5, $0.0e+00  }
0x226: {  	v0 =	vld [tilespmem:s10+$0x30];
	v9 =	vadd.f32 v51, v55;
	[tilespmem:s10+$0xFFFFFF90] =	vst v5  }
0x227: {  	v6 =	vmax.f32 v6, $0.0e+00;
	v2 =	vadd.f32 v58, v2;
	v8 =	vadd.f32 v54, v8;
	v59 =	vld [tilespmem:s19+$0xFFFFFF20]  }
0x228: {  	v15 =	vld [tilespmem:s28+$0xFFFFFFB0];
	[tilespmem:s11+$0x20] =	vst v6;
	v6 =	vadd.f32 v7, v9  }
0x229: {  	v2 =	vmax.f32 v2, $0.0e+00;
	v8 =	vadd.f32 v56, v8;
	v7 =	vld [tilespmem:s12+$0xFFFFFFA0]  }
0x22a: {  	v9 =	vld [tilespmem:s10+$0x70];
	[tilespmem:s10+$0x10] =	vst v2;
	v6 =	vmax.f32 v6, $0.0e+00  }
0x22b: {  	v63 =	vld [tilespmem:s19+$0x20];
	[tilespmem:s10+$0xFFFFFFD0] =	vst v6;
	v8 =	vmax.f32 v8, $0.0e+00  }
0x22c: {  	v62 =	vld [tilespmem:s19+$0xFFFFFFA0];
	[tilespmem:s10+$0x60] =	vst v8;
	v61 =	vadd.f32 v53, v59  }
0x22d: {  	v6 =	vld [tilespmem:s19+$0xB0]  }
0x22e: {  	v5 =	vld [tilespmem:s10+$0xFFFFFFE0];
	v7 =	vadd.f32 v7, v61  }
0x22f: {  	v2 =	vld [tilespmem:s12+$0x70]  }
0x230: {  	v4 =	vld [tilespmem:s12+$0xFFFFFFE0];
	v7 =	vmax.f32 v7, $0.0e+00  }
0x231: {  	v3 =	vadd.f32 v3, v10;
	[tilespmem:s10+$0xFFFFFFA0] =	vst v7;
	v7 =	vld [tilespmem:s12+$0x20]  }
0x232: {  	v8 =	vld [tilespmem:s28+$0x30];
	v1 =	vadd.f32 v9, v6  }
0x233: {  	v3 =	vadd.f32 v14, v3;
	v5 =	vadd.f32 v5, v62;
	v9 =	vld [tilespmem:s10+$0xFFFFFFB0]  }
0x234: {  	v6 =	vadd.f32 v60, v63;
	v1 =	vadd.f32 v2, v1;
	v10 =	vld [tilespmem:s19+$0xFFFFFF30]  }
0x235: {  	v3 =	vmax.f32 v3, $0.0e+00;
	v5 =	vadd.f32 v4, v5;
	v2 =	vld [tilespmem:s10+$0xFFFFFFF0]  }
0x236: {  	[tilespmem:s11+$0xFFFFFFB0] =	vst v3;
	v4 =	vld [tilespmem:s12+$0xFFFFFFB0];
	v1 =	vmax.f32 v1, $0.0e+00;
	v3 =	vadd.f32 v7, v6  }
0x237: {  	s16 =	simm.s32 $0x6340;
	[tilespmem:s10+$0x70] =	vst v1;
	v6 =	vmax.f32 v5, $0.0e+00;
	v5 =	vld [tilespmem:s29+$0xFFFFFFF0]  }
0x238: {  	s18 =	simm.s32 $0x92F0;
	s21 =	simm.s32 $0x4;
	s26 =	simm.s32 $0x6700;
	v1 =	vadd.f32 v11, v15;
	[tilespmem:s10+$0xFFFFFFE0] =	vst v6;
	v6 =	vld [tilespmem:s29+$0x30];
	v11 =	vmax.f32 v3, $0.0e+00  }
0x239: {  	s25 =	simm.s32 $0xA380;
	s13 =	simm.s32 $0x8380;
	s15 =	simm.s32 $0xB2F0;
	v3 =	vadd.f32 v12, v8;
	v8 =	vadd.f32 v9, v10;
	v7 =	vld [tilespmem:s19+$0xFFFFFFB0];
	[tilespmem:s10+$0x20] =	vst v11  }
.LBB2_12:
0x23a: {  	v9 =	vld [tilespmem:s26+$0x80];
	s10 =	sadd.s32 $0x100, s10  }
0x23b: {  	s21 =	sadd.s32 $0x4, s21;
	v10 =	vld [tilespmem:s10+$0x40];
	v4 =	vadd.f32 v4, v8  }
0x23c: {  	s12 =	sadd.s32 $0x100, s12;
	p1 =	slt.u32 s21, $0x3C;
	v8 =	vld [tilespmem:s10+$0xFFFFFF80];
	v5 =	vadd.f32 v5, v1  }
0x23d: {  	v11 =	vld [tilespmem:s12+$0x40];
	v1 =	vmax.f32 v4, $0.0e+00;
	v3 =	vadd.f32 v6, v3  }
0x23e: {  	v4 =	vld [tilespmem:s26+$0xFFFFFF80];
	[tilespmem:s13+$0xFFFFFFB0] =	vst v1;
	v1 =	vadd.f32 v2, v7;
	v2 =	vmax.f32 v5, $0.0e+00  }
0x23f: {  	v5 =	vld [tilespmem:s10+$0xFFFFFFC0];
	[tilespmem:s11+$0xFFFFFFF0] =	vst v2;
	v2 =	vmax.f32 v3, $0.0e+00  }
0x240: {  	v3 =	vld [tilespmem:s26+$0x0];
	v6 =	vadd.f32 v10, v9;
	[tilespmem:s11+$0x30] =	vst v2;
	s11 =	smov.u32 s13;
	s13 =	smov.u32 s10  }
0x241: {  	v2 =	vld [tilespmem:s10+$0x0]  }
0x242: {  	v7 =	vld [tilespmem:s26+$0xFFFFFF00];
	v6 =	vadd.f32 v11, v6  }
0x243: {  	v9 =	vld [tilespmem:s12+$0xFFFFFF80]  }
0x244: {  	v4 =	vadd.f32 v5, v4;
	v5 =	vld [tilespmem:s12+$0xFFFFFFC0];
	v6 =	vmax.f32 v6, $0.0e+00  }
0x245: {  	[tilespmem:s10+$0x40] =	vst v6;
	v6 =	vld [tilespmem:s10+$0x50]  }
0x246: {  	v2 =	vadd.f32 v2, v3;
	v3 =	vld [tilespmem:s26+$0x90]  }
0x247: {  	v7 =	vadd.f32 v8, v7;
	v8 =	vld [tilespmem:s12+$0x0]  }
0x248: {  	v10 =	vld [tilespmem:s12+$0x50]  }
0x249: {  	v7 =	vadd.f32 v9, v7;
	v9 =	vld [tilespmem:s10+$0xFFFFFF90];
	v4 =	vadd.f32 v5, v4  }
0x24a: {  	v5 =	vld [tilespmem:s10+$0xFFFFFFD0]  }
0x24b: {  	v7 =	vmax.f32 v7, $0.0e+00;
	v4 =	vmax.f32 v4, $0.0e+00;
	v11 =	vld [tilespmem:s10+$0x10];
	v3 =	vadd.f32 v6, v3  }
0x24c: {  	[tilespmem:s10+$0xFFFFFF80] =	vst v7;
	v6 =	vld [tilespmem:s10+$0xFFFFFFA0];
	v2 =	vadd.f32 v8, v2  }
0x24d: {  	v7 =	vld [tilespmem:s26+$0xFFFFFF10];
	[tilespmem:s10+$0xFFFFFFC0] =	vst v4;
	v3 =	vadd.f32 v10, v3  }
0x24e: {  	v4 =	vld [tilespmem:s26+$0xFFFFFF90];
	v2 =	vmax.f32 v2, $0.0e+00  }
0x24f: {  	v8 =	vld [tilespmem:s12+$0xFFFFFF90];
	[tilespmem:s10+$0x0] =	vst v2;
	v2 =	vmax.f32 v3, $0.0e+00  }
0x250: {  	[tilespmem:s10+$0x50] =	vst v2;
	v2 =	vld [tilespmem:s10+$0x60]  }
0x251: {  	v3 =	vld [tilespmem:s26+$0xA0]  }
0x252: {  	v7 =	vadd.f32 v9, v7;
	v9 =	vld [tilespmem:s26+$0x10]  }
0x253: {  	v4 =	vadd.f32 v5, v4;
	v5 =	vld [tilespmem:s12+$0x60]  }
0x254: {  	v7 =	vadd.f32 v8, v7;
	v8 =	vld [tilespmem:s12+$0xFFFFFFD0]  }
0x255: {  	v10 =	vld [tilespmem:s12+$0x10]  }
0x256: {  	v7 =	vmax.f32 v7, $0.0e+00;
	v12 =	vld [tilespmem:s10+$0xFFFFFFE0];
	v2 =	vadd.f32 v2, v3  }
0x257: {  	[tilespmem:s10+$0xFFFFFF90] =	vst v7;
	v3 =	vadd.f32 v11, v9;
	v7 =	vld [tilespmem:s10+$0x20]  }
0x258: {  	v9 =	vld [tilespmem:s26+$0xFFFFFF20];
	v2 =	vadd.f32 v5, v2  }
0x259: {  	v5 =	vld [tilespmem:s12+$0xFFFFFFA0];
	v4 =	vadd.f32 v8, v4  }
0x25a: {  	v3 =	vadd.f32 v10, v3;
	v2 =	vmax.f32 v2, $0.0e+00;
	v8 =	vld [tilespmem:s19+$0x30];
	s19 =	smov.u32 s26  }
0x25b: {  	v4 =	vmax.f32 v4, $0.0e+00;
	[tilespmem:s10+$0x60] =	vst v2;
	v2 =	vld [tilespmem:s10+$0x70]  }
0x25c: {  	[tilespmem:s10+$0xFFFFFFD0] =	vst v4;
	v3 =	vmax.f32 v3, $0.0e+00;
	v4 =	vld [tilespmem:s26+$0xB0]  }
0x25d: {  	v6 =	vadd.f32 v6, v9;
	v9 =	vld [tilespmem:s26+$0xFFFFFFA0];
	[tilespmem:s10+$0x10] =	vst v3  }
0x25e: {  	v10 =	vld [tilespmem:s12+$0x70]  }
0x25f: {  	v5 =	vadd.f32 v5, v6;
	v6 =	vld [tilespmem:s26+$0x20];
	v3 =	vadd.f32 v0, v8  }
0x260: {  	v0 =	vld [tilespmem:s12+$0xFFFFFFE0]  }
0x261: {  	v5 =	vmax.f32 v5, $0.0e+00;
	v8 =	vld [tilespmem:s12+$0x20];
	v2 =	vadd.f32 v2, v4  }
0x262: {  	[tilespmem:s10+$0xFFFFFFA0] =	vst v5;
	v11 =	vld [tilespmem:s10+$0xFFFFFFB0];
	v4 =	vadd.f32 v12, v9  }
0x263: {  	v9 =	vld [tilespmem:s26+$0xFFFFFF30];
	v5 =	vadd.f32 v10, v2  }
0x264: {  	v2 =	vld [tilespmem:s10+$0xFFFFFFF0];
	v6 =	vadd.f32 v7, v6  }
.Ltmp8:
0x265: {  	v7 =	vadd.f32 v0, v4;
	v0 =	vld [tilespmem:s10+$0x30];
	v5 =	vmax.f32 v5, $0.0e+00;
	(pc) =	sbr.rel @p1 .LBB2_12-.Ltmp8, $4  }
0x266: {  	v4 =	vld [tilespmem:s12+$0xFFFFFFB0];
	v6 =	vadd.f32 v8, v6;
	[tilespmem:s10+$0x70] =	vst v5  }
0x267: {  	v7 =	vmax.f32 v7, $0.0e+00;
	v5 =	vld [tilespmem:s25+$0xFFFFFFF0]  }
0x268: {  	v8 =	vadd.f32 v11, v9;
	[tilespmem:s10+$0xFFFFFFE0] =	vst v7;
	v9 =	vmax.f32 v6, $0.0e+00;
	v6 =	vld [tilespmem:s25+$0x30];
	s25 =	smov.u32 s12  }
0x269: {  	s26 =	sadd.s32 $0x200, s26;
	v7 =	vld [tilespmem:s19+$0xFFFFFFB0];
	[tilespmem:s10+$0x20] =	vst v9  }
0x26a: {  	v9 =	vld [tilespmem:s19+$0x30]  }
0x26b: {  	v10 =	vld [tilespmem:s25+$0xFFFFFFF0]  }
0x26c: {  	v11 =	vld [tilespmem:s25+$0x30]  }
0x26d: {  	v4 =	vadd.f32 v4, v8  }
0x26e: {  	v1 =	vadd.f32 v5, v1;
	v2 =	vadd.f32 v2, v7  }
0x26f: {  	v4 =	vmax.f32 v4, $0.0e+00;
	v3 =	vadd.f32 v6, v3;
	v0 =	vadd.f32 v0, v9  }
0x270: {  	[tilespmem:s13+$0xFFFFFFB0] =	vst v4;
	v1 =	vmax.f32 v1, $0.0e+00;
	v2 =	vadd.f32 v10, v2  }
0x271: {  	[tilespmem:s11+$0xFFFFFFF0] =	vst v1;
	v1 =	vmax.f32 v3, $0.0e+00;
	v0 =	vadd.f32 v11, v0  }
0x272: {  	[tilespmem:s11+$0x30] =	vst v1;
	v1 =	vmax.f32 v2, $0.0e+00  }
0x273: {  	[tilespmem:s13+$0xFFFFFFF0] =	vst v1;
	v0 =	vmax.f32 v0, $0.0e+00  }
0x274: {  	[tilespmem:s13+$0x30] =	vst v0  }
0x275: {  	v0 =	vld [tilespmem:s16+$0x80]  }
0x276: {  	v1 =	vld [tilespmem:s18+$0xFFFFFFD0]  }
0x277: {  	v2 =	vld [tilespmem:s15+$0xFFFFFFD0]  }
0x278: {  	v3 =	vld [tilespmem:s16+$0xFFFFFF80]  }
0x279: {  	v4 =	vld [tilespmem:s16+$0xFFFFFF00]  }
0x27a: {  	v5 =	vld [tilespmem:s15+$0xFFFFFF10]  }
0x27b: {  	v7 =	vld [tilespmem:s16+$0x0]  }
0x27c: {  	v8 =	vld [tilespmem:s18+$0xFFFFFF90]  }
0x27d: {  	v9 =	vld [tilespmem:s15+$0xFFFFFF50];
	v0 =	vadd.f32 v1, v0  }
0x27e: {  	v11 =	vld [tilespmem:s18+$0xFFFFFF80]  }
0x27f: {  	v1 =	vld [tilespmem:s18+$0xFFFFFF10];
	v0 =	vadd.f32 v2, v0  }
0x280: {  	s12 =	simm.s32 $0xB3F0;
	v12 =	vld [tilespmem:s18+$0xFFFFFFC0]  }
0x281: {  	v13 =	vld [tilespmem:s12+$0xFFFFFFD0];
	v0 =	vmax.f32 v0, $0.0e+00  }
0x282: {  	[tilespmem:s18+$0xFFFFFFD0] =	vst v0;
	v0 =	vld [tilespmem:s18+$0xFFFFFFE0]  }
0x283: {  	v6 =	vld [tilespmem:s16+$0x90]  }
0x284: {  	v2 =	vld [tilespmem:s18+$0xFFFFFF50];
	v1 =	vadd.f32 v1, v4  }
0x285: {  	s11 =	simm.s32 $0x93F0;
	v4 =	vld [tilespmem:s15+$0xFFFFFFE0]  }
0x286: {  	s10 =	simm.s32 $0x6540;
	v16 =	vld [tilespmem:s11+$0xFFFFFF50];
	v1 =	vadd.f32 v5, v1  }
0x287: {  	v48 =	vld [tilespmem:s10+$0x0]  }
0x288: {  	v5 =	vld [tilespmem:s15+$0xFFFFFF90];
	v1 =	vmax.f32 v1, $0.0e+00;
	v0 =	vadd.f32 v0, v6  }
0x289: {  	v2 =	vadd.f32 v2, v3;
	[tilespmem:s18+$0xFFFFFF10] =	vst v1;
	v6 =	vld [tilespmem:s18+$0xFFFFFF20]  }
0x28a: {  	v1 =	vld [tilespmem:s16+$0xFFFFFF10];
	v0 =	vadd.f32 v4, v0  }
0x28b: {  	v3 =	vld [tilespmem:s18+$0xFFFFFF60];
	v2 =	vadd.f32 v9, v2  }
0x28c: {  	v4 =	vadd.f32 v8, v7;
	v8 =	vld [tilespmem:s15+$0xFFFFFF20];
	v0 =	vmax.f32 v0, $0.0e+00  }
0x28d: {  	v7 =	vld [tilespmem:s18+$0xFFFFFFA0];
	[tilespmem:s18+$0xFFFFFFE0] =	vst v0;
	v0 =	vmax.f32 v2, $0.0e+00  }
0x28e: {  	v2 =	vadd.f32 v5, v4;
	v4 =	vld [tilespmem:s18+$0xFFFFFFF0];
	[tilespmem:s18+$0xFFFFFF50] =	vst v0  }
0x28f: {  	v1 =	vadd.f32 v6, v1;
	v5 =	vld [tilespmem:s16+$0xFFFFFF90]  }
0x290: {  	v0 =	vld [tilespmem:s16+$0xA0]  }
0x291: {  	v2 =	vmax.f32 v2, $0.0e+00;
	v1 =	vadd.f32 v8, v1;
	v8 =	vld [tilespmem:s15+$0xFFFFFF60]  }
0x292: {  	[tilespmem:s18+$0xFFFFFF90] =	vst v2;
	v2 =	vld [tilespmem:s15+$0xFFFFFFF0]  }
0x293: {  	v6 =	vld [tilespmem:s16+$0x10];
	v1 =	vmax.f32 v1, $0.0e+00  }
0x294: {  	v17 =	vld [tilespmem:s10+$0xFFFFFF00];
	[tilespmem:s18+$0xFFFFFF20] =	vst v1;
	v1 =	vadd.f32 v3, v5  }
0x295: {  	v0 =	vadd.f32 v4, v0;
	v4 =	vld [tilespmem:s15+$0xFFFFFFA0]  }
0x296: {  	v18 =	vld [tilespmem:s12+$0xFFFFFF10];
	v1 =	vadd.f32 v8, v1  }
0x297: {  	v20 =	vld [tilespmem:s11+$0xFFFFFF90];
	v0 =	vadd.f32 v2, v0  }
0x298: {  	v21 =	vld [tilespmem:s12+$0xFFFFFF50];
	v5 =	vadd.f32 v7, v6;
	v1 =	vmax.f32 v1, $0.0e+00  }
0x299: {  	v2 =	vld [tilespmem:s18+$0xFFFFFF70];
	v0 =	vmax.f32 v0, $0.0e+00;
	[tilespmem:s18+$0xFFFFFF60] =	vst v1  }
0x29a: {  	[tilespmem:s18+$0xFFFFFFF0] =	vst v0;
	v0 =	vadd.f32 v4, v5;
	v5 =	vld [tilespmem:s16+$0xFFFFFFA0]  }
0x29b: {  	v22 =	vld [tilespmem:s12+$0xFFFFFF90]  }
0x29c: {  	v8 =	vld [tilespmem:s15+$0xFFFFFF70]  }
0x29d: {  	v50 =	vld [tilespmem:s11+$0xFFFFFF20]  }
0x29e: {  	v51 =	vld [tilespmem:s11+$0xFFFFFF60]  }
0x29f: {  	v53 =	vld [tilespmem:s11+$0xFFFFFF30];
	v2 =	vadd.f32 v2, v5  }
0x2a0: {  	v5 =	vld [tilespmem:s10+$0x80]  }
0x2a1: {  	v2 =	vadd.f32 v8, v2;
	v8 =	vld [tilespmem:s11+$0xFFFFFFD0]  }
0x2a2: {  	v54 =	vld [tilespmem:s11+$0xFFFFFFF0]  }
0x2a3: {  	v60 =	vld [tilespmem:s11+$0xFFFFFFB0]  }
0x2a4: {  	v9 =	vld [tilespmem:s18+$0xFFFFFF30]  }
0x2a5: {  	v3 =	vld [tilespmem:s16+$0xFFFFFF20]  }
0x2a6: {  	v6 =	vld [tilespmem:s15+$0xFFFFFF30];
	v5 =	vadd.f32 v8, v5  }
0x2a7: {  	v7 =	vld [tilespmem:s18+$0xFFFFFFB0]  }
0x2a8: {  	v4 =	vld [tilespmem:s18+$0x0];
	v2 =	vmax.f32 v2, $0.0e+00;
	v5 =	vadd.f32 v13, v5  }
0x2a9: {  	[tilespmem:s18+$0xFFFFFF70] =	vst v2;
	v2 =	vld [tilespmem:s11+$0xFFFFFF10]  }
0x2aa: {  	v1 =	vld [tilespmem:s16+$0xB0];
	v5 =	vmax.f32 v5, $0.0e+00  }
0x2ab: {  	[tilespmem:s11+$0xFFFFFFD0] =	vst v5;
	v5 =	vld [tilespmem:s11+$0xFFFFFFE0]  }
0x2ac: {  	v19 =	vld [tilespmem:s10+$0x90]  }
0x2ad: {  	v3 =	vadd.f32 v9, v3;
	v8 =	vld [tilespmem:s10+$0xFFFFFF80]  }
0x2ae: {  	v0 =	vmax.f32 v0, $0.0e+00;
	v2 =	vadd.f32 v2, v17;
	v49 =	vld [tilespmem:s12+$0xFFFFFFE0]  }
0x2af: {  	[tilespmem:s18+$0xFFFFFFA0] =	vst v0;
	v0 =	vld [tilespmem:s15+$0x0];
	v3 =	vadd.f32 v6, v3  }
0x2b0: {  	v6 =	vld [tilespmem:s16+$0x20];
	v13 =	vadd.f32 v20, v48;
	v2 =	vadd.f32 v18, v2  }
0x2b1: {  	v9 =	vld [tilespmem:s15+$0xFFFFFFB0];
	v3 =	vmax.f32 v3, $0.0e+00;
	v5 =	vadd.f32 v5, v19  }
0x2b2: {  	[tilespmem:s18+$0xFFFFFF30] =	vst v3;
	v3 =	vld [tilespmem:s18+$0xFFFFFF40];
	v13 =	vadd.f32 v22, v13;
	v2 =	vmax.f32 v2, $0.0e+00  }
0x2b3: {  	v10 =	vld [tilespmem:s16+$0xFFFFFF30];
	v8 =	vadd.f32 v16, v8;
	[tilespmem:s11+$0xFFFFFF10] =	vst v2;
	v5 =	vadd.f32 v49, v5  }
0x2b4: {  	v13 =	vmax.f32 v13, $0.0e+00;
	v52 =	vld [tilespmem:s10+$0xFFFFFF10]  }
0x2b5: {  	v8 =	vadd.f32 v21, v8;
	[tilespmem:s11+$0xFFFFFF90] =	vst v13;
	v2 =	vld [tilespmem:s11+$0xFFFFFFA0];
	v5 =	vmax.f32 v5, $0.0e+00  }
0x2b6: {  	[tilespmem:s11+$0xFFFFFFE0] =	vst v5;
	v5 =	vld [tilespmem:s12+$0xFFFFFF20]  }
0x2b7: {  	v57 =	vld [tilespmem:s10+$0x10];
	v8 =	vmax.f32 v8, $0.0e+00  }
0x2b8: {  	v1 =	vadd.f32 v4, v1;
	v58 =	vld [tilespmem:s12+$0xFFFFFFA0];
	[tilespmem:s11+$0xFFFFFF50] =	vst v8  }
0x2b9: {  	v55 =	vld [tilespmem:s10+$0xFFFFFF90];
	v16 =	vadd.f32 v50, v52  }
0x2ba: {  	v0 =	vadd.f32 v0, v1;
	v8 =	vld [tilespmem:s10+$0xA0]  }
0x2bb: {  	v6 =	vadd.f32 v7, v6;
	v7 =	vld [tilespmem:s12+$0xFFFFFF60];
	v5 =	vadd.f32 v5, v16  }
0x2bc: {  	v0 =	vmax.f32 v0, $0.0e+00;
	v56 =	vld [tilespmem:s12+$0xFFFFFFF0]  }
0x2bd: {  	v14 =	vld [tilespmem:s15+$0xFFFFFF40];
	v6 =	vadd.f32 v9, v6;
	[tilespmem:s18+$0x0] =	vst v0;
	v2 =	vadd.f32 v2, v57;
	v5 =	vmax.f32 v5, $0.0e+00  }
0x2be: {  	v0 =	vld [tilespmem:s11+$0xFFFFFFC0];
	v9 =	vadd.f32 v51, v55;
	[tilespmem:s11+$0xFFFFFF20] =	vst v5  }
0x2bf: {  	v6 =	vmax.f32 v6, $0.0e+00;
	v2 =	vadd.f32 v58, v2;
	v8 =	vadd.f32 v54, v8;
	v59 =	vld [tilespmem:s10+$0xFFFFFF20]  }
0x2c0: {  	v15 =	vld [tilespmem:s16+$0xFFFFFFB0];
	[tilespmem:s18+$0xFFFFFFB0] =	vst v6;
	v6 =	vadd.f32 v7, v9  }
0x2c1: {  	v2 =	vmax.f32 v2, $0.0e+00;
	v8 =	vadd.f32 v56, v8;
	v7 =	vld [tilespmem:s12+$0xFFFFFF30]  }
0x2c2: {  	v9 =	vld [tilespmem:s11+$0x0];
	[tilespmem:s11+$0xFFFFFFA0] =	vst v2;
	v6 =	vmax.f32 v6, $0.0e+00  }
0x2c3: {  	v63 =	vld [tilespmem:s10+$0x20];
	[tilespmem:s11+$0xFFFFFF60] =	vst v6;
	v8 =	vmax.f32 v8, $0.0e+00  }
0x2c4: {  	v62 =	vld [tilespmem:s10+$0xFFFFFFA0];
	[tilespmem:s11+$0xFFFFFFF0] =	vst v8;
	v61 =	vadd.f32 v53, v59  }
0x2c5: {  	v6 =	vld [tilespmem:s10+$0xB0]  }
0x2c6: {  	v5 =	vld [tilespmem:s11+$0xFFFFFF70];
	v7 =	vadd.f32 v7, v61  }
0x2c7: {  	v2 =	vld [tilespmem:s12+$0x0]  }
0x2c8: {  	v4 =	vld [tilespmem:s12+$0xFFFFFF70];
	v7 =	vmax.f32 v7, $0.0e+00  }
0x2c9: {  	v3 =	vadd.f32 v3, v10;
	[tilespmem:s11+$0xFFFFFF30] =	vst v7;
	v7 =	vld [tilespmem:s12+$0xFFFFFFB0]  }
0x2ca: {  	v8 =	vld [tilespmem:s16+$0x30];
	v1 =	vadd.f32 v9, v6  }
0x2cb: {  	v3 =	vadd.f32 v14, v3;
	v5 =	vadd.f32 v5, v62;
	v9 =	vld [tilespmem:s11+$0xFFFFFF40]  }
0x2cc: {  	v6 =	vadd.f32 v60, v63;
	v1 =	vadd.f32 v2, v1;
	v10 =	vld [tilespmem:s10+$0xFFFFFF30]  }
0x2cd: {  	v3 =	vmax.f32 v3, $0.0e+00;
	v5 =	vadd.f32 v4, v5;
	v2 =	vld [tilespmem:s11+$0xFFFFFF80]  }
0x2ce: {  	[tilespmem:s18+$0xFFFFFF40] =	vst v3;
	v4 =	vld [tilespmem:s12+$0xFFFFFF40];
	v1 =	vmax.f32 v1, $0.0e+00;
	v3 =	vadd.f32 v7, v6  }
0x2cf: {  	[tilespmem:s11+$0x0] =	vst v1;
	v6 =	vmax.f32 v5, $0.0e+00;
	v5 =	vld [tilespmem:s15+$0xFFFFFF80]  }
0x2d0: {  	s19 =	simm.s32 $0x6740;
	v1 =	vadd.f32 v11, v15;
	[tilespmem:s11+$0xFFFFFF70] =	vst v6;
	v6 =	vld [tilespmem:s15+$0xFFFFFFC0];
	v11 =	vmax.f32 v3, $0.0e+00  }
0x2d1: {  	s13 =	simm.s32 $0x93F0;
	s16 =	simm.s32 $0x4;
	s15 =	simm.s32 $0xB3F0;
	v3 =	vadd.f32 v12, v8;
	v8 =	vadd.f32 v9, v10;
	v7 =	vld [tilespmem:s10+$0xFFFFFFB0];
	[tilespmem:s11+$0xFFFFFFB0] =	vst v11  }
.LBB2_14:
0x2d2: {  	v9 =	vld [tilespmem:s19+$0x80];
	s11 =	sadd.s32 $0x100, s11  }
0x2d3: {  	s16 =	sadd.s32 $0x4, s16;
	v10 =	vld [tilespmem:s11+$0xFFFFFFD0];
	v4 =	vadd.f32 v4, v8  }
0x2d4: {  	s12 =	sadd.s32 $0x100, s12;
	p1 =	slt.u32 s16, $0x3C;
	v8 =	vld [tilespmem:s11+$0xFFFFFF10];
	v5 =	vadd.f32 v5, v1  }
0x2d5: {  	v11 =	vld [tilespmem:s12+$0xFFFFFFD0];
	v1 =	vmax.f32 v4, $0.0e+00;
	v3 =	vadd.f32 v6, v3  }
0x2d6: {  	v4 =	vld [tilespmem:s19+$0xFFFFFF80];
	[tilespmem:s13+$0xFFFFFF40] =	vst v1;
	v1 =	vadd.f32 v2, v7;
	v2 =	vmax.f32 v5, $0.0e+00  }
0x2d7: {  	v5 =	vld [tilespmem:s11+$0xFFFFFF50];
	[tilespmem:s18+$0xFFFFFF80] =	vst v2;
	v2 =	vmax.f32 v3, $0.0e+00  }
0x2d8: {  	v3 =	vld [tilespmem:s19+$0x0];
	v6 =	vadd.f32 v10, v9;
	[tilespmem:s18+$0xFFFFFFC0] =	vst v2;
	s18 =	smov.u32 s13;
	s13 =	smov.u32 s11  }
0x2d9: {  	v2 =	vld [tilespmem:s11+$0xFFFFFF90]  }
0x2da: {  	v7 =	vld [tilespmem:s19+$0xFFFFFF00];
	v6 =	vadd.f32 v11, v6  }
0x2db: {  	v9 =	vld [tilespmem:s12+$0xFFFFFF10]  }
0x2dc: {  	v4 =	vadd.f32 v5, v4;
	v5 =	vld [tilespmem:s12+$0xFFFFFF50];
	v6 =	vmax.f32 v6, $0.0e+00  }
0x2dd: {  	[tilespmem:s11+$0xFFFFFFD0] =	vst v6;
	v6 =	vld [tilespmem:s11+$0xFFFFFFE0]  }
0x2de: {  	v2 =	vadd.f32 v2, v3;
	v3 =	vld [tilespmem:s19+$0x90]  }
0x2df: {  	v7 =	vadd.f32 v8, v7;
	v8 =	vld [tilespmem:s12+$0xFFFFFF90]  }
0x2e0: {  	v10 =	vld [tilespmem:s12+$0xFFFFFFE0]  }
0x2e1: {  	v7 =	vadd.f32 v9, v7;
	v9 =	vld [tilespmem:s11+$0xFFFFFF20];
	v4 =	vadd.f32 v5, v4  }
0x2e2: {  	v5 =	vld [tilespmem:s11+$0xFFFFFF60]  }
0x2e3: {  	v7 =	vmax.f32 v7, $0.0e+00;
	v4 =	vmax.f32 v4, $0.0e+00;
	v11 =	vld [tilespmem:s11+$0xFFFFFFA0];
	v3 =	vadd.f32 v6, v3  }
0x2e4: {  	[tilespmem:s11+$0xFFFFFF10] =	vst v7;
	v6 =	vld [tilespmem:s11+$0xFFFFFF30];
	v2 =	vadd.f32 v8, v2  }
0x2e5: {  	v7 =	vld [tilespmem:s19+$0xFFFFFF10];
	[tilespmem:s11+$0xFFFFFF50] =	vst v4;
	v3 =	vadd.f32 v10, v3  }
0x2e6: {  	v4 =	vld [tilespmem:s19+$0xFFFFFF90];
	v2 =	vmax.f32 v2, $0.0e+00  }
0x2e7: {  	v8 =	vld [tilespmem:s12+$0xFFFFFF20];
	[tilespmem:s11+$0xFFFFFF90] =	vst v2;
	v2 =	vmax.f32 v3, $0.0e+00  }
0x2e8: {  	[tilespmem:s11+$0xFFFFFFE0] =	vst v2;
	v2 =	vld [tilespmem:s11+$0xFFFFFFF0]  }
0x2e9: {  	v3 =	vld [tilespmem:s19+$0xA0]  }
0x2ea: {  	v7 =	vadd.f32 v9, v7;
	v9 =	vld [tilespmem:s19+$0x10]  }
0x2eb: {  	v4 =	vadd.f32 v5, v4;
	v5 =	vld [tilespmem:s12+$0xFFFFFFF0]  }
0x2ec: {  	v7 =	vadd.f32 v8, v7;
	v8 =	vld [tilespmem:s12+$0xFFFFFF60]  }
0x2ed: {  	v10 =	vld [tilespmem:s12+$0xFFFFFFA0]  }
0x2ee: {  	v7 =	vmax.f32 v7, $0.0e+00;
	v12 =	vld [tilespmem:s11+$0xFFFFFF70];
	v2 =	vadd.f32 v2, v3  }
0x2ef: {  	[tilespmem:s11+$0xFFFFFF20] =	vst v7;
	v3 =	vadd.f32 v11, v9;
	v7 =	vld [tilespmem:s11+$0xFFFFFFB0]  }
0x2f0: {  	v9 =	vld [tilespmem:s19+$0xFFFFFF20];
	v2 =	vadd.f32 v5, v2  }
0x2f1: {  	v5 =	vld [tilespmem:s12+$0xFFFFFF30];
	v4 =	vadd.f32 v8, v4  }
0x2f2: {  	v3 =	vadd.f32 v10, v3;
	v2 =	vmax.f32 v2, $0.0e+00;
	v8 =	vld [tilespmem:s10+$0x30];
	s10 =	smov.u32 s19  }
0x2f3: {  	v4 =	vmax.f32 v4, $0.0e+00;
	[tilespmem:s11+$0xFFFFFFF0] =	vst v2;
	v2 =	vld [tilespmem:s11+$0x0]  }
0x2f4: {  	[tilespmem:s11+$0xFFFFFF60] =	vst v4;
	v3 =	vmax.f32 v3, $0.0e+00;
	v4 =	vld [tilespmem:s19+$0xB0]  }
0x2f5: {  	v6 =	vadd.f32 v6, v9;
	v9 =	vld [tilespmem:s19+$0xFFFFFFA0];
	[tilespmem:s11+$0xFFFFFFA0] =	vst v3  }
0x2f6: {  	v10 =	vld [tilespmem:s12+$0x0]  }
0x2f7: {  	v5 =	vadd.f32 v5, v6;
	v6 =	vld [tilespmem:s19+$0x20];
	v3 =	vadd.f32 v0, v8  }
0x2f8: {  	v0 =	vld [tilespmem:s12+$0xFFFFFF70]  }
0x2f9: {  	v5 =	vmax.f32 v5, $0.0e+00;
	v8 =	vld [tilespmem:s12+$0xFFFFFFB0];
	v2 =	vadd.f32 v2, v4  }
0x2fa: {  	[tilespmem:s11+$0xFFFFFF30] =	vst v5;
	v11 =	vld [tilespmem:s11+$0xFFFFFF40];
	v4 =	vadd.f32 v12, v9  }
0x2fb: {  	v9 =	vld [tilespmem:s19+$0xFFFFFF30];
	v5 =	vadd.f32 v10, v2  }
0x2fc: {  	v2 =	vld [tilespmem:s11+$0xFFFFFF80];
	v6 =	vadd.f32 v7, v6  }
.Ltmp9:
0x2fd: {  	v7 =	vadd.f32 v0, v4;
	v0 =	vld [tilespmem:s11+$0xFFFFFFC0];
	v5 =	vmax.f32 v5, $0.0e+00;
	(pc) =	sbr.rel @p1 .LBB2_14-.Ltmp9, $4  }
0x2fe: {  	v4 =	vld [tilespmem:s12+$0xFFFFFF40];
	v6 =	vadd.f32 v8, v6;
	[tilespmem:s11+$0x0] =	vst v5  }
0x2ff: {  	v7 =	vmax.f32 v7, $0.0e+00;
	v5 =	vld [tilespmem:s15+$0xFFFFFF80]  }
0x300: {  	v8 =	vadd.f32 v11, v9;
	[tilespmem:s11+$0xFFFFFF70] =	vst v7;
	v9 =	vmax.f32 v6, $0.0e+00;
	v6 =	vld [tilespmem:s15+$0xFFFFFFC0];
	s15 =	smov.u32 s12  }
0x301: {  	s19 =	sadd.s32 $0x200, s19;
	v7 =	vld [tilespmem:s10+$0xFFFFFFB0];
	[tilespmem:s11+$0xFFFFFFB0] =	vst v9  }
0x302: {  	v9 =	vld [tilespmem:s10+$0x30]  }
0x303: {  	v10 =	vld [tilespmem:s15+$0xFFFFFF80]  }
0x304: {  	v11 =	vld [tilespmem:s15+$0xFFFFFFC0]  }
0x305: {  	v4 =	vadd.f32 v4, v8  }
0x306: {  	v1 =	vadd.f32 v5, v1;
	v2 =	vadd.f32 v2, v7  }
0x307: {  	v4 =	vmax.f32 v4, $0.0e+00;
	v3 =	vadd.f32 v6, v3;
	v0 =	vadd.f32 v0, v9  }
0x308: {  	[tilespmem:s13+$0xFFFFFF40] =	vst v4;
	v1 =	vmax.f32 v1, $0.0e+00;
	v2 =	vadd.f32 v10, v2  }
0x309: {  	[tilespmem:s18+$0xFFFFFF80] =	vst v1;
	v62 =	vmax.f32 v3, $0.0e+00;
	v0 =	vadd.f32 v11, v0  }
0x30a: {  	[tilespmem:s18+$0xFFFFFFC0] =	vst v62;
	v63 =	vmax.f32 v2, $0.0e+00  }
.Ltmp10:
0x30b: {  	[tilespmem:s13+$0xFFFFFF80] =	vst v63;
	v0 =	vmax.f32 v0, $0.0e+00;
	(pc) =	sbr.rel .LBB2_16-.Ltmp10, $4  }
0x30c: {  	s29 =	simm.s32 $0x8200;
	[tilespmem:s13+$0xFFFFFFC0] =	vst v0  }
0x30d: {  	[spmem:s1] =	stream.indirect.scatter.add.f32 [tilespmem:s29], [sflag:$0x4], $0x40, s2, s24, $0xb8;
	[tilespmem:$0x15E40] =	vst v63  }
0x30e: {  	_ = 	snop  }
0x30f: {  	[spmem:s1] =	stream.indirect.scatter.add.f32 [tilespmem:s22], [sflag:$0x4], $0x40, s30, s24, $0xb8;
	[tilespmem:$0x15E40] =	vst v63  }
.LBB2_4:
0x310: {  	p1 =	sgt.u32 s19, $0x4E1  }
.Ltmp11:
0x311: {  	_ = 	snop;
	(pc) =	sbr.rel @p1 .LBB2_6-.Ltmp11, $4  }
.Ltmp12:
0x312: {  	_ = 	snop;
	(pc) =	sbr.rel @!p1 .LBB2_5-.Ltmp12, $4  }
0x313: {  	_ = 	snop  }
0x314: {  	_ = 	snop  }
0x315: {  	_ = 	snop  }
0x316: {  	_ = 	snop  }
.LBB2_18:
0x317: {  	_ =	sfence.sel $0x180000  }
0x318: {  	[bflag:$0x0] =	sbarrier.arrive $0xFFFF  }
0x319: {  	_ =	strace $0x90000047  }
0x31a: {  	s0 =	stileid.u32;
	[bflag:$0x2] =	sbarrier.arrive $0xFFFF  }
0x31b: {  	p0 =	sne.s32 s0, $0x0;
	s0 =	rddreg [dreg:$0x2]  }
0x31c: {  	s0 =	sadd.s32 @!p0 $0x100000, s0  }
0x31d: {  	[sflag:s0] =	ssyncadd.tile.s32 @!p0 $0x1;
	_ =	shalt  }
.Lfunc_end2:
_tile_overlayer_lowered:
.L_overlay_start_2:
0x31e: {  	(tag) =	ssettag $0x2  }
0x31f: {  	s0 =	rddreg [dreg:$0x0];
	s2 =	stileid.u32  }
0x320: {  	s1 =	rddreg [dreg:$0x1];
	p0 =	sne.s32 s2, $0x0  }
0x321: {  	s3 =	rddreg [dreg:$0x2];
	[bflag:$0x3] =	sbarrier.arrive $0xFFFF;
	s2 =	simm.s32 @!p0 $0x1C05  }
0x322: {  	[timem:s3], [sflag:s2] =	dma.local @!p0 [hbm:s0], s1  }
0x323: {  	s0 =	simm.s32 @!p0 $0x5  }
0x324: {  	_ =	swait.ge @!p0 [sflag:s0], s1  }
0x325: {  	s1 =	ssub.s32 @!p0 $0x0, s1;
	[sflag:s0] =	ssyncset.done @!p0 $0x0  }
0x326: {  	[sflag:s0] =	ssyncadd.s32 @!p0 s1  }
0x327: {  	[bflag:$0x3] =	sbarrier.arrive $0xFFFF  }
0x328: {  	_ =	shalt  }

</sc_bundles>
